<compile_context>
chip_gen: v7x
topology: tpu7x:2x2x1
jax: 0.10.2.dev20260603
libtpu: 0.0.44.dev20260713+nightly
codegen_flags: <defaults>
</compile_context>

<pallas_src>
import functools

import jax
import jax.numpy as jnp
from jax import lax
from jax.experimental import pallas as pl
from jax.experimental.pallas import tpu as pltpu
from jax.experimental.pallas import tpu_sc as plsc

B, N, F = 1024, 256, 128
BB = 64

_NC, _NS, _L = 2, 16, 16
_NW = _NC * _NS
_BPW = B // _NW


def _sc_body(adj_hbm, nn_hbm, rows_hbm, newnn_hbm, nn_v, idx_v, rows_v, sem):
    wid = lax.axis_index("s") * _NC + lax.axis_index("c")
    base = wid * _BPW
    pltpu.sync_copy(nn_hbm.at[pl.ds(base, _BPW)], nn_v)
    for c in range(_BPW // _L):
        nn = nn_v[pl.ds(c * _L, _L)]
        bidx = lax.iota(jnp.int32, _L) + (base + c * _L)
        idx_v[pl.ds(c * _L, _L)] = bidx * N + nn
    pltpu.async_copy(adj_hbm.at[idx_v], rows_v, sem).wait()
    pltpu.sync_copy(rows_v, rows_hbm.at[pl.ds(base, _BPW)])
    for c in range(_BPW // _L):
        nn_v[pl.ds(c * _L, _L)] = nn_v[pl.ds(c * _L, _L)] + 1
    pltpu.sync_copy(nn_v, newnn_hbm.at[pl.ds(base, _BPW)])


@functools.cache
def _sc_gather():
    return functools.partial(
        pl.kernel,
        mesh=plsc.VectorSubcoreMesh(core_axis_name="c", subcore_axis_name="s"),
        out_type=[
            jax.ShapeDtypeStruct((B, N), jnp.float32),
            jax.ShapeDtypeStruct((B,), jnp.int32),
        ],
        scratch_types=[
            pltpu.VMEM((_BPW,), jnp.int32),
            pltpu.VMEM((_BPW,), jnp.int32),
            pltpu.VMEM((_BPW, N), jnp.float32),
            pltpu.SemaphoreType.DMA,
        ],
    )(_sc_body)


CH = 16
K = 8
H = K // 2
NCH = B // CH
GROUPS = NCH // K


def _tc_body(nn_ref, x_ref, wn_ref, ws_ref, arows_ref, nodes_any,
             nout_any, mx_ref, agg_s, *bufs):
    buf = bufs[:K]
    sin, sout = bufs[K], bufs[K + 1]

    def in_cp(base, k):
        return pltpu.make_async_copy(nodes_any.at[pl.ds(base, CH)],
                                     buf[k], sin.at[k])

    def out_cp(base, k):
        return pltpu.make_async_copy(buf[k],
                                     nout_any.at[pl.ds(base, CH)],
                                     sout.at[k])

    for k in range(H):
        in_cp(k * CH, k).start()

    def group(c0, _):
        for k in range(K):
            c = c0 * K + k
            base = c * CH
            in_cp(base, k).wait()
            at = jnp.transpose(arows_ref[pl.ds(base, CH), :])
            for j in range(CH):
                b = base + j
                qj = nn_ref[b]
                buf[k][j, pl.ds(qj, 1), :] = x_ref[pl.ds(b, 1), :]
                s_j = jnp.sum(buf[k][j] * at[:, j:j + 1], axis=0,
                              keepdims=True)
                agg_s[pl.ds(b, 1), :] = s_j
            out_cp(base, k).start()
            m = c + H
            km = (k + H) % K
            mbase = base + H * CH

            @pl.when(m < NCH)
            def _():
                @pl.when(m >= K)
                def _():
                    out_cp(mbase - K * CH, km).wait()
                in_cp(mbase, km).start()
        return 0

    lax.fori_loop(0, GROUPS, group, 0)
    for k in range(K):
        out_cp((NCH - K + k) * CH, k).wait()
    mx_ref[...] = jnp.tanh(
        jnp.dot(agg_s[...], wn_ref[...], preferred_element_type=jnp.float32)
        + jnp.dot(x_ref[...], ws_ref[...], preferred_element_type=jnp.float32))


_tc_call = pl.pallas_call(
    _tc_body,
    in_specs=[
        pl.BlockSpec(memory_space=pltpu.SMEM),
        pl.BlockSpec(memory_space=pltpu.VMEM),
        pl.BlockSpec(memory_space=pltpu.VMEM),
        pl.BlockSpec(memory_space=pltpu.VMEM),
        pl.BlockSpec(memory_space=pltpu.VMEM),
        pl.BlockSpec(memory_space=pl.ANY),
    ],
    out_specs=[
        pl.BlockSpec(memory_space=pl.ANY),
        pl.BlockSpec(memory_space=pltpu.VMEM),
    ],
    out_shape=[
        jax.ShapeDtypeStruct((B, N, F), jnp.float32),
        jax.ShapeDtypeStruct((B, F), jnp.float32),
    ],
    scratch_shapes=(
        [pltpu.VMEM((B, F), jnp.float32)]
        + [pltpu.VMEM((CH, N, F), jnp.float32) for _ in range(K)]
        + [pltpu.SemaphoreType.DMA((K,)), pltpu.SemaphoreType.DMA((K,))]
    ),
)


def kernel(x, nodes, adj, weights, num_nodes, W_self, W_neigh):
    adj_flat = adj.reshape(B * N, N)
    adj_rows, new_num_nodes = _sc_gather()(adj_flat, num_nodes)
    nodes_out, mx = _tc_call(num_nodes, x, W_neigh, W_self, adj_rows, nodes)
    return (mx, nodes_out, adj, weights, new_num_nodes)

# --- scband reference (transcript-rebuilt; emitter-appended) ---
"""Pipeline reference for scband-dense-gcm-25872882991587 (READ-ONLY COPY).

The authoritative reference and input builder live on the scoring server;
editing this copy changes nothing except your own understanding.
"""

import jax, jax.numpy as jnp
import numpy as np

B = 1024
N = 256
F = 128


def setup_inputs(seed: int = 0) -> dict:
    key = jax.random.key(seed)
    k1, k2, k3, k4, k5, k6 = jax.random.split(key, 6)
    x = jax.random.normal(k1, (B, F), dtype=jnp.float32)
    nodes = jax.random.normal(k2, (B, N, F), dtype=jnp.float32)
    adj = jax.random.uniform(k3, (B, N, N), dtype=jnp.float32)
    weights = jnp.zeros((0,), dtype=jnp.float32)  # edge_weights=False
    num_nodes = jax.random.randint(k4, (B,), 0, 255, dtype=jnp.int32)
    # Dense-GCN parameters standing in for the `gnn` submodule:
    # gnn(nodes, adj, weights, B, N) = tanh(adj @ nodes @ W_neigh + nodes @ W_self)
    W_self = jax.random.normal(k5, (F, F), dtype=jnp.float32) * 0.05
    W_neigh = jax.random.normal(k6, (F, F), dtype=jnp.float32) * 0.05
    return {"x": x, "nodes": nodes, "adj": adj, "weights": weights,
            "num_nodes": num_nodes, "W_self": W_self, "W_neigh": W_neigh}


def reference(x, nodes, adj, weights, num_nodes, W_self, W_neigh):
    # DenseGCM.forward with hidden=(nodes, adj, weights, num_nodes),
    # no preprocessor / edge_selectors / positional_encoder, pooled=False,
    # edge_weights=False. num_nodes < N so no overflow wrap.
    Bx = x.shape[0]
    B_idx = jnp.arange(Bx)
    # scatter-overwrite: write new memory x into slot num_nodes[b] of each graph
    nodes = nodes.at[B_idx, num_nodes].set(x)
    dirty_nodes = nodes
    # gnn: dense GCN layer over the dense adjacency
    agg = jnp.einsum('bij,bjf->bif', adj, dirty_nodes)
    node_feats = jnp.tanh(agg @ W_neigh + dirty_nodes @ W_self)
    # gather the queried (just-written) node: m(x)
    mx = node_feats[B_idx, num_nodes]
    new_num_nodes = num_nodes + 1
    return (mx, nodes, adj, weights, new_num_nodes)

if __name__ == "__main__":
    import jax
    _d = setup_inputs()
    print(jax.jit(kernel)(*tuple(_d.values())))

</pallas_src>

<mosaic_0001>
#map = affine_map<(d0, d1) -> (0, 0)>
#map1 = affine_map<(d0, d1) -> (0)>
module attributes {stable_mosaic.version = 14 : i64} {
  func.func @_sc_body(%arg0: i32, %arg1: i32, %arg2: memref<262144x256xf32, #tpu.memory_space<hbm>>, %arg3: memref<1024xi32, #tpu.memory_space<hbm>>, %arg4: memref<1024x256xf32, #tpu.memory_space<hbm>>, %arg5: memref<1024xi32, #tpu.memory_space<hbm>>, %arg6: memref<32xi32, #tpu.memory_space<vmem>>, %arg7: memref<32xi32, #tpu.memory_space<vmem>>, %arg8: memref<32x256xf32, #tpu.memory_space<vmem>>, %arg9: memref<!tpu.dma_semaphore, #tpu.memory_space<semaphore_mem>>) attributes {dimension_semantics = [#tpu.dimension_semantics<core_parallel>, #tpu.dimension_semantics<subcore_parallel>], iteration_bounds = array<i64: 2, 16>, scalar_prefetch = 0 : i64, scratch_operands = 4 : i64, tpu.core_type = #tpu.core_type<sc_vector_subcore>, window_params = [{transform_indices = #map}, {transform_indices = #map1}, {transform_indices = #map}, {transform_indices = #map1}]} {
    %mul3A = arith.constant 2 : i32
    %mul3A_0 = arith.muli %arg1, %mul3A : i32
    %add3A = arith.addi %mul3A_0, %arg0 : i32
    %mul3A_1 = arith.constant 32 : i32
    %mul3A_2 = arith.muli %add3A, %mul3A_1 : i32
    "tpu.region"() ({
      %run_scoped3A = tpu.sem_alloc : memref<!tpu.dma_semaphore, #tpu.memory_space<semaphore_mem>>
      %dma_start3A_56 = tpu.memref_slice %arg3[%mul3A_2] : memref<1024xi32, #tpu.memory_space<hbm>> -> memref<32xi32, #tpu.memory_space<hbm>>
      %dma_start3A_57 = tpu.memref_slice %arg3[%mul3A_2] : memref<1024xi32, #tpu.memory_space<hbm>> -> memref<32xi32, #tpu.memory_space<hbm>>
      tpu.enqueue_dma source(%dma_start3A_57 : memref<32xi32, #tpu.memory_space<hbm>>) target(%arg6 : memref<32xi32, #tpu.memory_space<vmem>>) target_semaphore(%run_scoped3A : memref<!tpu.dma_semaphore, #tpu.memory_space<semaphore_mem>>)
      %dma_wait3A_58 = tpu.memref_slice %arg3[%mul3A_2] : memref<1024xi32, #tpu.memory_space<hbm>> -> memref<32xi32, #tpu.memory_space<hbm>>
      %dma_wait3A_59 = tpu.memref_slice %arg3[%mul3A_2] : memref<1024xi32, #tpu.memory_space<hbm>> -> memref<32xi32, #tpu.memory_space<hbm>>
      tpu.wait_dma2 semaphore(%run_scoped3A : memref<!tpu.dma_semaphore, #tpu.memory_space<semaphore_mem>>) src(%dma_wait3A_59 : memref<32xi32, #tpu.memory_space<hbm>>) dst(%arg6 : memref<32xi32, #tpu.memory_space<vmem>>)
      tpu.yield
    }) : () -> ()
    %get3A = arith.constant 0 : index
    %get3A_3 = tpu.vector_load %arg6[%get3A] {strides = array<i32>} : memref<32xi32, #tpu.memory_space<vmem>>, vector<16xi32>,
    %get3A_4 = vector.shape_cast %get3A_3 : vector<16xi32> to vector<16xi32>
    %iota3A = tpu.iota {dimensions = array<i32: 0>} : vector<16xi32>
    %add3A_5 = arith.constant 0 : i32
    %add3A_6 = arith.addi %mul3A_2, %add3A_5 : i32
    %add3A_7 = vector.broadcast %add3A_6 : i32 to vector<16xi32>
    %add3A_8 = arith.addi %iota3A, %add3A_7 : vector<16xi32>
    %mul3A_9 = arith.constant 256 : i32
    %mul3A_10 = vector.broadcast %mul3A_9 : i32 to vector<16xi32>
    %mul3A_11 = arith.muli %add3A_8, %mul3A_10 : vector<16xi32>
    %add3A_12 = arith.addi %mul3A_11, %get3A_4 : vector<16xi32>
    %swap3A = arith.constant 0 : index
    %swap3A_13 = tpu.vector_load %arg7[%swap3A] {strides = array<i32>} : memref<32xi32, #tpu.memory_space<vmem>>, vector<16xi32>,
    %swap3A_14 = vector.shape_cast %swap3A_13 : vector<16xi32> to vector<16xi32>
    %swap3A_15 = vector.shape_cast %add3A_12 : vector<16xi32> to vector<16xi32>
    tpu.vector_store %arg7[%swap3A], %swap3A_15 {strides = array<i32>} : memref<32xi32, #tpu.memory_space<vmem>>, vector<16xi32>,
    %get3A_16 = arith.constant 16 : index
    %get3A_17 = tpu.vector_load %arg6[%get3A_16] {strides = array<i32>} : memref<32xi32, #tpu.memory_space<vmem>>, vector<16xi32>,
    %get3A_18 = vector.shape_cast %get3A_17 : vector<16xi32> to vector<16xi32>
    %iota3A_19 = tpu.iota {dimensions = array<i32: 0>} : vector<16xi32>
    %add3A_20 = arith.constant 16 : i32
    %add3A_21 = arith.addi %mul3A_2, %add3A_20 : i32
    %add3A_22 = vector.broadcast %add3A_21 : i32 to vector<16xi32>
    %add3A_23 = arith.addi %iota3A_19, %add3A_22 : vector<16xi32>
    %mul3A_24 = arith.constant 256 : i32
    %mul3A_25 = vector.broadcast %mul3A_24 : i32 to vector<16xi32>
    %mul3A_26 = arith.muli %add3A_23, %mul3A_25 : vector<16xi32>
    %add3A_27 = arith.addi %mul3A_26, %get3A_18 : vector<16xi32>
    %swap3A_28 = arith.constant 16 : index
    %swap3A_29 = tpu.vector_load %arg7[%swap3A_28] {strides = array<i32>} : memref<32xi32, #tpu.memory_space<vmem>>, vector<16xi32>,
    %swap3A_30 = vector.shape_cast %swap3A_29 : vector<16xi32> to vector<16xi32>
    %swap3A_31 = vector.shape_cast %add3A_27 : vector<16xi32> to vector<16xi32>
    tpu.vector_store %arg7[%swap3A_28], %swap3A_31 {strides = array<i32>} : memref<32xi32, #tpu.memory_space<vmem>>, vector<16xi32>,
    %dma_start3A = arith.constant 0 : i32
    %dma_start3A_32 = arith.constant 0 : i32
    %dma_start3A_33 = tpu.memref_slice %arg2[%dma_start3A, %dma_start3A_32] : memref<262144x256xf32, #tpu.memory_space<hbm>> -> memref<262144x256xf32, #tpu.memory_space<hbm>>
    tpu.enqueue_indirect_dma source(%dma_start3A_33 : memref<262144x256xf32, #tpu.memory_space<hbm>>) target(%arg8 : memref<32x256xf32, #tpu.memory_space<vmem>>) offsets(%arg7 : memref<32xi32, #tpu.memory_space<vmem>>) semaphore(%arg9 : memref<!tpu.dma_semaphore, #tpu.memory_space<semaphore_mem>>)
    %dma_wait3A = arith.constant 0 : i32
    %dma_wait3A_34 = arith.constant 0 : i32
    %dma_wait3A_35 = tpu.memref_slice %arg2[%dma_wait3A, %dma_wait3A_34] : memref<262144x256xf32, #tpu.memory_space<hbm>> -> memref<262144x256xf32, #tpu.memory_space<hbm>>
    tpu.wait_indirect_dma semaphore(%arg9 : memref<!tpu.dma_semaphore, #tpu.memory_space<semaphore_mem>>) src(%dma_wait3A_35 : memref<262144x256xf32, #tpu.memory_space<hbm>>) dst(%arg8 : memref<32x256xf32, #tpu.memory_space<vmem>>)
    "tpu.region"() ({
      %run_scoped3A = tpu.sem_alloc : memref<!tpu.dma_semaphore, #tpu.memory_space<semaphore_mem>>
      %dma_start3A_56 = arith.constant 0 : i32
      %dma_start3A_57 = tpu.memref_slice %arg4[%mul3A_2, %dma_start3A_56] : memref<1024x256xf32, #tpu.memory_space<hbm>> -> memref<32x256xf32, #tpu.memory_space<hbm>>
      %dma_start3A_58 = arith.constant 0 : i32
      %dma_start3A_59 = tpu.memref_slice %arg4[%mul3A_2, %dma_start3A_58] : memref<1024x256xf32, #tpu.memory_space<hbm>> -> memref<32x256xf32, #tpu.memory_space<hbm>>
      tpu.enqueue_dma source(%arg8 : memref<32x256xf32, #tpu.memory_space<vmem>>) target(%dma_start3A_59 : memref<32x256xf32, #tpu.memory_space<hbm>>) target_semaphore(%run_scoped3A : memref<!tpu.dma_semaphore, #tpu.memory_space<semaphore_mem>>)
      %dma_wait3A_60 = arith.constant 0 : i32
      %dma_wait3A_61 = tpu.memref_slice %arg4[%mul3A_2, %dma_wait3A_60] : memref<1024x256xf32, #tpu.memory_space<hbm>> -> memref<32x256xf32, #tpu.memory_space<hbm>>
      %dma_wait3A_62 = arith.constant 0 : i32
      %dma_wait3A_63 = tpu.memref_slice %arg4[%mul3A_2, %dma_wait3A_62] : memref<1024x256xf32, #tpu.memory_space<hbm>> -> memref<32x256xf32, #tpu.memory_space<hbm>>
      tpu.wait_dma2 semaphore(%run_scoped3A : memref<!tpu.dma_semaphore, #tpu.memory_space<semaphore_mem>>) src(%arg8 : memref<32x256xf32, #tpu.memory_space<vmem>>) dst(%dma_wait3A_63 : memref<32x256xf32, #tpu.memory_space<hbm>>)
      tpu.yield
    }) : () -> ()
    %get3A_36 = arith.constant 0 : index
    %get3A_37 = tpu.vector_load %arg6[%get3A_36] {strides = array<i32>} : memref<32xi32, #tpu.memory_space<vmem>>, vector<16xi32>,
    %get3A_38 = vector.shape_cast %get3A_37 : vector<16xi32> to vector<16xi32>
    %add3A_39 = arith.constant 1 : i32
    %add3A_40 = vector.broadcast %add3A_39 : i32 to vector<16xi32>
    %add3A_41 = arith.addi %get3A_38, %add3A_40 : vector<16xi32>
    %swap3A_42 = arith.constant 0 : index
    %swap3A_43 = tpu.vector_load %arg6[%swap3A_42] {strides = array<i32>} : memref<32xi32, #tpu.memory_space<vmem>>, vector<16xi32>,
    %swap3A_44 = vector.shape_cast %swap3A_43 : vector<16xi32> to vector<16xi32>
    %swap3A_45 = vector.shape_cast %add3A_41 : vector<16xi32> to vector<16xi32>
    tpu.vector_store %arg6[%swap3A_42], %swap3A_45 {strides = array<i32>} : memref<32xi32, #tpu.memory_space<vmem>>, vector<16xi32>,
    %get3A_46 = arith.constant 16 : index
    %get3A_47 = tpu.vector_load %arg6[%get3A_46] {strides = array<i32>} : memref<32xi32, #tpu.memory_space<vmem>>, vector<16xi32>,
    %get3A_48 = vector.shape_cast %get3A_47 : vector<16xi32> to vector<16xi32>
    %add3A_49 = arith.constant 1 : i32
    %add3A_50 = vector.broadcast %add3A_49 : i32 to vector<16xi32>
    %add3A_51 = arith.addi %get3A_48, %add3A_50 : vector<16xi32>
    %swap3A_52 = arith.constant 16 : index
    %swap3A_53 = tpu.vector_load %arg6[%swap3A_52] {strides = array<i32>} : memref<32xi32, #tpu.memory_space<vmem>>, vector<16xi32>,
    %swap3A_54 = vector.shape_cast %swap3A_53 : vector<16xi32> to vector<16xi32>
    %swap3A_55 = vector.shape_cast %add3A_51 : vector<16xi32> to vector<16xi32>
    tpu.vector_store %arg6[%swap3A_52], %swap3A_55 {strides = array<i32>} : memref<32xi32, #tpu.memory_space<vmem>>, vector<16xi32>,
    "tpu.region"() ({
      %run_scoped3A = tpu.sem_alloc : memref<!tpu.dma_semaphore, #tpu.memory_space<semaphore_mem>>
      %dma_start3A_56 = tpu.memref_slice %arg5[%mul3A_2] : memref<1024xi32, #tpu.memory_space<hbm>> -> memref<32xi32, #tpu.memory_space<hbm>>
      %dma_start3A_57 = tpu.memref_slice %arg5[%mul3A_2] : memref<1024xi32, #tpu.memory_space<hbm>> -> memref<32xi32, #tpu.memory_space<hbm>>
      tpu.enqueue_dma source(%arg6 : memref<32xi32, #tpu.memory_space<vmem>>) target(%dma_start3A_57 : memref<32xi32, #tpu.memory_space<hbm>>) target_semaphore(%run_scoped3A : memref<!tpu.dma_semaphore, #tpu.memory_space<semaphore_mem>>)
      %dma_wait3A_58 = tpu.memref_slice %arg5[%mul3A_2] : memref<1024xi32, #tpu.memory_space<hbm>> -> memref<32xi32, #tpu.memory_space<hbm>>
      %dma_wait3A_59 = tpu.memref_slice %arg5[%mul3A_2] : memref<1024xi32, #tpu.memory_space<hbm>> -> memref<32xi32, #tpu.memory_space<hbm>>
      tpu.wait_dma2 semaphore(%run_scoped3A : memref<!tpu.dma_semaphore, #tpu.memory_space<semaphore_mem>>) src(%arg6 : memref<32xi32, #tpu.memory_space<vmem>>) dst(%dma_wait3A_59 : memref<32xi32, #tpu.memory_space<hbm>>)
      tpu.yield
    }) : () -> ()
    return
  }
}

module attributes {stable_mosaic.version = 14 : i64} {
  func.func @_tc_body(%arg0: memref<1024xi32, #tpu.memory_space<smem>>, %arg1: memref<1024x128xf32, #tpu.memory_space<vmem>>, %arg2: memref<128x128xf32, #tpu.memory_space<vmem>>, %arg3: memref<128x128xf32, #tpu.memory_space<vmem>>, %arg4: memref<1024x256xf32, #tpu.memory_space<vmem>>, %arg5: memref<1024x256x128xf32, #tpu.memory_space<any>>, %arg6: memref<1024x256x128xf32, #tpu.memory_space<any>>, %arg7: memref<1024x128xf32, #tpu.memory_space<vmem>>, %arg8: memref<1024x128xf32, #tpu.memory_space<vmem>>, %arg9: memref<16x256x128xf32, #tpu.memory_space<vmem>>, %arg10: memref<16x256x128xf32, #tpu.memory_space<vmem>>, %arg11: memref<16x256x128xf32, #tpu.memory_space<vmem>>, %arg12: memref<16x256x128xf32, #tpu.memory_space<vmem>>, %arg13: memref<16x256x128xf32, #tpu.memory_space<vmem>>, %arg14: memref<16x256x128xf32, #tpu.memory_space<vmem>>, %arg15: memref<16x256x128xf32, #tpu.memory_space<vmem>>, %arg16: memref<16x256x128xf32, #tpu.memory_space<vmem>>, %arg17: memref<8x!tpu.dma_semaphore, #tpu.memory_space<semaphore_mem>>, %arg18: memref<8x!tpu.dma_semaphore, #tpu.memory_space<semaphore_mem>>) attributes {dimension_semantics = [], scalar_prefetch = 0 : i64, scratch_operands = 11 : i64, tpu.core_type = #tpu.core_type<tc>} {
    %dma_start3A = arith.constant 0 : i32
    %dma_start3A_0 = tpu.memref_slice %arg17[%dma_start3A] : memref<8x!tpu.dma_semaphore, #tpu.memory_space<semaphore_mem>> -> memref<1x!tpu.dma_semaphore, #tpu.memory_space<semaphore_mem>>
    %dma_start3A_1 = tpu.memref_squeeze %dma_start3A_0 : memref<1x!tpu.dma_semaphore, #tpu.memory_space<semaphore_mem>> -> memref<!tpu.dma_semaphore, #tpu.memory_space<semaphore_mem>>
    %dma_start3A_2 = arith.constant 0 : i32
    %dma_start3A_3 = arith.constant 0 : i32
    %dma_start3A_4 = arith.constant 0 : i32
    %dma_start3A_5 = tpu.memref_slice %arg5[%dma_start3A_2, %dma_start3A_3, %dma_start3A_4] : memref<1024x256x128xf32, #tpu.memory_space<any>> -> memref<16x256x128xf32, #tpu.memory_space<any>>
    tpu.enqueue_dma source(%dma_start3A_5 : memref<16x256x128xf32, #tpu.memory_space<any>>) target(%arg9 : memref<16x256x128xf32, #tpu.memory_space<vmem>>) target_semaphore(%dma_start3A_1 : memref<!tpu.dma_semaphore, #tpu.memory_space<semaphore_mem>>)
    %dma_start3A_6 = arith.constant 1 : i32
    %dma_start3A_7 = tpu.memref_slice %arg17[%dma_start3A_6] : memref<8x!tpu.dma_semaphore, #tpu.memory_space<semaphore_mem>> -> memref<1x!tpu.dma_semaphore, #tpu.memory_space<semaphore_mem>>
    %dma_start3A_8 = tpu.memref_squeeze %dma_start3A_7 : memref<1x!tpu.dma_semaphore, #tpu.memory_space<semaphore_mem>> -> memref<!tpu.dma_semaphore, #tpu.memory_space<semaphore_mem>>
    %dma_start3A_9 = arith.constant 16 : i32
    %dma_start3A_10 = arith.constant 0 : i32
    %dma_start3A_11 = arith.constant 0 : i32
    %dma_start3A_12 = tpu.memref_slice %arg5[%dma_start3A_9, %dma_start3A_10, %dma_start3A_11] : memref<1024x256x128xf32, #tpu.memory_space<any>> -> memref<16x256x128xf32, #tpu.memory_space<any>>
    tpu.enqueue_dma source(%dma_start3A_12 : memref<16x256x128xf32, #tpu.memory_space<any>>) target(%arg10 : memref<16x256x128xf32, #tpu.memory_space<vmem>>) target_semaphore(%dma_start3A_8 : memref<!tpu.dma_semaphore, #tpu.memory_space<semaphore_mem>>)
    %dma_start3A_13 = arith.constant 2 : i32
    %dma_start3A_14 = tpu.memref_slice %arg17[%dma_start3A_13] : memref<8x!tpu.dma_semaphore, #tpu.memory_space<semaphore_mem>> -> memref<1x!tpu.dma_semaphore, #tpu.memory_space<semaphore_mem>>
    %dma_start3A_15 = tpu.memref_squeeze %dma_start3A_14 : memref<1x!tpu.dma_semaphore, #tpu.memory_space<semaphore_mem>> -> memref<!tpu.dma_semaphore, #tpu.memory_space<semaphore_mem>>
    %dma_start3A_16 = arith.constant 32 : i32
    %dma_start3A_17 = arith.constant 0 : i32
    %dma_start3A_18 = arith.constant 0 : i32
    %dma_start3A_19 = tpu.memref_slice %arg5[%dma_start3A_16, %dma_start3A_17, %dma_start3A_18] : memref<1024x256x128xf32, #tpu.memory_space<any>> -> memref<16x256x128xf32, #tpu.memory_space<any>>
    tpu.enqueue_dma source(%dma_start3A_19 : memref<16x256x128xf32, #tpu.memory_space<any>>) target(%arg11 : memref<16x256x128xf32, #tpu.memory_space<vmem>>) target_semaphore(%dma_start3A_15 : memref<!tpu.dma_semaphore, #tpu.memory_space<semaphore_mem>>)
    %dma_start3A_20 = arith.constant 3 : i32
    %dma_start3A_21 = tpu.memref_slice %arg17[%dma_start3A_20] : memref<8x!tpu.dma_semaphore, #tpu.memory_space<semaphore_mem>> -> memref<1x!tpu.dma_semaphore, #tpu.memory_space<semaphore_mem>>
    %dma_start3A_22 = tpu.memref_squeeze %dma_start3A_21 : memref<1x!tpu.dma_semaphore, #tpu.memory_space<semaphore_mem>> -> memref<!tpu.dma_semaphore, #tpu.memory_space<semaphore_mem>>
    %dma_start3A_23 = arith.constant 48 : i32
    %dma_start3A_24 = arith.constant 0 : i32
    %dma_start3A_25 = arith.constant 0 : i32
    %dma_start3A_26 = tpu.memref_slice %arg5[%dma_start3A_23, %dma_start3A_24, %dma_start3A_25] : memref<1024x256x128xf32, #tpu.memory_space<any>> -> memref<16x256x128xf32, #tpu.memory_space<any>>
    tpu.enqueue_dma source(%dma_start3A_26 : memref<16x256x128xf32, #tpu.memory_space<any>>) target(%arg12 : memref<16x256x128xf32, #tpu.memory_space<vmem>>) target_semaphore(%dma_start3A_22 : memref<!tpu.dma_semaphore, #tpu.memory_space<semaphore_mem>>)
    %scan3A = arith.constant 0 : i32
    %scan3A_27 = arith.constant 8 : i32
    %scan3A_28 = arith.addi %scan3A, %scan3A_27 : i32
    %scan3A_29 = arith.constant 1 : i32
    scf.for %scan3A_102 = %scan3A to %scan3A_28 step %scan3A_29  : i32 {
      %mul3A = arith.constant 8 : i32
      %mul3A_103 = arith.muli %scan3A_102, %mul3A : i32
      %add3A_104 = arith.constant 0 : i32
      %add3A_105 = arith.addi %mul3A_103, %add3A_104 : i32
      %mul3A_106 = arith.constant 16 : i32
      %mul3A_107 = arith.muli %add3A_105, %mul3A_106 : i32
      %dma_wait3A_108 = arith.constant 0 : i32
      %dma_wait3A_109 = tpu.memref_slice %arg17[%dma_wait3A_108] : memref<8x!tpu.dma_semaphore, #tpu.memory_space<semaphore_mem>> -> memref<1x!tpu.dma_semaphore, #tpu.memory_space<semaphore_mem>>
      %dma_wait3A_110 = tpu.memref_squeeze %dma_wait3A_109 : memref<1x!tpu.dma_semaphore, #tpu.memory_space<semaphore_mem>> -> memref<!tpu.dma_semaphore, #tpu.memory_space<semaphore_mem>>
      %dma_wait3A_111 = arith.constant 0 : i32
      %dma_wait3A_112 = arith.constant 0 : i32
      %dma_wait3A_113 = tpu.memref_slice %arg5[%mul3A_107, %dma_wait3A_111, %dma_wait3A_112] : memref<1024x256x128xf32, #tpu.memory_space<any>> -> memref<16x256x128xf32, #tpu.memory_space<any>>
      tpu.wait_dma2 semaphore(%dma_wait3A_110 : memref<!tpu.dma_semaphore, #tpu.memory_space<semaphore_mem>>) src(%dma_wait3A_113 : memref<16x256x128xf32, #tpu.memory_space<any>>) dst(%arg9 : memref<16x256x128xf32, #tpu.memory_space<vmem>>)
      %get3A_114 = arith.index_cast %mul3A_107 : i32 to index
      %get3A_115 = arith.constant 0 : index
      %get3A_116 = vector.load %arg4[%get3A_114, %get3A_115] : memref<1024x256xf32, #tpu.memory_space<vmem>>, vector<16x256xf32>
      %transpose3A = tpu.transpose %get3A_116, [1, 0] : vector<16x256xf32> -> vector<256x16xf32>
      %add3A_117 = arith.constant 0 : i32
      %add3A_118 = arith.addi %mul3A_107, %add3A_117 : i32
      %get3A_119 = arith.index_cast %add3A_118 : i32 to index
      %get3A_120 = memref.load %arg0[%get3A_119] : memref<1024xi32, #tpu.memory_space<smem>>
      %get3A_121 = arith.index_cast %add3A_118 : i32 to index
      %get3A_122 = arith.constant 0 : index
      %get3A_123 = vector.load %arg1[%get3A_121, %get3A_122] : memref<1024x128xf32, #tpu.memory_space<vmem>>, vector<1x128xf32>
      %swap3A_124 = arith.constant 0 : index
      %swap3A_125 = arith.index_cast %get3A_120 : i32 to index
      %swap3A_126 = arith.constant 0 : index
      %swap3A_127 = vector.load %arg9[%swap3A_124, %swap3A_125, %swap3A_126] : memref<16x256x128xf32, #tpu.memory_space<vmem>>, vector<1x1x128xf32>
      %swap3A_128 = vector.shape_cast %swap3A_127 : vector<1x1x128xf32> to vector<1x128xf32>
      %swap3A_129 = vector.shape_cast %get3A_123 : vector<1x128xf32> to vector<1x1x128xf32>
      tpu.vector_store %arg9[%swap3A_124, %swap3A_125, %swap3A_126], %swap3A_129 {strides = array<i32>} : memref<16x256x128xf32, #tpu.memory_space<vmem>>, vector<1x1x128xf32>,
      %get3A_130 = arith.constant 0 : index
      %get3A_131 = arith.constant 0 : index
      %get3A_132 = arith.constant 0 : index
      %get3A_133 = vector.load %arg9[%get3A_130, %get3A_131, %get3A_132] : memref<16x256x128xf32, #tpu.memory_space<vmem>>, vector<1x256x128xf32>
      %get3A_134 = vector.shape_cast %get3A_133 : vector<1x256x128xf32> to vector<256x128xf32>
      %slice3A = vector.extract_strided_slice %transpose3A {offsets = [0, 0], sizes = [256, 1], strides = [1, 1]} : vector<256x16xf32> to vector<256x1xf32>
      %mul3A_135 = vector.broadcast %slice3A : vector<256x1xf32> to vector<256x128xf32>
      %mul3A_136 = arith.mulf %get3A_134, %mul3A_135 : vector<256x128xf32>
      %reduce_sum3A = arith.constant dense<0.000000e+00> : vector<128xf32>
      %reduce_sum3A_137 = vector.multi_reduction <add>, %mul3A_136, %reduce_sum3A [0] : vector<256x128xf32> to vector<128xf32>
      %broadcast_in_dim3A = vector.shape_cast %reduce_sum3A_137 : vector<128xf32> to vector<1x128xf32>
      %swap3A_138 = arith.index_cast %add3A_118 : i32 to index
      %swap3A_139 = arith.constant 0 : index
      %swap3A_140 = vector.load %arg8[%swap3A_138, %swap3A_139] : memref<1024x128xf32, #tpu.memory_space<vmem>>, vector<1x128xf32>
      tpu.vector_store %arg8[%swap3A_138, %swap3A_139], %broadcast_in_dim3A {strides = array<i32>} : memref<1024x128xf32, #tpu.memory_space<vmem>>, vector<1x128xf32>,
      %add3A_141 = arith.constant 1 : i32
      %add3A_142 = arith.addi %mul3A_107, %add3A_141 : i32
      %get3A_143 = arith.index_cast %add3A_142 : i32 to index
      %get3A_144 = memref.load %arg0[%get3A_143] : memref<1024xi32, #tpu.memory_space<smem>>
      %get3A_145 = arith.index_cast %add3A_142 : i32 to index
      %get3A_146 = arith.constant 0 : index
      %get3A_147 = vector.load %arg1[%get3A_145, %get3A_146] : memref<1024x128xf32, #tpu.memory_space<vmem>>, vector<1x128xf32>
      %swap3A_148 = arith.constant 1 : index
      %swap3A_149 = arith.index_cast %get3A_144 : i32 to index
      %swap3A_150 = arith.constant 0 : index
      %swap3A_151 = vector.load %arg9[%swap3A_148, %swap3A_149, %swap3A_150] : memref<16x256x128xf32, #tpu.memory_space<vmem>>, vector<1x1x128xf32>
      %swap3A_152 = vector.shape_cast %swap3A_151 : vector<1x1x128xf32> to vector<1x128xf32>
      %swap3A_153 = vector.shape_cast %get3A_147 : vector<1x128xf32> to vector<1x1x128xf32>
      tpu.vector_store %arg9[%swap3A_148, %swap3A_149, %swap3A_150], %swap3A_153 {strides = array<i32>} : memref<16x256x128xf32, #tpu.memory_space<vmem>>, vector<1x1x128xf32>,
      %get3A_154 = arith.constant 1 : index
      %get3A_155 = arith.constant 0 : index
      %get3A_156 = arith.constant 0 : index
      %get3A_157 = vector.load %arg9[%get3A_154, %get3A_155, %get3A_156] : memref<16x256x128xf32, #tpu.memory_space<vmem>>, vector<1x256x128xf32>
      %get3A_158 = vector.shape_cast %get3A_157 : vector<1x256x128xf32> to vector<256x128xf32>
      %slice3A_159 = vector.extract_strided_slice %transpose3A {offsets = [0, 1], sizes = [256, 1], strides = [1, 1]} : vector<256x16xf32> to vector<256x1xf32>
      %mul3A_160 = vector.broadcast %slice3A_159 : vector<256x1xf32> to vector<256x128xf32>
      %mul3A_161 = arith.mulf %get3A_158, %mul3A_160 : vector<256x128xf32>
      %reduce_sum3A_162 = arith.constant dense<0.000000e+00> : vector<128xf32>
      %reduce_sum3A_163 = vector.multi_reduction <add>, %mul3A_161, %reduce_sum3A_162 [0] : vector<256x128xf32> to vector<128xf32>
      %broadcast_in_dim3A_164 = vector.shape_cast %reduce_sum3A_163 : vector<128xf32> to vector<1x128xf32>
      %swap3A_165 = arith.index_cast %add3A_142 : i32 to index
      %swap3A_166 = arith.constant 0 : index
      %swap3A_167 = vector.load %arg8[%swap3A_165, %swap3A_166] : memref<1024x128xf32, #tpu.memory_space<vmem>>, vector<1x128xf32>
      tpu.vector_store %arg8[%swap3A_165, %swap3A_166], %broadcast_in_dim3A_164 {strides = array<i32>} : memref<1024x128xf32, #tpu.memory_space<vmem>>, vector<1x128xf32>,
      %add3A_168 = arith.constant 2 : i32
      %add3A_169 = arith.addi %mul3A_107, %add3A_168 : i32
      %get3A_170 = arith.index_cast %add3A_169 : i32 to index
      %get3A_171 = memref.load %arg0[%get3A_170] : memref<1024xi32, #tpu.memory_space<smem>>
      %get3A_172 = arith.index_cast %add3A_169 : i32 to index
      %get3A_173 = arith.constant 0 : index
      %get3A_174 = vector.load %arg1[%get3A_172, %get3A_173] : memref<1024x128xf32, #tpu.memory_space<vmem>>, vector<1x128xf32>
      %swap3A_175 = arith.constant 2 : index
      %swap3A_176 = arith.index_cast %get3A_171 : i32 to index
      %swap3A_177 = arith.constant 0 : index
      %swap3A_178 = vector.load %arg9[%swap3A_175, %swap3A_176, %swap3A_177] : memref<16x256x128xf32, #tpu.memory_space<vmem>>, vector<1x1x128xf32>
      %swap3A_179 = vector.shape_cast %swap3A_178 : vector<1x1x128xf32> to vector<1x128xf32>
      %swap3A_180 = vector.shape_cast %get3A_174 : vector<1x128xf32> to vector<1x1x128xf32>
      tpu.vector_store %arg9[%swap3A_175, %swap3A_176, %swap3A_177], %swap3A_180 {strides = array<i32>} : memref<16x256x128xf32, #tpu.memory_space<vmem>>, vector<1x1x128xf32>,
      %get3A_181 = arith.constant 2 : index
      %get3A_182 = arith.constant 0 : index
      %get3A_183 = arith.constant 0 : index
      %get3A_184 = vector.load %arg9[%get3A_181, %get3A_182, %get3A_183] : memref<16x256x128xf32, #tpu.memory_space<vmem>>, vector<1x256x128xf32>
      %get3A_185 = vector.shape_cast %get3A_184 : vector<1x256x128xf32> to vector<256x128xf32>
      %slice3A_186 = vector.extract_strided_slice %transpose3A {offsets = [0, 2], sizes = [256, 1], strides = [1, 1]} : vector<256x16xf32> to vector<256x1xf32>
      %mul3A_187 = vector.broadcast %slice3A_186 : vector<256x1xf32> to vector<256x128xf32>
      %mul3A_188 = arith.mulf %get3A_185, %mul3A_187 : vector<256x128xf32>
      %reduce_sum3A_189 = arith.constant dense<0.000000e+00> : vector<128xf32>
      %reduce_sum3A_190 = vector.multi_reduction <add>, %mul3A_188, %reduce_sum3A_189 [0] : vector<256x128xf32> to vector<128xf32>
      %broadcast_in_dim3A_191 = vector.shape_cast %reduce_sum3A_190 : vector<128xf32> to vector<1x128xf32>
      %swap3A_192 = arith.index_cast %add3A_169 : i32 to index
      %swap3A_193 = arith.constant 0 : index
      %swap3A_194 = vector.load %arg8[%swap3A_192, %swap3A_193] : memref<1024x128xf32, #tpu.memory_space<vmem>>, vector<1x128xf32>
      tpu.vector_store %arg8[%swap3A_192, %swap3A_193], %broadcast_in_dim3A_191 {strides = array<i32>} : memref<1024x128xf32, #tpu.memory_space<vmem>>, vector<1x128xf32>,
      %add3A_195 = arith.constant 3 : i32
      %add3A_196 = arith.addi %mul3A_107, %add3A_195 : i32
      %get3A_197 = arith.index_cast %add3A_196 : i32 to index
      %get3A_198 = memref.load %arg0[%get3A_197] : memref<1024xi32, #tpu.memory_space<smem>>
      %get3A_199 = arith.index_cast %add3A_196 : i32 to index
      %get3A_200 = arith.constant 0 : index
      %get3A_201 = vector.load %arg1[%get3A_199, %get3A_200] : memref<1024x128xf32, #tpu.memory_space<vmem>>, vector<1x128xf32>
      %swap3A_202 = arith.constant 3 : index
      %swap3A_203 = arith.index_cast %get3A_198 : i32 to index
      %swap3A_204 = arith.constant 0 : index
      %swap3A_205 = vector.load %arg9[%swap3A_202, %swap3A_203, %swap3A_204] : memref<16x256x128xf32, #tpu.memory_space<vmem>>, vector<1x1x128xf32>
      %swap3A_206 = vector.shape_cast %swap3A_205 : vector<1x1x128xf32> to vector<1x128xf32>
      %swap3A_207 = vector.shape_cast %get3A_201 : vector<1x128xf32> to vector<1x1x128xf32>
      tpu.vector_store %arg9[%swap3A_202, %swap3A_203, %swap3A_204], %swap3A_207 {strides = array<i32>} : memref<16x256x128xf32, #tpu.memory_space<vmem>>, vector<1x1x128xf32>,
      %get3A_208 = arith.constant 3 : index
      %get3A_209 = arith.constant 0 : index
      %get3A_210 = arith.constant 0 : index
      %get3A_211 = vector.load %arg9[%get3A_208, %get3A_209, %get3A_210] : memref<16x256x128xf32, #tpu.memory_space<vmem>>, vector<1x256x128xf32>
      %get3A_212 = vector.shape_cast %get3A_211 : vector<1x256x128xf32> to vector<256x128xf32>
      %slice3A_213 = vector.extract_strided_slice %transpose3A {offsets = [0, 3], sizes = [256, 1], strides = [1, 1]} : vector<256x16xf32> to vector<256x1xf32>
      %mul3A_214 = vector.broadcast %slice3A_213 : vector<256x1xf32> to vector<256x128xf32>
      %mul3A_215 = arith.mulf %get3A_212, %mul3A_214 : vector<256x128xf32>
      %reduce_sum3A_216 = arith.constant dense<0.000000e+00> : vector<128xf32>
      %reduce_sum3A_217 = vector.multi_reduction <add>, %mul3A_215, %reduce_sum3A_216 [0] : vector<256x128xf32> to vector<128xf32>
      %broadcast_in_dim3A_218 = vector.shape_cast %reduce_sum3A_217 : vector<128xf32> to vector<1x128xf32>
      %swap3A_219 = arith.index_cast %add3A_196 : i32 to index
      %swap3A_220 = arith.constant 0 : index
      %swap3A_221 = vector.load %arg8[%swap3A_219, %swap3A_220] : memref<1024x128xf32, #tpu.memory_space<vmem>>, vector<1x128xf32>
      tpu.vector_store %arg8[%swap3A_219, %swap3A_220], %broadcast_in_dim3A_218 {strides = array<i32>} : memref<1024x128xf32, #tpu.memory_space<vmem>>, vector<1x128xf32>,
      %add3A_222 = arith.constant 4 : i32
      %add3A_223 = arith.addi %mul3A_107, %add3A_222 : i32
      %get3A_224 = arith.index_cast %add3A_223 : i32 to index
      %get3A_225 = memref.load %arg0[%get3A_224] : memref<1024xi32, #tpu.memory_space<smem>>
      %get3A_226 = arith.index_cast %add3A_223 : i32 to index
      %get3A_227 = arith.constant 0 : index
      %get3A_228 = vector.load %arg1[%get3A_226, %get3A_227] : memref<1024x128xf32, #tpu.memory_space<vmem>>, vector<1x128xf32>
      %swap3A_229 = arith.constant 4 : index
      %swap3A_230 = arith.index_cast %get3A_225 : i32 to index
      %swap3A_231 = arith.constant 0 : index
      %swap3A_232 = vector.load %arg9[%swap3A_229, %swap3A_230, %swap3A_231] : memref<16x256x128xf32, #tpu.memory_space<vmem>>, vector<1x1x128xf32>
      %swap3A_233 = vector.shape_cast %swap3A_232 : vector<1x1x128xf32> to vector<1x128xf32>
      %swap3A_234 = vector.shape_cast %get3A_228 : vector<1x128xf32> to vector<1x1x128xf32>
      tpu.vector_store %arg9[%swap3A_229, %swap3A_230, %swap3A_231], %swap3A_234 {strides = array<i32>} : memref<16x256x128xf32, #tpu.memory_space<vmem>>, vector<1x1x128xf32>,
      %get3A_235 = arith.constant 4 : index
      %get3A_236 = arith.constant 0 : index
      %get3A_237 = arith.constant 0 : index
      %get3A_238 = vector.load %arg9[%get3A_235, %get3A_236, %get3A_237] : memref<16x256x128xf32, #tpu.memory_space<vmem>>, vector<1x256x128xf32>
      %get3A_239 = vector.shape_cast %get3A_238 : vector<1x256x128xf32> to vector<256x128xf32>
      %slice3A_240 = vector.extract_strided_slice %transpose3A {offsets = [0, 4], sizes = [256, 1], strides = [1, 1]} : vector<256x16xf32> to vector<256x1xf32>
      %mul3A_241 = vector.broadcast %slice3A_240 : vector<256x1xf32> to vector<256x128xf32>
      %mul3A_242 = arith.mulf %get3A_239, %mul3A_241 : vector<256x128xf32>
      %reduce_sum3A_243 = arith.constant dense<0.000000e+00> : vector<128xf32>
      %reduce_sum3A_244 = vector.multi_reduction <add>, %mul3A_242, %reduce_sum3A_243 [0] : vector<256x128xf32> to vector<128xf32>
      %broadcast_in_dim3A_245 = vector.shape_cast %reduce_sum3A_244 : vector<128xf32> to vector<1x128xf32>
      %swap3A_246 = arith.index_cast %add3A_223 : i32 to index
      %swap3A_247 = arith.constant 0 : index
      %swap3A_248 = vector.load %arg8[%swap3A_246, %swap3A_247] : memref<1024x128xf32, #tpu.memory_space<vmem>>, vector<1x128xf32>
      tpu.vector_store %arg8[%swap3A_246, %swap3A_247], %broadcast_in_dim3A_245 {strides = array<i32>} : memref<1024x128xf32, #tpu.memory_space<vmem>>, vector<1x128xf32>,
      %add3A_249 = arith.constant 5 : i32
      %add3A_250 = arith.addi %mul3A_107, %add3A_249 : i32
      %get3A_251 = arith.index_cast %add3A_250 : i32 to index
      %get3A_252 = memref.load %arg0[%get3A_251] : memref<1024xi32, #tpu.memory_space<smem>>
      %get3A_253 = arith.index_cast %add3A_250 : i32 to index
      %get3A_254 = arith.constant 0 : index
      %get3A_255 = vector.load %arg1[%get3A_253, %get3A_254] : memref<1024x128xf32, #tpu.memory_space<vmem>>, vector<1x128xf32>
      %swap3A_256 = arith.constant 5 : index
      %swap3A_257 = arith.index_cast %get3A_252 : i32 to index
      %swap3A_258 = arith.constant 0 : index
      %swap3A_259 = vector.load %arg9[%swap3A_256, %swap3A_257, %swap3A_258] : memref<16x256x128xf32, #tpu.memory_space<vmem>>, vector<1x1x128xf32>
      %swap3A_260 = vector.shape_cast %swap3A_259 : vector<1x1x128xf32> to vector<1x128xf32>
      %swap3A_261 = vector.shape_cast %get3A_255 : vector<1x128xf32> to vector<1x1x128xf32>
      tpu.vector_store %arg9[%swap3A_256, %swap3A_257, %swap3A_258], %swap3A_261 {strides = array<i32>} : memref<16x256x128xf32, #tpu.memory_space<vmem>>, vector<1x1x128xf32>,
      %get3A_262 = arith.constant 5 : index
      %get3A_263 = arith.constant 0 : index
      %get3A_264 = arith.constant 0 : index
      %get3A_265 = vector.load %arg9[%get3A_262, %get3A_263, %get3A_264] : memref<16x256x128xf32, #tpu.memory_space<vmem>>, vector<1x256x128xf32>
      %get3A_266 = vector.shape_cast %get3A_265 : vector<1x256x128xf32> to vector<256x128xf32>
      %slice3A_267 = vector.extract_strided_slice %transpose3A {offsets = [0, 5], sizes = [256, 1], strides = [1, 1]} : vector<256x16xf32> to vector<256x1xf32>
      %mul3A_268 = vector.broadcast %slice3A_267 : vector<256x1xf32> to vector<256x128xf32>
      %mul3A_269 = arith.mulf %get3A_266, %mul3A_268 : vector<256x128xf32>
      %reduce_sum3A_270 = arith.constant dense<0.000000e+00> : vector<128xf32>
      %reduce_sum3A_271 = vector.multi_reduction <add>, %mul3A_269, %reduce_sum3A_270 [0] : vector<256x128xf32> to vector<128xf32>
      %broadcast_in_dim3A_272 = vector.shape_cast %reduce_sum3A_271 : vector<128xf32> to vector<1x128xf32>
      %swap3A_273 = arith.index_cast %add3A_250 : i32 to index
      %swap3A_274 = arith.constant 0 : index
      %swap3A_275 = vector.load %arg8[%swap3A_273, %swap3A_274] : memref<1024x128xf32, #tpu.memory_space<vmem>>, vector<1x128xf32>
      tpu.vector_store %arg8[%swap3A_273, %swap3A_274], %broadcast_in_dim3A_272 {strides = array<i32>} : memref<1024x128xf32, #tpu.memory_space<vmem>>, vector<1x128xf32>,
      %add3A_276 = arith.constant 6 : i32
      %add3A_277 = arith.addi %mul3A_107, %add3A_276 : i32
      %get3A_278 = arith.index_cast %add3A_277 : i32 to index
      %get3A_279 = memref.load %arg0[%get3A_278] : memref<1024xi32, #tpu.memory_space<smem>>
      %get3A_280 = arith.index_cast %add3A_277 : i32 to index
      %get3A_281 = arith.constant 0 : index
      %get3A_282 = vector.load %arg1[%get3A_280, %get3A_281] : memref<1024x128xf32, #tpu.memory_space<vmem>>, vector<1x128xf32>
      %swap3A_283 = arith.constant 6 : index
      %swap3A_284 = arith.index_cast %get3A_279 : i32 to index
      %swap3A_285 = arith.constant 0 : index
      %swap3A_286 = vector.load %arg9[%swap3A_283, %swap3A_284, %swap3A_285] : memref<16x256x128xf32, #tpu.memory_space<vmem>>, vector<1x1x128xf32>
      %swap3A_287 = vector.shape_cast %swap3A_286 : vector<1x1x128xf32> to vector<1x128xf32>
      %swap3A_288 = vector.shape_cast %get3A_282 : vector<1x128xf32> to vector<1x1x128xf32>
      tpu.vector_store %arg9[%swap3A_283, %swap3A_284, %swap3A_285], %swap3A_288 {strides = array<i32>} : memref<16x256x128xf32, #tpu.memory_space<vmem>>, vector<1x1x128xf32>,
      %get3A_289 = arith.constant 6 : index
      %get3A_290 = arith.constant 0 : index
      %get3A_291 = arith.constant 0 : index
      %get3A_292 = vector.load %arg9[%get3A_289, %get3A_290, %get3A_291] : memref<16x256x128xf32, #tpu.memory_space<vmem>>, vector<1x256x128xf32>
      %get3A_293 = vector.shape_cast %get3A_292 : vector<1x256x128xf32> to vector<256x128xf32>
      %slice3A_294 = vector.extract_strided_slice %transpose3A {offsets = [0, 6], sizes = [256, 1], strides = [1, 1]} : vector<256x16xf32> to vector<256x1xf32>
      %mul3A_295 = vector.broadcast %slice3A_294 : vector<256x1xf32> to vector<256x128xf32>
      %mul3A_296 = arith.mulf %get3A_293, %mul3A_295 : vector<256x128xf32>
      %reduce_sum3A_297 = arith.constant dense<0.000000e+00> : vector<128xf32>
      %reduce_sum3A_298 = vector.multi_reduction <add>, %mul3A_296, %reduce_sum3A_297 [0] : vector<256x128xf32> to vector<128xf32>
      %broadcast_in_dim3A_299 = vector.shape_cast %reduce_sum3A_298 : vector<128xf32> to vector<1x128xf32>
      %swap3A_300 = arith.index_cast %add3A_277 : i32 to index
      %swap3A_301 = arith.constant 0 : index
      %swap3A_302 = vector.load %arg8[%swap3A_300, %swap3A_301] : memref<1024x128xf32, #tpu.memory_space<vmem>>, vector<1x128xf32>
      tpu.vector_store %arg8[%swap3A_300, %swap3A_301], %broadcast_in_dim3A_299 {strides = array<i32>} : memref<1024x128xf32, #tpu.memory_space<vmem>>, vector<1x128xf32>,
      %add3A_303 = arith.constant 7 : i32
      %add3A_304 = arith.addi %mul3A_107, %add3A_303 : i32
      %get3A_305 = arith.index_cast %add3A_304 : i32 to index
      %get3A_306 = memref.load %arg0[%get3A_305] : memref<1024xi32, #tpu.memory_space<smem>>
      %get3A_307 = arith.index_cast %add3A_304 : i32 to index
      %get3A_308 = arith.constant 0 : index
      %get3A_309 = vector.load %arg1[%get3A_307, %get3A_308] : memref<1024x128xf32, #tpu.memory_space<vmem>>, vector<1x128xf32>
      %swap3A_310 = arith.constant 7 : index
      %swap3A_311 = arith.index_cast %get3A_306 : i32 to index
      %swap3A_312 = arith.constant 0 : index
      %swap3A_313 = vector.load %arg9[%swap3A_310, %swap3A_311, %swap3A_312] : memref<16x256x128xf32, #tpu.memory_space<vmem>>, vector<1x1x128xf32>
      %swap3A_314 = vector.shape_cast %swap3A_313 : vector<1x1x128xf32> to vector<1x128xf32>
      %swap3A_315 = vector.shape_cast %get3A_309 : vector<1x128xf32> to vector<1x1x128xf32>
      tpu.vector_store %arg9[%swap3A_310, %swap3A_311, %swap3A_312], %swap3A_315 {strides = array<i32>} : memref<16x256x128xf32, #tpu.memory_space<vmem>>, vector<1x1x128xf32>,
      %get3A_316 = arith.constant 7 : index
      %get3A_317 = arith.constant 0 : index
      %get3A_318 = arith.constant 0 : index
      %get3A_319 = vector.load %arg9[%get3A_316, %get3A_317, %get3A_318] : memref<16x256x128xf32, #tpu.memory_space<vmem>>, vector<1x256x128xf32>
      %get3A_320 = vector.shape_cast %get3A_319 : vector<1x256x128xf32> to vector<256x128xf32>
      %slice3A_321 = vector.extract_strided_slice %transpose3A {offsets = [0, 7], sizes = [256, 1], strides = [1, 1]} : vector<256x16xf32> to vector<256x1xf32>
      %mul3A_322 = vector.broadcast %slice3A_321 : vector<256x1xf32> to vector<256x128xf32>
      %mul3A_323 = arith.mulf %get3A_320, %mul3A_322 : vector<256x128xf32>
      %reduce_sum3A_324 = arith.constant dense<0.000000e+00> : vector<128xf32>
      %reduce_sum3A_325 = vector.multi_reduction <add>, %mul3A_323, %reduce_sum3A_324 [0] : vector<256x128xf32> to vector<128xf32>
      %broadcast_in_dim3A_326 = vector.shape_cast %reduce_sum3A_325 : vector<128xf32> to vector<1x128xf32>
      %swap3A_327 = arith.index_cast %add3A_304 : i32 to index
      %swap3A_328 = arith.constant 0 : index
      %swap3A_329 = vector.load %arg8[%swap3A_327, %swap3A_328] : memref<1024x128xf32, #tpu.memory_space<vmem>>, vector<1x128xf32>
      tpu.vector_store %arg8[%swap3A_327, %swap3A_328], %broadcast_in_dim3A_326 {strides = array<i32>} : memref<1024x128xf32, #tpu.memory_space<vmem>>, vector<1x128xf32>,
      %add3A_330 = arith.constant 8 : i32
      %add3A_331 = arith.addi %mul3A_107, %add3A_330 : i32
      %get3A_332 = arith.index_cast %add3A_331 : i32 to index
      %get3A_333 = memref.load %arg0[%get3A_332] : memref<1024xi32, #tpu.memory_space<smem>>
      %get3A_334 = arith.index_cast %add3A_331 : i32 to index
      %get3A_335 = arith.constant 0 : index
      %get3A_336 = vector.load %arg1[%get3A_334, %get3A_335] : memref<1024x128xf32, #tpu.memory_space<vmem>>, vector<1x128xf32>
      %swap3A_337 = arith.constant 8 : index
      %swap3A_338 = arith.index_cast %get3A_333 : i32 to index
      %swap3A_339 = arith.constant 0 : index
      %swap3A_340 = vector.load %arg9[%swap3A_337, %swap3A_338, %swap3A_339] : memref<16x256x128xf32, #tpu.memory_space<vmem>>, vector<1x1x128xf32>
      %swap3A_341 = vector.shape_cast %swap3A_340 : vector<1x1x128xf32> to vector<1x128xf32>
      %swap3A_342 = vector.shape_cast %get3A_336 : vector<1x128xf32> to vector<1x1x128xf32>
      tpu.vector_store %arg9[%swap3A_337, %swap3A_338, %swap3A_339], %swap3A_342 {strides = array<i32>} : memref<16x256x128xf32, #tpu.memory_space<vmem>>, vector<1x1x128xf32>,
      %get3A_343 = arith.constant 8 : index
      %get3A_344 = arith.constant 0 : index
      %get3A_345 = arith.constant 0 : index
      %get3A_346 = vector.load %arg9[%get3A_343, %get3A_344, %get3A_345] : memref<16x256x128xf32, #tpu.memory_space<vmem>>, vector<1x256x128xf32>
      %get3A_347 = vector.shape_cast %get3A_346 : vector<1x256x128xf32> to vector<256x128xf32>
      %slice3A_348 = vector.extract_strided_slice %transpose3A {offsets = [0, 8], sizes = [256, 1], strides = [1, 1]} : vector<256x16xf32> to vector<256x1xf32>
      %mul3A_349 = vector.broadcast %slice3A_348 : vector<256x1xf32> to vector<256x128xf32>
      %mul3A_350 = arith.mulf %get3A_347, %mul3A_349 : vector<256x128xf32>
      %reduce_sum3A_351 = arith.constant dense<0.000000e+00> : vector<128xf32>
      %reduce_sum3A_352 = vector.multi_reduction <add>, %mul3A_350, %reduce_sum3A_351 [0] : vector<256x128xf32> to vector<128xf32>
      %broadcast_in_dim3A_353 = vector.shape_cast %reduce_sum3A_352 : vector<128xf32> to vector<1x128xf32>
      %swap3A_354 = arith.index_cast %add3A_331 : i32 to index
      %swap3A_355 = arith.constant 0 : index
      %swap3A_356 = vector.load %arg8[%swap3A_354, %swap3A_355] : memref<1024x128xf32, #tpu.memory_space<vmem>>, vector<1x128xf32>
      tpu.vector_store %arg8[%swap3A_354, %swap3A_355], %broadcast_in_dim3A_353 {strides = array<i32>} : memref<1024x128xf32, #tpu.memory_space<vmem>>, vector<1x128xf32>,
      %add3A_357 = arith.constant 9 : i32
      %add3A_358 = arith.addi %mul3A_107, %add3A_357 : i32
      %get3A_359 = arith.index_cast %add3A_358 : i32 to index
      %get3A_360 = memref.load %arg0[%get3A_359] : memref<1024xi32, #tpu.memory_space<smem>>
      %get3A_361 = arith.index_cast %add3A_358 : i32 to index
      %get3A_362 = arith.constant 0 : index
      %get3A_363 = vector.load %arg1[%get3A_361, %get3A_362] : memref<1024x128xf32, #tpu.memory_space<vmem>>, vector<1x128xf32>
      %swap3A_364 = arith.constant 9 : index
      %swap3A_365 = arith.index_cast %get3A_360 : i32 to index
      %swap3A_366 = arith.constant 0 : index
      %swap3A_367 = vector.load %arg9[%swap3A_364, %swap3A_365, %swap3A_366] : memref<16x256x128xf32, #tpu.memory_space<vmem>>, vector<1x1x128xf32>
      %swap3A_368 = vector.shape_cast %swap3A_367 : vector<1x1x128xf32> to vector<1x128xf32>
      %swap3A_369 = vector.shape_cast %get3A_363 : vector<1x128xf32> to vector<1x1x128xf32>
      tpu.vector_store %arg9[%swap3A_364, %swap3A_365, %swap3A_366], %swap3A_369 {strides = array<i32>} : memref<16x256x128xf32, #tpu.memory_space<vmem>>, vector<1x1x128xf32>,
      %get3A_370 = arith.constant 9 : index
      %get3A_371 = arith.constant 0 : index
      %get3A_372 = arith.constant 0 : index
      %get3A_373 = vector.load %arg9[%get3A_370, %get3A_371, %get3A_372] : memref<16x256x128xf32, #tpu.memory_space<vmem>>, vector<1x256x128xf32>
      %get3A_374 = vector.shape_cast %get3A_373 : vector<1x256x128xf32> to vector<256x128xf32>
      %slice3A_375 = vector.extract_strided_slice %transpose3A {offsets = [0, 9], sizes = [256, 1], strides = [1, 1]} : vector<256x16xf32> to vector<256x1xf32>
      %mul3A_376 = vector.broadcast %slice3A_375 : vector<256x1xf32> to vector<256x128xf32>
      %mul3A_377 = arith.mulf %get3A_374, %mul3A_376 : vector<256x128xf32>
      %reduce_sum3A_378 = arith.constant dense<0.000000e+00> : vector<128xf32>
      %reduce_sum3A_379 = vector.multi_reduction <add>, %mul3A_377, %reduce_sum3A_378 [0] : vector<256x128xf32> to vector<128xf32>
      %broadcast_in_dim3A_380 = vector.shape_cast %reduce_sum3A_379 : vector<128xf32> to vector<1x128xf32>
      %swap3A_381 = arith.index_cast %add3A_358 : i32 to index
      %swap3A_382 = arith.constant 0 : index
      %swap3A_383 = vector.load %arg8[%swap3A_381, %swap3A_382] : memref<1024x128xf32, #tpu.memory_space<vmem>>, vector<1x128xf32>
      tpu.vector_store %arg8[%swap3A_381, %swap3A_382], %broadcast_in_dim3A_380 {strides = array<i32>} : memref<1024x128xf32, #tpu.memory_space<vmem>>, vector<1x128xf32>,
      %add3A_384 = arith.constant 10 : i32
      %add3A_385 = arith.addi %mul3A_107, %add3A_384 : i32
      %get3A_386 = arith.index_cast %add3A_385 : i32 to index
      %get3A_387 = memref.load %arg0[%get3A_386] : memref<1024xi32, #tpu.memory_space<smem>>
      %get3A_388 = arith.index_cast %add3A_385 : i32 to index
      %get3A_389 = arith.constant 0 : index
      %get3A_390 = vector.load %arg1[%get3A_388, %get3A_389] : memref<1024x128xf32, #tpu.memory_space<vmem>>, vector<1x128xf32>
      %swap3A_391 = arith.constant 10 : index
      %swap3A_392 = arith.index_cast %get3A_387 : i32 to index
      %swap3A_393 = arith.constant 0 : index
      %swap3A_394 = vector.load %arg9[%swap3A_391, %swap3A_392, %swap3A_393] : memref<16x256x128xf32, #tpu.memory_space<vmem>>, vector<1x1x128xf32>
      %swap3A_395 = vector.shape_cast %swap3A_394 : vector<1x1x128xf32> to vector<1x128xf32>
      %swap3A_396 = vector.shape_cast %get3A_390 : vector<1x128xf32> to vector<1x1x128xf32>
      tpu.vector_store %arg9[%swap3A_391, %swap3A_392, %swap3A_393], %swap3A_396 {strides = array<i32>} : memref<16x256x128xf32, #tpu.memory_space<vmem>>, vector<1x1x128xf32>,
      %get3A_397 = arith.constant 10 : index
      %get3A_398 = arith.constant 0 : index
      %get3A_399 = arith.constant 0 : index
      %get3A_400 = vector.load %arg9[%get3A_397, %get3A_398, %get3A_399] : memref<16x256x128xf32, #tpu.memory_space<vmem>>, vector<1x256x128xf32>
      %get3A_401 = vector.shape_cast %get3A_400 : vector<1x256x128xf32> to vector<256x128xf32>
      %slice3A_402 = vector.extract_strided_slice %transpose3A {offsets = [0, 10], sizes = [256, 1], strides = [1, 1]} : vector<256x16xf32> to vector<256x1xf32>
      %mul3A_403 = vector.broadcast %slice3A_402 : vector<256x1xf32> to vector<256x128xf32>
      %mul3A_404 = arith.mulf %get3A_401, %mul3A_403 : vector<256x128xf32>
      %reduce_sum3A_405 = arith.constant dense<0.000000e+00> : vector<128xf32>
      %reduce_sum3A_406 = vector.multi_reduction <add>, %mul3A_404, %reduce_sum3A_405 [0] : vector<256x128xf32> to vector<128xf32>
      %broadcast_in_dim3A_407 = vector.shape_cast %reduce_sum3A_406 : vector<128xf32> to vector<1x128xf32>
      %swap3A_408 = arith.index_cast %add3A_385 : i32 to index
      %swap3A_409 = arith.constant 0 : index
      %swap3A_410 = vector.load %arg8[%swap3A_408, %swap3A_409] : memref<1024x128xf32, #tpu.memory_space<vmem>>, vector<1x128xf32>
      tpu.vector_store %arg8[%swap3A_408, %swap3A_409], %broadcast_in_dim3A_407 {strides = array<i32>} : memref<1024x128xf32, #tpu.memory_space<vmem>>, vector<1x128xf32>,
      %add3A_411 = arith.constant 11 : i32
      %add3A_412 = arith.addi %mul3A_107, %add3A_411 : i32
      %get3A_413 = arith.index_cast %add3A_412 : i32 to index
      %get3A_414 = memref.load %arg0[%get3A_413] : memref<1024xi32, #tpu.memory_space<smem>>
      %get3A_415 = arith.index_cast %add3A_412 : i32 to index
      %get3A_416 = arith.constant 0 : index
      %get3A_417 = vector.load %arg1[%get3A_415, %get3A_416] : memref<1024x128xf32, #tpu.memory_space<vmem>>, vector<1x128xf32>
      %swap3A_418 = arith.constant 11 : index
      %swap3A_419 = arith.index_cast %get3A_414 : i32 to index
      %swap3A_420 = arith.constant 0 : index
      %swap3A_421 = vector.load %arg9[%swap3A_418, %swap3A_419, %swap3A_420] : memref<16x256x128xf32, #tpu.memory_space<vmem>>, vector<1x1x128xf32>
      %swap3A_422 = vector.shape_cast %swap3A_421 : vector<1x1x128xf32> to vector<1x128xf32>
      %swap3A_423 = vector.shape_cast %get3A_417 : vector<1x128xf32> to vector<1x1x128xf32>
      tpu.vector_store %arg9[%swap3A_418, %swap3A_419, %swap3A_420], %swap3A_423 {strides = array<i32>} : memref<16x256x128xf32, #tpu.memory_space<vmem>>, vector<1x1x128xf32>,
      %get3A_424 = arith.constant 11 : index
      %get3A_425 = arith.constant 0 : index
      %get3A_426 = arith.constant 0 : index
      %get3A_427 = vector.load %arg9[%get3A_424, %get3A_425, %get3A_426] : memref<16x256x128xf32, #tpu.memory_space<vmem>>, vector<1x256x128xf32>
      %get3A_428 = vector.shape_cast %get3A_427 : vector<1x256x128xf32> to vector<256x128xf32>
      %slice3A_429 = vector.extract_strided_slice %transpose3A {offsets = [0, 11], sizes = [256, 1], strides = [1, 1]} : vector<256x16xf32> to vector<256x1xf32>
      %mul3A_430 = vector.broadcast %slice3A_429 : vector<256x1xf32> to vector<256x128xf32>
      %mul3A_431 = arith.mulf %get3A_428, %mul3A_430 : vector<256x128xf32>
      %reduce_sum3A_432 = arith.constant dense<0.000000e+00> : vector<128xf32>
      %reduce_sum3A_433 = vector.multi_reduction <add>, %mul3A_431, %reduce_sum3A_432 [0] : vector<256x128xf32> to vector<128xf32>
      %broadcast_in_dim3A_434 = vector.shape_cast %reduce_sum3A_433 : vector<128xf32> to vector<1x128xf32>
      %swap3A_435 = arith.index_cast %add3A_412 : i32 to index
      %swap3A_436 = arith.constant 0 : index
      %swap3A_437 = vector.load %arg8[%swap3A_435, %swap3A_436] : memref<1024x128xf32, #tpu.memory_space<vmem>>, vector<1x128xf32>
      tpu.vector_store %arg8[%swap3A_435, %swap3A_436], %broadcast_in_dim3A_434 {strides = array<i32>} : memref<1024x128xf32, #tpu.memory_space<vmem>>, vector<1x128xf32>,
      %add3A_438 = arith.constant 12 : i32
      %add3A_439 = arith.addi %mul3A_107, %add3A_438 : i32
      %get3A_440 = arith.index_cast %add3A_439 : i32 to index
      %get3A_441 = memref.load %arg0[%get3A_440] : memref<1024xi32, #tpu.memory_space<smem>>
      %get3A_442 = arith.index_cast %add3A_439 : i32 to index
      %get3A_443 = arith.constant 0 : index
      %get3A_444 = vector.load %arg1[%get3A_442, %get3A_443] : memref<1024x128xf32, #tpu.memory_space<vmem>>, vector<1x128xf32>
      %swap3A_445 = arith.constant 12 : index
      %swap3A_446 = arith.index_cast %get3A_441 : i32 to index
      %swap3A_447 = arith.constant 0 : index
      %swap3A_448 = vector.load %arg9[%swap3A_445, %swap3A_446, %swap3A_447] : memref<16x256x128xf32, #tpu.memory_space<vmem>>, vector<1x1x128xf32>
      %swap3A_449 = vector.shape_cast %swap3A_448 : vector<1x1x128xf32> to vector<1x128xf32>
      %swap3A_450 = vector.shape_cast %get3A_444 : vector<1x128xf32> to vector<1x1x128xf32>
      tpu.vector_store %arg9[%swap3A_445, %swap3A_446, %swap3A_447], %swap3A_450 {strides = array<i32>} : memref<16x256x128xf32, #tpu.memory_space<vmem>>, vector<1x1x128xf32>,
      %get3A_451 = arith.constant 12 : index
      %get3A_452 = arith.constant 0 : index
      %get3A_453 = arith.constant 0 : index
      %get3A_454 = vector.load %arg9[%get3A_451, %get3A_452, %get3A_453] : memref<16x256x128xf32, #tpu.memory_space<vmem>>, vector<1x256x128xf32>
      %get3A_455 = vector.shape_cast %get3A_454 : vector<1x256x128xf32> to vector<256x128xf32>
      %slice3A_456 = vector.extract_strided_slice %transpose3A {offsets = [0, 12], sizes = [256, 1], strides = [1, 1]} : vector<256x16xf32> to vector<256x1xf32>
      %mul3A_457 = vector.broadcast %slice3A_456 : vector<256x1xf32> to vector<256x128xf32>
      %mul3A_458 = arith.mulf %get3A_455, %mul3A_457 : vector<256x128xf32>
      %reduce_sum3A_459 = arith.constant dense<0.000000e+00> : vector<128xf32>
      %reduce_sum3A_460 = vector.multi_reduction <add>, %mul3A_458, %reduce_sum3A_459 [0] : vector<256x128xf32> to vector<128xf32>
      %broadcast_in_dim3A_461 = vector.shape_cast %reduce_sum3A_460 : vector<128xf32> to vector<1x128xf32>
      %swap3A_462 = arith.index_cast %add3A_439 : i32 to index
      %swap3A_463 = arith.constant 0 : index
      %swap3A_464 = vector.load %arg8[%swap3A_462, %swap3A_463] : memref<1024x128xf32, #tpu.memory_space<vmem>>, vector<1x128xf32>
      tpu.vector_store %arg8[%swap3A_462, %swap3A_463], %broadcast_in_dim3A_461 {strides = array<i32>} : memref<1024x128xf32, #tpu.memory_space<vmem>>, vector<1x128xf32>,
      %add3A_465 = arith.constant 13 : i32
      %add3A_466 = arith.addi %mul3A_107, %add3A_465 : i32
      %get3A_467 = arith.index_cast %add3A_466 : i32 to index
      %get3A_468 = memref.load %arg0[%get3A_467] : memref<1024xi32, #tpu.memory_space<smem>>
      %get3A_469 = arith.index_cast %add3A_466 : i32 to index
      %get3A_470 = arith.constant 0 : index
      %get3A_471 = vector.load %arg1[%get3A_469, %get3A_470] : memref<1024x128xf32, #tpu.memory_space<vmem>>, vector<1x128xf32>
      %swap3A_472 = arith.constant 13 : index
      %swap3A_473 = arith.index_cast %get3A_468 : i32 to index
      %swap3A_474 = arith.constant 0 : index
      %swap3A_475 = vector.load %arg9[%swap3A_472, %swap3A_473, %swap3A_474] : memref<16x256x128xf32, #tpu.memory_space<vmem>>, vector<1x1x128xf32>
      %swap3A_476 = vector.shape_cast %swap3A_475 : vector<1x1x128xf32> to vector<1x128xf32>
      %swap3A_477 = vector.shape_cast %get3A_471 : vector<1x128xf32> to vector<1x1x128xf32>
      tpu.vector_store %arg9[%swap3A_472, %swap3A_473, %swap3A_474], %swap3A_477 {strides = array<i32>} : memref<16x256x128xf32, #tpu.memory_space<vmem>>, vector<1x1x128xf32>,
      %get3A_478 = arith.constant 13 : index
      %get3A_479 = arith.constant 0 : index
      %get3A_480 = arith.constant 0 : index
      %get3A_481 = vector.load %arg9[%get3A_478, %get3A_479, %get3A_480] : memref<16x256x128xf32, #tpu.memory_space<vmem>>, vector<1x256x128xf32>
      %get3A_482 = vector.shape_cast %get3A_481 : vector<1x256x128xf32> to vector<256x128xf32>
      %slice3A_483 = vector.extract_strided_slice %transpose3A {offsets = [0, 13], sizes = [256, 1], strides = [1, 1]} : vector<256x16xf32> to vector<256x1xf32>
      %mul3A_484 = vector.broadcast %slice3A_483 : vector<256x1xf32> to vector<256x128xf32>
      %mul3A_485 = arith.mulf %get3A_482, %mul3A_484 : vector<256x128xf32>
      %reduce_sum3A_486 = arith.constant dense<0.000000e+00> : vector<128xf32>
      %reduce_sum3A_487 = vector.multi_reduction <add>, %mul3A_485, %reduce_sum3A_486 [0] : vector<256x128xf32> to vector<128xf32>
      %broadcast_in_dim3A_488 = vector.shape_cast %reduce_sum3A_487 : vector<128xf32> to vector<1x128xf32>
      %swap3A_489 = arith.index_cast %add3A_466 : i32 to index
      %swap3A_490 = arith.constant 0 : index
      %swap3A_491 = vector.load %arg8[%swap3A_489, %swap3A_490] : memref<1024x128xf32, #tpu.memory_space<vmem>>, vector<1x128xf32>
      tpu.vector_store %arg8[%swap3A_489, %swap3A_490], %broadcast_in_dim3A_488 {strides = array<i32>} : memref<1024x128xf32, #tpu.memory_space<vmem>>, vector<1x128xf32>,
      %add3A_492 = arith.constant 14 : i32
      %add3A_493 = arith.addi %mul3A_107, %add3A_492 : i32
      %get3A_494 = arith.index_cast %add3A_493 : i32 to index
      %get3A_495 = memref.load %arg0[%get3A_494] : memref<1024xi32, #tpu.memory_space<smem>>
      %get3A_496 = arith.index_cast %add3A_493 : i32 to index
      %get3A_497 = arith.constant 0 : index
      %get3A_498 = vector.load %arg1[%get3A_496, %get3A_497] : memref<1024x128xf32, #tpu.memory_space<vmem>>, vector<1x128xf32>
      %swap3A_499 = arith.constant 14 : index
      %swap3A_500 = arith.index_cast %get3A_495 : i32 to index
      %swap3A_501 = arith.constant 0 : index
      %swap3A_502 = vector.load %arg9[%swap3A_499, %swap3A_500, %swap3A_501] : memref<16x256x128xf32, #tpu.memory_space<vmem>>, vector<1x1x128xf32>
      %swap3A_503 = vector.shape_cast %swap3A_502 : vector<1x1x128xf32> to vector<1x128xf32>
      %swap3A_504 = vector.shape_cast %get3A_498 : vector<1x128xf32> to vector<1x1x128xf32>
      tpu.vector_store %arg9[%swap3A_499, %swap3A_500, %swap3A_501], %swap3A_504 {strides = array<i32>} : memref<16x256x128xf32, #tpu.memory_space<vmem>>, vector<1x1x128xf32>,
      %get3A_505 = arith.constant 14 : index
      %get3A_506 = arith.constant 0 : index
      %get3A_507 = arith.constant 0 : index
      %get3A_508 = vector.load %arg9[%get3A_505, %get3A_506, %get3A_507] : memref<16x256x128xf32, #tpu.memory_space<vmem>>, vector<1x256x128xf32>
      %get3A_509 = vector.shape_cast %get3A_508 : vector<1x256x128xf32> to vector<256x128xf32>
      %slice3A_510 = vector.extract_strided_slice %transpose3A {offsets = [0, 14], sizes = [256, 1], strides = [1, 1]} : vector<256x16xf32> to vector<256x1xf32>
      %mul3A_511 = vector.broadcast %slice3A_510 : vector<256x1xf32> to vector<256x128xf32>
      %mul3A_512 = arith.mulf %get3A_509, %mul3A_511 : vector<256x128xf32>
      %reduce_sum3A_513 = arith.constant dense<0.000000e+00> : vector<128xf32>
      %reduce_sum3A_514 = vector.multi_reduction <add>, %mul3A_512, %reduce_sum3A_513 [0] : vector<256x128xf32> to vector<128xf32>
      %broadcast_in_dim3A_515 = vector.shape_cast %reduce_sum3A_514 : vector<128xf32> to vector<1x128xf32>
      %swap3A_516 = arith.index_cast %add3A_493 : i32 to index
      %swap3A_517 = arith.constant 0 : index
      %swap3A_518 = vector.load %arg8[%swap3A_516, %swap3A_517] : memref<1024x128xf32, #tpu.memory_space<vmem>>, vector<1x128xf32>
      tpu.vector_store %arg8[%swap3A_516, %swap3A_517], %broadcast_in_dim3A_515 {strides = array<i32>} : memref<1024x128xf32, #tpu.memory_space<vmem>>, vector<1x128xf32>,
      %add3A_519 = arith.constant 15 : i32
      %add3A_520 = arith.addi %mul3A_107, %add3A_519 : i32
      %get3A_521 = arith.index_cast %add3A_520 : i32 to index
      %get3A_522 = memref.load %arg0[%get3A_521] : memref<1024xi32, #tpu.memory_space<smem>>
      %get3A_523 = arith.index_cast %add3A_520 : i32 to index
      %get3A_524 = arith.constant 0 : index
      %get3A_525 = vector.load %arg1[%get3A_523, %get3A_524] : memref<1024x128xf32, #tpu.memory_space<vmem>>, vector<1x128xf32>
      %swap3A_526 = arith.constant 15 : index
      %swap3A_527 = arith.index_cast %get3A_522 : i32 to index
      %swap3A_528 = arith.constant 0 : index
      %swap3A_529 = vector.load %arg9[%swap3A_526, %swap3A_527, %swap3A_528] : memref<16x256x128xf32, #tpu.memory_space<vmem>>, vector<1x1x128xf32>
      %swap3A_530 = vector.shape_cast %swap3A_529 : vector<1x1x128xf32> to vector<1x128xf32>
      %swap3A_531 = vector.shape_cast %get3A_525 : vector<1x128xf32> to vector<1x1x128xf32>
      tpu.vector_store %arg9[%swap3A_526, %swap3A_527, %swap3A_528], %swap3A_531 {strides = array<i32>} : memref<16x256x128xf32, #tpu.memory_space<vmem>>, vector<1x1x128xf32>,
      %get3A_532 = arith.constant 15 : index
      %get3A_533 = arith.constant 0 : index
      %get3A_534 = arith.constant 0 : index
      %get3A_535 = vector.load %arg9[%get3A_532, %get3A_533, %get3A_534] : memref<16x256x128xf32, #tpu.memory_space<vmem>>, vector<1x256x128xf32>
      %get3A_536 = vector.shape_cast %get3A_535 : vector<1x256x128xf32> to vector<256x128xf32>
      %slice3A_537 = vector.extract_strided_slice %transpose3A {offsets = [0, 15], sizes = [256, 1], strides = [1, 1]} : vector<256x16xf32> to vector<256x1xf32>
      %mul3A_538 = vector.broadcast %slice3A_537 : vector<256x1xf32> to vector<256x128xf32>
      %mul3A_539 = arith.mulf %get3A_536, %mul3A_538 : vector<256x128xf32>
      %reduce_sum3A_540 = arith.constant dense<0.000000e+00> : vector<128xf32>
      %reduce_sum3A_541 = vector.multi_reduction <add>, %mul3A_539, %reduce_sum3A_540 [0] : vector<256x128xf32> to vector<128xf32>
      %broadcast_in_dim3A_542 = vector.shape_cast %reduce_sum3A_541 : vector<128xf32> to vector<1x128xf32>
      %swap3A_543 = arith.index_cast %add3A_520 : i32 to index
      %swap3A_544 = arith.constant 0 : index
      %swap3A_545 = vector.load %arg8[%swap3A_543, %swap3A_544] : memref<1024x128xf32, #tpu.memory_space<vmem>>, vector<1x128xf32>
      tpu.vector_store %arg8[%swap3A_543, %swap3A_544], %broadcast_in_dim3A_542 {strides = array<i32>} : memref<1024x128xf32, #tpu.memory_space<vmem>>, vector<1x128xf32>,
      %dma_start3A_546 = arith.constant 0 : i32
      %dma_start3A_547 = tpu.memref_slice %arg18[%dma_start3A_546] : memref<8x!tpu.dma_semaphore, #tpu.memory_space<semaphore_mem>> -> memref<1x!tpu.dma_semaphore, #tpu.memory_space<semaphore_mem>>
      %dma_start3A_548 = tpu.memref_squeeze %dma_start3A_547 : memref<1x!tpu.dma_semaphore, #tpu.memory_space<semaphore_mem>> -> memref<!tpu.dma_semaphore, #tpu.memory_space<semaphore_mem>>
      %dma_start3A_549 = arith.constant 0 : i32
      %dma_start3A_550 = arith.constant 0 : i32
      %dma_start3A_551 = tpu.memref_slice %arg6[%mul3A_107, %dma_start3A_549, %dma_start3A_550] : memref<1024x256x128xf32, #tpu.memory_space<any>> -> memref<16x256x128xf32, #tpu.memory_space<any>>
      tpu.enqueue_dma source(%arg9 : memref<16x256x128xf32, #tpu.memory_space<vmem>>) target(%dma_start3A_551 : memref<16x256x128xf32, #tpu.memory_space<any>>) target_semaphore(%dma_start3A_548 : memref<!tpu.dma_semaphore, #tpu.memory_space<semaphore_mem>>)
      %add3A_552 = arith.constant 4 : i32
      %add3A_553 = arith.addi %add3A_105, %add3A_552 : i32
      %add3A_554 = arith.constant 64 : i32
      %add3A_555 = arith.addi %mul3A_107, %add3A_554 : i32
      %lt3A = arith.constant 64 : i32
      %lt3A_556 = arith.cmpi slt, %add3A_553, %lt3A : i32
      %convert_element_type3A = arith.extui %lt3A_556 : i1 to i32
      %cond3A = arith.constant 0 : i32
      %cond3A_557 = arith.cmpi ne, %convert_element_type3A, %cond3A : i32
      scf.if %cond3A_557 {
        %ge3A = arith.constant 8 : i32
        %ge3A_3799 = arith.cmpi sge, %add3A_553, %ge3A : i32
        %convert_element_type3A_3800 = arith.extui %ge3A_3799 : i1 to i32
        %cond3A_3801 = arith.constant 0 : i32
        %cond3A_3802 = arith.cmpi ne, %convert_element_type3A_3800, %cond3A_3801 : i32
        scf.if %cond3A_3802 {
          %sub3A = arith.constant 128 : i32
          %sub3A_3809 = arith.subi %add3A_555, %sub3A : i32
          %dma_wait3A_3810 = arith.constant 4 : i32
          %dma_wait3A_3811 = tpu.memref_slice %arg18[%dma_wait3A_3810] : memref<8x!tpu.dma_semaphore, #tpu.memory_space<semaphore_mem>> -> memref<1x!tpu.dma_semaphore, #tpu.memory_space<semaphore_mem>>
          %dma_wait3A_3812 = tpu.memref_squeeze %dma_wait3A_3811 : memref<1x!tpu.dma_semaphore, #tpu.memory_space<semaphore_mem>> -> memref<!tpu.dma_semaphore, #tpu.memory_space<semaphore_mem>>
          %dma_wait3A_3813 = arith.constant 0 : i32
          %dma_wait3A_3814 = arith.constant 0 : i32
          %dma_wait3A_3815 = tpu.memref_slice %arg6[%sub3A_3809, %dma_wait3A_3813, %dma_wait3A_3814] : memref<1024x256x128xf32, #tpu.memory_space<any>> -> memref<16x256x128xf32, #tpu.memory_space<any>>
          tpu.wait_dma2 semaphore(%dma_wait3A_3812 : memref<!tpu.dma_semaphore, #tpu.memory_space<semaphore_mem>>) src(%arg13 : memref<16x256x128xf32, #tpu.memory_space<vmem>>) dst(%dma_wait3A_3815 : memref<16x256x128xf32, #tpu.memory_space<any>>)
        } else {
        }
        %dma_start3A_3803 = arith.constant 4 : i32
        %dma_start3A_3804 = tpu.memref_slice %arg17[%dma_start3A_3803] : memref<8x!tpu.dma_semaphore, #tpu.memory_space<semaphore_mem>> -> memref<1x!tpu.dma_semaphore, #tpu.memory_space<semaphore_mem>>
        %dma_start3A_3805 = tpu.memref_squeeze %dma_start3A_3804 : memref<1x!tpu.dma_semaphore, #tpu.memory_space<semaphore_mem>> -> memref<!tpu.dma_semaphore, #tpu.memory_space<semaphore_mem>>
        %dma_start3A_3806 = arith.constant 0 : i32
        %dma_start3A_3807 = arith.constant 0 : i32
        %dma_start3A_3808 = tpu.memref_slice %arg5[%add3A_555, %dma_start3A_3806, %dma_start3A_3807] : memref<1024x256x128xf32, #tpu.memory_space<any>> -> memref<16x256x128xf32, #tpu.memory_space<any>>
        tpu.enqueue_dma source(%dma_start3A_3808 : memref<16x256x128xf32, #tpu.memory_space<any>>) target(%arg13 : memref<16x256x128xf32, #tpu.memory_space<vmem>>) target_semaphore(%dma_start3A_3805 : memref<!tpu.dma_semaphore, #tpu.memory_space<semaphore_mem>>)
      } else {
      }
      %mul3A_558 = arith.constant 8 : i32
      %mul3A_559 = arith.muli %scan3A_102, %mul3A_558 : i32
      %add3A_560 = arith.constant 1 : i32
      %add3A_561 = arith.addi %mul3A_559, %add3A_560 : i32
      %mul3A_562 = arith.constant 16 : i32
      %mul3A_563 = arith.muli %add3A_561, %mul3A_562 : i32
      %dma_wait3A_564 = arith.constant 1 : i32
      %dma_wait3A_565 = tpu.memref_slice %arg17[%dma_wait3A_564] : memref<8x!tpu.dma_semaphore, #tpu.memory_space<semaphore_mem>> -> memref<1x!tpu.dma_semaphore, #tpu.memory_space<semaphore_mem>>
      %dma_wait3A_566 = tpu.memref_squeeze %dma_wait3A_565 : memref<1x!tpu.dma_semaphore, #tpu.memory_space<semaphore_mem>> -> memref<!tpu.dma_semaphore, #tpu.memory_space<semaphore_mem>>
      %dma_wait3A_567 = arith.constant 0 : i32
      %dma_wait3A_568 = arith.constant 0 : i32
      %dma_wait3A_569 = tpu.memref_slice %arg5[%mul3A_563, %dma_wait3A_567, %dma_wait3A_568] : memref<1024x256x128xf32, #tpu.memory_space<any>> -> memref<16x256x128xf32, #tpu.memory_space<any>>
      tpu.wait_dma2 semaphore(%dma_wait3A_566 : memref<!tpu.dma_semaphore, #tpu.memory_space<semaphore_mem>>) src(%dma_wait3A_569 : memref<16x256x128xf32, #tpu.memory_space<any>>) dst(%arg10 : memref<16x256x128xf32, #tpu.memory_space<vmem>>)
      %get3A_570 = arith.index_cast %mul3A_563 : i32 to index
      %get3A_571 = arith.constant 0 : index
      %get3A_572 = vector.load %arg4[%get3A_570, %get3A_571] : memref<1024x256xf32, #tpu.memory_space<vmem>>, vector<16x256xf32>
      %transpose3A_573 = tpu.transpose %get3A_572, [1, 0] : vector<16x256xf32> -> vector<256x16xf32>
      %add3A_574 = arith.constant 0 : i32
      %add3A_575 = arith.addi %mul3A_563, %add3A_574 : i32
      %get3A_576 = arith.index_cast %add3A_575 : i32 to index
      %get3A_577 = memref.load %arg0[%get3A_576] : memref<1024xi32, #tpu.memory_space<smem>>
      %get3A_578 = arith.index_cast %add3A_575 : i32 to index
      %get3A_579 = arith.constant 0 : index
      %get3A_580 = vector.load %arg1[%get3A_578, %get3A_579] : memref<1024x128xf32, #tpu.memory_space<vmem>>, vector<1x128xf32>
      %swap3A_581 = arith.constant 0 : index
      %swap3A_582 = arith.index_cast %get3A_577 : i32 to index
      %swap3A_583 = arith.constant 0 : index
      %swap3A_584 = vector.load %arg10[%swap3A_581, %swap3A_582, %swap3A_583] : memref<16x256x128xf32, #tpu.memory_space<vmem>>, vector<1x1x128xf32>
      %swap3A_585 = vector.shape_cast %swap3A_584 : vector<1x1x128xf32> to vector<1x128xf32>
      %swap3A_586 = vector.shape_cast %get3A_580 : vector<1x128xf32> to vector<1x1x128xf32>
      tpu.vector_store %arg10[%swap3A_581, %swap3A_582, %swap3A_583], %swap3A_586 {strides = array<i32>} : memref<16x256x128xf32, #tpu.memory_space<vmem>>, vector<1x1x128xf32>,
      %get3A_587 = arith.constant 0 : index
      %get3A_588 = arith.constant 0 : index
      %get3A_589 = arith.constant 0 : index
      %get3A_590 = vector.load %arg10[%get3A_587, %get3A_588, %get3A_589] : memref<16x256x128xf32, #tpu.memory_space<vmem>>, vector<1x256x128xf32>
      %get3A_591 = vector.shape_cast %get3A_590 : vector<1x256x128xf32> to vector<256x128xf32>
      %slice3A_592 = vector.extract_strided_slice %transpose3A_573 {offsets = [0, 0], sizes = [256, 1], strides = [1, 1]} : vector<256x16xf32> to vector<256x1xf32>
      %mul3A_593 = vector.broadcast %slice3A_592 : vector<256x1xf32> to vector<256x128xf32>
      %mul3A_594 = arith.mulf %get3A_591, %mul3A_593 : vector<256x128xf32>
      %reduce_sum3A_595 = arith.constant dense<0.000000e+00> : vector<128xf32>
      %reduce_sum3A_596 = vector.multi_reduction <add>, %mul3A_594, %reduce_sum3A_595 [0] : vector<256x128xf32> to vector<128xf32>
      %broadcast_in_dim3A_597 = vector.shape_cast %reduce_sum3A_596 : vector<128xf32> to vector<1x128xf32>
      %swap3A_598 = arith.index_cast %add3A_575 : i32 to index
      %swap3A_599 = arith.constant 0 : index
      %swap3A_600 = vector.load %arg8[%swap3A_598, %swap3A_599] : memref<1024x128xf32, #tpu.memory_space<vmem>>, vector<1x128xf32>
      tpu.vector_store %arg8[%swap3A_598, %swap3A_599], %broadcast_in_dim3A_597 {strides = array<i32>} : memref<1024x128xf32, #tpu.memory_space<vmem>>, vector<1x128xf32>,
      %add3A_601 = arith.constant 1 : i32
      %add3A_602 = arith.addi %mul3A_563, %add3A_601 : i32
      %get3A_603 = arith.index_cast %add3A_602 : i32 to index
      %get3A_604 = memref.load %arg0[%get3A_603] : memref<1024xi32, #tpu.memory_space<smem>>
      %get3A_605 = arith.index_cast %add3A_602 : i32 to index
      %get3A_606 = arith.constant 0 : index
      %get3A_607 = vector.load %arg1[%get3A_605, %get3A_606] : memref<1024x128xf32, #tpu.memory_space<vmem>>, vector<1x128xf32>
      %swap3A_608 = arith.constant 1 : index
      %swap3A_609 = arith.index_cast %get3A_604 : i32 to index
      %swap3A_610 = arith.constant 0 : index
      %swap3A_611 = vector.load %arg10[%swap3A_608, %swap3A_609, %swap3A_610] : memref<16x256x128xf32, #tpu.memory_space<vmem>>, vector<1x1x128xf32>
      %swap3A_612 = vector.shape_cast %swap3A_611 : vector<1x1x128xf32> to vector<1x128xf32>
      %swap3A_613 = vector.shape_cast %get3A_607 : vector<1x128xf32> to vector<1x1x128xf32>
      tpu.vector_store %arg10[%swap3A_608, %swap3A_609, %swap3A_610], %swap3A_613 {strides = array<i32>} : memref<16x256x128xf32, #tpu.memory_space<vmem>>, vector<1x1x128xf32>,
      %get3A_614 = arith.constant 1 : index
      %get3A_615 = arith.constant 0 : index
      %get3A_616 = arith.constant 0 : index
      %get3A_617 = vector.load %arg10[%get3A_614, %get3A_615, %get3A_616] : memref<16x256x128xf32, #tpu.memory_space<vmem>>, vector<1x256x128xf32>
      %get3A_618 = vector.shape_cast %get3A_617 : vector<1x256x128xf32> to vector<256x128xf32>
      %slice3A_619 = vector.extract_strided_slice %transpose3A_573 {offsets = [0, 1], sizes = [256, 1], strides = [1, 1]} : vector<256x16xf32> to vector<256x1xf32>
      %mul3A_620 = vector.broadcast %slice3A_619 : vector<256x1xf32> to vector<256x128xf32>
      %mul3A_621 = arith.mulf %get3A_618, %mul3A_620 : vector<256x128xf32>
      %reduce_sum3A_622 = arith.constant dense<0.000000e+00> : vector<128xf32>
      %reduce_sum3A_623 = vector.multi_reduction <add>, %mul3A_621, %reduce_sum3A_622 [0] : vector<256x128xf32> to vector<128xf32>
      %broadcast_in_dim3A_624 = vector.shape_cast %reduce_sum3A_623 : vector<128xf32> to vector<1x128xf32>
      %swap3A_625 = arith.index_cast %add3A_602 : i32 to index
      %swap3A_626 = arith.constant 0 : index
      %swap3A_627 = vector.load %arg8[%swap3A_625, %swap3A_626] : memref<1024x128xf32, #tpu.memory_space<vmem>>, vector<1x128xf32>
      tpu.vector_store %arg8[%swap3A_625, %swap3A_626], %broadcast_in_dim3A_624 {strides = array<i32>} : memref<1024x128xf32, #tpu.memory_space<vmem>>, vector<1x128xf32>,
      %add3A_628 = arith.constant 2 : i32
      %add3A_629 = arith.addi %mul3A_563, %add3A_628 : i32
      %get3A_630 = arith.index_cast %add3A_629 : i32 to index
      %get3A_631 = memref.load %arg0[%get3A_630] : memref<1024xi32, #tpu.memory_space<smem>>
      %get3A_632 = arith.index_cast %add3A_629 : i32 to index
      %get3A_633 = arith.constant 0 : index
      %get3A_634 = vector.load %arg1[%get3A_632, %get3A_633] : memref<1024x128xf32, #tpu.memory_space<vmem>>, vector<1x128xf32>
      %swap3A_635 = arith.constant 2 : index
      %swap3A_636 = arith.index_cast %get3A_631 : i32 to index
      %swap3A_637 = arith.constant 0 : index
      %swap3A_638 = vector.load %arg10[%swap3A_635, %swap3A_636, %swap3A_637] : memref<16x256x128xf32, #tpu.memory_space<vmem>>, vector<1x1x128xf32>
      %swap3A_639 = vector.shape_cast %swap3A_638 : vector<1x1x128xf32> to vector<1x128xf32>
      %swap3A_640 = vector.shape_cast %get3A_634 : vector<1x128xf32> to vector<1x1x128xf32>
      tpu.vector_store %arg10[%swap3A_635, %swap3A_636, %swap3A_637], %swap3A_640 {strides = array<i32>} : memref<16x256x128xf32, #tpu.memory_space<vmem>>, vector<1x1x128xf32>,
      %get3A_641 = arith.constant 2 : index
      %get3A_642 = arith.constant 0 : index
      %get3A_643 = arith.constant 0 : index
      %get3A_644 = vector.load %arg10[%get3A_641, %get3A_642, %get3A_643] : memref<16x256x128xf32, #tpu.memory_space<vmem>>, vector<1x256x128xf32>
      %get3A_645 = vector.shape_cast %get3A_644 : vector<1x256x128xf32> to vector<256x128xf32>
      %slice3A_646 = vector.extract_strided_slice %transpose3A_573 {offsets = [0, 2], sizes = [256, 1], strides = [1, 1]} : vector<256x16xf32> to vector<256x1xf32>
      %mul3A_647 = vector.broadcast %slice3A_646 : vector<256x1xf32> to vector<256x128xf32>
      %mul3A_648 = arith.mulf %get3A_645, %mul3A_647 : vector<256x128xf32>
      %reduce_sum3A_649 = arith.constant dense<0.000000e+00> : vector<128xf32>
      %reduce_sum3A_650 = vector.multi_reduction <add>, %mul3A_648, %reduce_sum3A_649 [0] : vector<256x128xf32> to vector<128xf32>
      %broadcast_in_dim3A_651 = vector.shape_cast %reduce_sum3A_650 : vector<128xf32> to vector<1x128xf32>
      %swap3A_652 = arith.index_cast %add3A_629 : i32 to index
      %swap3A_653 = arith.constant 0 : index
      %swap3A_654 = vector.load %arg8[%swap3A_652, %swap3A_653] : memref<1024x128xf32, #tpu.memory_space<vmem>>, vector<1x128xf32>
      tpu.vector_store %arg8[%swap3A_652, %swap3A_653], %broadcast_in_dim3A_651 {strides = array<i32>} : memref<1024x128xf32, #tpu.memory_space<vmem>>, vector<1x128xf32>,
      %add3A_655 = arith.constant 3 : i32
      %add3A_656 = arith.addi %mul3A_563, %add3A_655 : i32
      %get3A_657 = arith.index_cast %add3A_656 : i32 to index
      %get3A_658 = memref.load %arg0[%get3A_657] : memref<1024xi32, #tpu.memory_space<smem>>
      %get3A_659 = arith.index_cast %add3A_656 : i32 to index
      %get3A_660 = arith.constant 0 : index
      %get3A_661 = vector.load %arg1[%get3A_659, %get3A_660] : memref<1024x128xf32, #tpu.memory_space<vmem>>, vector<1x128xf32>
      %swap3A_662 = arith.constant 3 : index
      %swap3A_663 = arith.index_cast %get3A_658 : i32 to index
      %swap3A_664 = arith.constant 0 : index
      %swap3A_665 = vector.load %arg10[%swap3A_662, %swap3A_663, %swap3A_664] : memref<16x256x128xf32, #tpu.memory_space<vmem>>, vector<1x1x128xf32>
      %swap3A_666 = vector.shape_cast %swap3A_665 : vector<1x1x128xf32> to vector<1x128xf32>
      %swap3A_667 = vector.shape_cast %get3A_661 : vector<1x128xf32> to vector<1x1x128xf32>
      tpu.vector_store %arg10[%swap3A_662, %swap3A_663, %swap3A_664], %swap3A_667 {strides = array<i32>} : memref<16x256x128xf32, #tpu.memory_space<vmem>>, vector<1x1x128xf32>,
      %get3A_668 = arith.constant 3 : index
      %get3A_669 = arith.constant 0 : index
      %get3A_670 = arith.constant 0 : index
      %get3A_671 = vector.load %arg10[%get3A_668, %get3A_669, %get3A_670] : memref<16x256x128xf32, #tpu.memory_space<vmem>>, vector<1x256x128xf32>
      %get3A_672 = vector.shape_cast %get3A_671 : vector<1x256x128xf32> to vector<256x128xf32>
      %slice3A_673 = vector.extract_strided_slice %transpose3A_573 {offsets = [0, 3], sizes = [256, 1], strides = [1, 1]} : vector<256x16xf32> to vector<256x1xf32>
      %mul3A_674 = vector.broadcast %slice3A_673 : vector<256x1xf32> to vector<256x128xf32>
      %mul3A_675 = arith.mulf %get3A_672, %mul3A_674 : vector<256x128xf32>
      %reduce_sum3A_676 = arith.constant dense<0.000000e+00> : vector<128xf32>
      %reduce_sum3A_677 = vector.multi_reduction <add>, %mul3A_675, %reduce_sum3A_676 [0] : vector<256x128xf32> to vector<128xf32>
      %broadcast_in_dim3A_678 = vector.shape_cast %reduce_sum3A_677 : vector<128xf32> to vector<1x128xf32>
      %swap3A_679 = arith.index_cast %add3A_656 : i32 to index
      %swap3A_680 = arith.constant 0 : index
      %swap3A_681 = vector.load %arg8[%swap3A_679, %swap3A_680] : memref<1024x128xf32, #tpu.memory_space<vmem>>, vector<1x128xf32>
      tpu.vector_store %arg8[%swap3A_679, %swap3A_680], %broadcast_in_dim3A_678 {strides = array<i32>} : memref<1024x128xf32, #tpu.memory_space<vmem>>, vector<1x128xf32>,
      %add3A_682 = arith.constant 4 : i32
      %add3A_683 = arith.addi %mul3A_563, %add3A_682 : i32
      %get3A_684 = arith.index_cast %add3A_683 : i32 to index
      %get3A_685 = memref.load %arg0[%get3A_684] : memref<1024xi32, #tpu.memory_space<smem>>
      %get3A_686 = arith.index_cast %add3A_683 : i32 to index
      %get3A_687 = arith.constant 0 : index
      %get3A_688 = vector.load %arg1[%get3A_686, %get3A_687] : memref<1024x128xf32, #tpu.memory_space<vmem>>, vector<1x128xf32>
      %swap3A_689 = arith.constant 4 : index
      %swap3A_690 = arith.index_cast %get3A_685 : i32 to index
      %swap3A_691 = arith.constant 0 : index
      %swap3A_692 = vector.load %arg10[%swap3A_689, %swap3A_690, %swap3A_691] : memref<16x256x128xf32, #tpu.memory_space<vmem>>, vector<1x1x128xf32>
      %swap3A_693 = vector.shape_cast %swap3A_692 : vector<1x1x128xf32> to vector<1x128xf32>
      %swap3A_694 = vector.shape_cast %get3A_688 : vector<1x128xf32> to vector<1x1x128xf32>
      tpu.vector_store %arg10[%swap3A_689, %swap3A_690, %swap3A_691], %swap3A_694 {strides = array<i32>} : memref<16x256x128xf32, #tpu.memory_space<vmem>>, vector<1x1x128xf32>,
      %get3A_695 = arith.constant 4 : index
      %get3A_696 = arith.constant 0 : index
      %get3A_697 = arith.constant 0 : index
      %get3A_698 = vector.load %arg10[%get3A_695, %get3A_696, %get3A_697] : memref<16x256x128xf32, #tpu.memory_space<vmem>>, vector<1x256x128xf32>
      %get3A_699 = vector.shape_cast %get3A_698 : vector<1x256x128xf32> to vector<256x128xf32>
      %slice3A_700 = vector.extract_strided_slice %transpose3A_573 {offsets = [0, 4], sizes = [256, 1], strides = [1, 1]} : vector<256x16xf32> to vector<256x1xf32>
      %mul3A_701 = vector.broadcast %slice3A_700 : vector<256x1xf32> to vector<256x128xf32>
      %mul3A_702 = arith.mulf %get3A_699, %mul3A_701 : vector<256x128xf32>
      %reduce_sum3A_703 = arith.constant dense<0.000000e+00> : vector<128xf32>
      %reduce_sum3A_704 = vector.multi_reduction <add>, %mul3A_702, %reduce_sum3A_703 [0] : vector<256x128xf32> to vector<128xf32>
      %broadcast_in_dim3A_705 = vector.shape_cast %reduce_sum3A_704 : vector<128xf32> to vector<1x128xf32>
      %swap3A_706 = arith.index_cast %add3A_683 : i32 to index
      %swap3A_707 = arith.constant 0 : index
      %swap3A_708 = vector.load %arg8[%swap3A_706, %swap3A_707] : memref<1024x128xf32, #tpu.memory_space<vmem>>, vector<1x128xf32>
      tpu.vector_store %arg8[%swap3A_706, %swap3A_707], %broadcast_in_dim3A_705 {strides = array<i32>} : memref<1024x128xf32, #tpu.memory_space<vmem>>, vector<1x128xf32>,
      %add3A_709 = arith.constant 5 : i32
      %add3A_710 = arith.addi %mul3A_563, %add3A_709 : i32
      %get3A_711 = arith.index_cast %add3A_710 : i32 to index
      %get3A_712 = memref.load %arg0[%get3A_711] : memref<1024xi32, #tpu.memory_space<smem>>
      %get3A_713 = arith.index_cast %add3A_710 : i32 to index
      %get3A_714 = arith.constant 0 : index
      %get3A_715 = vector.load %arg1[%get3A_713, %get3A_714] : memref<1024x128xf32, #tpu.memory_space<vmem>>, vector<1x128xf32>
      %swap3A_716 = arith.constant 5 : index
      %swap3A_717 = arith.index_cast %get3A_712 : i32 to index
      %swap3A_718 = arith.constant 0 : index
      %swap3A_719 = vector.load %arg10[%swap3A_716, %swap3A_717, %swap3A_718] : memref<16x256x128xf32, #tpu.memory_space<vmem>>, vector<1x1x128xf32>
      %swap3A_720 = vector.shape_cast %swap3A_719 : vector<1x1x128xf32> to vector<1x128xf32>
      %swap3A_721 = vector.shape_cast %get3A_715 : vector<1x128xf32> to vector<1x1x128xf32>
      tpu.vector_store %arg10[%swap3A_716, %swap3A_717, %swap3A_718], %swap3A_721 {strides = array<i32>} : memref<16x256x128xf32, #tpu.memory_space<vmem>>, vector<1x1x128xf32>,
      %get3A_722 = arith.constant 5 : index
      %get3A_723 = arith.constant 0 : index
      %get3A_724 = arith.constant 0 : index
      %get3A_725 = vector.load %arg10[%get3A_722, %get3A_723, %get3A_724] : memref<16x256x128xf32, #tpu.memory_space<vmem>>, vector<1x256x128xf32>
      %get3A_726 = vector.shape_cast %get3A_725 : vector<1x256x128xf32> to vector<256x128xf32>
      %slice3A_727 = vector.extract_strided_slice %transpose3A_573 {offsets = [0, 5], sizes = [256, 1], strides = [1, 1]} : vector<256x16xf32> to vector<256x1xf32>
      %mul3A_728 = vector.broadcast %slice3A_727 : vector<256x1xf32> to vector<256x128xf32>
      %mul3A_729 = arith.mulf %get3A_726, %mul3A_728 : vector<256x128xf32>
      %reduce_sum3A_730 = arith.constant dense<0.000000e+00> : vector<128xf32>
      %reduce_sum3A_731 = vector.multi_reduction <add>, %mul3A_729, %reduce_sum3A_730 [0] : vector<256x128xf32> to vector<128xf32>
      %broadcast_in_dim3A_732 = vector.shape_cast %reduce_sum3A_731 : vector<128xf32> to vector<1x128xf32>
      %swap3A_733 = arith.index_cast %add3A_710 : i32 to index
      %swap3A_734 = arith.constant 0 : index
      %swap3A_735 = vector.load %arg8[%swap3A_733, %swap3A_734] : memref<1024x128xf32, #tpu.memory_space<vmem>>, vector<1x128xf32>
      tpu.vector_store %arg8[%swap3A_733, %swap3A_734], %broadcast_in_dim3A_732 {strides = array<i32>} : memref<1024x128xf32, #tpu.memory_space<vmem>>, vector<1x128xf32>,
      %add3A_736 = arith.constant 6 : i32
      %add3A_737 = arith.addi %mul3A_563, %add3A_736 : i32
      %get3A_738 = arith.index_cast %add3A_737 : i32 to index
      %get3A_739 = memref.load %arg0[%get3A_738] : memref<1024xi32, #tpu.memory_space<smem>>
      %get3A_740 = arith.index_cast %add3A_737 : i32 to index
      %get3A_741 = arith.constant 0 : index
      %get3A_742 = vector.load %arg1[%get3A_740, %get3A_741] : memref<1024x128xf32, #tpu.memory_space<vmem>>, vector<1x128xf32>
      %swap3A_743 = arith.constant 6 : index
      %swap3A_744 = arith.index_cast %get3A_739 : i32 to index
      %swap3A_745 = arith.constant 0 : index
      %swap3A_746 = vector.load %arg10[%swap3A_743, %swap3A_744, %swap3A_745] : memref<16x256x128xf32, #tpu.memory_space<vmem>>, vector<1x1x128xf32>
      %swap3A_747 = vector.shape_cast %swap3A_746 : vector<1x1x128xf32> to vector<1x128xf32>
      %swap3A_748 = vector.shape_cast %get3A_742 : vector<1x128xf32> to vector<1x1x128xf32>
      tpu.vector_store %arg10[%swap3A_743, %swap3A_744, %swap3A_745], %swap3A_748 {strides = array<i32>} : memref<16x256x128xf32, #tpu.memory_space<vmem>>, vector<1x1x128xf32>,
      %get3A_749 = arith.constant 6 : index
      %get3A_750 = arith.constant 0 : index
      %get3A_751 = arith.constant 0 : index
      %get3A_752 = vector.load %arg10[%get3A_749, %get3A_750, %get3A_751] : memref<16x256x128xf32, #tpu.memory_space<vmem>>, vector<1x256x128xf32>
      %get3A_753 = vector.shape_cast %get3A_752 : vector<1x256x128xf32> to vector<256x128xf32>
      %slice3A_754 = vector.extract_strided_slice %transpose3A_573 {offsets = [0, 6], sizes = [256, 1], strides = [1, 1]} : vector<256x16xf32> to vector<256x1xf32>
      %mul3A_755 = vector.broadcast %slice3A_754 : vector<256x1xf32> to vector<256x128xf32>
      %mul3A_756 = arith.mulf %get3A_753, %mul3A_755 : vector<256x128xf32>
      %reduce_sum3A_757 = arith.constant dense<0.000000e+00> : vector<128xf32>
      %reduce_sum3A_758 = vector.multi_reduction <add>, %mul3A_756, %reduce_sum3A_757 [0] : vector<256x128xf32> to vector<128xf32>
      %broadcast_in_dim3A_759 = vector.shape_cast %reduce_sum3A_758 : vector<128xf32> to vector<1x128xf32>
      %swap3A_760 = arith.index_cast %add3A_737 : i32 to index
      %swap3A_761 = arith.constant 0 : index
      %swap3A_762 = vector.load %arg8[%swap3A_760, %swap3A_761] : memref<1024x128xf32, #tpu.memory_space<vmem>>, vector<1x128xf32>
      tpu.vector_store %arg8[%swap3A_760, %swap3A_761], %broadcast_in_dim3A_759 {strides = array<i32>} : memref<1024x128xf32, #tpu.memory_space<vmem>>, vector<1x128xf32>,
      %add3A_763 = arith.constant 7 : i32
      %add3A_764 = arith.addi %mul3A_563, %add3A_763 : i32
      %get3A_765 = arith.index_cast %add3A_764 : i32 to index
      %get3A_766 = memref.load %arg0[%get3A_765] : memref<1024xi32, #tpu.memory_space<smem>>
      %get3A_767 = arith.index_cast %add3A_764 : i32 to index
      %get3A_768 = arith.constant 0 : index
      %get3A_769 = vector.load %arg1[%get3A_767, %get3A_768] : memref<1024x128xf32, #tpu.memory_space<vmem>>, vector<1x128xf32>
      %swap3A_770 = arith.constant 7 : index
      %swap3A_771 = arith.index_cast %get3A_766 : i32 to index
      %swap3A_772 = arith.constant 0 : index
      %swap3A_773 = vector.load %arg10[%swap3A_770, %swap3A_771, %swap3A_772] : memref<16x256x128xf32, #tpu.memory_space<vmem>>, vector<1x1x128xf32>
      %swap3A_774 = vector.shape_cast %swap3A_773 : vector<1x1x128xf32> to vector<1x128xf32>
      %swap3A_775 = vector.shape_cast %get3A_769 : vector<1x128xf32> to vector<1x1x128xf32>
      tpu.vector_store %arg10[%swap3A_770, %swap3A_771, %swap3A_772], %swap3A_775 {strides = array<i32>} : memref<16x256x128xf32, #tpu.memory_space<vmem>>, vector<1x1x128xf32>,
      %get3A_776 = arith.constant 7 : index
      %get3A_777 = arith.constant 0 : index
      %get3A_778 = arith.constant 0 : index
      %get3A_779 = vector.load %arg10[%get3A_776, %get3A_777, %get3A_778] : memref<16x256x128xf32, #tpu.memory_space<vmem>>, vector<1x256x128xf32>
      %get3A_780 = vector.shape_cast %get3A_779 : vector<1x256x128xf32> to vector<256x128xf32>
      %slice3A_781 = vector.extract_strided_slice %transpose3A_573 {offsets = [0, 7], sizes = [256, 1], strides = [1, 1]} : vector<256x16xf32> to vector<256x1xf32>
      %mul3A_782 = vector.broadcast %slice3A_781 : vector<256x1xf32> to vector<256x128xf32>
      %mul3A_783 = arith.mulf %get3A_780, %mul3A_782 : vector<256x128xf32>
      %reduce_sum3A_784 = arith.constant dense<0.000000e+00> : vector<128xf32>
      %reduce_sum3A_785 = vector.multi_reduction <add>, %mul3A_783, %reduce_sum3A_784 [0] : vector<256x128xf32> to vector<128xf32>
      %broadcast_in_dim3A_786 = vector.shape_cast %reduce_sum3A_785 : vector<128xf32> to vector<1x128xf32>
      %swap3A_787 = arith.index_cast %add3A_764 : i32 to index
      %swap3A_788 = arith.constant 0 : index
      %swap3A_789 = vector.load %arg8[%swap3A_787, %swap3A_788] : memref<1024x128xf32, #tpu.memory_space<vmem>>, vector<1x128xf32>
      tpu.vector_store %arg8[%swap3A_787, %swap3A_788], %broadcast_in_dim3A_786 {strides = array<i32>} : memref<1024x128xf32, #tpu.memory_space<vmem>>, vector<1x128xf32>,
      %add3A_790 = arith.constant 8 : i32
      %add3A_791 = arith.addi %mul3A_563, %add3A_790 : i32
      %get3A_792 = arith.index_cast %add3A_791 : i32 to index
      %get3A_793 = memref.load %arg0[%get3A_792] : memref<1024xi32, #tpu.memory_space<smem>>
      %get3A_794 = arith.index_cast %add3A_791 : i32 to index
      %get3A_795 = arith.constant 0 : index
      %get3A_796 = vector.load %arg1[%get3A_794, %get3A_795] : memref<1024x128xf32, #tpu.memory_space<vmem>>, vector<1x128xf32>
      %swap3A_797 = arith.constant 8 : index
      %swap3A_798 = arith.index_cast %get3A_793 : i32 to index
      %swap3A_799 = arith.constant 0 : index
      %swap3A_800 = vector.load %arg10[%swap3A_797, %swap3A_798, %swap3A_799] : memref<16x256x128xf32, #tpu.memory_space<vmem>>, vector<1x1x128xf32>
      %swap3A_801 = vector.shape_cast %swap3A_800 : vector<1x1x128xf32> to vector<1x128xf32>
      %swap3A_802 = vector.shape_cast %get3A_796 : vector<1x128xf32> to vector<1x1x128xf32>
      tpu.vector_store %arg10[%swap3A_797, %swap3A_798, %swap3A_799], %swap3A_802 {strides = array<i32>} : memref<16x256x128xf32, #tpu.memory_space<vmem>>, vector<1x1x128xf32>,
      %get3A_803 = arith.constant 8 : index
      %get3A_804 = arith.constant 0 : index
      %get3A_805 = arith.constant 0 : index
      %get3A_806 = vector.load %arg10[%get3A_803, %get3A_804, %get3A_805] : memref<16x256x128xf32, #tpu.memory_space<vmem>>, vector<1x256x128xf32>
      %get3A_807 = vector.shape_cast %get3A_806 : vector<1x256x128xf32> to vector<256x128xf32>
      %slice3A_808 = vector.extract_strided_slice %transpose3A_573 {offsets = [0, 8], sizes = [256, 1], strides = [1, 1]} : vector<256x16xf32> to vector<256x1xf32>
      %mul3A_809 = vector.broadcast %slice3A_808 : vector<256x1xf32> to vector<256x128xf32>
      %mul3A_810 = arith.mulf %get3A_807, %mul3A_809 : vector<256x128xf32>
      %reduce_sum3A_811 = arith.constant dense<0.000000e+00> : vector<128xf32>
      %reduce_sum3A_812 = vector.multi_reduction <add>, %mul3A_810, %reduce_sum3A_811 [0] : vector<256x128xf32> to vector<128xf32>
      %broadcast_in_dim3A_813 = vector.shape_cast %reduce_sum3A_812 : vector<128xf32> to vector<1x128xf32>
      %swap3A_814 = arith.index_cast %add3A_791 : i32 to index
      %swap3A_815 = arith.constant 0 : index
      %swap3A_816 = vector.load %arg8[%swap3A_814, %swap3A_815] : memref<1024x128xf32, #tpu.memory_space<vmem>>, vector<1x128xf32>
      tpu.vector_store %arg8[%swap3A_814, %swap3A_815], %broadcast_in_dim3A_813 {strides = array<i32>} : memref<1024x128xf32, #tpu.memory_space<vmem>>, vector<1x128xf32>,
      %add3A_817 = arith.constant 9 : i32
      %add3A_818 = arith.addi %mul3A_563, %add3A_817 : i32
      %get3A_819 = arith.index_cast %add3A_818 : i32 to index
      %get3A_820 = memref.load %arg0[%get3A_819] : memref<1024xi32, #tpu.memory_space<smem>>
      %get3A_821 = arith.index_cast %add3A_818 : i32 to index
      %get3A_822 = arith.constant 0 : index
      %get3A_823 = vector.load %arg1[%get3A_821, %get3A_822] : memref<1024x128xf32, #tpu.memory_space<vmem>>, vector<1x128xf32>
      %swap3A_824 = arith.constant 9 : index
      %swap3A_825 = arith.index_cast %get3A_820 : i32 to index
      %swap3A_826 = arith.constant 0 : index
      %swap3A_827 = vector.load %arg10[%swap3A_824, %swap3A_825, %swap3A_826] : memref<16x256x128xf32, #tpu.memory_space<vmem>>, vector<1x1x128xf32>
      %swap3A_828 = vector.shape_cast %swap3A_827 : vector<1x1x128xf32> to vector<1x128xf32>
      %swap3A_829 = vector.shape_cast %get3A_823 : vector<1x128xf32> to vector<1x1x128xf32>
      tpu.vector_store %arg10[%swap3A_824, %swap3A_825, %swap3A_826], %swap3A_829 {strides = array<i32>} : memref<16x256x128xf32, #tpu.memory_space<vmem>>, vector<1x1x128xf32>,
      %get3A_830 = arith.constant 9 : index
      %get3A_831 = arith.constant 0 : index
      %get3A_832 = arith.constant 0 : index
      %get3A_833 = vector.load %arg10[%get3A_830, %get3A_831, %get3A_832] : memref<16x256x128xf32, #tpu.memory_space<vmem>>, vector<1x256x128xf32>
      %get3A_834 = vector.shape_cast %get3A_833 : vector<1x256x128xf32> to vector<256x128xf32>
      %slice3A_835 = vector.extract_strided_slice %transpose3A_573 {offsets = [0, 9], sizes = [256, 1], strides = [1, 1]} : vector<256x16xf32> to vector<256x1xf32>
      %mul3A_836 = vector.broadcast %slice3A_835 : vector<256x1xf32> to vector<256x128xf32>
      %mul3A_837 = arith.mulf %get3A_834, %mul3A_836 : vector<256x128xf32>
      %reduce_sum3A_838 = arith.constant dense<0.000000e+00> : vector<128xf32>
      %reduce_sum3A_839 = vector.multi_reduction <add>, %mul3A_837, %reduce_sum3A_838 [0] : vector<256x128xf32> to vector<128xf32>
      %broadcast_in_dim3A_840 = vector.shape_cast %reduce_sum3A_839 : vector<128xf32> to vector<1x128xf32>
      %swap3A_841 = arith.index_cast %add3A_818 : i32 to index
      %swap3A_842 = arith.constant 0 : index
      %swap3A_843 = vector.load %arg8[%swap3A_841, %swap3A_842] : memref<1024x128xf32, #tpu.memory_space<vmem>>, vector<1x128xf32>
      tpu.vector_store %arg8[%swap3A_841, %swap3A_842], %broadcast_in_dim3A_840 {strides = array<i32>} : memref<1024x128xf32, #tpu.memory_space<vmem>>, vector<1x128xf32>,
      %add3A_844 = arith.constant 10 : i32
      %add3A_845 = arith.addi %mul3A_563, %add3A_844 : i32
      %get3A_846 = arith.index_cast %add3A_845 : i32 to index
      %get3A_847 = memref.load %arg0[%get3A_846] : memref<1024xi32, #tpu.memory_space<smem>>
      %get3A_848 = arith.index_cast %add3A_845 : i32 to index
      %get3A_849 = arith.constant 0 : index
      %get3A_850 = vector.load %arg1[%get3A_848, %get3A_849] : memref<1024x128xf32, #tpu.memory_space<vmem>>, vector<1x128xf32>
      %swap3A_851 = arith.constant 10 : index
      %swap3A_852 = arith.index_cast %get3A_847 : i32 to index
      %swap3A_853 = arith.constant 0 : index
      %swap3A_854 = vector.load %arg10[%swap3A_851, %swap3A_852, %swap3A_853] : memref<16x256x128xf32, #tpu.memory_space<vmem>>, vector<1x1x128xf32>
      %swap3A_855 = vector.shape_cast %swap3A_854 : vector<1x1x128xf32> to vector<1x128xf32>
      %swap3A_856 = vector.shape_cast %get3A_850 : vector<1x128xf32> to vector<1x1x128xf32>
      tpu.vector_store %arg10[%swap3A_851, %swap3A_852, %swap3A_853], %swap3A_856 {strides = array<i32>} : memref<16x256x128xf32, #tpu.memory_space<vmem>>, vector<1x1x128xf32>,
      %get3A_857 = arith.constant 10 : index
      %get3A_858 = arith.constant 0 : index
      %get3A_859 = arith.constant 0 : index
      %get3A_860 = vector.load %arg10[%get3A_857, %get3A_858, %get3A_859] : memref<16x256x128xf32, #tpu.memory_space<vmem>>, vector<1x256x128xf32>
      %get3A_861 = vector.shape_cast %get3A_860 : vector<1x256x128xf32> to vector<256x128xf32>
      %slice3A_862 = vector.extract_strided_slice %transpose3A_573 {offsets = [0, 10], sizes = [256, 1], strides = [1, 1]} : vector<256x16xf32> to vector<256x1xf32>
      %mul3A_863 = vector.broadcast %slice3A_862 : vector<256x1xf32> to vector<256x128xf32>
      %mul3A_864 = arith.mulf %get3A_861, %mul3A_863 : vector<256x128xf32>
      %reduce_sum3A_865 = arith.constant dense<0.000000e+00> : vector<128xf32>
      %reduce_sum3A_866 = vector.multi_reduction <add>, %mul3A_864, %reduce_sum3A_865 [0] : vector<256x128xf32> to vector<128xf32>
      %broadcast_in_dim3A_867 = vector.shape_cast %reduce_sum3A_866 : vector<128xf32> to vector<1x128xf32>
      %swap3A_868 = arith.index_cast %add3A_845 : i32 to index
      %swap3A_869 = arith.constant 0 : index
      %swap3A_870 = vector.load %arg8[%swap3A_868, %swap3A_869] : memref<1024x128xf32, #tpu.memory_space<vmem>>, vector<1x128xf32>
      tpu.vector_store %arg8[%swap3A_868, %swap3A_869], %broadcast_in_dim3A_867 {strides = array<i32>} : memref<1024x128xf32, #tpu.memory_space<vmem>>, vector<1x128xf32>,
      %add3A_871 = arith.constant 11 : i32
      %add3A_872 = arith.addi %mul3A_563, %add3A_871 : i32
      %get3A_873 = arith.index_cast %add3A_872 : i32 to index
      %get3A_874 = memref.load %arg0[%get3A_873] : memref<1024xi32, #tpu.memory_space<smem>>
      %get3A_875 = arith.index_cast %add3A_872 : i32 to index
      %get3A_876 = arith.constant 0 : index
      %get3A_877 = vector.load %arg1[%get3A_875, %get3A_876] : memref<1024x128xf32, #tpu.memory_space<vmem>>, vector<1x128xf32>
      %swap3A_878 = arith.constant 11 : index
      %swap3A_879 = arith.index_cast %get3A_874 : i32 to index
      %swap3A_880 = arith.constant 0 : index
      %swap3A_881 = vector.load %arg10[%swap3A_878, %swap3A_879, %swap3A_880] : memref<16x256x128xf32, #tpu.memory_space<vmem>>, vector<1x1x128xf32>
      %swap3A_882 = vector.shape_cast %swap3A_881 : vector<1x1x128xf32> to vector<1x128xf32>
      %swap3A_883 = vector.shape_cast %get3A_877 : vector<1x128xf32> to vector<1x1x128xf32>
      tpu.vector_store %arg10[%swap3A_878, %swap3A_879, %swap3A_880], %swap3A_883 {strides = array<i32>} : memref<16x256x128xf32, #tpu.memory_space<vmem>>, vector<1x1x128xf32>,
      %get3A_884 = arith.constant 11 : index
      %get3A_885 = arith.constant 0 : index
      %get3A_886 = arith.constant 0 : index
      %get3A_887 = vector.load %arg10[%get3A_884, %get3A_885, %get3A_886] : memref<16x256x128xf32, #tpu.memory_space<vmem>>, vector<1x256x128xf32>
      %get3A_888 = vector.shape_cast %get3A_887 : vector<1x256x128xf32> to vector<256x128xf32>
      %slice3A_889 = vector.extract_strided_slice %transpose3A_573 {offsets = [0, 11], sizes = [256, 1], strides = [1, 1]} : vector<256x16xf32> to vector<256x1xf32>
      %mul3A_890 = vector.broadcast %slice3A_889 : vector<256x1xf32> to vector<256x128xf32>
      %mul3A_891 = arith.mulf %get3A_888, %mul3A_890 : vector<256x128xf32>
      %reduce_sum3A_892 = arith.constant dense<0.000000e+00> : vector<128xf32>
      %reduce_sum3A_893 = vector.multi_reduction <add>, %mul3A_891, %reduce_sum3A_892 [0] : vector<256x128xf32> to vector<128xf32>
      %broadcast_in_dim3A_894 = vector.shape_cast %reduce_sum3A_893 : vector<128xf32> to vector<1x128xf32>
      %swap3A_895 = arith.index_cast %add3A_872 : i32 to index
      %swap3A_896 = arith.constant 0 : index
      %swap3A_897 = vector.load %arg8[%swap3A_895, %swap3A_896] : memref<1024x128xf32, #tpu.memory_space<vmem>>, vector<1x128xf32>
      tpu.vector_store %arg8[%swap3A_895, %swap3A_896], %broadcast_in_dim3A_894 {strides = array<i32>} : memref<1024x128xf32, #tpu.memory_space<vmem>>, vector<1x128xf32>,
      %add3A_898 = arith.constant 12 : i32
      %add3A_899 = arith.addi %mul3A_563, %add3A_898 : i32
      %get3A_900 = arith.index_cast %add3A_899 : i32 to index
      %get3A_901 = memref.load %arg0[%get3A_900] : memref<1024xi32, #tpu.memory_space<smem>>
      %get3A_902 = arith.index_cast %add3A_899 : i32 to index
      %get3A_903 = arith.constant 0 : index
      %get3A_904 = vector.load %arg1[%get3A_902, %get3A_903] : memref<1024x128xf32, #tpu.memory_space<vmem>>, vector<1x128xf32>
      %swap3A_905 = arith.constant 12 : index
      %swap3A_906 = arith.index_cast %get3A_901 : i32 to index
      %swap3A_907 = arith.constant 0 : index
      %swap3A_908 = vector.load %arg10[%swap3A_905, %swap3A_906, %swap3A_907] : memref<16x256x128xf32, #tpu.memory_space<vmem>>, vector<1x1x128xf32>
      %swap3A_909 = vector.shape_cast %swap3A_908 : vector<1x1x128xf32> to vector<1x128xf32>
      %swap3A_910 = vector.shape_cast %get3A_904 : vector<1x128xf32> to vector<1x1x128xf32>
      tpu.vector_store %arg10[%swap3A_905, %swap3A_906, %swap3A_907], %swap3A_910 {strides = array<i32>} : memref<16x256x128xf32, #tpu.memory_space<vmem>>, vector<1x1x128xf32>,
      %get3A_911 = arith.constant 12 : index
      %get3A_912 = arith.constant 0 : index
      %get3A_913 = arith.constant 0 : index
      %get3A_914 = vector.load %arg10[%get3A_911, %get3A_912, %get3A_913] : memref<16x256x128xf32, #tpu.memory_space<vmem>>, vector<1x256x128xf32>
      %get3A_915 = vector.shape_cast %get3A_914 : vector<1x256x128xf32> to vector<256x128xf32>
      %slice3A_916 = vector.extract_strided_slice %transpose3A_573 {offsets = [0, 12], sizes = [256, 1], strides = [1, 1]} : vector<256x16xf32> to vector<256x1xf32>
      %mul3A_917 = vector.broadcast %slice3A_916 : vector<256x1xf32> to vector<256x128xf32>
      %mul3A_918 = arith.mulf %get3A_915, %mul3A_917 : vector<256x128xf32>
      %reduce_sum3A_919 = arith.constant dense<0.000000e+00> : vector<128xf32>
      %reduce_sum3A_920 = vector.multi_reduction <add>, %mul3A_918, %reduce_sum3A_919 [0] : vector<256x128xf32> to vector<128xf32>
      %broadcast_in_dim3A_921 = vector.shape_cast %reduce_sum3A_920 : vector<128xf32> to vector<1x128xf32>
      %swap3A_922 = arith.index_cast %add3A_899 : i32 to index
      %swap3A_923 = arith.constant 0 : index
      %swap3A_924 = vector.load %arg8[%swap3A_922, %swap3A_923] : memref<1024x128xf32, #tpu.memory_space<vmem>>, vector<1x128xf32>
      tpu.vector_store %arg8[%swap3A_922, %swap3A_923], %broadcast_in_dim3A_921 {strides = array<i32>} : memref<1024x128xf32, #tpu.memory_space<vmem>>, vector<1x128xf32>,
      %add3A_925 = arith.constant 13 : i32
      %add3A_926 = arith.addi %mul3A_563, %add3A_925 : i32
      %get3A_927 = arith.index_cast %add3A_926 : i32 to index
      %get3A_928 = memref.load %arg0[%get3A_927] : memref<1024xi32, #tpu.memory_space<smem>>
      %get3A_929 = arith.index_cast %add3A_926 : i32 to index
      %get3A_930 = arith.constant 0 : index
      %get3A_931 = vector.load %arg1[%get3A_929, %get3A_930] : memref<1024x128xf32, #tpu.memory_space<vmem>>, vector<1x128xf32>
      %swap3A_932 = arith.constant 13 : index
      %swap3A_933 = arith.index_cast %get3A_928 : i32 to index
      %swap3A_934 = arith.constant 0 : index
      %swap3A_935 = vector.load %arg10[%swap3A_932, %swap3A_933, %swap3A_934] : memref<16x256x128xf32, #tpu.memory_space<vmem>>, vector<1x1x128xf32>
      %swap3A_936 = vector.shape_cast %swap3A_935 : vector<1x1x128xf32> to vector<1x128xf32>
      %swap3A_937 = vector.shape_cast %get3A_931 : vector<1x128xf32> to vector<1x1x128xf32>
      tpu.vector_store %arg10[%swap3A_932, %swap3A_933, %swap3A_934], %swap3A_937 {strides = array<i32>} : memref<16x256x128xf32, #tpu.memory_space<vmem>>, vector<1x1x128xf32>,
      %get3A_938 = arith.constant 13 : index
      %get3A_939 = arith.constant 0 : index
      %get3A_940 = arith.constant 0 : index
      %get3A_941 = vector.load %arg10[%get3A_938, %get3A_939, %get3A_940] : memref<16x256x128xf32, #tpu.memory_space<vmem>>, vector<1x256x128xf32>
      %get3A_942 = vector.shape_cast %get3A_941 : vector<1x256x128xf32> to vector<256x128xf32>
      %slice3A_943 = vector.extract_strided_slice %transpose3A_573 {offsets = [0, 13], sizes = [256, 1], strides = [1, 1]} : vector<256x16xf32> to vector<256x1xf32>
      %mul3A_944 = vector.broadcast %slice3A_943 : vector<256x1xf32> to vector<256x128xf32>
      %mul3A_945 = arith.mulf %get3A_942, %mul3A_944 : vector<256x128xf32>
      %reduce_sum3A_946 = arith.constant dense<0.000000e+00> : vector<128xf32>
      %reduce_sum3A_947 = vector.multi_reduction <add>, %mul3A_945, %reduce_sum3A_946 [0] : vector<256x128xf32> to vector<128xf32>
      %broadcast_in_dim3A_948 = vector.shape_cast %reduce_sum3A_947 : vector<128xf32> to vector<1x128xf32>
      %swap3A_949 = arith.index_cast %add3A_926 : i32 to index
      %swap3A_950 = arith.constant 0 : index
      %swap3A_951 = vector.load %arg8[%swap3A_949, %swap3A_950] : memref<1024x128xf32, #tpu.memory_space<vmem>>, vector<1x128xf32>
      tpu.vector_store %arg8[%swap3A_949, %swap3A_950], %broadcast_in_dim3A_948 {strides = array<i32>} : memref<1024x128xf32, #tpu.memory_space<vmem>>, vector<1x128xf32>,
      %add3A_952 = arith.constant 14 : i32
      %add3A_953 = arith.addi %mul3A_563, %add3A_952 : i32
      %get3A_954 = arith.index_cast %add3A_953 : i32 to index
      %get3A_955 = memref.load %arg0[%get3A_954] : memref<1024xi32, #tpu.memory_space<smem>>
      %get3A_956 = arith.index_cast %add3A_953 : i32 to index
      %get3A_957 = arith.constant 0 : index
      %get3A_958 = vector.load %arg1[%get3A_956, %get3A_957] : memref<1024x128xf32, #tpu.memory_space<vmem>>, vector<1x128xf32>
      %swap3A_959 = arith.constant 14 : index
      %swap3A_960 = arith.index_cast %get3A_955 : i32 to index
      %swap3A_961 = arith.constant 0 : index
      %swap3A_962 = vector.load %arg10[%swap3A_959, %swap3A_960, %swap3A_961] : memref<16x256x128xf32, #tpu.memory_space<vmem>>, vector<1x1x128xf32>
      %swap3A_963 = vector.shape_cast %swap3A_962 : vector<1x1x128xf32> to vector<1x128xf32>
      %swap3A_964 = vector.shape_cast %get3A_958 : vector<1x128xf32> to vector<1x1x128xf32>
      tpu.vector_store %arg10[%swap3A_959, %swap3A_960, %swap3A_961], %swap3A_964 {strides = array<i32>} : memref<16x256x128xf32, #tpu.memory_space<vmem>>, vector<1x1x128xf32>,
      %get3A_965 = arith.constant 14 : index
      %get3A_966 = arith.constant 0 : index
      %get3A_967 = arith.constant 0 : index
      %get3A_968 = vector.load %arg10[%get3A_965, %get3A_966, %get3A_967] : memref<16x256x128xf32, #tpu.memory_space<vmem>>, vector<1x256x128xf32>
      %get3A_969 = vector.shape_cast %get3A_968 : vector<1x256x128xf32> to vector<256x128xf32>
      %slice3A_970 = vector.extract_strided_slice %transpose3A_573 {offsets = [0, 14], sizes = [256, 1], strides = [1, 1]} : vector<256x16xf32> to vector<256x1xf32>
      %mul3A_971 = vector.broadcast %slice3A_970 : vector<256x1xf32> to vector<256x128xf32>
      %mul3A_972 = arith.mulf %get3A_969, %mul3A_971 : vector<256x128xf32>
      %reduce_sum3A_973 = arith.constant dense<0.000000e+00> : vector<128xf32>
      %reduce_sum3A_974 = vector.multi_reduction <add>, %mul3A_972, %reduce_sum3A_973 [0] : vector<256x128xf32> to vector<128xf32>
      %broadcast_in_dim3A_975 = vector.shape_cast %reduce_sum3A_974 : vector<128xf32> to vector<1x128xf32>
      %swap3A_976 = arith.index_cast %add3A_953 : i32 to index
      %swap3A_977 = arith.constant 0 : index
      %swap3A_978 = vector.load %arg8[%swap3A_976, %swap3A_977] : memref<1024x128xf32, #tpu.memory_space<vmem>>, vector<1x128xf32>
      tpu.vector_store %arg8[%swap3A_976, %swap3A_977], %broadcast_in_dim3A_975 {strides = array<i32>} : memref<1024x128xf32, #tpu.memory_space<vmem>>, vector<1x128xf32>,
      %add3A_979 = arith.constant 15 : i32
      %add3A_980 = arith.addi %mul3A_563, %add3A_979 : i32
      %get3A_981 = arith.index_cast %add3A_980 : i32 to index
      %get3A_982 = memref.load %arg0[%get3A_981] : memref<1024xi32, #tpu.memory_space<smem>>
      %get3A_983 = arith.index_cast %add3A_980 : i32 to index
      %get3A_984 = arith.constant 0 : index
      %get3A_985 = vector.load %arg1[%get3A_983, %get3A_984] : memref<1024x128xf32, #tpu.memory_space<vmem>>, vector<1x128xf32>
      %swap3A_986 = arith.constant 15 : index
      %swap3A_987 = arith.index_cast %get3A_982 : i32 to index
      %swap3A_988 = arith.constant 0 : index
      %swap3A_989 = vector.load %arg10[%swap3A_986, %swap3A_987, %swap3A_988] : memref<16x256x128xf32, #tpu.memory_space<vmem>>, vector<1x1x128xf32>
      %swap3A_990 = vector.shape_cast %swap3A_989 : vector<1x1x128xf32> to vector<1x128xf32>
      %swap3A_991 = vector.shape_cast %get3A_985 : vector<1x128xf32> to vector<1x1x128xf32>
      tpu.vector_store %arg10[%swap3A_986, %swap3A_987, %swap3A_988], %swap3A_991 {strides = array<i32>} : memref<16x256x128xf32, #tpu.memory_space<vmem>>, vector<1x1x128xf32>,
      %get3A_992 = arith.constant 15 : index
      %get3A_993 = arith.constant 0 : index
      %get3A_994 = arith.constant 0 : index
      %get3A_995 = vector.load %arg10[%get3A_992, %get3A_993, %get3A_994] : memref<16x256x128xf32, #tpu.memory_space<vmem>>, vector<1x256x128xf32>
      %get3A_996 = vector.shape_cast %get3A_995 : vector<1x256x128xf32> to vector<256x128xf32>
      %slice3A_997 = vector.extract_strided_slice %transpose3A_573 {offsets = [0, 15], sizes = [256, 1], strides = [1, 1]} : vector<256x16xf32> to vector<256x1xf32>
      %mul3A_998 = vector.broadcast %slice3A_997 : vector<256x1xf32> to vector<256x128xf32>
      %mul3A_999 = arith.mulf %get3A_996, %mul3A_998 : vector<256x128xf32>
      %reduce_sum3A_1000 = arith.constant dense<0.000000e+00> : vector<128xf32>
      %reduce_sum3A_1001 = vector.multi_reduction <add>, %mul3A_999, %reduce_sum3A_1000 [0] : vector<256x128xf32> to vector<128xf32>
      %broadcast_in_dim3A_1002 = vector.shape_cast %reduce_sum3A_1001 : vector<128xf32> to vector<1x128xf32>
      %swap3A_1003 = arith.index_cast %add3A_980 : i32 to index
      %swap3A_1004 = arith.constant 0 : index
      %swap3A_1005 = vector.load %arg8[%swap3A_1003, %swap3A_1004] : memref<1024x128xf32, #tpu.memory_space<vmem>>, vector<1x128xf32>
      tpu.vector_store %arg8[%swap3A_1003, %swap3A_1004], %broadcast_in_dim3A_1002 {strides = array<i32>} : memref<1024x128xf32, #tpu.memory_space<vmem>>, vector<1x128xf32>,
      %dma_start3A_1006 = arith.constant 1 : i32
      %dma_start3A_1007 = tpu.memref_slice %arg18[%dma_start3A_1006] : memref<8x!tpu.dma_semaphore, #tpu.memory_space<semaphore_mem>> -> memref<1x!tpu.dma_semaphore, #tpu.memory_space<semaphore_mem>>
      %dma_start3A_1008 = tpu.memref_squeeze %dma_start3A_1007 : memref<1x!tpu.dma_semaphore, #tpu.memory_space<semaphore_mem>> -> memref<!tpu.dma_semaphore, #tpu.memory_space<semaphore_mem>>
      %dma_start3A_1009 = arith.constant 0 : i32
      %dma_start3A_1010 = arith.constant 0 : i32
      %dma_start3A_1011 = tpu.memref_slice %arg6[%mul3A_563, %dma_start3A_1009, %dma_start3A_1010] : memref<1024x256x128xf32, #tpu.memory_space<any>> -> memref<16x256x128xf32, #tpu.memory_space<any>>
      tpu.enqueue_dma source(%arg10 : memref<16x256x128xf32, #tpu.memory_space<vmem>>) target(%dma_start3A_1011 : memref<16x256x128xf32, #tpu.memory_space<any>>) target_semaphore(%dma_start3A_1008 : memref<!tpu.dma_semaphore, #tpu.memory_space<semaphore_mem>>)
      %add3A_1012 = arith.constant 4 : i32
      %add3A_1013 = arith.addi %add3A_561, %add3A_1012 : i32
      %add3A_1014 = arith.constant 64 : i32
      %add3A_1015 = arith.addi %mul3A_563, %add3A_1014 : i32
      %lt3A_1016 = arith.constant 64 : i32
      %lt3A_1017 = arith.cmpi slt, %add3A_1013, %lt3A_1016 : i32
      %convert_element_type3A_1018 = arith.extui %lt3A_1017 : i1 to i32
      %cond3A_1019 = arith.constant 0 : i32
      %cond3A_1020 = arith.cmpi ne, %convert_element_type3A_1018, %cond3A_1019 : i32
      scf.if %cond3A_1020 {
        %ge3A = arith.constant 8 : i32
        %ge3A_3799 = arith.cmpi sge, %add3A_1013, %ge3A : i32
        %convert_element_type3A_3800 = arith.extui %ge3A_3799 : i1 to i32
        %cond3A_3801 = arith.constant 0 : i32
        %cond3A_3802 = arith.cmpi ne, %convert_element_type3A_3800, %cond3A_3801 : i32
        scf.if %cond3A_3802 {
          %sub3A = arith.constant 128 : i32
          %sub3A_3809 = arith.subi %add3A_1015, %sub3A : i32
          %dma_wait3A_3810 = arith.constant 5 : i32
          %dma_wait3A_3811 = tpu.memref_slice %arg18[%dma_wait3A_3810] : memref<8x!tpu.dma_semaphore, #tpu.memory_space<semaphore_mem>> -> memref<1x!tpu.dma_semaphore, #tpu.memory_space<semaphore_mem>>
          %dma_wait3A_3812 = tpu.memref_squeeze %dma_wait3A_3811 : memref<1x!tpu.dma_semaphore, #tpu.memory_space<semaphore_mem>> -> memref<!tpu.dma_semaphore, #tpu.memory_space<semaphore_mem>>
          %dma_wait3A_3813 = arith.constant 0 : i32
          %dma_wait3A_3814 = arith.constant 0 : i32
          %dma_wait3A_3815 = tpu.memref_slice %arg6[%sub3A_3809, %dma_wait3A_3813, %dma_wait3A_3814] : memref<1024x256x128xf32, #tpu.memory_space<any>> -> memref<16x256x128xf32, #tpu.memory_space<any>>
          tpu.wait_dma2 semaphore(%dma_wait3A_3812 : memref<!tpu.dma_semaphore, #tpu.memory_space<semaphore_mem>>) src(%arg14 : memref<16x256x128xf32, #tpu.memory_space<vmem>>) dst(%dma_wait3A_3815 : memref<16x256x128xf32, #tpu.memory_space<any>>)
        } else {
        }
        %dma_start3A_3803 = arith.constant 5 : i32
        %dma_start3A_3804 = tpu.memref_slice %arg17[%dma_start3A_3803] : memref<8x!tpu.dma_semaphore, #tpu.memory_space<semaphore_mem>> -> memref<1x!tpu.dma_semaphore, #tpu.memory_space<semaphore_mem>>
        %dma_start3A_3805 = tpu.memref_squeeze %dma_start3A_3804 : memref<1x!tpu.dma_semaphore, #tpu.memory_space<semaphore_mem>> -> memref<!tpu.dma_semaphore, #tpu.memory_space<semaphore_mem>>
        %dma_start3A_3806 = arith.constant 0 : i32
        %dma_start3A_3807 = arith.constant 0 : i32
        %dma_start3A_3808 = tpu.memref_slice %arg5[%add3A_1015, %dma_start3A_3806, %dma_start3A_3807] : memref<1024x256x128xf32, #tpu.memory_space<any>> -> memref<16x256x128xf32, #tpu.memory_space<any>>
        tpu.enqueue_dma source(%dma_start3A_3808 : memref<16x256x128xf32, #tpu.memory_space<any>>) target(%arg14 : memref<16x256x128xf32, #tpu.memory_space<vmem>>) target_semaphore(%dma_start3A_3805 : memref<!tpu.dma_semaphore, #tpu.memory_space<semaphore_mem>>)
      } else {
      }
      %mul3A_1021 = arith.constant 8 : i32
      %mul3A_1022 = arith.muli %scan3A_102, %mul3A_1021 : i32
      %add3A_1023 = arith.constant 2 : i32
      %add3A_1024 = arith.addi %mul3A_1022, %add3A_1023 : i32
      %mul3A_1025 = arith.constant 16 : i32
      %mul3A_1026 = arith.muli %add3A_1024, %mul3A_1025 : i32
      %dma_wait3A_1027 = arith.constant 2 : i32
      %dma_wait3A_1028 = tpu.memref_slice %arg17[%dma_wait3A_1027] : memref<8x!tpu.dma_semaphore, #tpu.memory_space<semaphore_mem>> -> memref<1x!tpu.dma_semaphore, #tpu.memory_space<semaphore_mem>>
      %dma_wait3A_1029 = tpu.memref_squeeze %dma_wait3A_1028 : memref<1x!tpu.dma_semaphore, #tpu.memory_space<semaphore_mem>> -> memref<!tpu.dma_semaphore, #tpu.memory_space<semaphore_mem>>
      %dma_wait3A_1030 = arith.constant 0 : i32
      %dma_wait3A_1031 = arith.constant 0 : i32
      %dma_wait3A_1032 = tpu.memref_slice %arg5[%mul3A_1026, %dma_wait3A_1030, %dma_wait3A_1031] : memref<1024x256x128xf32, #tpu.memory_space<any>> -> memref<16x256x128xf32, #tpu.memory_space<any>>
      tpu.wait_dma2 semaphore(%dma_wait3A_1029 : memref<!tpu.dma_semaphore, #tpu.memory_space<semaphore_mem>>) src(%dma_wait3A_1032 : memref<16x256x128xf32, #tpu.memory_space<any>>) dst(%arg11 : memref<16x256x128xf32, #tpu.memory_space<vmem>>)
      %get3A_1033 = arith.index_cast %mul3A_1026 : i32 to index
      %get3A_1034 = arith.constant 0 : index
      %get3A_1035 = vector.load %arg4[%get3A_1033, %get3A_1034] : memref<1024x256xf32, #tpu.memory_space<vmem>>, vector<16x256xf32>
      %transpose3A_1036 = tpu.transpose %get3A_1035, [1, 0] : vector<16x256xf32> -> vector<256x16xf32>
      %add3A_1037 = arith.constant 0 : i32
      %add3A_1038 = arith.addi %mul3A_1026, %add3A_1037 : i32
      %get3A_1039 = arith.index_cast %add3A_1038 : i32 to index
      %get3A_1040 = memref.load %arg0[%get3A_1039] : memref<1024xi32, #tpu.memory_space<smem>>
      %get3A_1041 = arith.index_cast %add3A_1038 : i32 to index
      %get3A_1042 = arith.constant 0 : index
      %get3A_1043 = vector.load %arg1[%get3A_1041, %get3A_1042] : memref<1024x128xf32, #tpu.memory_space<vmem>>, vector<1x128xf32>
      %swap3A_1044 = arith.constant 0 : index
      %swap3A_1045 = arith.index_cast %get3A_1040 : i32 to index
      %swap3A_1046 = arith.constant 0 : index
      %swap3A_1047 = vector.load %arg11[%swap3A_1044, %swap3A_1045, %swap3A_1046] : memref<16x256x128xf32, #tpu.memory_space<vmem>>, vector<1x1x128xf32>
      %swap3A_1048 = vector.shape_cast %swap3A_1047 : vector<1x1x128xf32> to vector<1x128xf32>
      %swap3A_1049 = vector.shape_cast %get3A_1043 : vector<1x128xf32> to vector<1x1x128xf32>
      tpu.vector_store %arg11[%swap3A_1044, %swap3A_1045, %swap3A_1046], %swap3A_1049 {strides = array<i32>} : memref<16x256x128xf32, #tpu.memory_space<vmem>>, vector<1x1x128xf32>,
      %get3A_1050 = arith.constant 0 : index
      %get3A_1051 = arith.constant 0 : index
      %get3A_1052 = arith.constant 0 : index
      %get3A_1053 = vector.load %arg11[%get3A_1050, %get3A_1051, %get3A_1052] : memref<16x256x128xf32, #tpu.memory_space<vmem>>, vector<1x256x128xf32>
      %get3A_1054 = vector.shape_cast %get3A_1053 : vector<1x256x128xf32> to vector<256x128xf32>
      %slice3A_1055 = vector.extract_strided_slice %transpose3A_1036 {offsets = [0, 0], sizes = [256, 1], strides = [1, 1]} : vector<256x16xf32> to vector<256x1xf32>
      %mul3A_1056 = vector.broadcast %slice3A_1055 : vector<256x1xf32> to vector<256x128xf32>
      %mul3A_1057 = arith.mulf %get3A_1054, %mul3A_1056 : vector<256x128xf32>
      %reduce_sum3A_1058 = arith.constant dense<0.000000e+00> : vector<128xf32>
      %reduce_sum3A_1059 = vector.multi_reduction <add>, %mul3A_1057, %reduce_sum3A_1058 [0] : vector<256x128xf32> to vector<128xf32>
      %broadcast_in_dim3A_1060 = vector.shape_cast %reduce_sum3A_1059 : vector<128xf32> to vector<1x128xf32>
      %swap3A_1061 = arith.index_cast %add3A_1038 : i32 to index
      %swap3A_1062 = arith.constant 0 : index
      %swap3A_1063 = vector.load %arg8[%swap3A_1061, %swap3A_1062] : memref<1024x128xf32, #tpu.memory_space<vmem>>, vector<1x128xf32>
      tpu.vector_store %arg8[%swap3A_1061, %swap3A_1062], %broadcast_in_dim3A_1060 {strides = array<i32>} : memref<1024x128xf32, #tpu.memory_space<vmem>>, vector<1x128xf32>,
      %add3A_1064 = arith.constant 1 : i32
      %add3A_1065 = arith.addi %mul3A_1026, %add3A_1064 : i32
      %get3A_1066 = arith.index_cast %add3A_1065 : i32 to index
      %get3A_1067 = memref.load %arg0[%get3A_1066] : memref<1024xi32, #tpu.memory_space<smem>>
      %get3A_1068 = arith.index_cast %add3A_1065 : i32 to index
      %get3A_1069 = arith.constant 0 : index
      %get3A_1070 = vector.load %arg1[%get3A_1068, %get3A_1069] : memref<1024x128xf32, #tpu.memory_space<vmem>>, vector<1x128xf32>
      %swap3A_1071 = arith.constant 1 : index
      %swap3A_1072 = arith.index_cast %get3A_1067 : i32 to index
      %swap3A_1073 = arith.constant 0 : index
      %swap3A_1074 = vector.load %arg11[%swap3A_1071, %swap3A_1072, %swap3A_1073] : memref<16x256x128xf32, #tpu.memory_space<vmem>>, vector<1x1x128xf32>
      %swap3A_1075 = vector.shape_cast %swap3A_1074 : vector<1x1x128xf32> to vector<1x128xf32>
      %swap3A_1076 = vector.shape_cast %get3A_1070 : vector<1x128xf32> to vector<1x1x128xf32>
      tpu.vector_store %arg11[%swap3A_1071, %swap3A_1072, %swap3A_1073], %swap3A_1076 {strides = array<i32>} : memref<16x256x128xf32, #tpu.memory_space<vmem>>, vector<1x1x128xf32>,
      %get3A_1077 = arith.constant 1 : index
      %get3A_1078 = arith.constant 0 : index
      %get3A_1079 = arith.constant 0 : index
      %get3A_1080 = vector.load %arg11[%get3A_1077, %get3A_1078, %get3A_1079] : memref<16x256x128xf32, #tpu.memory_space<vmem>>, vector<1x256x128xf32>
      %get3A_1081 = vector.shape_cast %get3A_1080 : vector<1x256x128xf32> to vector<256x128xf32>
      %slice3A_1082 = vector.extract_strided_slice %transpose3A_1036 {offsets = [0, 1], sizes = [256, 1], strides = [1, 1]} : vector<256x16xf32> to vector<256x1xf32>
      %mul3A_1083 = vector.broadcast %slice3A_1082 : vector<256x1xf32> to vector<256x128xf32>
      %mul3A_1084 = arith.mulf %get3A_1081, %mul3A_1083 : vector<256x128xf32>
      %reduce_sum3A_1085 = arith.constant dense<0.000000e+00> : vector<128xf32>
      %reduce_sum3A_1086 = vector.multi_reduction <add>, %mul3A_1084, %reduce_sum3A_1085 [0] : vector<256x128xf32> to vector<128xf32>
      %broadcast_in_dim3A_1087 = vector.shape_cast %reduce_sum3A_1086 : vector<128xf32> to vector<1x128xf32>
      %swap3A_1088 = arith.index_cast %add3A_1065 : i32 to index
      %swap3A_1089 = arith.constant 0 : index
      %swap3A_1090 = vector.load %arg8[%swap3A_1088, %swap3A_1089] : memref<1024x128xf32, #tpu.memory_space<vmem>>, vector<1x128xf32>
      tpu.vector_store %arg8[%swap3A_1088, %swap3A_1089], %broadcast_in_dim3A_1087 {strides = array<i32>} : memref<1024x128xf32, #tpu.memory_space<vmem>>, vector<1x128xf32>,
      %add3A_1091 = arith.constant 2 : i32
      %add3A_1092 = arith.addi %mul3A_1026, %add3A_1091 : i32
      %get3A_1093 = arith.index_cast %add3A_1092 : i32 to index
      %get3A_1094 = memref.load %arg0[%get3A_1093] : memref<1024xi32, #tpu.memory_space<smem>>
      %get3A_1095 = arith.index_cast %add3A_1092 : i32 to index
      %get3A_1096 = arith.constant 0 : index
      %get3A_1097 = vector.load %arg1[%get3A_1095, %get3A_1096] : memref<1024x128xf32, #tpu.memory_space<vmem>>, vector<1x128xf32>
      %swap3A_1098 = arith.constant 2 : index
      %swap3A_1099 = arith.index_cast %get3A_1094 : i32 to index
      %swap3A_1100 = arith.constant 0 : index
      %swap3A_1101 = vector.load %arg11[%swap3A_1098, %swap3A_1099, %swap3A_1100] : memref<16x256x128xf32, #tpu.memory_space<vmem>>, vector<1x1x128xf32>
      %swap3A_1102 = vector.shape_cast %swap3A_1101 : vector<1x1x128xf32> to vector<1x128xf32>
      %swap3A_1103 = vector.shape_cast %get3A_1097 : vector<1x128xf32> to vector<1x1x128xf32>
      tpu.vector_store %arg11[%swap3A_1098, %swap3A_1099, %swap3A_1100], %swap3A_1103 {strides = array<i32>} : memref<16x256x128xf32, #tpu.memory_space<vmem>>, vector<1x1x128xf32>,
      %get3A_1104 = arith.constant 2 : index
      %get3A_1105 = arith.constant 0 : index
      %get3A_1106 = arith.constant 0 : index
      %get3A_1107 = vector.load %arg11[%get3A_1104, %get3A_1105, %get3A_1106] : memref<16x256x128xf32, #tpu.memory_space<vmem>>, vector<1x256x128xf32>
      %get3A_1108 = vector.shape_cast %get3A_1107 : vector<1x256x128xf32> to vector<256x128xf32>
      %slice3A_1109 = vector.extract_strided_slice %transpose3A_1036 {offsets = [0, 2], sizes = [256, 1], strides = [1, 1]} : vector<256x16xf32> to vector<256x1xf32>
      %mul3A_1110 = vector.broadcast %slice3A_1109 : vector<256x1xf32> to vector<256x128xf32>
      %mul3A_1111 = arith.mulf %get3A_1108, %mul3A_1110 : vector<256x128xf32>
      %reduce_sum3A_1112 = arith.constant dense<0.000000e+00> : vector<128xf32>
      %reduce_sum3A_1113 = vector.multi_reduction <add>, %mul3A_1111, %reduce_sum3A_1112 [0] : vector<256x128xf32> to vector<128xf32>
      %broadcast_in_dim3A_1114 = vector.shape_cast %reduce_sum3A_1113 : vector<128xf32> to vector<1x128xf32>
      %swap3A_1115 = arith.index_cast %add3A_1092 : i32 to index
      %swap3A_1116 = arith.constant 0 : index
      %swap3A_1117 = vector.load %arg8[%swap3A_1115, %swap3A_1116] : memref<1024x128xf32, #tpu.memory_space<vmem>>, vector<1x128xf32>
      tpu.vector_store %arg8[%swap3A_1115, %swap3A_1116], %broadcast_in_dim3A_1114 {strides = array<i32>} : memref<1024x128xf32, #tpu.memory_space<vmem>>, vector<1x128xf32>,
      %add3A_1118 = arith.constant 3 : i32
      %add3A_1119 = arith.addi %mul3A_1026, %add3A_1118 : i32
      %get3A_1120 = arith.index_cast %add3A_1119 : i32 to index
      %get3A_1121 = memref.load %arg0[%get3A_1120] : memref<1024xi32, #tpu.memory_space<smem>>
      %get3A_1122 = arith.index_cast %add3A_1119 : i32 to index
      %get3A_1123 = arith.constant 0 : index
      %get3A_1124 = vector.load %arg1[%get3A_1122, %get3A_1123] : memref<1024x128xf32, #tpu.memory_space<vmem>>, vector<1x128xf32>
      %swap3A_1125 = arith.constant 3 : index
      %swap3A_1126 = arith.index_cast %get3A_1121 : i32 to index
      %swap3A_1127 = arith.constant 0 : index
      %swap3A_1128 = vector.load %arg11[%swap3A_1125, %swap3A_1126, %swap3A_1127] : memref<16x256x128xf32, #tpu.memory_space<vmem>>, vector<1x1x128xf32>
      %swap3A_1129 = vector.shape_cast %swap3A_1128 : vector<1x1x128xf32> to vector<1x128xf32>
      %swap3A_1130 = vector.shape_cast %get3A_1124 : vector<1x128xf32> to vector<1x1x128xf32>
      tpu.vector_store %arg11[%swap3A_1125, %swap3A_1126, %swap3A_1127], %swap3A_1130 {strides = array<i32>} : memref<16x256x128xf32, #tpu.memory_space<vmem>>, vector<1x1x128xf32>,
      %get3A_1131 = arith.constant 3 : index
      %get3A_1132 = arith.constant 0 : index
      %get3A_1133 = arith.constant 0 : index
      %get3A_1134 = vector.load %arg11[%get3A_1131, %get3A_1132, %get3A_1133] : memref<16x256x128xf32, #tpu.memory_space<vmem>>, vector<1x256x128xf32>
      %get3A_1135 = vector.shape_cast %get3A_1134 : vector<1x256x128xf32> to vector<256x128xf32>
      %slice3A_1136 = vector.extract_strided_slice %transpose3A_1036 {offsets = [0, 3], sizes = [256, 1], strides = [1, 1]} : vector<256x16xf32> to vector<256x1xf32>
      %mul3A_1137 = vector.broadcast %slice3A_1136 : vector<256x1xf32> to vector<256x128xf32>
      %mul3A_1138 = arith.mulf %get3A_1135, %mul3A_1137 : vector<256x128xf32>
      %reduce_sum3A_1139 = arith.constant dense<0.000000e+00> : vector<128xf32>
      %reduce_sum3A_1140 = vector.multi_reduction <add>, %mul3A_1138, %reduce_sum3A_1139 [0] : vector<256x128xf32> to vector<128xf32>
      %broadcast_in_dim3A_1141 = vector.shape_cast %reduce_sum3A_1140 : vector<128xf32> to vector<1x128xf32>
      %swap3A_1142 = arith.index_cast %add3A_1119 : i32 to index
      %swap3A_1143 = arith.constant 0 : index
      %swap3A_1144 = vector.load %arg8[%swap3A_1142, %swap3A_1143] : memref<1024x128xf32, #tpu.memory_space<vmem>>, vector<1x128xf32>
      tpu.vector_store %arg8[%swap3A_1142, %swap3A_1143], %broadcast_in_dim3A_1141 {strides = array<i32>} : memref<1024x128xf32, #tpu.memory_space<vmem>>, vector<1x128xf32>,
      %add3A_1145 = arith.constant 4 : i32
      %add3A_1146 = arith.addi %mul3A_1026, %add3A_1145 : i32
      %get3A_1147 = arith.index_cast %add3A_1146 : i32 to index
      %get3A_1148 = memref.load %arg0[%get3A_1147] : memref<1024xi32, #tpu.memory_space<smem>>
      %get3A_1149 = arith.index_cast %add3A_1146 : i32 to index
      %get3A_1150 = arith.constant 0 : index
      %get3A_1151 = vector.load %arg1[%get3A_1149, %get3A_1150] : memref<1024x128xf32, #tpu.memory_space<vmem>>, vector<1x128xf32>
      %swap3A_1152 = arith.constant 4 : index
      %swap3A_1153 = arith.index_cast %get3A_1148 : i32 to index
      %swap3A_1154 = arith.constant 0 : index
      %swap3A_1155 = vector.load %arg11[%swap3A_1152, %swap3A_1153, %swap3A_1154] : memref<16x256x128xf32, #tpu.memory_space<vmem>>, vector<1x1x128xf32>
      %swap3A_1156 = vector.shape_cast %swap3A_1155 : vector<1x1x128xf32> to vector<1x128xf32>
      %swap3A_1157 = vector.shape_cast %get3A_1151 : vector<1x128xf32> to vector<1x1x128xf32>
      tpu.vector_store %arg11[%swap3A_1152, %swap3A_1153, %swap3A_1154], %swap3A_1157 {strides = array<i32>} : memref<16x256x128xf32, #tpu.memory_space<vmem>>, vector<1x1x128xf32>,
      %get3A_1158 = arith.constant 4 : index
      %get3A_1159 = arith.constant 0 : index
      %get3A_1160 = arith.constant 0 : index
      %get3A_1161 = vector.load %arg11[%get3A_1158, %get3A_1159, %get3A_1160] : memref<16x256x128xf32, #tpu.memory_space<vmem>>, vector<1x256x128xf32>
      %get3A_1162 = vector.shape_cast %get3A_1161 : vector<1x256x128xf32> to vector<256x128xf32>
      %slice3A_1163 = vector.extract_strided_slice %transpose3A_1036 {offsets = [0, 4], sizes = [256, 1], strides = [1, 1]} : vector<256x16xf32> to vector<256x1xf32>
      %mul3A_1164 = vector.broadcast %slice3A_1163 : vector<256x1xf32> to vector<256x128xf32>
      %mul3A_1165 = arith.mulf %get3A_1162, %mul3A_1164 : vector<256x128xf32>
      %reduce_sum3A_1166 = arith.constant dense<0.000000e+00> : vector<128xf32>
      %reduce_sum3A_1167 = vector.multi_reduction <add>, %mul3A_1165, %reduce_sum3A_1166 [0] : vector<256x128xf32> to vector<128xf32>
      %broadcast_in_dim3A_1168 = vector.shape_cast %reduce_sum3A_1167 : vector<128xf32> to vector<1x128xf32>
      %swap3A_1169 = arith.index_cast %add3A_1146 : i32 to index
      %swap3A_1170 = arith.constant 0 : index
      %swap3A_1171 = vector.load %arg8[%swap3A_1169, %swap3A_1170] : memref<1024x128xf32, #tpu.memory_space<vmem>>, vector<1x128xf32>
      tpu.vector_store %arg8[%swap3A_1169, %swap3A_1170], %broadcast_in_dim3A_1168 {strides = array<i32>} : memref<1024x128xf32, #tpu.memory_space<vmem>>, vector<1x128xf32>,
      %add3A_1172 = arith.constant 5 : i32
      %add3A_1173 = arith.addi %mul3A_1026, %add3A_1172 : i32
      %get3A_1174 = arith.index_cast %add3A_1173 : i32 to index
      %get3A_1175 = memref.load %arg0[%get3A_1174] : memref<1024xi32, #tpu.memory_space<smem>>
      %get3A_1176 = arith.index_cast %add3A_1173 : i32 to index
      %get3A_1177 = arith.constant 0 : index
      %get3A_1178 = vector.load %arg1[%get3A_1176, %get3A_1177] : memref<1024x128xf32, #tpu.memory_space<vmem>>, vector<1x128xf32>
      %swap3A_1179 = arith.constant 5 : index
      %swap3A_1180 = arith.index_cast %get3A_1175 : i32 to index
      %swap3A_1181 = arith.constant 0 : index
      %swap3A_1182 = vector.load %arg11[%swap3A_1179, %swap3A_1180, %swap3A_1181] : memref<16x256x128xf32, #tpu.memory_space<vmem>>, vector<1x1x128xf32>
      %swap3A_1183 = vector.shape_cast %swap3A_1182 : vector<1x1x128xf32> to vector<1x128xf32>
      %swap3A_1184 = vector.shape_cast %get3A_1178 : vector<1x128xf32> to vector<1x1x128xf32>
      tpu.vector_store %arg11[%swap3A_1179, %swap3A_1180, %swap3A_1181], %swap3A_1184 {strides = array<i32>} : memref<16x256x128xf32, #tpu.memory_space<vmem>>, vector<1x1x128xf32>,
      %get3A_1185 = arith.constant 5 : index
      %get3A_1186 = arith.constant 0 : index
      %get3A_1187 = arith.constant 0 : index
      %get3A_1188 = vector.load %arg11[%get3A_1185, %get3A_1186, %get3A_1187] : memref<16x256x128xf32, #tpu.memory_space<vmem>>, vector<1x256x128xf32>
      %get3A_1189 = vector.shape_cast %get3A_1188 : vector<1x256x128xf32> to vector<256x128xf32>
      %slice3A_1190 = vector.extract_strided_slice %transpose3A_1036 {offsets = [0, 5], sizes = [256, 1], strides = [1, 1]} : vector<256x16xf32> to vector<256x1xf32>
      %mul3A_1191 = vector.broadcast %slice3A_1190 : vector<256x1xf32> to vector<256x128xf32>
      %mul3A_1192 = arith.mulf %get3A_1189, %mul3A_1191 : vector<256x128xf32>
      %reduce_sum3A_1193 = arith.constant dense<0.000000e+00> : vector<128xf32>
      %reduce_sum3A_1194 = vector.multi_reduction <add>, %mul3A_1192, %reduce_sum3A_1193 [0] : vector<256x128xf32> to vector<128xf32>
      %broadcast_in_dim3A_1195 = vector.shape_cast %reduce_sum3A_1194 : vector<128xf32> to vector<1x128xf32>
      %swap3A_1196 = arith.index_cast %add3A_1173 : i32 to index
      %swap3A_1197 = arith.constant 0 : index
      %swap3A_1198 = vector.load %arg8[%swap3A_1196, %swap3A_1197] : memref<1024x128xf32, #tpu.memory_space<vmem>>, vector<1x128xf32>
      tpu.vector_store %arg8[%swap3A_1196, %swap3A_1197], %broadcast_in_dim3A_1195 {strides = array<i32>} : memref<1024x128xf32, #tpu.memory_space<vmem>>, vector<1x128xf32>,
      %add3A_1199 = arith.constant 6 : i32
      %add3A_1200 = arith.addi %mul3A_1026, %add3A_1199 : i32
      %get3A_1201 = arith.index_cast %add3A_1200 : i32 to index
      %get3A_1202 = memref.load %arg0[%get3A_1201] : memref<1024xi32, #tpu.memory_space<smem>>
      %get3A_1203 = arith.index_cast %add3A_1200 : i32 to index
      %get3A_1204 = arith.constant 0 : index
      %get3A_1205 = vector.load %arg1[%get3A_1203, %get3A_1204] : memref<1024x128xf32, #tpu.memory_space<vmem>>, vector<1x128xf32>
      %swap3A_1206 = arith.constant 6 : index
      %swap3A_1207 = arith.index_cast %get3A_1202 : i32 to index
      %swap3A_1208 = arith.constant 0 : index
      %swap3A_1209 = vector.load %arg11[%swap3A_1206, %swap3A_1207, %swap3A_1208] : memref<16x256x128xf32, #tpu.memory_space<vmem>>, vector<1x1x128xf32>
      %swap3A_1210 = vector.shape_cast %swap3A_1209 : vector<1x1x128xf32> to vector<1x128xf32>
      %swap3A_1211 = vector.shape_cast %get3A_1205 : vector<1x128xf32> to vector<1x1x128xf32>
      tpu.vector_store %arg11[%swap3A_1206, %swap3A_1207, %swap3A_1208], %swap3A_1211 {strides = array<i32>} : memref<16x256x128xf32, #tpu.memory_space<vmem>>, vector<1x1x128xf32>,
      %get3A_1212 = arith.constant 6 : index
      %get3A_1213 = arith.constant 0 : index
      %get3A_1214 = arith.constant 0 : index
      %get3A_1215 = vector.load %arg11[%get3A_1212, %get3A_1213, %get3A_1214] : memref<16x256x128xf32, #tpu.memory_space<vmem>>, vector<1x256x128xf32>
      %get3A_1216 = vector.shape_cast %get3A_1215 : vector<1x256x128xf32> to vector<256x128xf32>
      %slice3A_1217 = vector.extract_strided_slice %transpose3A_1036 {offsets = [0, 6], sizes = [256, 1], strides = [1, 1]} : vector<256x16xf32> to vector<256x1xf32>
      %mul3A_1218 = vector.broadcast %slice3A_1217 : vector<256x1xf32> to vector<256x128xf32>
      %mul3A_1219 = arith.mulf %get3A_1216, %mul3A_1218 : vector<256x128xf32>
      %reduce_sum3A_1220 = arith.constant dense<0.000000e+00> : vector<128xf32>
      %reduce_sum3A_1221 = vector.multi_reduction <add>, %mul3A_1219, %reduce_sum3A_1220 [0] : vector<256x128xf32> to vector<128xf32>
      %broadcast_in_dim3A_1222 = vector.shape_cast %reduce_sum3A_1221 : vector<128xf32> to vector<1x128xf32>
      %swap3A_1223 = arith.index_cast %add3A_1200 : i32 to index
      %swap3A_1224 = arith.constant 0 : index
      %swap3A_1225 = vector.load %arg8[%swap3A_1223, %swap3A_1224] : memref<1024x128xf32, #tpu.memory_space<vmem>>, vector<1x128xf32>
      tpu.vector_store %arg8[%swap3A_1223, %swap3A_1224], %broadcast_in_dim3A_1222 {strides = array<i32>} : memref<1024x128xf32, #tpu.memory_space<vmem>>, vector<1x128xf32>,
      %add3A_1226 = arith.constant 7 : i32
      %add3A_1227 = arith.addi %mul3A_1026, %add3A_1226 : i32
      %get3A_1228 = arith.index_cast %add3A_1227 : i32 to index
      %get3A_1229 = memref.load %arg0[%get3A_1228] : memref<1024xi32, #tpu.memory_space<smem>>
      %get3A_1230 = arith.index_cast %add3A_1227 : i32 to index
      %get3A_1231 = arith.constant 0 : index
      %get3A_1232 = vector.load %arg1[%get3A_1230, %get3A_1231] : memref<1024x128xf32, #tpu.memory_space<vmem>>, vector<1x128xf32>
      %swap3A_1233 = arith.constant 7 : index
      %swap3A_1234 = arith.index_cast %get3A_1229 : i32 to index
      %swap3A_1235 = arith.constant 0 : index
      %swap3A_1236 = vector.load %arg11[%swap3A_1233, %swap3A_1234, %swap3A_1235] : memref<16x256x128xf32, #tpu.memory_space<vmem>>, vector<1x1x128xf32>
      %swap3A_1237 = vector.shape_cast %swap3A_1236 : vector<1x1x128xf32> to vector<1x128xf32>
      %swap3A_1238 = vector.shape_cast %get3A_1232 : vector<1x128xf32> to vector<1x1x128xf32>
      tpu.vector_store %arg11[%swap3A_1233, %swap3A_1234, %swap3A_1235], %swap3A_1238 {strides = array<i32>} : memref<16x256x128xf32, #tpu.memory_space<vmem>>, vector<1x1x128xf32>,
      %get3A_1239 = arith.constant 7 : index
      %get3A_1240 = arith.constant 0 : index
      %get3A_1241 = arith.constant 0 : index
      %get3A_1242 = vector.load %arg11[%get3A_1239, %get3A_1240, %get3A_1241] : memref<16x256x128xf32, #tpu.memory_space<vmem>>, vector<1x256x128xf32>
      %get3A_1243 = vector.shape_cast %get3A_1242 : vector<1x256x128xf32> to vector<256x128xf32>
      %slice3A_1244 = vector.extract_strided_slice %transpose3A_1036 {offsets = [0, 7], sizes = [256, 1], strides = [1, 1]} : vector<256x16xf32> to vector<256x1xf32>
      %mul3A_1245 = vector.broadcast %slice3A_1244 : vector<256x1xf32> to vector<256x128xf32>
      %mul3A_1246 = arith.mulf %get3A_1243, %mul3A_1245 : vector<256x128xf32>
      %reduce_sum3A_1247 = arith.constant dense<0.000000e+00> : vector<128xf32>
      %reduce_sum3A_1248 = vector.multi_reduction <add>, %mul3A_1246, %reduce_sum3A_1247 [0] : vector<256x128xf32> to vector<128xf32>
      %broadcast_in_dim3A_1249 = vector.shape_cast %reduce_sum3A_1248 : vector<128xf32> to vector<1x128xf32>
      %swap3A_1250 = arith.index_cast %add3A_1227 : i32 to index
      %swap3A_1251 = arith.constant 0 : index
      %swap3A_1252 = vector.load %arg8[%swap3A_1250, %swap3A_1251] : memref<1024x128xf32, #tpu.memory_space<vmem>>, vector<1x128xf32>
      tpu.vector_store %arg8[%swap3A_1250, %swap3A_1251], %broadcast_in_dim3A_1249 {strides = array<i32>} : memref<1024x128xf32, #tpu.memory_space<vmem>>, vector<1x128xf32>,
      %add3A_1253 = arith.constant 8 : i32
      %add3A_1254 = arith.addi %mul3A_1026, %add3A_1253 : i32
      %get3A_1255 = arith.index_cast %add3A_1254 : i32 to index
      %get3A_1256 = memref.load %arg0[%get3A_1255] : memref<1024xi32, #tpu.memory_space<smem>>
      %get3A_1257 = arith.index_cast %add3A_1254 : i32 to index
      %get3A_1258 = arith.constant 0 : index
      %get3A_1259 = vector.load %arg1[%get3A_1257, %get3A_1258] : memref<1024x128xf32, #tpu.memory_space<vmem>>, vector<1x128xf32>
      %swap3A_1260 = arith.constant 8 : index
      %swap3A_1261 = arith.index_cast %get3A_1256 : i32 to index
      %swap3A_1262 = arith.constant 0 : index
      %swap3A_1263 = vector.load %arg11[%swap3A_1260, %swap3A_1261, %swap3A_1262] : memref<16x256x128xf32, #tpu.memory_space<vmem>>, vector<1x1x128xf32>
      %swap3A_1264 = vector.shape_cast %swap3A_1263 : vector<1x1x128xf32> to vector<1x128xf32>
      %swap3A_1265 = vector.shape_cast %get3A_1259 : vector<1x128xf32> to vector<1x1x128xf32>
      tpu.vector_store %arg11[%swap3A_1260, %swap3A_1261, %swap3A_1262], %swap3A_1265 {strides = array<i32>} : memref<16x256x128xf32, #tpu.memory_space<vmem>>, vector<1x1x128xf32>,
      %get3A_1266 = arith.constant 8 : index
      %get3A_1267 = arith.constant 0 : index
      %get3A_1268 = arith.constant 0 : index
      %get3A_1269 = vector.load %arg11[%get3A_1266, %get3A_1267, %get3A_1268] : memref<16x256x128xf32, #tpu.memory_space<vmem>>, vector<1x256x128xf32>
      %get3A_1270 = vector.shape_cast %get3A_1269 : vector<1x256x128xf32> to vector<256x128xf32>
      %slice3A_1271 = vector.extract_strided_slice %transpose3A_1036 {offsets = [0, 8], sizes = [256, 1], strides = [1, 1]} : vector<256x16xf32> to vector<256x1xf32>
      %mul3A_1272 = vector.broadcast %slice3A_1271 : vector<256x1xf32> to vector<256x128xf32>
      %mul3A_1273 = arith.mulf %get3A_1270, %mul3A_1272 : vector<256x128xf32>
      %reduce_sum3A_1274 = arith.constant dense<0.000000e+00> : vector<128xf32>
      %reduce_sum3A_1275 = vector.multi_reduction <add>, %mul3A_1273, %reduce_sum3A_1274 [0] : vector<256x128xf32> to vector<128xf32>
      %broadcast_in_dim3A_1276 = vector.shape_cast %reduce_sum3A_1275 : vector<128xf32> to vector<1x128xf32>
      %swap3A_1277 = arith.index_cast %add3A_1254 : i32 to index
      %swap3A_1278 = arith.constant 0 : index
      %swap3A_1279 = vector.load %arg8[%swap3A_1277, %swap3A_1278] : memref<1024x128xf32, #tpu.memory_space<vmem>>, vector<1x128xf32>
      tpu.vector_store %arg8[%swap3A_1277, %swap3A_1278], %broadcast_in_dim3A_1276 {strides = array<i32>} : memref<1024x128xf32, #tpu.memory_space<vmem>>, vector<1x128xf32>,
      %add3A_1280 = arith.constant 9 : i32
      %add3A_1281 = arith.addi %mul3A_1026, %add3A_1280 : i32
      %get3A_1282 = arith.index_cast %add3A_1281 : i32 to index
      %get3A_1283 = memref.load %arg0[%get3A_1282] : memref<1024xi32, #tpu.memory_space<smem>>
      %get3A_1284 = arith.index_cast %add3A_1281 : i32 to index
      %get3A_1285 = arith.constant 0 : index
      %get3A_1286 = vector.load %arg1[%get3A_1284, %get3A_1285] : memref<1024x128xf32, #tpu.memory_space<vmem>>, vector<1x128xf32>
      %swap3A_1287 = arith.constant 9 : index
      %swap3A_1288 = arith.index_cast %get3A_1283 : i32 to index
      %swap3A_1289 = arith.constant 0 : index
      %swap3A_1290 = vector.load %arg11[%swap3A_1287, %swap3A_1288, %swap3A_1289] : memref<16x256x128xf32, #tpu.memory_space<vmem>>, vector<1x1x128xf32>
      %swap3A_1291 = vector.shape_cast %swap3A_1290 : vector<1x1x128xf32> to vector<1x128xf32>
      %swap3A_1292 = vector.shape_cast %get3A_1286 : vector<1x128xf32> to vector<1x1x128xf32>
      tpu.vector_store %arg11[%swap3A_1287, %swap3A_1288, %swap3A_1289], %swap3A_1292 {strides = array<i32>} : memref<16x256x128xf32, #tpu.memory_space<vmem>>, vector<1x1x128xf32>,
      %get3A_1293 = arith.constant 9 : index
      %get3A_1294 = arith.constant 0 : index
      %get3A_1295 = arith.constant 0 : index
      %get3A_1296 = vector.load %arg11[%get3A_1293, %get3A_1294, %get3A_1295] : memref<16x256x128xf32, #tpu.memory_space<vmem>>, vector<1x256x128xf32>
      %get3A_1297 = vector.shape_cast %get3A_1296 : vector<1x256x128xf32> to vector<256x128xf32>
      %slice3A_1298 = vector.extract_strided_slice %transpose3A_1036 {offsets = [0, 9], sizes = [256, 1], strides = [1, 1]} : vector<256x16xf32> to vector<256x1xf32>
      %mul3A_1299 = vector.broadcast %slice3A_1298 : vector<256x1xf32> to vector<256x128xf32>
      %mul3A_1300 = arith.mulf %get3A_1297, %mul3A_1299 : vector<256x128xf32>
      %reduce_sum3A_1301 = arith.constant dense<0.000000e+00> : vector<128xf32>
      %reduce_sum3A_1302 = vector.multi_reduction <add>, %mul3A_1300, %reduce_sum3A_1301 [0] : vector<256x128xf32> to vector<128xf32>
      %broadcast_in_dim3A_1303 = vector.shape_cast %reduce_sum3A_1302 : vector<128xf32> to vector<1x128xf32>
      %swap3A_1304 = arith.index_cast %add3A_1281 : i32 to index
      %swap3A_1305 = arith.constant 0 : index
      %swap3A_1306 = vector.load %arg8[%swap3A_1304, %swap3A_1305] : memref<1024x128xf32, #tpu.memory_space<vmem>>, vector<1x128xf32>
      tpu.vector_store %arg8[%swap3A_1304, %swap3A_1305], %broadcast_in_dim3A_1303 {strides = array<i32>} : memref<1024x128xf32, #tpu.memory_space<vmem>>, vector<1x128xf32>,
      %add3A_1307 = arith.constant 10 : i32
      %add3A_1308 = arith.addi %mul3A_1026, %add3A_1307 : i32
      %get3A_1309 = arith.index_cast %add3A_1308 : i32 to index
      %get3A_1310 = memref.load %arg0[%get3A_1309] : memref<1024xi32, #tpu.memory_space<smem>>
      %get3A_1311 = arith.index_cast %add3A_1308 : i32 to index
      %get3A_1312 = arith.constant 0 : index
      %get3A_1313 = vector.load %arg1[%get3A_1311, %get3A_1312] : memref<1024x128xf32, #tpu.memory_space<vmem>>, vector<1x128xf32>
      %swap3A_1314 = arith.constant 10 : index
      %swap3A_1315 = arith.index_cast %get3A_1310 : i32 to index
      %swap3A_1316 = arith.constant 0 : index
      %swap3A_1317 = vector.load %arg11[%swap3A_1314, %swap3A_1315, %swap3A_1316] : memref<16x256x128xf32, #tpu.memory_space<vmem>>, vector<1x1x128xf32>
      %swap3A_1318 = vector.shape_cast %swap3A_1317 : vector<1x1x128xf32> to vector<1x128xf32>
      %swap3A_1319 = vector.shape_cast %get3A_1313 : vector<1x128xf32> to vector<1x1x128xf32>
      tpu.vector_store %arg11[%swap3A_1314, %swap3A_1315, %swap3A_1316], %swap3A_1319 {strides = array<i32>} : memref<16x256x128xf32, #tpu.memory_space<vmem>>, vector<1x1x128xf32>,
      %get3A_1320 = arith.constant 10 : index
      %get3A_1321 = arith.constant 0 : index
      %get3A_1322 = arith.constant 0 : index
      %get3A_1323 = vector.load %arg11[%get3A_1320, %get3A_1321, %get3A_1322] : memref<16x256x128xf32, #tpu.memory_space<vmem>>, vector<1x256x128xf32>
      %get3A_1324 = vector.shape_cast %get3A_1323 : vector<1x256x128xf32> to vector<256x128xf32>
      %slice3A_1325 = vector.extract_strided_slice %transpose3A_1036 {offsets = [0, 10], sizes = [256, 1], strides = [1, 1]} : vector<256x16xf32> to vector<256x1xf32>
      %mul3A_1326 = vector.broadcast %slice3A_1325 : vector<256x1xf32> to vector<256x128xf32>
      %mul3A_1327 = arith.mulf %get3A_1324, %mul3A_1326 : vector<256x128xf32>
      %reduce_sum3A_1328 = arith.constant dense<0.000000e+00> : vector<128xf32>
      %reduce_sum3A_1329 = vector.multi_reduction <add>, %mul3A_1327, %reduce_sum3A_1328 [0] : vector<256x128xf32> to vector<128xf32>
      %broadcast_in_dim3A_1330 = vector.shape_cast %reduce_sum3A_1329 : vector<128xf32> to vector<1x128xf32>
      %swap3A_1331 = arith.index_cast %add3A_1308 : i32 to index
      %swap3A_1332 = arith.constant 0 : index
      %swap3A_1333 = vector.load %arg8[%swap3A_1331, %swap3A_1332] : memref<1024x128xf32, #tpu.memory_space<vmem>>, vector<1x128xf32>
      tpu.vector_store %arg8[%swap3A_1331, %swap3A_1332], %broadcast_in_dim3A_1330 {strides = array<i32>} : memref<1024x128xf32, #tpu.memory_space<vmem>>, vector<1x128xf32>,
      %add3A_1334 = arith.constant 11 : i32
      %add3A_1335 = arith.addi %mul3A_1026, %add3A_1334 : i32
      %get3A_1336 = arith.index_cast %add3A_1335 : i32 to index
      %get3A_1337 = memref.load %arg0[%get3A_1336] : memref<1024xi32, #tpu.memory_space<smem>>
      %get3A_1338 = arith.index_cast %add3A_1335 : i32 to index
      %get3A_1339 = arith.constant 0 : index
      %get3A_1340 = vector.load %arg1[%get3A_1338, %get3A_1339] : memref<1024x128xf32, #tpu.memory_space<vmem>>, vector<1x128xf32>
      %swap3A_1341 = arith.constant 11 : index
      %swap3A_1342 = arith.index_cast %get3A_1337 : i32 to index
      %swap3A_1343 = arith.constant 0 : index
      %swap3A_1344 = vector.load %arg11[%swap3A_1341, %swap3A_1342, %swap3A_1343] : memref<16x256x128xf32, #tpu.memory_space<vmem>>, vector<1x1x128xf32>
      %swap3A_1345 = vector.shape_cast %swap3A_1344 : vector<1x1x128xf32> to vector<1x128xf32>
      %swap3A_1346 = vector.shape_cast %get3A_1340 : vector<1x128xf32> to vector<1x1x128xf32>
      tpu.vector_store %arg11[%swap3A_1341, %swap3A_1342, %swap3A_1343], %swap3A_1346 {strides = array<i32>} : memref<16x256x128xf32, #tpu.memory_space<vmem>>, vector<1x1x128xf32>,
      %get3A_1347 = arith.constant 11 : index
      %get3A_1348 = arith.constant 0 : index
      %get3A_1349 = arith.constant 0 : index
      %get3A_1350 = vector.load %arg11[%get3A_1347, %get3A_1348, %get3A_1349] : memref<16x256x128xf32, #tpu.memory_space<vmem>>, vector<1x256x128xf32>
      %get3A_1351 = vector.shape_cast %get3A_1350 : vector<1x256x128xf32> to vector<256x128xf32>
      %slice3A_1352 = vector.extract_strided_slice %transpose3A_1036 {offsets = [0, 11], sizes = [256, 1], strides = [1, 1]} : vector<256x16xf32> to vector<256x1xf32>
      %mul3A_1353 = vector.broadcast %slice3A_1352 : vector<256x1xf32> to vector<256x128xf32>
      %mul3A_1354 = arith.mulf %get3A_1351, %mul3A_1353 : vector<256x128xf32>
      %reduce_sum3A_1355 = arith.constant dense<0.000000e+00> : vector<128xf32>
      %reduce_sum3A_1356 = vector.multi_reduction <add>, %mul3A_1354, %reduce_sum3A_1355 [0] : vector<256x128xf32> to vector<128xf32>
      %broadcast_in_dim3A_1357 = vector.shape_cast %reduce_sum3A_1356 : vector<128xf32> to vector<1x128xf32>
      %swap3A_1358 = arith.index_cast %add3A_1335 : i32 to index
      %swap3A_1359 = arith.constant 0 : index
      %swap3A_1360 = vector.load %arg8[%swap3A_1358, %swap3A_1359] : memref<1024x128xf32, #tpu.memory_space<vmem>>, vector<1x128xf32>
      tpu.vector_store %arg8[%swap3A_1358, %swap3A_1359], %broadcast_in_dim3A_1357 {strides = array<i32>} : memref<1024x128xf32, #tpu.memory_space<vmem>>, vector<1x128xf32>,
      %add3A_1361 = arith.constant 12 : i32
      %add3A_1362 = arith.addi %mul3A_1026, %add3A_1361 : i32
      %get3A_1363 = arith.index_cast %add3A_1362 : i32 to index
      %get3A_1364 = memref.load %arg0[%get3A_1363] : memref<1024xi32, #tpu.memory_space<smem>>
      %get3A_1365 = arith.index_cast %add3A_1362 : i32 to index
      %get3A_1366 = arith.constant 0 : index
      %get3A_1367 = vector.load %arg1[%get3A_1365, %get3A_1366] : memref<1024x128xf32, #tpu.memory_space<vmem>>, vector<1x128xf32>
      %swap3A_1368 = arith.constant 12 : index
      %swap3A_1369 = arith.index_cast %get3A_1364 : i32 to index
      %swap3A_1370 = arith.constant 0 : index
      %swap3A_1371 = vector.load %arg11[%swap3A_1368, %swap3A_1369, %swap3A_1370] : memref<16x256x128xf32, #tpu.memory_space<vmem>>, vector<1x1x128xf32>
      %swap3A_1372 = vector.shape_cast %swap3A_1371 : vector<1x1x128xf32> to vector<1x128xf32>
      %swap3A_1373 = vector.shape_cast %get3A_1367 : vector<1x128xf32> to vector<1x1x128xf32>
      tpu.vector_store %arg11[%swap3A_1368, %swap3A_1369, %swap3A_1370], %swap3A_1373 {strides = array<i32>} : memref<16x256x128xf32, #tpu.memory_space<vmem>>, vector<1x1x128xf32>,
      %get3A_1374 = arith.constant 12 : index
      %get3A_1375 = arith.constant 0 : index
      %get3A_1376 = arith.constant 0 : index
      %get3A_1377 = vector.load %arg11[%get3A_1374, %get3A_1375, %get3A_1376] : memref<16x256x128xf32, #tpu.memory_space<vmem>>, vector<1x256x128xf32>
      %get3A_1378 = vector.shape_cast %get3A_1377 : vector<1x256x128xf32> to vector<256x128xf32>
      %slice3A_1379 = vector.extract_strided_slice %transpose3A_1036 {offsets = [0, 12], sizes = [256, 1], strides = [1, 1]} : vector<256x16xf32> to vector<256x1xf32>
      %mul3A_1380 = vector.broadcast %slice3A_1379 : vector<256x1xf32> to vector<256x128xf32>
      %mul3A_1381 = arith.mulf %get3A_1378, %mul3A_1380 : vector<256x128xf32>
      %reduce_sum3A_1382 = arith.constant dense<0.000000e+00> : vector<128xf32>
      %reduce_sum3A_1383 = vector.multi_reduction <add>, %mul3A_1381, %reduce_sum3A_1382 [0] : vector<256x128xf32> to vector<128xf32>
      %broadcast_in_dim3A_1384 = vector.shape_cast %reduce_sum3A_1383 : vector<128xf32> to vector<1x128xf32>
      %swap3A_1385 = arith.index_cast %add3A_1362 : i32 to index
      %swap3A_1386 = arith.constant 0 : index
      %swap3A_1387 = vector.load %arg8[%swap3A_1385, %swap3A_1386] : memref<1024x128xf32, #tpu.memory_space<vmem>>, vector<1x128xf32>
      tpu.vector_store %arg8[%swap3A_1385, %swap3A_1386], %broadcast_in_dim3A_1384 {strides = array<i32>} : memref<1024x128xf32, #tpu.memory_space<vmem>>, vector<1x128xf32>,
      %add3A_1388 = arith.constant 13 : i32
      %add3A_1389 = arith.addi %mul3A_1026, %add3A_1388 : i32
      %get3A_1390 = arith.index_cast %add3A_1389 : i32 to index
      %get3A_1391 = memref.load %arg0[%get3A_1390] : memref<1024xi32, #tpu.memory_space<smem>>
      %get3A_1392 = arith.index_cast %add3A_1389 : i32 to index
      %get3A_1393 = arith.constant 0 : index
      %get3A_1394 = vector.load %arg1[%get3A_1392, %get3A_1393] : memref<1024x128xf32, #tpu.memory_space<vmem>>, vector<1x128xf32>
      %swap3A_1395 = arith.constant 13 : index
      %swap3A_1396 = arith.index_cast %get3A_1391 : i32 to index
      %swap3A_1397 = arith.constant 0 : index
      %swap3A_1398 = vector.load %arg11[%swap3A_1395, %swap3A_1396, %swap3A_1397] : memref<16x256x128xf32, #tpu.memory_space<vmem>>, vector<1x1x128xf32>
      %swap3A_1399 = vector.shape_cast %swap3A_1398 : vector<1x1x128xf32> to vector<1x128xf32>
      %swap3A_1400 = vector.shape_cast %get3A_1394 : vector<1x128xf32> to vector<1x1x128xf32>
      tpu.vector_store %arg11[%swap3A_1395, %swap3A_1396, %swap3A_1397], %swap3A_1400 {strides = array<i32>} : memref<16x256x128xf32, #tpu.memory_space<vmem>>, vector<1x1x128xf32>,
      %get3A_1401 = arith.constant 13 : index
      %get3A_1402 = arith.constant 0 : index
      %get3A_1403 = arith.constant 0 : index
      %get3A_1404 = vector.load %arg11[%get3A_1401, %get3A_1402, %get3A_1403] : memref<16x256x128xf32, #tpu.memory_space<vmem>>, vector<1x256x128xf32>
      %get3A_1405 = vector.shape_cast %get3A_1404 : vector<1x256x128xf32> to vector<256x128xf32>
      %slice3A_1406 = vector.extract_strided_slice %transpose3A_1036 {offsets = [0, 13], sizes = [256, 1], strides = [1, 1]} : vector<256x16xf32> to vector<256x1xf32>
      %mul3A_1407 = vector.broadcast %slice3A_1406 : vector<256x1xf32> to vector<256x128xf32>
      %mul3A_1408 = arith.mulf %get3A_1405, %mul3A_1407 : vector<256x128xf32>
      %reduce_sum3A_1409 = arith.constant dense<0.000000e+00> : vector<128xf32>
      %reduce_sum3A_1410 = vector.multi_reduction <add>, %mul3A_1408, %reduce_sum3A_1409 [0] : vector<256x128xf32> to vector<128xf32>
      %broadcast_in_dim3A_1411 = vector.shape_cast %reduce_sum3A_1410 : vector<128xf32> to vector<1x128xf32>
      %swap3A_1412 = arith.index_cast %add3A_1389 : i32 to index
      %swap3A_1413 = arith.constant 0 : index
      %swap3A_1414 = vector.load %arg8[%swap3A_1412, %swap3A_1413] : memref<1024x128xf32, #tpu.memory_space<vmem>>, vector<1x128xf32>
      tpu.vector_store %arg8[%swap3A_1412, %swap3A_1413], %broadcast_in_dim3A_1411 {strides = array<i32>} : memref<1024x128xf32, #tpu.memory_space<vmem>>, vector<1x128xf32>,
      %add3A_1415 = arith.constant 14 : i32
      %add3A_1416 = arith.addi %mul3A_1026, %add3A_1415 : i32
      %get3A_1417 = arith.index_cast %add3A_1416 : i32 to index
      %get3A_1418 = memref.load %arg0[%get3A_1417] : memref<1024xi32, #tpu.memory_space<smem>>
      %get3A_1419 = arith.index_cast %add3A_1416 : i32 to index
      %get3A_1420 = arith.constant 0 : index
      %get3A_1421 = vector.load %arg1[%get3A_1419, %get3A_1420] : memref<1024x128xf32, #tpu.memory_space<vmem>>, vector<1x128xf32>
      %swap3A_1422 = arith.constant 14 : index
      %swap3A_1423 = arith.index_cast %get3A_1418 : i32 to index
      %swap3A_1424 = arith.constant 0 : index
      %swap3A_1425 = vector.load %arg11[%swap3A_1422, %swap3A_1423, %swap3A_1424] : memref<16x256x128xf32, #tpu.memory_space<vmem>>, vector<1x1x128xf32>
      %swap3A_1426 = vector.shape_cast %swap3A_1425 : vector<1x1x128xf32> to vector<1x128xf32>
      %swap3A_1427 = vector.shape_cast %get3A_1421 : vector<1x128xf32> to vector<1x1x128xf32>
      tpu.vector_store %arg11[%swap3A_1422, %swap3A_1423, %swap3A_1424], %swap3A_1427 {strides = array<i32>} : memref<16x256x128xf32, #tpu.memory_space<vmem>>, vector<1x1x128xf32>,
      %get3A_1428 = arith.constant 14 : index
      %get3A_1429 = arith.constant 0 : index
      %get3A_1430 = arith.constant 0 : index
      %get3A_1431 = vector.load %arg11[%get3A_1428, %get3A_1429, %get3A_1430] : memref<16x256x128xf32, #tpu.memory_space<vmem>>, vector<1x256x128xf32>
      %get3A_1432 = vector.shape_cast %get3A_1431 : vector<1x256x128xf32> to vector<256x128xf32>
      %slice3A_1433 = vector.extract_strided_slice %transpose3A_1036 {offsets = [0, 14], sizes = [256, 1], strides = [1, 1]} : vector<256x16xf32> to vector<256x1xf32>
      %mul3A_1434 = vector.broadcast %slice3A_1433 : vector<256x1xf32> to vector<256x128xf32>
      %mul3A_1435 = arith.mulf %get3A_1432, %mul3A_1434 : vector<256x128xf32>
      %reduce_sum3A_1436 = arith.constant dense<0.000000e+00> : vector<128xf32>
      %reduce_sum3A_1437 = vector.multi_reduction <add>, %mul3A_1435, %reduce_sum3A_1436 [0] : vector<256x128xf32> to vector<128xf32>
      %broadcast_in_dim3A_1438 = vector.shape_cast %reduce_sum3A_1437 : vector<128xf32> to vector<1x128xf32>
      %swap3A_1439 = arith.index_cast %add3A_1416 : i32 to index
      %swap3A_1440 = arith.constant 0 : index
      %swap3A_1441 = vector.load %arg8[%swap3A_1439, %swap3A_1440] : memref<1024x128xf32, #tpu.memory_space<vmem>>, vector<1x128xf32>
      tpu.vector_store %arg8[%swap3A_1439, %swap3A_1440], %broadcast_in_dim3A_1438 {strides = array<i32>} : memref<1024x128xf32, #tpu.memory_space<vmem>>, vector<1x128xf32>,
      %add3A_1442 = arith.constant 15 : i32
      %add3A_1443 = arith.addi %mul3A_1026, %add3A_1442 : i32
      %get3A_1444 = arith.index_cast %add3A_1443 : i32 to index
      %get3A_1445 = memref.load %arg0[%get3A_1444] : memref<1024xi32, #tpu.memory_space<smem>>
      %get3A_1446 = arith.index_cast %add3A_1443 : i32 to index
      %get3A_1447 = arith.constant 0 : index
      %get3A_1448 = vector.load %arg1[%get3A_1446, %get3A_1447] : memref<1024x128xf32, #tpu.memory_space<vmem>>, vector<1x128xf32>
      %swap3A_1449 = arith.constant 15 : index
      %swap3A_1450 = arith.index_cast %get3A_1445 : i32 to index
      %swap3A_1451 = arith.constant 0 : index
      %swap3A_1452 = vector.load %arg11[%swap3A_1449, %swap3A_1450, %swap3A_1451] : memref<16x256x128xf32, #tpu.memory_space<vmem>>, vector<1x1x128xf32>
      %swap3A_1453 = vector.shape_cast %swap3A_1452 : vector<1x1x128xf32> to vector<1x128xf32>
      %swap3A_1454 = vector.shape_cast %get3A_1448 : vector<1x128xf32> to vector<1x1x128xf32>
      tpu.vector_store %arg11[%swap3A_1449, %swap3A_1450, %swap3A_1451], %swap3A_1454 {strides = array<i32>} : memref<16x256x128xf32, #tpu.memory_space<vmem>>, vector<1x1x128xf32>,
      %get3A_1455 = arith.constant 15 : index
      %get3A_1456 = arith.constant 0 : index
      %get3A_1457 = arith.constant 0 : index
      %get3A_1458 = vector.load %arg11[%get3A_1455, %get3A_1456, %get3A_1457] : memref<16x256x128xf32, #tpu.memory_space<vmem>>, vector<1x256x128xf32>
      %get3A_1459 = vector.shape_cast %get3A_1458 : vector<1x256x128xf32> to vector<256x128xf32>
      %slice3A_1460 = vector.extract_strided_slice %transpose3A_1036 {offsets = [0, 15], sizes = [256, 1], strides = [1, 1]} : vector<256x16xf32> to vector<256x1xf32>
      %mul3A_1461 = vector.broadcast %slice3A_1460 : vector<256x1xf32> to vector<256x128xf32>
      %mul3A_1462 = arith.mulf %get3A_1459, %mul3A_1461 : vector<256x128xf32>
      %reduce_sum3A_1463 = arith.constant dense<0.000000e+00> : vector<128xf32>
      %reduce_sum3A_1464 = vector.multi_reduction <add>, %mul3A_1462, %reduce_sum3A_1463 [0] : vector<256x128xf32> to vector<128xf32>
      %broadcast_in_dim3A_1465 = vector.shape_cast %reduce_sum3A_1464 : vector<128xf32> to vector<1x128xf32>
      %swap3A_1466 = arith.index_cast %add3A_1443 : i32 to index
      %swap3A_1467 = arith.constant 0 : index
      %swap3A_1468 = vector.load %arg8[%swap3A_1466, %swap3A_1467] : memref<1024x128xf32, #tpu.memory_space<vmem>>, vector<1x128xf32>
      tpu.vector_store %arg8[%swap3A_1466, %swap3A_1467], %broadcast_in_dim3A_1465 {strides = array<i32>} : memref<1024x128xf32, #tpu.memory_space<vmem>>, vector<1x128xf32>,
      %dma_start3A_1469 = arith.constant 2 : i32
      %dma_start3A_1470 = tpu.memref_slice %arg18[%dma_start3A_1469] : memref<8x!tpu.dma_semaphore, #tpu.memory_space<semaphore_mem>> -> memref<1x!tpu.dma_semaphore, #tpu.memory_space<semaphore_mem>>
      %dma_start3A_1471 = tpu.memref_squeeze %dma_start3A_1470 : memref<1x!tpu.dma_semaphore, #tpu.memory_space<semaphore_mem>> -> memref<!tpu.dma_semaphore, #tpu.memory_space<semaphore_mem>>
      %dma_start3A_1472 = arith.constant 0 : i32
      %dma_start3A_1473 = arith.constant 0 : i32
      %dma_start3A_1474 = tpu.memref_slice %arg6[%mul3A_1026, %dma_start3A_1472, %dma_start3A_1473] : memref<1024x256x128xf32, #tpu.memory_space<any>> -> memref<16x256x128xf32, #tpu.memory_space<any>>
      tpu.enqueue_dma source(%arg11 : memref<16x256x128xf32, #tpu.memory_space<vmem>>) target(%dma_start3A_1474 : memref<16x256x128xf32, #tpu.memory_space<any>>) target_semaphore(%dma_start3A_1471 : memref<!tpu.dma_semaphore, #tpu.memory_space<semaphore_mem>>)
      %add3A_1475 = arith.constant 4 : i32
      %add3A_1476 = arith.addi %add3A_1024, %add3A_1475 : i32
      %add3A_1477 = arith.constant 64 : i32
      %add3A_1478 = arith.addi %mul3A_1026, %add3A_1477 : i32
      %lt3A_1479 = arith.constant 64 : i32
      %lt3A_1480 = arith.cmpi slt, %add3A_1476, %lt3A_1479 : i32
      %convert_element_type3A_1481 = arith.extui %lt3A_1480 : i1 to i32
      %cond3A_1482 = arith.constant 0 : i32
      %cond3A_1483 = arith.cmpi ne, %convert_element_type3A_1481, %cond3A_1482 : i32
      scf.if %cond3A_1483 {
        %ge3A = arith.constant 8 : i32
        %ge3A_3799 = arith.cmpi sge, %add3A_1476, %ge3A : i32
        %convert_element_type3A_3800 = arith.extui %ge3A_3799 : i1 to i32
        %cond3A_3801 = arith.constant 0 : i32
        %cond3A_3802 = arith.cmpi ne, %convert_element_type3A_3800, %cond3A_3801 : i32
        scf.if %cond3A_3802 {
          %sub3A = arith.constant 128 : i32
          %sub3A_3809 = arith.subi %add3A_1478, %sub3A : i32
          %dma_wait3A_3810 = arith.constant 6 : i32
          %dma_wait3A_3811 = tpu.memref_slice %arg18[%dma_wait3A_3810] : memref<8x!tpu.dma_semaphore, #tpu.memory_space<semaphore_mem>> -> memref<1x!tpu.dma_semaphore, #tpu.memory_space<semaphore_mem>>
          %dma_wait3A_3812 = tpu.memref_squeeze %dma_wait3A_3811 : memref<1x!tpu.dma_semaphore, #tpu.memory_space<semaphore_mem>> -> memref<!tpu.dma_semaphore, #tpu.memory_space<semaphore_mem>>
          %dma_wait3A_3813 = arith.constant 0 : i32
          %dma_wait3A_3814 = arith.constant 0 : i32
          %dma_wait3A_3815 = tpu.memref_slice %arg6[%sub3A_3809, %dma_wait3A_3813, %dma_wait3A_3814] : memref<1024x256x128xf32, #tpu.memory_space<any>> -> memref<16x256x128xf32, #tpu.memory_space<any>>
          tpu.wait_dma2 semaphore(%dma_wait3A_3812 : memref<!tpu.dma_semaphore, #tpu.memory_space<semaphore_mem>>) src(%arg15 : memref<16x256x128xf32, #tpu.memory_space<vmem>>) dst(%dma_wait3A_3815 : memref<16x256x128xf32, #tpu.memory_space<any>>)
        } else {
        }
        %dma_start3A_3803 = arith.constant 6 : i32
        %dma_start3A_3804 = tpu.memref_slice %arg17[%dma_start3A_3803] : memref<8x!tpu.dma_semaphore, #tpu.memory_space<semaphore_mem>> -> memref<1x!tpu.dma_semaphore, #tpu.memory_space<semaphore_mem>>
        %dma_start3A_3805 = tpu.memref_squeeze %dma_start3A_3804 : memref<1x!tpu.dma_semaphore, #tpu.memory_space<semaphore_mem>> -> memref<!tpu.dma_semaphore, #tpu.memory_space<semaphore_mem>>
        %dma_start3A_3806 = arith.constant 0 : i32
        %dma_start3A_3807 = arith.constant 0 : i32
        %dma_start3A_3808 = tpu.memref_slice %arg5[%add3A_1478, %dma_start3A_3806, %dma_start3A_3807] : memref<1024x256x128xf32, #tpu.memory_space<any>> -> memref<16x256x128xf32, #tpu.memory_space<any>>
        tpu.enqueue_dma source(%dma_start3A_3808 : memref<16x256x128xf32, #tpu.memory_space<any>>) target(%arg15 : memref<16x256x128xf32, #tpu.memory_space<vmem>>) target_semaphore(%dma_start3A_3805 : memref<!tpu.dma_semaphore, #tpu.memory_space<semaphore_mem>>)
      } else {
      }
      %mul3A_1484 = arith.constant 8 : i32
      %mul3A_1485 = arith.muli %scan3A_102, %mul3A_1484 : i32
      %add3A_1486 = arith.constant 3 : i32
      %add3A_1487 = arith.addi %mul3A_1485, %add3A_1486 : i32
      %mul3A_1488 = arith.constant 16 : i32
      %mul3A_1489 = arith.muli %add3A_1487, %mul3A_1488 : i32
      %dma_wait3A_1490 = arith.constant 3 : i32
      %dma_wait3A_1491 = tpu.memref_slice %arg17[%dma_wait3A_1490] : memref<8x!tpu.dma_semaphore, #tpu.memory_space<semaphore_mem>> -> memref<1x!tpu.dma_semaphore, #tpu.memory_space<semaphore_mem>>
      %dma_wait3A_1492 = tpu.memref_squeeze %dma_wait3A_1491 : memref<1x!tpu.dma_semaphore, #tpu.memory_space<semaphore_mem>> -> memref<!tpu.dma_semaphore, #tpu.memory_space<semaphore_mem>>
      %dma_wait3A_1493 = arith.constant 0 : i32
      %dma_wait3A_1494 = arith.constant 0 : i32
      %dma_wait3A_1495 = tpu.memref_slice %arg5[%mul3A_1489, %dma_wait3A_1493, %dma_wait3A_1494] : memref<1024x256x128xf32, #tpu.memory_space<any>> -> memref<16x256x128xf32, #tpu.memory_space<any>>
      tpu.wait_dma2 semaphore(%dma_wait3A_1492 : memref<!tpu.dma_semaphore, #tpu.memory_space<semaphore_mem>>) src(%dma_wait3A_1495 : memref<16x256x128xf32, #tpu.memory_space<any>>) dst(%arg12 : memref<16x256x128xf32, #tpu.memory_space<vmem>>)
      %get3A_1496 = arith.index_cast %mul3A_1489 : i32 to index
      %get3A_1497 = arith.constant 0 : index
      %get3A_1498 = vector.load %arg4[%get3A_1496, %get3A_1497] : memref<1024x256xf32, #tpu.memory_space<vmem>>, vector<16x256xf32>
      %transpose3A_1499 = tpu.transpose %get3A_1498, [1, 0] : vector<16x256xf32> -> vector<256x16xf32>
      %add3A_1500 = arith.constant 0 : i32
      %add3A_1501 = arith.addi %mul3A_1489, %add3A_1500 : i32
      %get3A_1502 = arith.index_cast %add3A_1501 : i32 to index
      %get3A_1503 = memref.load %arg0[%get3A_1502] : memref<1024xi32, #tpu.memory_space<smem>>
      %get3A_1504 = arith.index_cast %add3A_1501 : i32 to index
      %get3A_1505 = arith.constant 0 : index
      %get3A_1506 = vector.load %arg1[%get3A_1504, %get3A_1505] : memref<1024x128xf32, #tpu.memory_space<vmem>>, vector<1x128xf32>
      %swap3A_1507 = arith.constant 0 : index
      %swap3A_1508 = arith.index_cast %get3A_1503 : i32 to index
      %swap3A_1509 = arith.constant 0 : index
      %swap3A_1510 = vector.load %arg12[%swap3A_1507, %swap3A_1508, %swap3A_1509] : memref<16x256x128xf32, #tpu.memory_space<vmem>>, vector<1x1x128xf32>
      %swap3A_1511 = vector.shape_cast %swap3A_1510 : vector<1x1x128xf32> to vector<1x128xf32>
      %swap3A_1512 = vector.shape_cast %get3A_1506 : vector<1x128xf32> to vector<1x1x128xf32>
      tpu.vector_store %arg12[%swap3A_1507, %swap3A_1508, %swap3A_1509], %swap3A_1512 {strides = array<i32>} : memref<16x256x128xf32, #tpu.memory_space<vmem>>, vector<1x1x128xf32>,
      %get3A_1513 = arith.constant 0 : index
      %get3A_1514 = arith.constant 0 : index
      %get3A_1515 = arith.constant 0 : index
      %get3A_1516 = vector.load %arg12[%get3A_1513, %get3A_1514, %get3A_1515] : memref<16x256x128xf32, #tpu.memory_space<vmem>>, vector<1x256x128xf32>
      %get3A_1517 = vector.shape_cast %get3A_1516 : vector<1x256x128xf32> to vector<256x128xf32>
      %slice3A_1518 = vector.extract_strided_slice %transpose3A_1499 {offsets = [0, 0], sizes = [256, 1], strides = [1, 1]} : vector<256x16xf32> to vector<256x1xf32>
      %mul3A_1519 = vector.broadcast %slice3A_1518 : vector<256x1xf32> to vector<256x128xf32>
      %mul3A_1520 = arith.mulf %get3A_1517, %mul3A_1519 : vector<256x128xf32>
      %reduce_sum3A_1521 = arith.constant dense<0.000000e+00> : vector<128xf32>
      %reduce_sum3A_1522 = vector.multi_reduction <add>, %mul3A_1520, %reduce_sum3A_1521 [0] : vector<256x128xf32> to vector<128xf32>
      %broadcast_in_dim3A_1523 = vector.shape_cast %reduce_sum3A_1522 : vector<128xf32> to vector<1x128xf32>
      %swap3A_1524 = arith.index_cast %add3A_1501 : i32 to index
      %swap3A_1525 = arith.constant 0 : index
      %swap3A_1526 = vector.load %arg8[%swap3A_1524, %swap3A_1525] : memref<1024x128xf32, #tpu.memory_space<vmem>>, vector<1x128xf32>
      tpu.vector_store %arg8[%swap3A_1524, %swap3A_1525], %broadcast_in_dim3A_1523 {strides = array<i32>} : memref<1024x128xf32, #tpu.memory_space<vmem>>, vector<1x128xf32>,
      %add3A_1527 = arith.constant 1 : i32
      %add3A_1528 = arith.addi %mul3A_1489, %add3A_1527 : i32
      %get3A_1529 = arith.index_cast %add3A_1528 : i32 to index
      %get3A_1530 = memref.load %arg0[%get3A_1529] : memref<1024xi32, #tpu.memory_space<smem>>
      %get3A_1531 = arith.index_cast %add3A_1528 : i32 to index
      %get3A_1532 = arith.constant 0 : index
      %get3A_1533 = vector.load %arg1[%get3A_1531, %get3A_1532] : memref<1024x128xf32, #tpu.memory_space<vmem>>, vector<1x128xf32>
      %swap3A_1534 = arith.constant 1 : index
      %swap3A_1535 = arith.index_cast %get3A_1530 : i32 to index
      %swap3A_1536 = arith.constant 0 : index
      %swap3A_1537 = vector.load %arg12[%swap3A_1534, %swap3A_1535, %swap3A_1536] : memref<16x256x128xf32, #tpu.memory_space<vmem>>, vector<1x1x128xf32>
      %swap3A_1538 = vector.shape_cast %swap3A_1537 : vector<1x1x128xf32> to vector<1x128xf32>
      %swap3A_1539 = vector.shape_cast %get3A_1533 : vector<1x128xf32> to vector<1x1x128xf32>
      tpu.vector_store %arg12[%swap3A_1534, %swap3A_1535, %swap3A_1536], %swap3A_1539 {strides = array<i32>} : memref<16x256x128xf32, #tpu.memory_space<vmem>>, vector<1x1x128xf32>,
      %get3A_1540 = arith.constant 1 : index
      %get3A_1541 = arith.constant 0 : index
      %get3A_1542 = arith.constant 0 : index
      %get3A_1543 = vector.load %arg12[%get3A_1540, %get3A_1541, %get3A_1542] : memref<16x256x128xf32, #tpu.memory_space<vmem>>, vector<1x256x128xf32>
      %get3A_1544 = vector.shape_cast %get3A_1543 : vector<1x256x128xf32> to vector<256x128xf32>
      %slice3A_1545 = vector.extract_strided_slice %transpose3A_1499 {offsets = [0, 1], sizes = [256, 1], strides = [1, 1]} : vector<256x16xf32> to vector<256x1xf32>
      %mul3A_1546 = vector.broadcast %slice3A_1545 : vector<256x1xf32> to vector<256x128xf32>
      %mul3A_1547 = arith.mulf %get3A_1544, %mul3A_1546 : vector<256x128xf32>
      %reduce_sum3A_1548 = arith.constant dense<0.000000e+00> : vector<128xf32>
      %reduce_sum3A_1549 = vector.multi_reduction <add>, %mul3A_1547, %reduce_sum3A_1548 [0] : vector<256x128xf32> to vector<128xf32>
      %broadcast_in_dim3A_1550 = vector.shape_cast %reduce_sum3A_1549 : vector<128xf32> to vector<1x128xf32>
      %swap3A_1551 = arith.index_cast %add3A_1528 : i32 to index
      %swap3A_1552 = arith.constant 0 : index
      %swap3A_1553 = vector.load %arg8[%swap3A_1551, %swap3A_1552] : memref<1024x128xf32, #tpu.memory_space<vmem>>, vector<1x128xf32>
      tpu.vector_store %arg8[%swap3A_1551, %swap3A_1552], %broadcast_in_dim3A_1550 {strides = array<i32>} : memref<1024x128xf32, #tpu.memory_space<vmem>>, vector<1x128xf32>,
      %add3A_1554 = arith.constant 2 : i32
      %add3A_1555 = arith.addi %mul3A_1489, %add3A_1554 : i32
      %get3A_1556 = arith.index_cast %add3A_1555 : i32 to index
      %get3A_1557 = memref.load %arg0[%get3A_1556] : memref<1024xi32, #tpu.memory_space<smem>>
      %get3A_1558 = arith.index_cast %add3A_1555 : i32 to index
      %get3A_1559 = arith.constant 0 : index
      %get3A_1560 = vector.load %arg1[%get3A_1558, %get3A_1559] : memref<1024x128xf32, #tpu.memory_space<vmem>>, vector<1x128xf32>
      %swap3A_1561 = arith.constant 2 : index
      %swap3A_1562 = arith.index_cast %get3A_1557 : i32 to index
      %swap3A_1563 = arith.constant 0 : index
      %swap3A_1564 = vector.load %arg12[%swap3A_1561, %swap3A_1562, %swap3A_1563] : memref<16x256x128xf32, #tpu.memory_space<vmem>>, vector<1x1x128xf32>
      %swap3A_1565 = vector.shape_cast %swap3A_1564 : vector<1x1x128xf32> to vector<1x128xf32>
      %swap3A_1566 = vector.shape_cast %get3A_1560 : vector<1x128xf32> to vector<1x1x128xf32>
      tpu.vector_store %arg12[%swap3A_1561, %swap3A_1562, %swap3A_1563], %swap3A_1566 {strides = array<i32>} : memref<16x256x128xf32, #tpu.memory_space<vmem>>, vector<1x1x128xf32>,
      %get3A_1567 = arith.constant 2 : index
      %get3A_1568 = arith.constant 0 : index
      %get3A_1569 = arith.constant 0 : index
      %get3A_1570 = vector.load %arg12[%get3A_1567, %get3A_1568, %get3A_1569] : memref<16x256x128xf32, #tpu.memory_space<vmem>>, vector<1x256x128xf32>
      %get3A_1571 = vector.shape_cast %get3A_1570 : vector<1x256x128xf32> to vector<256x128xf32>
      %slice3A_1572 = vector.extract_strided_slice %transpose3A_1499 {offsets = [0, 2], sizes = [256, 1], strides = [1, 1]} : vector<256x16xf32> to vector<256x1xf32>
      %mul3A_1573 = vector.broadcast %slice3A_1572 : vector<256x1xf32> to vector<256x128xf32>
      %mul3A_1574 = arith.mulf %get3A_1571, %mul3A_1573 : vector<256x128xf32>
      %reduce_sum3A_1575 = arith.constant dense<0.000000e+00> : vector<128xf32>
      %reduce_sum3A_1576 = vector.multi_reduction <add>, %mul3A_1574, %reduce_sum3A_1575 [0] : vector<256x128xf32> to vector<128xf32>
      %broadcast_in_dim3A_1577 = vector.shape_cast %reduce_sum3A_1576 : vector<128xf32> to vector<1x128xf32>
      %swap3A_1578 = arith.index_cast %add3A_1555 : i32 to index
      %swap3A_1579 = arith.constant 0 : index
      %swap3A_1580 = vector.load %arg8[%swap3A_1578, %swap3A_1579] : memref<1024x128xf32, #tpu.memory_space<vmem>>, vector<1x128xf32>
      tpu.vector_store %arg8[%swap3A_1578, %swap3A_1579], %broadcast_in_dim3A_1577 {strides = array<i32>} : memref<1024x128xf32, #tpu.memory_space<vmem>>, vector<1x128xf32>,
      %add3A_1581 = arith.constant 3 : i32
      %add3A_1582 = arith.addi %mul3A_1489, %add3A_1581 : i32
      %get3A_1583 = arith.index_cast %add3A_1582 : i32 to index
      %get3A_1584 = memref.load %arg0[%get3A_1583] : memref<1024xi32, #tpu.memory_space<smem>>
      %get3A_1585 = arith.index_cast %add3A_1582 : i32 to index
      %get3A_1586 = arith.constant 0 : index
      %get3A_1587 = vector.load %arg1[%get3A_1585, %get3A_1586] : memref<1024x128xf32, #tpu.memory_space<vmem>>, vector<1x128xf32>
      %swap3A_1588 = arith.constant 3 : index
      %swap3A_1589 = arith.index_cast %get3A_1584 : i32 to index
      %swap3A_1590 = arith.constant 0 : index
      %swap3A_1591 = vector.load %arg12[%swap3A_1588, %swap3A_1589, %swap3A_1590] : memref<16x256x128xf32, #tpu.memory_space<vmem>>, vector<1x1x128xf32>
      %swap3A_1592 = vector.shape_cast %swap3A_1591 : vector<1x1x128xf32> to vector<1x128xf32>
      %swap3A_1593 = vector.shape_cast %get3A_1587 : vector<1x128xf32> to vector<1x1x128xf32>
      tpu.vector_store %arg12[%swap3A_1588, %swap3A_1589, %swap3A_1590], %swap3A_1593 {strides = array<i32>} : memref<16x256x128xf32, #tpu.memory_space<vmem>>, vector<1x1x128xf32>,
      %get3A_1594 = arith.constant 3 : index
      %get3A_1595 = arith.constant 0 : index
      %get3A_1596 = arith.constant 0 : index
      %get3A_1597 = vector.load %arg12[%get3A_1594, %get3A_1595, %get3A_1596] : memref<16x256x128xf32, #tpu.memory_space<vmem>>, vector<1x256x128xf32>
      %get3A_1598 = vector.shape_cast %get3A_1597 : vector<1x256x128xf32> to vector<256x128xf32>
      %slice3A_1599 = vector.extract_strided_slice %transpose3A_1499 {offsets = [0, 3], sizes = [256, 1], strides = [1, 1]} : vector<256x16xf32> to vector<256x1xf32>
      %mul3A_1600 = vector.broadcast %slice3A_1599 : vector<256x1xf32> to vector<256x128xf32>
      %mul3A_1601 = arith.mulf %get3A_1598, %mul3A_1600 : vector<256x128xf32>
      %reduce_sum3A_1602 = arith.constant dense<0.000000e+00> : vector<128xf32>
      %reduce_sum3A_1603 = vector.multi_reduction <add>, %mul3A_1601, %reduce_sum3A_1602 [0] : vector<256x128xf32> to vector<128xf32>
      %broadcast_in_dim3A_1604 = vector.shape_cast %reduce_sum3A_1603 : vector<128xf32> to vector<1x128xf32>
      %swap3A_1605 = arith.index_cast %add3A_1582 : i32 to index
      %swap3A_1606 = arith.constant 0 : index
      %swap3A_1607 = vector.load %arg8[%swap3A_1605, %swap3A_1606] : memref<1024x128xf32, #tpu.memory_space<vmem>>, vector<1x128xf32>
      tpu.vector_store %arg8[%swap3A_1605, %swap3A_1606], %broadcast_in_dim3A_1604 {strides = array<i32>} : memref<1024x128xf32, #tpu.memory_space<vmem>>, vector<1x128xf32>,
      %add3A_1608 = arith.constant 4 : i32
      %add3A_1609 = arith.addi %mul3A_1489, %add3A_1608 : i32
      %get3A_1610 = arith.index_cast %add3A_1609 : i32 to index
      %get3A_1611 = memref.load %arg0[%get3A_1610] : memref<1024xi32, #tpu.memory_space<smem>>
      %get3A_1612 = arith.index_cast %add3A_1609 : i32 to index
      %get3A_1613 = arith.constant 0 : index
      %get3A_1614 = vector.load %arg1[%get3A_1612, %get3A_1613] : memref<1024x128xf32, #tpu.memory_space<vmem>>, vector<1x128xf32>
      %swap3A_1615 = arith.constant 4 : index
      %swap3A_1616 = arith.index_cast %get3A_1611 : i32 to index
      %swap3A_1617 = arith.constant 0 : index
      %swap3A_1618 = vector.load %arg12[%swap3A_1615, %swap3A_1616, %swap3A_1617] : memref<16x256x128xf32, #tpu.memory_space<vmem>>, vector<1x1x128xf32>
      %swap3A_1619 = vector.shape_cast %swap3A_1618 : vector<1x1x128xf32> to vector<1x128xf32>
      %swap3A_1620 = vector.shape_cast %get3A_1614 : vector<1x128xf32> to vector<1x1x128xf32>
      tpu.vector_store %arg12[%swap3A_1615, %swap3A_1616, %swap3A_1617], %swap3A_1620 {strides = array<i32>} : memref<16x256x128xf32, #tpu.memory_space<vmem>>, vector<1x1x128xf32>,
      %get3A_1621 = arith.constant 4 : index
      %get3A_1622 = arith.constant 0 : index
      %get3A_1623 = arith.constant 0 : index
      %get3A_1624 = vector.load %arg12[%get3A_1621, %get3A_1622, %get3A_1623] : memref<16x256x128xf32, #tpu.memory_space<vmem>>, vector<1x256x128xf32>
      %get3A_1625 = vector.shape_cast %get3A_1624 : vector<1x256x128xf32> to vector<256x128xf32>
      %slice3A_1626 = vector.extract_strided_slice %transpose3A_1499 {offsets = [0, 4], sizes = [256, 1], strides = [1, 1]} : vector<256x16xf32> to vector<256x1xf32>
      %mul3A_1627 = vector.broadcast %slice3A_1626 : vector<256x1xf32> to vector<256x128xf32>
      %mul3A_1628 = arith.mulf %get3A_1625, %mul3A_1627 : vector<256x128xf32>
      %reduce_sum3A_1629 = arith.constant dense<0.000000e+00> : vector<128xf32>
      %reduce_sum3A_1630 = vector.multi_reduction <add>, %mul3A_1628, %reduce_sum3A_1629 [0] : vector<256x128xf32> to vector<128xf32>
      %broadcast_in_dim3A_1631 = vector.shape_cast %reduce_sum3A_1630 : vector<128xf32> to vector<1x128xf32>
      %swap3A_1632 = arith.index_cast %add3A_1609 : i32 to index
      %swap3A_1633 = arith.constant 0 : index
      %swap3A_1634 = vector.load %arg8[%swap3A_1632, %swap3A_1633] : memref<1024x128xf32, #tpu.memory_space<vmem>>, vector<1x128xf32>
      tpu.vector_store %arg8[%swap3A_1632, %swap3A_1633], %broadcast_in_dim3A_1631 {strides = array<i32>} : memref<1024x128xf32, #tpu.memory_space<vmem>>, vector<1x128xf32>,
      %add3A_1635 = arith.constant 5 : i32
      %add3A_1636 = arith.addi %mul3A_1489, %add3A_1635 : i32
      %get3A_1637 = arith.index_cast %add3A_1636 : i32 to index
      %get3A_1638 = memref.load %arg0[%get3A_1637] : memref<1024xi32, #tpu.memory_space<smem>>
      %get3A_1639 = arith.index_cast %add3A_1636 : i32 to index
      %get3A_1640 = arith.constant 0 : index
      %get3A_1641 = vector.load %arg1[%get3A_1639, %get3A_1640] : memref<1024x128xf32, #tpu.memory_space<vmem>>, vector<1x128xf32>
      %swap3A_1642 = arith.constant 5 : index
      %swap3A_1643 = arith.index_cast %get3A_1638 : i32 to index
      %swap3A_1644 = arith.constant 0 : index
      %swap3A_1645 = vector.load %arg12[%swap3A_1642, %swap3A_1643, %swap3A_1644] : memref<16x256x128xf32, #tpu.memory_space<vmem>>, vector<1x1x128xf32>
      %swap3A_1646 = vector.shape_cast %swap3A_1645 : vector<1x1x128xf32> to vector<1x128xf32>
      %swap3A_1647 = vector.shape_cast %get3A_1641 : vector<1x128xf32> to vector<1x1x128xf32>
      tpu.vector_store %arg12[%swap3A_1642, %swap3A_1643, %swap3A_1644], %swap3A_1647 {strides = array<i32>} : memref<16x256x128xf32, #tpu.memory_space<vmem>>, vector<1x1x128xf32>,
      %get3A_1648 = arith.constant 5 : index
      %get3A_1649 = arith.constant 0 : index
      %get3A_1650 = arith.constant 0 : index
      %get3A_1651 = vector.load %arg12[%get3A_1648, %get3A_1649, %get3A_1650] : memref<16x256x128xf32, #tpu.memory_space<vmem>>, vector<1x256x128xf32>
      %get3A_1652 = vector.shape_cast %get3A_1651 : vector<1x256x128xf32> to vector<256x128xf32>
      %slice3A_1653 = vector.extract_strided_slice %transpose3A_1499 {offsets = [0, 5], sizes = [256, 1], strides = [1, 1]} : vector<256x16xf32> to vector<256x1xf32>
      %mul3A_1654 = vector.broadcast %slice3A_1653 : vector<256x1xf32> to vector<256x128xf32>
      %mul3A_1655 = arith.mulf %get3A_1652, %mul3A_1654 : vector<256x128xf32>
      %reduce_sum3A_1656 = arith.constant dense<0.000000e+00> : vector<128xf32>
      %reduce_sum3A_1657 = vector.multi_reduction <add>, %mul3A_1655, %reduce_sum3A_1656 [0] : vector<256x128xf32> to vector<128xf32>
      %broadcast_in_dim3A_1658 = vector.shape_cast %reduce_sum3A_1657 : vector<128xf32> to vector<1x128xf32>
      %swap3A_1659 = arith.index_cast %add3A_1636 : i32 to index
      %swap3A_1660 = arith.constant 0 : index
      %swap3A_1661 = vector.load %arg8[%swap3A_1659, %swap3A_1660] : memref<1024x128xf32, #tpu.memory_space<vmem>>, vector<1x128xf32>
      tpu.vector_store %arg8[%swap3A_1659, %swap3A_1660], %broadcast_in_dim3A_1658 {strides = array<i32>} : memref<1024x128xf32, #tpu.memory_space<vmem>>, vector<1x128xf32>,
      %add3A_1662 = arith.constant 6 : i32
      %add3A_1663 = arith.addi %mul3A_1489, %add3A_1662 : i32
      %get3A_1664 = arith.index_cast %add3A_1663 : i32 to index
      %get3A_1665 = memref.load %arg0[%get3A_1664] : memref<1024xi32, #tpu.memory_space<smem>>
      %get3A_1666 = arith.index_cast %add3A_1663 : i32 to index
      %get3A_1667 = arith.constant 0 : index
      %get3A_1668 = vector.load %arg1[%get3A_1666, %get3A_1667] : memref<1024x128xf32, #tpu.memory_space<vmem>>, vector<1x128xf32>
      %swap3A_1669 = arith.constant 6 : index
      %swap3A_1670 = arith.index_cast %get3A_1665 : i32 to index
      %swap3A_1671 = arith.constant 0 : index
      %swap3A_1672 = vector.load %arg12[%swap3A_1669, %swap3A_1670, %swap3A_1671] : memref<16x256x128xf32, #tpu.memory_space<vmem>>, vector<1x1x128xf32>
      %swap3A_1673 = vector.shape_cast %swap3A_1672 : vector<1x1x128xf32> to vector<1x128xf32>
      %swap3A_1674 = vector.shape_cast %get3A_1668 : vector<1x128xf32> to vector<1x1x128xf32>
      tpu.vector_store %arg12[%swap3A_1669, %swap3A_1670, %swap3A_1671], %swap3A_1674 {strides = array<i32>} : memref<16x256x128xf32, #tpu.memory_space<vmem>>, vector<1x1x128xf32>,
      %get3A_1675 = arith.constant 6 : index
      %get3A_1676 = arith.constant 0 : index
      %get3A_1677 = arith.constant 0 : index
      %get3A_1678 = vector.load %arg12[%get3A_1675, %get3A_1676, %get3A_1677] : memref<16x256x128xf32, #tpu.memory_space<vmem>>, vector<1x256x128xf32>
      %get3A_1679 = vector.shape_cast %get3A_1678 : vector<1x256x128xf32> to vector<256x128xf32>
      %slice3A_1680 = vector.extract_strided_slice %transpose3A_1499 {offsets = [0, 6], sizes = [256, 1], strides = [1, 1]} : vector<256x16xf32> to vector<256x1xf32>
      %mul3A_1681 = vector.broadcast %slice3A_1680 : vector<256x1xf32> to vector<256x128xf32>
      %mul3A_1682 = arith.mulf %get3A_1679, %mul3A_1681 : vector<256x128xf32>
      %reduce_sum3A_1683 = arith.constant dense<0.000000e+00> : vector<128xf32>
      %reduce_sum3A_1684 = vector.multi_reduction <add>, %mul3A_1682, %reduce_sum3A_1683 [0] : vector<256x128xf32> to vector<128xf32>
      %broadcast_in_dim3A_1685 = vector.shape_cast %reduce_sum3A_1684 : vector<128xf32> to vector<1x128xf32>
      %swap3A_1686 = arith.index_cast %add3A_1663 : i32 to index
      %swap3A_1687 = arith.constant 0 : index
      %swap3A_1688 = vector.load %arg8[%swap3A_1686, %swap3A_1687] : memref<1024x128xf32, #tpu.memory_space<vmem>>, vector<1x128xf32>
      tpu.vector_store %arg8[%swap3A_1686, %swap3A_1687], %broadcast_in_dim3A_1685 {strides = array<i32>} : memref<1024x128xf32, #tpu.memory_space<vmem>>, vector<1x128xf32>,
      %add3A_1689 = arith.constant 7 : i32
      %add3A_1690 = arith.addi %mul3A_1489, %add3A_1689 : i32
      %get3A_1691 = arith.index_cast %add3A_1690 : i32 to index
      %get3A_1692 = memref.load %arg0[%get3A_1691] : memref<1024xi32, #tpu.memory_space<smem>>
      %get3A_1693 = arith.index_cast %add3A_1690 : i32 to index
      %get3A_1694 = arith.constant 0 : index
      %get3A_1695 = vector.load %arg1[%get3A_1693, %get3A_1694] : memref<1024x128xf32, #tpu.memory_space<vmem>>, vector<1x128xf32>
      %swap3A_1696 = arith.constant 7 : index
      %swap3A_1697 = arith.index_cast %get3A_1692 : i32 to index
      %swap3A_1698 = arith.constant 0 : index
      %swap3A_1699 = vector.load %arg12[%swap3A_1696, %swap3A_1697, %swap3A_1698] : memref<16x256x128xf32, #tpu.memory_space<vmem>>, vector<1x1x128xf32>
      %swap3A_1700 = vector.shape_cast %swap3A_1699 : vector<1x1x128xf32> to vector<1x128xf32>
      %swap3A_1701 = vector.shape_cast %get3A_1695 : vector<1x128xf32> to vector<1x1x128xf32>
      tpu.vector_store %arg12[%swap3A_1696, %swap3A_1697, %swap3A_1698], %swap3A_1701 {strides = array<i32>} : memref<16x256x128xf32, #tpu.memory_space<vmem>>, vector<1x1x128xf32>,
      %get3A_1702 = arith.constant 7 : index
      %get3A_1703 = arith.constant 0 : index
      %get3A_1704 = arith.constant 0 : index
      %get3A_1705 = vector.load %arg12[%get3A_1702, %get3A_1703, %get3A_1704] : memref<16x256x128xf32, #tpu.memory_space<vmem>>, vector<1x256x128xf32>
      %get3A_1706 = vector.shape_cast %get3A_1705 : vector<1x256x128xf32> to vector<256x128xf32>
      %slice3A_1707 = vector.extract_strided_slice %transpose3A_1499 {offsets = [0, 7], sizes = [256, 1], strides = [1, 1]} : vector<256x16xf32> to vector<256x1xf32>
      %mul3A_1708 = vector.broadcast %slice3A_1707 : vector<256x1xf32> to vector<256x128xf32>
      %mul3A_1709 = arith.mulf %get3A_1706, %mul3A_1708 : vector<256x128xf32>
      %reduce_sum3A_1710 = arith.constant dense<0.000000e+00> : vector<128xf32>
      %reduce_sum3A_1711 = vector.multi_reduction <add>, %mul3A_1709, %reduce_sum3A_1710 [0] : vector<256x128xf32> to vector<128xf32>
      %broadcast_in_dim3A_1712 = vector.shape_cast %reduce_sum3A_1711 : vector<128xf32> to vector<1x128xf32>
      %swap3A_1713 = arith.index_cast %add3A_1690 : i32 to index
      %swap3A_1714 = arith.constant 0 : index
      %swap3A_1715 = vector.load %arg8[%swap3A_1713, %swap3A_1714] : memref<1024x128xf32, #tpu.memory_space<vmem>>, vector<1x128xf32>
      tpu.vector_store %arg8[%swap3A_1713, %swap3A_1714], %broadcast_in_dim3A_1712 {strides = array<i32>} : memref<1024x128xf32, #tpu.memory_space<vmem>>, vector<1x128xf32>,
      %add3A_1716 = arith.constant 8 : i32
      %add3A_1717 = arith.addi %mul3A_1489, %add3A_1716 : i32
      %get3A_1718 = arith.index_cast %add3A_1717 : i32 to index
      %get3A_1719 = memref.load %arg0[%get3A_1718] : memref<1024xi32, #tpu.memory_space<smem>>
      %get3A_1720 = arith.index_cast %add3A_1717 : i32 to index
      %get3A_1721 = arith.constant 0 : index
      %get3A_1722 = vector.load %arg1[%get3A_1720, %get3A_1721] : memref<1024x128xf32, #tpu.memory_space<vmem>>, vector<1x128xf32>
      %swap3A_1723 = arith.constant 8 : index
      %swap3A_1724 = arith.index_cast %get3A_1719 : i32 to index
      %swap3A_1725 = arith.constant 0 : index
      %swap3A_1726 = vector.load %arg12[%swap3A_1723, %swap3A_1724, %swap3A_1725] : memref<16x256x128xf32, #tpu.memory_space<vmem>>, vector<1x1x128xf32>
      %swap3A_1727 = vector.shape_cast %swap3A_1726 : vector<1x1x128xf32> to vector<1x128xf32>
      %swap3A_1728 = vector.shape_cast %get3A_1722 : vector<1x128xf32> to vector<1x1x128xf32>
      tpu.vector_store %arg12[%swap3A_1723, %swap3A_1724, %swap3A_1725], %swap3A_1728 {strides = array<i32>} : memref<16x256x128xf32, #tpu.memory_space<vmem>>, vector<1x1x128xf32>,
      %get3A_1729 = arith.constant 8 : index
      %get3A_1730 = arith.constant 0 : index
      %get3A_1731 = arith.constant 0 : index
      %get3A_1732 = vector.load %arg12[%get3A_1729, %get3A_1730, %get3A_1731] : memref<16x256x128xf32, #tpu.memory_space<vmem>>, vector<1x256x128xf32>
      %get3A_1733 = vector.shape_cast %get3A_1732 : vector<1x256x128xf32> to vector<256x128xf32>
      %slice3A_1734 = vector.extract_strided_slice %transpose3A_1499 {offsets = [0, 8], sizes = [256, 1], strides = [1, 1]} : vector<256x16xf32> to vector<256x1xf32>
      %mul3A_1735 = vector.broadcast %slice3A_1734 : vector<256x1xf32> to vector<256x128xf32>
      %mul3A_1736 = arith.mulf %get3A_1733, %mul3A_1735 : vector<256x128xf32>
      %reduce_sum3A_1737 = arith.constant dense<0.000000e+00> : vector<128xf32>
      %reduce_sum3A_1738 = vector.multi_reduction <add>, %mul3A_1736, %reduce_sum3A_1737 [0] : vector<256x128xf32> to vector<128xf32>
      %broadcast_in_dim3A_1739 = vector.shape_cast %reduce_sum3A_1738 : vector<128xf32> to vector<1x128xf32>
      %swap3A_1740 = arith.index_cast %add3A_1717 : i32 to index
      %swap3A_1741 = arith.constant 0 : index
      %swap3A_1742 = vector.load %arg8[%swap3A_1740, %swap3A_1741] : memref<1024x128xf32, #tpu.memory_space<vmem>>, vector<1x128xf32>
      tpu.vector_store %arg8[%swap3A_1740, %swap3A_1741], %broadcast_in_dim3A_1739 {strides = array<i32>} : memref<1024x128xf32, #tpu.memory_space<vmem>>, vector<1x128xf32>,
      %add3A_1743 = arith.constant 9 : i32
      %add3A_1744 = arith.addi %mul3A_1489, %add3A_1743 : i32
      %get3A_1745 = arith.index_cast %add3A_1744 : i32 to index
      %get3A_1746 = memref.load %arg0[%get3A_1745] : memref<1024xi32, #tpu.memory_space<smem>>
      %get3A_1747 = arith.index_cast %add3A_1744 : i32 to index
      %get3A_1748 = arith.constant 0 : index
      %get3A_1749 = vector.load %arg1[%get3A_1747, %get3A_1748] : memref<1024x128xf32, #tpu.memory_space<vmem>>, vector<1x128xf32>
      %swap3A_1750 = arith.constant 9 : index
      %swap3A_1751 = arith.index_cast %get3A_1746 : i32 to index
      %swap3A_1752 = arith.constant 0 : index
      %swap3A_1753 = vector.load %arg12[%swap3A_1750, %swap3A_1751, %swap3A_1752] : memref<16x256x128xf32, #tpu.memory_space<vmem>>, vector<1x1x128xf32>
      %swap3A_1754 = vector.shape_cast %swap3A_1753 : vector<1x1x128xf32> to vector<1x128xf32>
      %swap3A_1755 = vector.shape_cast %get3A_1749 : vector<1x128xf32> to vector<1x1x128xf32>
      tpu.vector_store %arg12[%swap3A_1750, %swap3A_1751, %swap3A_1752], %swap3A_1755 {strides = array<i32>} : memref<16x256x128xf32, #tpu.memory_space<vmem>>, vector<1x1x128xf32>,
      %get3A_1756 = arith.constant 9 : index
      %get3A_1757 = arith.constant 0 : index
      %get3A_1758 = arith.constant 0 : index
      %get3A_1759 = vector.load %arg12[%get3A_1756, %get3A_1757, %get3A_1758] : memref<16x256x128xf32, #tpu.memory_space<vmem>>, vector<1x256x128xf32>
      %get3A_1760 = vector.shape_cast %get3A_1759 : vector<1x256x128xf32> to vector<256x128xf32>
      %slice3A_1761 = vector.extract_strided_slice %transpose3A_1499 {offsets = [0, 9], sizes = [256, 1], strides = [1, 1]} : vector<256x16xf32> to vector<256x1xf32>
      %mul3A_1762 = vector.broadcast %slice3A_1761 : vector<256x1xf32> to vector<256x128xf32>
      %mul3A_1763 = arith.mulf %get3A_1760, %mul3A_1762 : vector<256x128xf32>
      %reduce_sum3A_1764 = arith.constant dense<0.000000e+00> : vector<128xf32>
      %reduce_sum3A_1765 = vector.multi_reduction <add>, %mul3A_1763, %reduce_sum3A_1764 [0] : vector<256x128xf32> to vector<128xf32>
      %broadcast_in_dim3A_1766 = vector.shape_cast %reduce_sum3A_1765 : vector<128xf32> to vector<1x128xf32>
      %swap3A_1767 = arith.index_cast %add3A_1744 : i32 to index
      %swap3A_1768 = arith.constant 0 : index
      %swap3A_1769 = vector.load %arg8[%swap3A_1767, %swap3A_1768] : memref<1024x128xf32, #tpu.memory_space<vmem>>, vector<1x128xf32>
      tpu.vector_store %arg8[%swap3A_1767, %swap3A_1768], %broadcast_in_dim3A_1766 {strides = array<i32>} : memref<1024x128xf32, #tpu.memory_space<vmem>>, vector<1x128xf32>,
      %add3A_1770 = arith.constant 10 : i32
      %add3A_1771 = arith.addi %mul3A_1489, %add3A_1770 : i32
      %get3A_1772 = arith.index_cast %add3A_1771 : i32 to index
      %get3A_1773 = memref.load %arg0[%get3A_1772] : memref<1024xi32, #tpu.memory_space<smem>>
      %get3A_1774 = arith.index_cast %add3A_1771 : i32 to index
      %get3A_1775 = arith.constant 0 : index
      %get3A_1776 = vector.load %arg1[%get3A_1774, %get3A_1775] : memref<1024x128xf32, #tpu.memory_space<vmem>>, vector<1x128xf32>
      %swap3A_1777 = arith.constant 10 : index
      %swap3A_1778 = arith.index_cast %get3A_1773 : i32 to index
      %swap3A_1779 = arith.constant 0 : index
      %swap3A_1780 = vector.load %arg12[%swap3A_1777, %swap3A_1778, %swap3A_1779] : memref<16x256x128xf32, #tpu.memory_space<vmem>>, vector<1x1x128xf32>
      %swap3A_1781 = vector.shape_cast %swap3A_1780 : vector<1x1x128xf32> to vector<1x128xf32>
      %swap3A_1782 = vector.shape_cast %get3A_1776 : vector<1x128xf32> to vector<1x1x128xf32>
      tpu.vector_store %arg12[%swap3A_1777, %swap3A_1778, %swap3A_1779], %swap3A_1782 {strides = array<i32>} : memref<16x256x128xf32, #tpu.memory_space<vmem>>, vector<1x1x128xf32>,
      %get3A_1783 = arith.constant 10 : index
      %get3A_1784 = arith.constant 0 : index
      %get3A_1785 = arith.constant 0 : index
      %get3A_1786 = vector.load %arg12[%get3A_1783, %get3A_1784, %get3A_1785] : memref<16x256x128xf32, #tpu.memory_space<vmem>>, vector<1x256x128xf32>
      %get3A_1787 = vector.shape_cast %get3A_1786 : vector<1x256x128xf32> to vector<256x128xf32>
      %slice3A_1788 = vector.extract_strided_slice %transpose3A_1499 {offsets = [0, 10], sizes = [256, 1], strides = [1, 1]} : vector<256x16xf32> to vector<256x1xf32>
      %mul3A_1789 = vector.broadcast %slice3A_1788 : vector<256x1xf32> to vector<256x128xf32>
      %mul3A_1790 = arith.mulf %get3A_1787, %mul3A_1789 : vector<256x128xf32>
      %reduce_sum3A_1791 = arith.constant dense<0.000000e+00> : vector<128xf32>
      %reduce_sum3A_1792 = vector.multi_reduction <add>, %mul3A_1790, %reduce_sum3A_1791 [0] : vector<256x128xf32> to vector<128xf32>
      %broadcast_in_dim3A_1793 = vector.shape_cast %reduce_sum3A_1792 : vector<128xf32> to vector<1x128xf32>
      %swap3A_1794 = arith.index_cast %add3A_1771 : i32 to index
      %swap3A_1795 = arith.constant 0 : index
      %swap3A_1796 = vector.load %arg8[%swap3A_1794, %swap3A_1795] : memref<1024x128xf32, #tpu.memory_space<vmem>>, vector<1x128xf32>
      tpu.vector_store %arg8[%swap3A_1794, %swap3A_1795], %broadcast_in_dim3A_1793 {strides = array<i32>} : memref<1024x128xf32, #tpu.memory_space<vmem>>, vector<1x128xf32>,
      %add3A_1797 = arith.constant 11 : i32
      %add3A_1798 = arith.addi %mul3A_1489, %add3A_1797 : i32
      %get3A_1799 = arith.index_cast %add3A_1798 : i32 to index
      %get3A_1800 = memref.load %arg0[%get3A_1799] : memref<1024xi32, #tpu.memory_space<smem>>
      %get3A_1801 = arith.index_cast %add3A_1798 : i32 to index
      %get3A_1802 = arith.constant 0 : index
      %get3A_1803 = vector.load %arg1[%get3A_1801, %get3A_1802] : memref<1024x128xf32, #tpu.memory_space<vmem>>, vector<1x128xf32>
      %swap3A_1804 = arith.constant 11 : index
      %swap3A_1805 = arith.index_cast %get3A_1800 : i32 to index
      %swap3A_1806 = arith.constant 0 : index
      %swap3A_1807 = vector.load %arg12[%swap3A_1804, %swap3A_1805, %swap3A_1806] : memref<16x256x128xf32, #tpu.memory_space<vmem>>, vector<1x1x128xf32>
      %swap3A_1808 = vector.shape_cast %swap3A_1807 : vector<1x1x128xf32> to vector<1x128xf32>
      %swap3A_1809 = vector.shape_cast %get3A_1803 : vector<1x128xf32> to vector<1x1x128xf32>
      tpu.vector_store %arg12[%swap3A_1804, %swap3A_1805, %swap3A_1806], %swap3A_1809 {strides = array<i32>} : memref<16x256x128xf32, #tpu.memory_space<vmem>>, vector<1x1x128xf32>,
      %get3A_1810 = arith.constant 11 : index
      %get3A_1811 = arith.constant 0 : index
      %get3A_1812 = arith.constant 0 : index
      %get3A_1813 = vector.load %arg12[%get3A_1810, %get3A_1811, %get3A_1812] : memref<16x256x128xf32, #tpu.memory_space<vmem>>, vector<1x256x128xf32>
      %get3A_1814 = vector.shape_cast %get3A_1813 : vector<1x256x128xf32> to vector<256x128xf32>
      %slice3A_1815 = vector.extract_strided_slice %transpose3A_1499 {offsets = [0, 11], sizes = [256, 1], strides = [1, 1]} : vector<256x16xf32> to vector<256x1xf32>
      %mul3A_1816 = vector.broadcast %slice3A_1815 : vector<256x1xf32> to vector<256x128xf32>
      %mul3A_1817 = arith.mulf %get3A_1814, %mul3A_1816 : vector<256x128xf32>
      %reduce_sum3A_1818 = arith.constant dense<0.000000e+00> : vector<128xf32>
      %reduce_sum3A_1819 = vector.multi_reduction <add>, %mul3A_1817, %reduce_sum3A_1818 [0] : vector<256x128xf32> to vector<128xf32>
      %broadcast_in_dim3A_1820 = vector.shape_cast %reduce_sum3A_1819 : vector<128xf32> to vector<1x128xf32>
      %swap3A_1821 = arith.index_cast %add3A_1798 : i32 to index
      %swap3A_1822 = arith.constant 0 : index
      %swap3A_1823 = vector.load %arg8[%swap3A_1821, %swap3A_1822] : memref<1024x128xf32, #tpu.memory_space<vmem>>, vector<1x128xf32>
      tpu.vector_store %arg8[%swap3A_1821, %swap3A_1822], %broadcast_in_dim3A_1820 {strides = array<i32>} : memref<1024x128xf32, #tpu.memory_space<vmem>>, vector<1x128xf32>,
      %add3A_1824 = arith.constant 12 : i32
      %add3A_1825 = arith.addi %mul3A_1489, %add3A_1824 : i32
      %get3A_1826 = arith.index_cast %add3A_1825 : i32 to index
      %get3A_1827 = memref.load %arg0[%get3A_1826] : memref<1024xi32, #tpu.memory_space<smem>>
      %get3A_1828 = arith.index_cast %add3A_1825 : i32 to index
      %get3A_1829 = arith.constant 0 : index
      %get3A_1830 = vector.load %arg1[%get3A_1828, %get3A_1829] : memref<1024x128xf32, #tpu.memory_space<vmem>>, vector<1x128xf32>
      %swap3A_1831 = arith.constant 12 : index
      %swap3A_1832 = arith.index_cast %get3A_1827 : i32 to index
      %swap3A_1833 = arith.constant 0 : index
      %swap3A_1834 = vector.load %arg12[%swap3A_1831, %swap3A_1832, %swap3A_1833] : memref<16x256x128xf32, #tpu.memory_space<vmem>>, vector<1x1x128xf32>
      %swap3A_1835 = vector.shape_cast %swap3A_1834 : vector<1x1x128xf32> to vector<1x128xf32>
      %swap3A_1836 = vector.shape_cast %get3A_1830 : vector<1x128xf32> to vector<1x1x128xf32>
      tpu.vector_store %arg12[%swap3A_1831, %swap3A_1832, %swap3A_1833], %swap3A_1836 {strides = array<i32>} : memref<16x256x128xf32, #tpu.memory_space<vmem>>, vector<1x1x128xf32>,
      %get3A_1837 = arith.constant 12 : index
      %get3A_1838 = arith.constant 0 : index
      %get3A_1839 = arith.constant 0 : index
      %get3A_1840 = vector.load %arg12[%get3A_1837, %get3A_1838, %get3A_1839] : memref<16x256x128xf32, #tpu.memory_space<vmem>>, vector<1x256x128xf32>
      %get3A_1841 = vector.shape_cast %get3A_1840 : vector<1x256x128xf32> to vector<256x128xf32>
      %slice3A_1842 = vector.extract_strided_slice %transpose3A_1499 {offsets = [0, 12], sizes = [256, 1], strides = [1, 1]} : vector<256x16xf32> to vector<256x1xf32>
      %mul3A_1843 = vector.broadcast %slice3A_1842 : vector<256x1xf32> to vector<256x128xf32>
      %mul3A_1844 = arith.mulf %get3A_1841, %mul3A_1843 : vector<256x128xf32>
      %reduce_sum3A_1845 = arith.constant dense<0.000000e+00> : vector<128xf32>
      %reduce_sum3A_1846 = vector.multi_reduction <add>, %mul3A_1844, %reduce_sum3A_1845 [0] : vector<256x128xf32> to vector<128xf32>
      %broadcast_in_dim3A_1847 = vector.shape_cast %reduce_sum3A_1846 : vector<128xf32> to vector<1x128xf32>
      %swap3A_1848 = arith.index_cast %add3A_1825 : i32 to index
      %swap3A_1849 = arith.constant 0 : index
      %swap3A_1850 = vector.load %arg8[%swap3A_1848, %swap3A_1849] : memref<1024x128xf32, #tpu.memory_space<vmem>>, vector<1x128xf32>
      tpu.vector_store %arg8[%swap3A_1848, %swap3A_1849], %broadcast_in_dim3A_1847 {strides = array<i32>} : memref<1024x128xf32, #tpu.memory_space<vmem>>, vector<1x128xf32>,
      %add3A_1851 = arith.constant 13 : i32
      %add3A_1852 = arith.addi %mul3A_1489, %add3A_1851 : i32
      %get3A_1853 = arith.index_cast %add3A_1852 : i32 to index
      %get3A_1854 = memref.load %arg0[%get3A_1853] : memref<1024xi32, #tpu.memory_space<smem>>
      %get3A_1855 = arith.index_cast %add3A_1852 : i32 to index
      %get3A_1856 = arith.constant 0 : index
      %get3A_1857 = vector.load %arg1[%get3A_1855, %get3A_1856] : memref<1024x128xf32, #tpu.memory_space<vmem>>, vector<1x128xf32>
      %swap3A_1858 = arith.constant 13 : index
      %swap3A_1859 = arith.index_cast %get3A_1854 : i32 to index
      %swap3A_1860 = arith.constant 0 : index
      %swap3A_1861 = vector.load %arg12[%swap3A_1858, %swap3A_1859, %swap3A_1860] : memref<16x256x128xf32, #tpu.memory_space<vmem>>, vector<1x1x128xf32>
      %swap3A_1862 = vector.shape_cast %swap3A_1861 : vector<1x1x128xf32> to vector<1x128xf32>
      %swap3A_1863 = vector.shape_cast %get3A_1857 : vector<1x128xf32> to vector<1x1x128xf32>
      tpu.vector_store %arg12[%swap3A_1858, %swap3A_1859, %swap3A_1860], %swap3A_1863 {strides = array<i32>} : memref<16x256x128xf32, #tpu.memory_space<vmem>>, vector<1x1x128xf32>,
      %get3A_1864 = arith.constant 13 : index
      %get3A_1865 = arith.constant 0 : index
      %get3A_1866 = arith.constant 0 : index
      %get3A_1867 = vector.load %arg12[%get3A_1864, %get3A_1865, %get3A_1866] : memref<16x256x128xf32, #tpu.memory_space<vmem>>, vector<1x256x128xf32>
      %get3A_1868 = vector.shape_cast %get3A_1867 : vector<1x256x128xf32> to vector<256x128xf32>
      %slice3A_1869 = vector.extract_strided_slice %transpose3A_1499 {offsets = [0, 13], sizes = [256, 1], strides = [1, 1]} : vector<256x16xf32> to vector<256x1xf32>
      %mul3A_1870 = vector.broadcast %slice3A_1869 : vector<256x1xf32> to vector<256x128xf32>
      %mul3A_1871 = arith.mulf %get3A_1868, %mul3A_1870 : vector<256x128xf32>
      %reduce_sum3A_1872 = arith.constant dense<0.000000e+00> : vector<128xf32>
      %reduce_sum3A_1873 = vector.multi_reduction <add>, %mul3A_1871, %reduce_sum3A_1872 [0] : vector<256x128xf32> to vector<128xf32>
      %broadcast_in_dim3A_1874 = vector.shape_cast %reduce_sum3A_1873 : vector<128xf32> to vector<1x128xf32>
      %swap3A_1875 = arith.index_cast %add3A_1852 : i32 to index
      %swap3A_1876 = arith.constant 0 : index
      %swap3A_1877 = vector.load %arg8[%swap3A_1875, %swap3A_1876] : memref<1024x128xf32, #tpu.memory_space<vmem>>, vector<1x128xf32>
      tpu.vector_store %arg8[%swap3A_1875, %swap3A_1876], %broadcast_in_dim3A_1874 {strides = array<i32>} : memref<1024x128xf32, #tpu.memory_space<vmem>>, vector<1x128xf32>,
      %add3A_1878 = arith.constant 14 : i32
      %add3A_1879 = arith.addi %mul3A_1489, %add3A_1878 : i32
      %get3A_1880 = arith.index_cast %add3A_1879 : i32 to index
      %get3A_1881 = memref.load %arg0[%get3A_1880] : memref<1024xi32, #tpu.memory_space<smem>>
      %get3A_1882 = arith.index_cast %add3A_1879 : i32 to index
      %get3A_1883 = arith.constant 0 : index
      %get3A_1884 = vector.load %arg1[%get3A_1882, %get3A_1883] : memref<1024x128xf32, #tpu.memory_space<vmem>>, vector<1x128xf32>
      %swap3A_1885 = arith.constant 14 : index
      %swap3A_1886 = arith.index_cast %get3A_1881 : i32 to index
      %swap3A_1887 = arith.constant 0 : index
      %swap3A_1888 = vector.load %arg12[%swap3A_1885, %swap3A_1886, %swap3A_1887] : memref<16x256x128xf32, #tpu.memory_space<vmem>>, vector<1x1x128xf32>
      %swap3A_1889 = vector.shape_cast %swap3A_1888 : vector<1x1x128xf32> to vector<1x128xf32>
      %swap3A_1890 = vector.shape_cast %get3A_1884 : vector<1x128xf32> to vector<1x1x128xf32>
      tpu.vector_store %arg12[%swap3A_1885, %swap3A_1886, %swap3A_1887], %swap3A_1890 {strides = array<i32>} : memref<16x256x128xf32, #tpu.memory_space<vmem>>, vector<1x1x128xf32>,
      %get3A_1891 = arith.constant 14 : index
      %get3A_1892 = arith.constant 0 : index
      %get3A_1893 = arith.constant 0 : index
      %get3A_1894 = vector.load %arg12[%get3A_1891, %get3A_1892, %get3A_1893] : memref<16x256x128xf32, #tpu.memory_space<vmem>>, vector<1x256x128xf32>
      %get3A_1895 = vector.shape_cast %get3A_1894 : vector<1x256x128xf32> to vector<256x128xf32>
      %slice3A_1896 = vector.extract_strided_slice %transpose3A_1499 {offsets = [0, 14], sizes = [256, 1], strides = [1, 1]} : vector<256x16xf32> to vector<256x1xf32>
      %mul3A_1897 = vector.broadcast %slice3A_1896 : vector<256x1xf32> to vector<256x128xf32>
      %mul3A_1898 = arith.mulf %get3A_1895, %mul3A_1897 : vector<256x128xf32>
      %reduce_sum3A_1899 = arith.constant dense<0.000000e+00> : vector<128xf32>
      %reduce_sum3A_1900 = vector.multi_reduction <add>, %mul3A_1898, %reduce_sum3A_1899 [0] : vector<256x128xf32> to vector<128xf32>
      %broadcast_in_dim3A_1901 = vector.shape_cast %reduce_sum3A_1900 : vector<128xf32> to vector<1x128xf32>
      %swap3A_1902 = arith.index_cast %add3A_1879 : i32 to index
      %swap3A_1903 = arith.constant 0 : index
      %swap3A_1904 = vector.load %arg8[%swap3A_1902, %swap3A_1903] : memref<1024x128xf32, #tpu.memory_space<vmem>>, vector<1x128xf32>
      tpu.vector_store %arg8[%swap3A_1902, %swap3A_1903], %broadcast_in_dim3A_1901 {strides = array<i32>} : memref<1024x128xf32, #tpu.memory_space<vmem>>, vector<1x128xf32>,
      %add3A_1905 = arith.constant 15 : i32
      %add3A_1906 = arith.addi %mul3A_1489, %add3A_1905 : i32
      %get3A_1907 = arith.index_cast %add3A_1906 : i32 to index
      %get3A_1908 = memref.load %arg0[%get3A_1907] : memref<1024xi32, #tpu.memory_space<smem>>
      %get3A_1909 = arith.index_cast %add3A_1906 : i32 to index
      %get3A_1910 = arith.constant 0 : index
      %get3A_1911 = vector.load %arg1[%get3A_1909, %get3A_1910] : memref<1024x128xf32, #tpu.memory_space<vmem>>, vector<1x128xf32>
      %swap3A_1912 = arith.constant 15 : index
      %swap3A_1913 = arith.index_cast %get3A_1908 : i32 to index
      %swap3A_1914 = arith.constant 0 : index
      %swap3A_1915 = vector.load %arg12[%swap3A_1912, %swap3A_1913, %swap3A_1914] : memref<16x256x128xf32, #tpu.memory_space<vmem>>, vector<1x1x128xf32>
      %swap3A_1916 = vector.shape_cast %swap3A_1915 : vector<1x1x128xf32> to vector<1x128xf32>
      %swap3A_1917 = vector.shape_cast %get3A_1911 : vector<1x128xf32> to vector<1x1x128xf32>
      tpu.vector_store %arg12[%swap3A_1912, %swap3A_1913, %swap3A_1914], %swap3A_1917 {strides = array<i32>} : memref<16x256x128xf32, #tpu.memory_space<vmem>>, vector<1x1x128xf32>,
      %get3A_1918 = arith.constant 15 : index
      %get3A_1919 = arith.constant 0 : index
      %get3A_1920 = arith.constant 0 : index
      %get3A_1921 = vector.load %arg12[%get3A_1918, %get3A_1919, %get3A_1920] : memref<16x256x128xf32, #tpu.memory_space<vmem>>, vector<1x256x128xf32>
      %get3A_1922 = vector.shape_cast %get3A_1921 : vector<1x256x128xf32> to vector<256x128xf32>
      %slice3A_1923 = vector.extract_strided_slice %transpose3A_1499 {offsets = [0, 15], sizes = [256, 1], strides = [1, 1]} : vector<256x16xf32> to vector<256x1xf32>
      %mul3A_1924 = vector.broadcast %slice3A_1923 : vector<256x1xf32> to vector<256x128xf32>
      %mul3A_1925 = arith.mulf %get3A_1922, %mul3A_1924 : vector<256x128xf32>
      %reduce_sum3A_1926 = arith.constant dense<0.000000e+00> : vector<128xf32>
      %reduce_sum3A_1927 = vector.multi_reduction <add>, %mul3A_1925, %reduce_sum3A_1926 [0] : vector<256x128xf32> to vector<128xf32>
      %broadcast_in_dim3A_1928 = vector.shape_cast %reduce_sum3A_1927 : vector<128xf32> to vector<1x128xf32>
      %swap3A_1929 = arith.index_cast %add3A_1906 : i32 to index
      %swap3A_1930 = arith.constant 0 : index
      %swap3A_1931 = vector.load %arg8[%swap3A_1929, %swap3A_1930] : memref<1024x128xf32, #tpu.memory_space<vmem>>, vector<1x128xf32>
      tpu.vector_store %arg8[%swap3A_1929, %swap3A_1930], %broadcast_in_dim3A_1928 {strides = array<i32>} : memref<1024x128xf32, #tpu.memory_space<vmem>>, vector<1x128xf32>,
      %dma_start3A_1932 = arith.constant 3 : i32
      %dma_start3A_1933 = tpu.memref_slice %arg18[%dma_start3A_1932] : memref<8x!tpu.dma_semaphore, #tpu.memory_space<semaphore_mem>> -> memref<1x!tpu.dma_semaphore, #tpu.memory_space<semaphore_mem>>
      %dma_start3A_1934 = tpu.memref_squeeze %dma_start3A_1933 : memref<1x!tpu.dma_semaphore, #tpu.memory_space<semaphore_mem>> -> memref<!tpu.dma_semaphore, #tpu.memory_space<semaphore_mem>>
      %dma_start3A_1935 = arith.constant 0 : i32
      %dma_start3A_1936 = arith.constant 0 : i32
      %dma_start3A_1937 = tpu.memref_slice %arg6[%mul3A_1489, %dma_start3A_1935, %dma_start3A_1936] : memref<1024x256x128xf32, #tpu.memory_space<any>> -> memref<16x256x128xf32, #tpu.memory_space<any>>
      tpu.enqueue_dma source(%arg12 : memref<16x256x128xf32, #tpu.memory_space<vmem>>) target(%dma_start3A_1937 : memref<16x256x128xf32, #tpu.memory_space<any>>) target_semaphore(%dma_start3A_1934 : memref<!tpu.dma_semaphore, #tpu.memory_space<semaphore_mem>>)
      %add3A_1938 = arith.constant 4 : i32
      %add3A_1939 = arith.addi %add3A_1487, %add3A_1938 : i32
      %add3A_1940 = arith.constant 64 : i32
      %add3A_1941 = arith.addi %mul3A_1489, %add3A_1940 : i32
      %lt3A_1942 = arith.constant 64 : i32
      %lt3A_1943 = arith.cmpi slt, %add3A_1939, %lt3A_1942 : i32
      %convert_element_type3A_1944 = arith.extui %lt3A_1943 : i1 to i32
      %cond3A_1945 = arith.constant 0 : i32
      %cond3A_1946 = arith.cmpi ne, %convert_element_type3A_1944, %cond3A_1945 : i32
      scf.if %cond3A_1946 {
        %ge3A = arith.constant 8 : i32
        %ge3A_3799 = arith.cmpi sge, %add3A_1939, %ge3A : i32
        %convert_element_type3A_3800 = arith.extui %ge3A_3799 : i1 to i32
        %cond3A_3801 = arith.constant 0 : i32
        %cond3A_3802 = arith.cmpi ne, %convert_element_type3A_3800, %cond3A_3801 : i32
        scf.if %cond3A_3802 {
          %sub3A = arith.constant 128 : i32
          %sub3A_3809 = arith.subi %add3A_1941, %sub3A : i32
          %dma_wait3A_3810 = arith.constant 7 : i32
          %dma_wait3A_3811 = tpu.memref_slice %arg18[%dma_wait3A_3810] : memref<8x!tpu.dma_semaphore, #tpu.memory_space<semaphore_mem>> -> memref<1x!tpu.dma_semaphore, #tpu.memory_space<semaphore_mem>>
          %dma_wait3A_3812 = tpu.memref_squeeze %dma_wait3A_3811 : memref<1x!tpu.dma_semaphore, #tpu.memory_space<semaphore_mem>> -> memref<!tpu.dma_semaphore, #tpu.memory_space<semaphore_mem>>
          %dma_wait3A_3813 = arith.constant 0 : i32
          %dma_wait3A_3814 = arith.constant 0 : i32
          %dma_wait3A_3815 = tpu.memref_slice %arg6[%sub3A_3809, %dma_wait3A_3813, %dma_wait3A_3814] : memref<1024x256x128xf32, #tpu.memory_space<any>> -> memref<16x256x128xf32, #tpu.memory_space<any>>
          tpu.wait_dma2 semaphore(%dma_wait3A_3812 : memref<!tpu.dma_semaphore, #tpu.memory_space<semaphore_mem>>) src(%arg16 : memref<16x256x128xf32, #tpu.memory_space<vmem>>) dst(%dma_wait3A_3815 : memref<16x256x128xf32, #tpu.memory_space<any>>)
        } else {
        }
        %dma_start3A_3803 = arith.constant 7 : i32
        %dma_start3A_3804 = tpu.memref_slice %arg17[%dma_start3A_3803] : memref<8x!tpu.dma_semaphore, #tpu.memory_space<semaphore_mem>> -> memref<1x!tpu.dma_semaphore, #tpu.memory_space<semaphore_mem>>
        %dma_start3A_3805 = tpu.memref_squeeze %dma_start3A_3804 : memref<1x!tpu.dma_semaphore, #tpu.memory_space<semaphore_mem>> -> memref<!tpu.dma_semaphore, #tpu.memory_space<semaphore_mem>>
        %dma_start3A_3806 = arith.constant 0 : i32
        %dma_start3A_3807 = arith.constant 0 : i32
        %dma_start3A_3808 = tpu.memref_slice %arg5[%add3A_1941, %dma_start3A_3806, %dma_start3A_3807] : memref<1024x256x128xf32, #tpu.memory_space<any>> -> memref<16x256x128xf32, #tpu.memory_space<any>>
        tpu.enqueue_dma source(%dma_start3A_3808 : memref<16x256x128xf32, #tpu.memory_space<any>>) target(%arg16 : memref<16x256x128xf32, #tpu.memory_space<vmem>>) target_semaphore(%dma_start3A_3805 : memref<!tpu.dma_semaphore, #tpu.memory_space<semaphore_mem>>)
      } else {
      }
      %mul3A_1947 = arith.constant 8 : i32
      %mul3A_1948 = arith.muli %scan3A_102, %mul3A_1947 : i32
      %add3A_1949 = arith.constant 4 : i32
      %add3A_1950 = arith.addi %mul3A_1948, %add3A_1949 : i32
      %mul3A_1951 = arith.constant 16 : i32
      %mul3A_1952 = arith.muli %add3A_1950, %mul3A_1951 : i32
      %dma_wait3A_1953 = arith.constant 4 : i32
      %dma_wait3A_1954 = tpu.memref_slice %arg17[%dma_wait3A_1953] : memref<8x!tpu.dma_semaphore, #tpu.memory_space<semaphore_mem>> -> memref<1x!tpu.dma_semaphore, #tpu.memory_space<semaphore_mem>>
      %dma_wait3A_1955 = tpu.memref_squeeze %dma_wait3A_1954 : memref<1x!tpu.dma_semaphore, #tpu.memory_space<semaphore_mem>> -> memref<!tpu.dma_semaphore, #tpu.memory_space<semaphore_mem>>
      %dma_wait3A_1956 = arith.constant 0 : i32
      %dma_wait3A_1957 = arith.constant 0 : i32
      %dma_wait3A_1958 = tpu.memref_slice %arg5[%mul3A_1952, %dma_wait3A_1956, %dma_wait3A_1957] : memref<1024x256x128xf32, #tpu.memory_space<any>> -> memref<16x256x128xf32, #tpu.memory_space<any>>
      tpu.wait_dma2 semaphore(%dma_wait3A_1955 : memref<!tpu.dma_semaphore, #tpu.memory_space<semaphore_mem>>) src(%dma_wait3A_1958 : memref<16x256x128xf32, #tpu.memory_space<any>>) dst(%arg13 : memref<16x256x128xf32, #tpu.memory_space<vmem>>)
      %get3A_1959 = arith.index_cast %mul3A_1952 : i32 to index
      %get3A_1960 = arith.constant 0 : index
      %get3A_1961 = vector.load %arg4[%get3A_1959, %get3A_1960] : memref<1024x256xf32, #tpu.memory_space<vmem>>, vector<16x256xf32>
      %transpose3A_1962 = tpu.transpose %get3A_1961, [1, 0] : vector<16x256xf32> -> vector<256x16xf32>
      %add3A_1963 = arith.constant 0 : i32
      %add3A_1964 = arith.addi %mul3A_1952, %add3A_1963 : i32
      %get3A_1965 = arith.index_cast %add3A_1964 : i32 to index
      %get3A_1966 = memref.load %arg0[%get3A_1965] : memref<1024xi32, #tpu.memory_space<smem>>
      %get3A_1967 = arith.index_cast %add3A_1964 : i32 to index
      %get3A_1968 = arith.constant 0 : index
      %get3A_1969 = vector.load %arg1[%get3A_1967, %get3A_1968] : memref<1024x128xf32, #tpu.memory_space<vmem>>, vector<1x128xf32>
      %swap3A_1970 = arith.constant 0 : index
      %swap3A_1971 = arith.index_cast %get3A_1966 : i32 to index
      %swap3A_1972 = arith.constant 0 : index
      %swap3A_1973 = vector.load %arg13[%swap3A_1970, %swap3A_1971, %swap3A_1972] : memref<16x256x128xf32, #tpu.memory_space<vmem>>, vector<1x1x128xf32>
      %swap3A_1974 = vector.shape_cast %swap3A_1973 : vector<1x1x128xf32> to vector<1x128xf32>
      %swap3A_1975 = vector.shape_cast %get3A_1969 : vector<1x128xf32> to vector<1x1x128xf32>
      tpu.vector_store %arg13[%swap3A_1970, %swap3A_1971, %swap3A_1972], %swap3A_1975 {strides = array<i32>} : memref<16x256x128xf32, #tpu.memory_space<vmem>>, vector<1x1x128xf32>,
      %get3A_1976 = arith.constant 0 : index
      %get3A_1977 = arith.constant 0 : index
      %get3A_1978 = arith.constant 0 : index
      %get3A_1979 = vector.load %arg13[%get3A_1976, %get3A_1977, %get3A_1978] : memref<16x256x128xf32, #tpu.memory_space<vmem>>, vector<1x256x128xf32>
      %get3A_1980 = vector.shape_cast %get3A_1979 : vector<1x256x128xf32> to vector<256x128xf32>
      %slice3A_1981 = vector.extract_strided_slice %transpose3A_1962 {offsets = [0, 0], sizes = [256, 1], strides = [1, 1]} : vector<256x16xf32> to vector<256x1xf32>
      %mul3A_1982 = vector.broadcast %slice3A_1981 : vector<256x1xf32> to vector<256x128xf32>
      %mul3A_1983 = arith.mulf %get3A_1980, %mul3A_1982 : vector<256x128xf32>
      %reduce_sum3A_1984 = arith.constant dense<0.000000e+00> : vector<128xf32>
      %reduce_sum3A_1985 = vector.multi_reduction <add>, %mul3A_1983, %reduce_sum3A_1984 [0] : vector<256x128xf32> to vector<128xf32>
      %broadcast_in_dim3A_1986 = vector.shape_cast %reduce_sum3A_1985 : vector<128xf32> to vector<1x128xf32>
      %swap3A_1987 = arith.index_cast %add3A_1964 : i32 to index
      %swap3A_1988 = arith.constant 0 : index
      %swap3A_1989 = vector.load %arg8[%swap3A_1987, %swap3A_1988] : memref<1024x128xf32, #tpu.memory_space<vmem>>, vector<1x128xf32>
      tpu.vector_store %arg8[%swap3A_1987, %swap3A_1988], %broadcast_in_dim3A_1986 {strides = array<i32>} : memref<1024x128xf32, #tpu.memory_space<vmem>>, vector<1x128xf32>,
      %add3A_1990 = arith.constant 1 : i32
      %add3A_1991 = arith.addi %mul3A_1952, %add3A_1990 : i32
      %get3A_1992 = arith.index_cast %add3A_1991 : i32 to index
      %get3A_1993 = memref.load %arg0[%get3A_1992] : memref<1024xi32, #tpu.memory_space<smem>>
      %get3A_1994 = arith.index_cast %add3A_1991 : i32 to index
      %get3A_1995 = arith.constant 0 : index
      %get3A_1996 = vector.load %arg1[%get3A_1994, %get3A_1995] : memref<1024x128xf32, #tpu.memory_space<vmem>>, vector<1x128xf32>
      %swap3A_1997 = arith.constant 1 : index
      %swap3A_1998 = arith.index_cast %get3A_1993 : i32 to index
      %swap3A_1999 = arith.constant 0 : index
      %swap3A_2000 = vector.load %arg13[%swap3A_1997, %swap3A_1998, %swap3A_1999] : memref<16x256x128xf32, #tpu.memory_space<vmem>>, vector<1x1x128xf32>
      %swap3A_2001 = vector.shape_cast %swap3A_2000 : vector<1x1x128xf32> to vector<1x128xf32>
      %swap3A_2002 = vector.shape_cast %get3A_1996 : vector<1x128xf32> to vector<1x1x128xf32>
      tpu.vector_store %arg13[%swap3A_1997, %swap3A_1998, %swap3A_1999], %swap3A_2002 {strides = array<i32>} : memref<16x256x128xf32, #tpu.memory_space<vmem>>, vector<1x1x128xf32>,
      %get3A_2003 = arith.constant 1 : index
      %get3A_2004 = arith.constant 0 : index
      %get3A_2005 = arith.constant 0 : index
      %get3A_2006 = vector.load %arg13[%get3A_2003, %get3A_2004, %get3A_2005] : memref<16x256x128xf32, #tpu.memory_space<vmem>>, vector<1x256x128xf32>
      %get3A_2007 = vector.shape_cast %get3A_2006 : vector<1x256x128xf32> to vector<256x128xf32>
      %slice3A_2008 = vector.extract_strided_slice %transpose3A_1962 {offsets = [0, 1], sizes = [256, 1], strides = [1, 1]} : vector<256x16xf32> to vector<256x1xf32>
      %mul3A_2009 = vector.broadcast %slice3A_2008 : vector<256x1xf32> to vector<256x128xf32>
      %mul3A_2010 = arith.mulf %get3A_2007, %mul3A_2009 : vector<256x128xf32>
      %reduce_sum3A_2011 = arith.constant dense<0.000000e+00> : vector<128xf32>
      %reduce_sum3A_2012 = vector.multi_reduction <add>, %mul3A_2010, %reduce_sum3A_2011 [0] : vector<256x128xf32> to vector<128xf32>
      %broadcast_in_dim3A_2013 = vector.shape_cast %reduce_sum3A_2012 : vector<128xf32> to vector<1x128xf32>
      %swap3A_2014 = arith.index_cast %add3A_1991 : i32 to index
      %swap3A_2015 = arith.constant 0 : index
      %swap3A_2016 = vector.load %arg8[%swap3A_2014, %swap3A_2015] : memref<1024x128xf32, #tpu.memory_space<vmem>>, vector<1x128xf32>
      tpu.vector_store %arg8[%swap3A_2014, %swap3A_2015], %broadcast_in_dim3A_2013 {strides = array<i32>} : memref<1024x128xf32, #tpu.memory_space<vmem>>, vector<1x128xf32>,
      %add3A_2017 = arith.constant 2 : i32
      %add3A_2018 = arith.addi %mul3A_1952, %add3A_2017 : i32
      %get3A_2019 = arith.index_cast %add3A_2018 : i32 to index
      %get3A_2020 = memref.load %arg0[%get3A_2019] : memref<1024xi32, #tpu.memory_space<smem>>
      %get3A_2021 = arith.index_cast %add3A_2018 : i32 to index
      %get3A_2022 = arith.constant 0 : index
      %get3A_2023 = vector.load %arg1[%get3A_2021, %get3A_2022] : memref<1024x128xf32, #tpu.memory_space<vmem>>, vector<1x128xf32>
      %swap3A_2024 = arith.constant 2 : index
      %swap3A_2025 = arith.index_cast %get3A_2020 : i32 to index
      %swap3A_2026 = arith.constant 0 : index
      %swap3A_2027 = vector.load %arg13[%swap3A_2024, %swap3A_2025, %swap3A_2026] : memref<16x256x128xf32, #tpu.memory_space<vmem>>, vector<1x1x128xf32>
      %swap3A_2028 = vector.shape_cast %swap3A_2027 : vector<1x1x128xf32> to vector<1x128xf32>
      %swap3A_2029 = vector.shape_cast %get3A_2023 : vector<1x128xf32> to vector<1x1x128xf32>
      tpu.vector_store %arg13[%swap3A_2024, %swap3A_2025, %swap3A_2026], %swap3A_2029 {strides = array<i32>} : memref<16x256x128xf32, #tpu.memory_space<vmem>>, vector<1x1x128xf32>,
      %get3A_2030 = arith.constant 2 : index
      %get3A_2031 = arith.constant 0 : index
      %get3A_2032 = arith.constant 0 : index
      %get3A_2033 = vector.load %arg13[%get3A_2030, %get3A_2031, %get3A_2032] : memref<16x256x128xf32, #tpu.memory_space<vmem>>, vector<1x256x128xf32>
      %get3A_2034 = vector.shape_cast %get3A_2033 : vector<1x256x128xf32> to vector<256x128xf32>
      %slice3A_2035 = vector.extract_strided_slice %transpose3A_1962 {offsets = [0, 2], sizes = [256, 1], strides = [1, 1]} : vector<256x16xf32> to vector<256x1xf32>
      %mul3A_2036 = vector.broadcast %slice3A_2035 : vector<256x1xf32> to vector<256x128xf32>
      %mul3A_2037 = arith.mulf %get3A_2034, %mul3A_2036 : vector<256x128xf32>
      %reduce_sum3A_2038 = arith.constant dense<0.000000e+00> : vector<128xf32>
      %reduce_sum3A_2039 = vector.multi_reduction <add>, %mul3A_2037, %reduce_sum3A_2038 [0] : vector<256x128xf32> to vector<128xf32>
      %broadcast_in_dim3A_2040 = vector.shape_cast %reduce_sum3A_2039 : vector<128xf32> to vector<1x128xf32>
      %swap3A_2041 = arith.index_cast %add3A_2018 : i32 to index
      %swap3A_2042 = arith.constant 0 : index
      %swap3A_2043 = vector.load %arg8[%swap3A_2041, %swap3A_2042] : memref<1024x128xf32, #tpu.memory_space<vmem>>, vector<1x128xf32>
      tpu.vector_store %arg8[%swap3A_2041, %swap3A_2042], %broadcast_in_dim3A_2040 {strides = array<i32>} : memref<1024x128xf32, #tpu.memory_space<vmem>>, vector<1x128xf32>,
      %add3A_2044 = arith.constant 3 : i32
      %add3A_2045 = arith.addi %mul3A_1952, %add3A_2044 : i32
      %get3A_2046 = arith.index_cast %add3A_2045 : i32 to index
      %get3A_2047 = memref.load %arg0[%get3A_2046] : memref<1024xi32, #tpu.memory_space<smem>>
      %get3A_2048 = arith.index_cast %add3A_2045 : i32 to index
      %get3A_2049 = arith.constant 0 : index
      %get3A_2050 = vector.load %arg1[%get3A_2048, %get3A_2049] : memref<1024x128xf32, #tpu.memory_space<vmem>>, vector<1x128xf32>
      %swap3A_2051 = arith.constant 3 : index
      %swap3A_2052 = arith.index_cast %get3A_2047 : i32 to index
      %swap3A_2053 = arith.constant 0 : index
      %swap3A_2054 = vector.load %arg13[%swap3A_2051, %swap3A_2052, %swap3A_2053] : memref<16x256x128xf32, #tpu.memory_space<vmem>>, vector<1x1x128xf32>
      %swap3A_2055 = vector.shape_cast %swap3A_2054 : vector<1x1x128xf32> to vector<1x128xf32>
      %swap3A_2056 = vector.shape_cast %get3A_2050 : vector<1x128xf32> to vector<1x1x128xf32>
      tpu.vector_store %arg13[%swap3A_2051, %swap3A_2052, %swap3A_2053], %swap3A_2056 {strides = array<i32>} : memref<16x256x128xf32, #tpu.memory_space<vmem>>, vector<1x1x128xf32>,
      %get3A_2057 = arith.constant 3 : index
      %get3A_2058 = arith.constant 0 : index
      %get3A_2059 = arith.constant 0 : index
      %get3A_2060 = vector.load %arg13[%get3A_2057, %get3A_2058, %get3A_2059] : memref<16x256x128xf32, #tpu.memory_space<vmem>>, vector<1x256x128xf32>
      %get3A_2061 = vector.shape_cast %get3A_2060 : vector<1x256x128xf32> to vector<256x128xf32>
      %slice3A_2062 = vector.extract_strided_slice %transpose3A_1962 {offsets = [0, 3], sizes = [256, 1], strides = [1, 1]} : vector<256x16xf32> to vector<256x1xf32>
      %mul3A_2063 = vector.broadcast %slice3A_2062 : vector<256x1xf32> to vector<256x128xf32>
      %mul3A_2064 = arith.mulf %get3A_2061, %mul3A_2063 : vector<256x128xf32>
      %reduce_sum3A_2065 = arith.constant dense<0.000000e+00> : vector<128xf32>
      %reduce_sum3A_2066 = vector.multi_reduction <add>, %mul3A_2064, %reduce_sum3A_2065 [0] : vector<256x128xf32> to vector<128xf32>
      %broadcast_in_dim3A_2067 = vector.shape_cast %reduce_sum3A_2066 : vector<128xf32> to vector<1x128xf32>
      %swap3A_2068 = arith.index_cast %add3A_2045 : i32 to index
      %swap3A_2069 = arith.constant 0 : index
      %swap3A_2070 = vector.load %arg8[%swap3A_2068, %swap3A_2069] : memref<1024x128xf32, #tpu.memory_space<vmem>>, vector<1x128xf32>
      tpu.vector_store %arg8[%swap3A_2068, %swap3A_2069], %broadcast_in_dim3A_2067 {strides = array<i32>} : memref<1024x128xf32, #tpu.memory_space<vmem>>, vector<1x128xf32>,
      %add3A_2071 = arith.constant 4 : i32
      %add3A_2072 = arith.addi %mul3A_1952, %add3A_2071 : i32
      %get3A_2073 = arith.index_cast %add3A_2072 : i32 to index
      %get3A_2074 = memref.load %arg0[%get3A_2073] : memref<1024xi32, #tpu.memory_space<smem>>
      %get3A_2075 = arith.index_cast %add3A_2072 : i32 to index
      %get3A_2076 = arith.constant 0 : index
      %get3A_2077 = vector.load %arg1[%get3A_2075, %get3A_2076] : memref<1024x128xf32, #tpu.memory_space<vmem>>, vector<1x128xf32>
      %swap3A_2078 = arith.constant 4 : index
      %swap3A_2079 = arith.index_cast %get3A_2074 : i32 to index
      %swap3A_2080 = arith.constant 0 : index
      %swap3A_2081 = vector.load %arg13[%swap3A_2078, %swap3A_2079, %swap3A_2080] : memref<16x256x128xf32, #tpu.memory_space<vmem>>, vector<1x1x128xf32>
      %swap3A_2082 = vector.shape_cast %swap3A_2081 : vector<1x1x128xf32> to vector<1x128xf32>
      %swap3A_2083 = vector.shape_cast %get3A_2077 : vector<1x128xf32> to vector<1x1x128xf32>
      tpu.vector_store %arg13[%swap3A_2078, %swap3A_2079, %swap3A_2080], %swap3A_2083 {strides = array<i32>} : memref<16x256x128xf32, #tpu.memory_space<vmem>>, vector<1x1x128xf32>,
      %get3A_2084 = arith.constant 4 : index
      %get3A_2085 = arith.constant 0 : index
      %get3A_2086 = arith.constant 0 : index
      %get3A_2087 = vector.load %arg13[%get3A_2084, %get3A_2085, %get3A_2086] : memref<16x256x128xf32, #tpu.memory_space<vmem>>, vector<1x256x128xf32>
      %get3A_2088 = vector.shape_cast %get3A_2087 : vector<1x256x128xf32> to vector<256x128xf32>
      %slice3A_2089 = vector.extract_strided_slice %transpose3A_1962 {offsets = [0, 4], sizes = [256, 1], strides = [1, 1]} : vector<256x16xf32> to vector<256x1xf32>
      %mul3A_2090 = vector.broadcast %slice3A_2089 : vector<256x1xf32> to vector<256x128xf32>
      %mul3A_2091 = arith.mulf %get3A_2088, %mul3A_2090 : vector<256x128xf32>
      %reduce_sum3A_2092 = arith.constant dense<0.000000e+00> : vector<128xf32>
      %reduce_sum3A_2093 = vector.multi_reduction <add>, %mul3A_2091, %reduce_sum3A_2092 [0] : vector<256x128xf32> to vector<128xf32>
      %broadcast_in_dim3A_2094 = vector.shape_cast %reduce_sum3A_2093 : vector<128xf32> to vector<1x128xf32>
      %swap3A_2095 = arith.index_cast %add3A_2072 : i32 to index
      %swap3A_2096 = arith.constant 0 : index
      %swap3A_2097 = vector.load %arg8[%swap3A_2095, %swap3A_2096] : memref<1024x128xf32, #tpu.memory_space<vmem>>, vector<1x128xf32>
      tpu.vector_store %arg8[%swap3A_2095, %swap3A_2096], %broadcast_in_dim3A_2094 {strides = array<i32>} : memref<1024x128xf32, #tpu.memory_space<vmem>>, vector<1x128xf32>,
      %add3A_2098 = arith.constant 5 : i32
      %add3A_2099 = arith.addi %mul3A_1952, %add3A_2098 : i32
      %get3A_2100 = arith.index_cast %add3A_2099 : i32 to index
      %get3A_2101 = memref.load %arg0[%get3A_2100] : memref<1024xi32, #tpu.memory_space<smem>>
      %get3A_2102 = arith.index_cast %add3A_2099 : i32 to index
      %get3A_2103 = arith.constant 0 : index
      %get3A_2104 = vector.load %arg1[%get3A_2102, %get3A_2103] : memref<1024x128xf32, #tpu.memory_space<vmem>>, vector<1x128xf32>
      %swap3A_2105 = arith.constant 5 : index
      %swap3A_2106 = arith.index_cast %get3A_2101 : i32 to index
      %swap3A_2107 = arith.constant 0 : index
      %swap3A_2108 = vector.load %arg13[%swap3A_2105, %swap3A_2106, %swap3A_2107] : memref<16x256x128xf32, #tpu.memory_space<vmem>>, vector<1x1x128xf32>
      %swap3A_2109 = vector.shape_cast %swap3A_2108 : vector<1x1x128xf32> to vector<1x128xf32>
      %swap3A_2110 = vector.shape_cast %get3A_2104 : vector<1x128xf32> to vector<1x1x128xf32>
      tpu.vector_store %arg13[%swap3A_2105, %swap3A_2106, %swap3A_2107], %swap3A_2110 {strides = array<i32>} : memref<16x256x128xf32, #tpu.memory_space<vmem>>, vector<1x1x128xf32>,
      %get3A_2111 = arith.constant 5 : index
      %get3A_2112 = arith.constant 0 : index
      %get3A_2113 = arith.constant 0 : index
      %get3A_2114 = vector.load %arg13[%get3A_2111, %get3A_2112, %get3A_2113] : memref<16x256x128xf32, #tpu.memory_space<vmem>>, vector<1x256x128xf32>
      %get3A_2115 = vector.shape_cast %get3A_2114 : vector<1x256x128xf32> to vector<256x128xf32>
      %slice3A_2116 = vector.extract_strided_slice %transpose3A_1962 {offsets = [0, 5], sizes = [256, 1], strides = [1, 1]} : vector<256x16xf32> to vector<256x1xf32>
      %mul3A_2117 = vector.broadcast %slice3A_2116 : vector<256x1xf32> to vector<256x128xf32>
      %mul3A_2118 = arith.mulf %get3A_2115, %mul3A_2117 : vector<256x128xf32>
      %reduce_sum3A_2119 = arith.constant dense<0.000000e+00> : vector<128xf32>
      %reduce_sum3A_2120 = vector.multi_reduction <add>, %mul3A_2118, %reduce_sum3A_2119 [0] : vector<256x128xf32> to vector<128xf32>
      %broadcast_in_dim3A_2121 = vector.shape_cast %reduce_sum3A_2120 : vector<128xf32> to vector<1x128xf32>
      %swap3A_2122 = arith.index_cast %add3A_2099 : i32 to index
      %swap3A_2123 = arith.constant 0 : index
      %swap3A_2124 = vector.load %arg8[%swap3A_2122, %swap3A_2123] : memref<1024x128xf32, #tpu.memory_space<vmem>>, vector<1x128xf32>
      tpu.vector_store %arg8[%swap3A_2122, %swap3A_2123], %broadcast_in_dim3A_2121 {strides = array<i32>} : memref<1024x128xf32, #tpu.memory_space<vmem>>, vector<1x128xf32>,
      %add3A_2125 = arith.constant 6 : i32
      %add3A_2126 = arith.addi %mul3A_1952, %add3A_2125 : i32
      %get3A_2127 = arith.index_cast %add3A_2126 : i32 to index
      %get3A_2128 = memref.load %arg0[%get3A_2127] : memref<1024xi32, #tpu.memory_space<smem>>
      %get3A_2129 = arith.index_cast %add3A_2126 : i32 to index
      %get3A_2130 = arith.constant 0 : index
      %get3A_2131 = vector.load %arg1[%get3A_2129, %get3A_2130] : memref<1024x128xf32, #tpu.memory_space<vmem>>, vector<1x128xf32>
      %swap3A_2132 = arith.constant 6 : index
      %swap3A_2133 = arith.index_cast %get3A_2128 : i32 to index
      %swap3A_2134 = arith.constant 0 : index
      %swap3A_2135 = vector.load %arg13[%swap3A_2132, %swap3A_2133, %swap3A_2134] : memref<16x256x128xf32, #tpu.memory_space<vmem>>, vector<1x1x128xf32>
      %swap3A_2136 = vector.shape_cast %swap3A_2135 : vector<1x1x128xf32> to vector<1x128xf32>
      %swap3A_2137 = vector.shape_cast %get3A_2131 : vector<1x128xf32> to vector<1x1x128xf32>
      tpu.vector_store %arg13[%swap3A_2132, %swap3A_2133, %swap3A_2134], %swap3A_2137 {strides = array<i32>} : memref<16x256x128xf32, #tpu.memory_space<vmem>>, vector<1x1x128xf32>,
      %get3A_2138 = arith.constant 6 : index
      %get3A_2139 = arith.constant 0 : index
      %get3A_2140 = arith.constant 0 : index
      %get3A_2141 = vector.load %arg13[%get3A_2138, %get3A_2139, %get3A_2140] : memref<16x256x128xf32, #tpu.memory_space<vmem>>, vector<1x256x128xf32>
      %get3A_2142 = vector.shape_cast %get3A_2141 : vector<1x256x128xf32> to vector<256x128xf32>
      %slice3A_2143 = vector.extract_strided_slice %transpose3A_1962 {offsets = [0, 6], sizes = [256, 1], strides = [1, 1]} : vector<256x16xf32> to vector<256x1xf32>
      %mul3A_2144 = vector.broadcast %slice3A_2143 : vector<256x1xf32> to vector<256x128xf32>
      %mul3A_2145 = arith.mulf %get3A_2142, %mul3A_2144 : vector<256x128xf32>
      %reduce_sum3A_2146 = arith.constant dense<0.000000e+00> : vector<128xf32>
      %reduce_sum3A_2147 = vector.multi_reduction <add>, %mul3A_2145, %reduce_sum3A_2146 [0] : vector<256x128xf32> to vector<128xf32>
      %broadcast_in_dim3A_2148 = vector.shape_cast %reduce_sum3A_2147 : vector<128xf32> to vector<1x128xf32>
      %swap3A_2149 = arith.index_cast %add3A_2126 : i32 to index
      %swap3A_2150 = arith.constant 0 : index
      %swap3A_2151 = vector.load %arg8[%swap3A_2149, %swap3A_2150] : memref<1024x128xf32, #tpu.memory_space<vmem>>, vector<1x128xf32>
      tpu.vector_store %arg8[%swap3A_2149, %swap3A_2150], %broadcast_in_dim3A_2148 {strides = array<i32>} : memref<1024x128xf32, #tpu.memory_space<vmem>>, vector<1x128xf32>,
      %add3A_2152 = arith.constant 7 : i32
      %add3A_2153 = arith.addi %mul3A_1952, %add3A_2152 : i32
      %get3A_2154 = arith.index_cast %add3A_2153 : i32 to index
      %get3A_2155 = memref.load %arg0[%get3A_2154] : memref<1024xi32, #tpu.memory_space<smem>>
      %get3A_2156 = arith.index_cast %add3A_2153 : i32 to index
      %get3A_2157 = arith.constant 0 : index
      %get3A_2158 = vector.load %arg1[%get3A_2156, %get3A_2157] : memref<1024x128xf32, #tpu.memory_space<vmem>>, vector<1x128xf32>
      %swap3A_2159 = arith.constant 7 : index
      %swap3A_2160 = arith.index_cast %get3A_2155 : i32 to index
      %swap3A_2161 = arith.constant 0 : index
      %swap3A_2162 = vector.load %arg13[%swap3A_2159, %swap3A_2160, %swap3A_2161] : memref<16x256x128xf32, #tpu.memory_space<vmem>>, vector<1x1x128xf32>
      %swap3A_2163 = vector.shape_cast %swap3A_2162 : vector<1x1x128xf32> to vector<1x128xf32>
      %swap3A_2164 = vector.shape_cast %get3A_2158 : vector<1x128xf32> to vector<1x1x128xf32>
      tpu.vector_store %arg13[%swap3A_2159, %swap3A_2160, %swap3A_2161], %swap3A_2164 {strides = array<i32>} : memref<16x256x128xf32, #tpu.memory_space<vmem>>, vector<1x1x128xf32>,
      %get3A_2165 = arith.constant 7 : index
      %get3A_2166 = arith.constant 0 : index
      %get3A_2167 = arith.constant 0 : index
      %get3A_2168 = vector.load %arg13[%get3A_2165, %get3A_2166, %get3A_2167] : memref<16x256x128xf32, #tpu.memory_space<vmem>>, vector<1x256x128xf32>
      %get3A_2169 = vector.shape_cast %get3A_2168 : vector<1x256x128xf32> to vector<256x128xf32>
      %slice3A_2170 = vector.extract_strided_slice %transpose3A_1962 {offsets = [0, 7], sizes = [256, 1], strides = [1, 1]} : vector<256x16xf32> to vector<256x1xf32>
      %mul3A_2171 = vector.broadcast %slice3A_2170 : vector<256x1xf32> to vector<256x128xf32>
      %mul3A_2172 = arith.mulf %get3A_2169, %mul3A_2171 : vector<256x128xf32>
      %reduce_sum3A_2173 = arith.constant dense<0.000000e+00> : vector<128xf32>
      %reduce_sum3A_2174 = vector.multi_reduction <add>, %mul3A_2172, %reduce_sum3A_2173 [0] : vector<256x128xf32> to vector<128xf32>
      %broadcast_in_dim3A_2175 = vector.shape_cast %reduce_sum3A_2174 : vector<128xf32> to vector<1x128xf32>
      %swap3A_2176 = arith.index_cast %add3A_2153 : i32 to index
      %swap3A_2177 = arith.constant 0 : index
      %swap3A_2178 = vector.load %arg8[%swap3A_2176, %swap3A_2177] : memref<1024x128xf32, #tpu.memory_space<vmem>>, vector<1x128xf32>
      tpu.vector_store %arg8[%swap3A_2176, %swap3A_2177], %broadcast_in_dim3A_2175 {strides = array<i32>} : memref<1024x128xf32, #tpu.memory_space<vmem>>, vector<1x128xf32>,
      %add3A_2179 = arith.constant 8 : i32
      %add3A_2180 = arith.addi %mul3A_1952, %add3A_2179 : i32
      %get3A_2181 = arith.index_cast %add3A_2180 : i32 to index
      %get3A_2182 = memref.load %arg0[%get3A_2181] : memref<1024xi32, #tpu.memory_space<smem>>
      %get3A_2183 = arith.index_cast %add3A_2180 : i32 to index
      %get3A_2184 = arith.constant 0 : index
      %get3A_2185 = vector.load %arg1[%get3A_2183, %get3A_2184] : memref<1024x128xf32, #tpu.memory_space<vmem>>, vector<1x128xf32>
      %swap3A_2186 = arith.constant 8 : index
      %swap3A_2187 = arith.index_cast %get3A_2182 : i32 to index
      %swap3A_2188 = arith.constant 0 : index
      %swap3A_2189 = vector.load %arg13[%swap3A_2186, %swap3A_2187, %swap3A_2188] : memref<16x256x128xf32, #tpu.memory_space<vmem>>, vector<1x1x128xf32>
      %swap3A_2190 = vector.shape_cast %swap3A_2189 : vector<1x1x128xf32> to vector<1x128xf32>
      %swap3A_2191 = vector.shape_cast %get3A_2185 : vector<1x128xf32> to vector<1x1x128xf32>
      tpu.vector_store %arg13[%swap3A_2186, %swap3A_2187, %swap3A_2188], %swap3A_2191 {strides = array<i32>} : memref<16x256x128xf32, #tpu.memory_space<vmem>>, vector<1x1x128xf32>,
      %get3A_2192 = arith.constant 8 : index
      %get3A_2193 = arith.constant 0 : index
      %get3A_2194 = arith.constant 0 : index
      %get3A_2195 = vector.load %arg13[%get3A_2192, %get3A_2193, %get3A_2194] : memref<16x256x128xf32, #tpu.memory_space<vmem>>, vector<1x256x128xf32>
      %get3A_2196 = vector.shape_cast %get3A_2195 : vector<1x256x128xf32> to vector<256x128xf32>
      %slice3A_2197 = vector.extract_strided_slice %transpose3A_1962 {offsets = [0, 8], sizes = [256, 1], strides = [1, 1]} : vector<256x16xf32> to vector<256x1xf32>
      %mul3A_2198 = vector.broadcast %slice3A_2197 : vector<256x1xf32> to vector<256x128xf32>
      %mul3A_2199 = arith.mulf %get3A_2196, %mul3A_2198 : vector<256x128xf32>
      %reduce_sum3A_2200 = arith.constant dense<0.000000e+00> : vector<128xf32>
      %reduce_sum3A_2201 = vector.multi_reduction <add>, %mul3A_2199, %reduce_sum3A_2200 [0] : vector<256x128xf32> to vector<128xf32>
      %broadcast_in_dim3A_2202 = vector.shape_cast %reduce_sum3A_2201 : vector<128xf32> to vector<1x128xf32>
      %swap3A_2203 = arith.index_cast %add3A_2180 : i32 to index
      %swap3A_2204 = arith.constant 0 : index
      %swap3A_2205 = vector.load %arg8[%swap3A_2203, %swap3A_2204] : memref<1024x128xf32, #tpu.memory_space<vmem>>, vector<1x128xf32>
      tpu.vector_store %arg8[%swap3A_2203, %swap3A_2204], %broadcast_in_dim3A_2202 {strides = array<i32>} : memref<1024x128xf32, #tpu.memory_space<vmem>>, vector<1x128xf32>,
      %add3A_2206 = arith.constant 9 : i32
      %add3A_2207 = arith.addi %mul3A_1952, %add3A_2206 : i32
      %get3A_2208 = arith.index_cast %add3A_2207 : i32 to index
      %get3A_2209 = memref.load %arg0[%get3A_2208] : memref<1024xi32, #tpu.memory_space<smem>>
      %get3A_2210 = arith.index_cast %add3A_2207 : i32 to index
      %get3A_2211 = arith.constant 0 : index
      %get3A_2212 = vector.load %arg1[%get3A_2210, %get3A_2211] : memref<1024x128xf32, #tpu.memory_space<vmem>>, vector<1x128xf32>
      %swap3A_2213 = arith.constant 9 : index
      %swap3A_2214 = arith.index_cast %get3A_2209 : i32 to index
      %swap3A_2215 = arith.constant 0 : index
      %swap3A_2216 = vector.load %arg13[%swap3A_2213, %swap3A_2214, %swap3A_2215] : memref<16x256x128xf32, #tpu.memory_space<vmem>>, vector<1x1x128xf32>
      %swap3A_2217 = vector.shape_cast %swap3A_2216 : vector<1x1x128xf32> to vector<1x128xf32>
      %swap3A_2218 = vector.shape_cast %get3A_2212 : vector<1x128xf32> to vector<1x1x128xf32>
      tpu.vector_store %arg13[%swap3A_2213, %swap3A_2214, %swap3A_2215], %swap3A_2218 {strides = array<i32>} : memref<16x256x128xf32, #tpu.memory_space<vmem>>, vector<1x1x128xf32>,
      %get3A_2219 = arith.constant 9 : index
      %get3A_2220 = arith.constant 0 : index
      %get3A_2221 = arith.constant 0 : index
      %get3A_2222 = vector.load %arg13[%get3A_2219, %get3A_2220, %get3A_2221] : memref<16x256x128xf32, #tpu.memory_space<vmem>>, vector<1x256x128xf32>
      %get3A_2223 = vector.shape_cast %get3A_2222 : vector<1x256x128xf32> to vector<256x128xf32>
      %slice3A_2224 = vector.extract_strided_slice %transpose3A_1962 {offsets = [0, 9], sizes = [256, 1], strides = [1, 1]} : vector<256x16xf32> to vector<256x1xf32>
      %mul3A_2225 = vector.broadcast %slice3A_2224 : vector<256x1xf32> to vector<256x128xf32>
      %mul3A_2226 = arith.mulf %get3A_2223, %mul3A_2225 : vector<256x128xf32>
      %reduce_sum3A_2227 = arith.constant dense<0.000000e+00> : vector<128xf32>
      %reduce_sum3A_2228 = vector.multi_reduction <add>, %mul3A_2226, %reduce_sum3A_2227 [0] : vector<256x128xf32> to vector<128xf32>
      %broadcast_in_dim3A_2229 = vector.shape_cast %reduce_sum3A_2228 : vector<128xf32> to vector<1x128xf32>
      %swap3A_2230 = arith.index_cast %add3A_2207 : i32 to index
      %swap3A_2231 = arith.constant 0 : index
      %swap3A_2232 = vector.load %arg8[%swap3A_2230, %swap3A_2231] : memref<1024x128xf32, #tpu.memory_space<vmem>>, vector<1x128xf32>
      tpu.vector_store %arg8[%swap3A_2230, %swap3A_2231], %broadcast_in_dim3A_2229 {strides = array<i32>} : memref<1024x128xf32, #tpu.memory_space<vmem>>, vector<1x128xf32>,
      %add3A_2233 = arith.constant 10 : i32
      %add3A_2234 = arith.addi %mul3A_1952, %add3A_2233 : i32
      %get3A_2235 = arith.index_cast %add3A_2234 : i32 to index
      %get3A_2236 = memref.load %arg0[%get3A_2235] : memref<1024xi32, #tpu.memory_space<smem>>
      %get3A_2237 = arith.index_cast %add3A_2234 : i32 to index
      %get3A_2238 = arith.constant 0 : index
      %get3A_2239 = vector.load %arg1[%get3A_2237, %get3A_2238] : memref<1024x128xf32, #tpu.memory_space<vmem>>, vector<1x128xf32>
      %swap3A_2240 = arith.constant 10 : index
      %swap3A_2241 = arith.index_cast %get3A_2236 : i32 to index
      %swap3A_2242 = arith.constant 0 : index
      %swap3A_2243 = vector.load %arg13[%swap3A_2240, %swap3A_2241, %swap3A_2242] : memref<16x256x128xf32, #tpu.memory_space<vmem>>, vector<1x1x128xf32>
      %swap3A_2244 = vector.shape_cast %swap3A_2243 : vector<1x1x128xf32> to vector<1x128xf32>
      %swap3A_2245 = vector.shape_cast %get3A_2239 : vector<1x128xf32> to vector<1x1x128xf32>
      tpu.vector_store %arg13[%swap3A_2240, %swap3A_2241, %swap3A_2242], %swap3A_2245 {strides = array<i32>} : memref<16x256x128xf32, #tpu.memory_space<vmem>>, vector<1x1x128xf32>,
      %get3A_2246 = arith.constant 10 : index
      %get3A_2247 = arith.constant 0 : index
      %get3A_2248 = arith.constant 0 : index
      %get3A_2249 = vector.load %arg13[%get3A_2246, %get3A_2247, %get3A_2248] : memref<16x256x128xf32, #tpu.memory_space<vmem>>, vector<1x256x128xf32>
      %get3A_2250 = vector.shape_cast %get3A_2249 : vector<1x256x128xf32> to vector<256x128xf32>
      %slice3A_2251 = vector.extract_strided_slice %transpose3A_1962 {offsets = [0, 10], sizes = [256, 1], strides = [1, 1]} : vector<256x16xf32> to vector<256x1xf32>
      %mul3A_2252 = vector.broadcast %slice3A_2251 : vector<256x1xf32> to vector<256x128xf32>
      %mul3A_2253 = arith.mulf %get3A_2250, %mul3A_2252 : vector<256x128xf32>
      %reduce_sum3A_2254 = arith.constant dense<0.000000e+00> : vector<128xf32>
      %reduce_sum3A_2255 = vector.multi_reduction <add>, %mul3A_2253, %reduce_sum3A_2254 [0] : vector<256x128xf32> to vector<128xf32>
      %broadcast_in_dim3A_2256 = vector.shape_cast %reduce_sum3A_2255 : vector<128xf32> to vector<1x128xf32>
      %swap3A_2257 = arith.index_cast %add3A_2234 : i32 to index
      %swap3A_2258 = arith.constant 0 : index
      %swap3A_2259 = vector.load %arg8[%swap3A_2257, %swap3A_2258] : memref<1024x128xf32, #tpu.memory_space<vmem>>, vector<1x128xf32>
      tpu.vector_store %arg8[%swap3A_2257, %swap3A_2258], %broadcast_in_dim3A_2256 {strides = array<i32>} : memref<1024x128xf32, #tpu.memory_space<vmem>>, vector<1x128xf32>,
      %add3A_2260 = arith.constant 11 : i32
      %add3A_2261 = arith.addi %mul3A_1952, %add3A_2260 : i32
      %get3A_2262 = arith.index_cast %add3A_2261 : i32 to index
      %get3A_2263 = memref.load %arg0[%get3A_2262] : memref<1024xi32, #tpu.memory_space<smem>>
      %get3A_2264 = arith.index_cast %add3A_2261 : i32 to index
      %get3A_2265 = arith.constant 0 : index
      %get3A_2266 = vector.load %arg1[%get3A_2264, %get3A_2265] : memref<1024x128xf32, #tpu.memory_space<vmem>>, vector<1x128xf32>
      %swap3A_2267 = arith.constant 11 : index
      %swap3A_2268 = arith.index_cast %get3A_2263 : i32 to index
      %swap3A_2269 = arith.constant 0 : index
      %swap3A_2270 = vector.load %arg13[%swap3A_2267, %swap3A_2268, %swap3A_2269] : memref<16x256x128xf32, #tpu.memory_space<vmem>>, vector<1x1x128xf32>
      %swap3A_2271 = vector.shape_cast %swap3A_2270 : vector<1x1x128xf32> to vector<1x128xf32>
      %swap3A_2272 = vector.shape_cast %get3A_2266 : vector<1x128xf32> to vector<1x1x128xf32>
      tpu.vector_store %arg13[%swap3A_2267, %swap3A_2268, %swap3A_2269], %swap3A_2272 {strides = array<i32>} : memref<16x256x128xf32, #tpu.memory_space<vmem>>, vector<1x1x128xf32>,
      %get3A_2273 = arith.constant 11 : index
      %get3A_2274 = arith.constant 0 : index
      %get3A_2275 = arith.constant 0 : index
      %get3A_2276 = vector.load %arg13[%get3A_2273, %get3A_2274, %get3A_2275] : memref<16x256x128xf32, #tpu.memory_space<vmem>>, vector<1x256x128xf32>
      %get3A_2277 = vector.shape_cast %get3A_2276 : vector<1x256x128xf32> to vector<256x128xf32>
      %slice3A_2278 = vector.extract_strided_slice %transpose3A_1962 {offsets = [0, 11], sizes = [256, 1], strides = [1, 1]} : vector<256x16xf32> to vector<256x1xf32>
      %mul3A_2279 = vector.broadcast %slice3A_2278 : vector<256x1xf32> to vector<256x128xf32>
      %mul3A_2280 = arith.mulf %get3A_2277, %mul3A_2279 : vector<256x128xf32>
      %reduce_sum3A_2281 = arith.constant dense<0.000000e+00> : vector<128xf32>
      %reduce_sum3A_2282 = vector.multi_reduction <add>, %mul3A_2280, %reduce_sum3A_2281 [0] : vector<256x128xf32> to vector<128xf32>
      %broadcast_in_dim3A_2283 = vector.shape_cast %reduce_sum3A_2282 : vector<128xf32> to vector<1x128xf32>
      %swap3A_2284 = arith.index_cast %add3A_2261 : i32 to index
      %swap3A_2285 = arith.constant 0 : index
      %swap3A_2286 = vector.load %arg8[%swap3A_2284, %swap3A_2285] : memref<1024x128xf32, #tpu.memory_space<vmem>>, vector<1x128xf32>
      tpu.vector_store %arg8[%swap3A_2284, %swap3A_2285], %broadcast_in_dim3A_2283 {strides = array<i32>} : memref<1024x128xf32, #tpu.memory_space<vmem>>, vector<1x128xf32>,
      %add3A_2287 = arith.constant 12 : i32
      %add3A_2288 = arith.addi %mul3A_1952, %add3A_2287 : i32
      %get3A_2289 = arith.index_cast %add3A_2288 : i32 to index
      %get3A_2290 = memref.load %arg0[%get3A_2289] : memref<1024xi32, #tpu.memory_space<smem>>
      %get3A_2291 = arith.index_cast %add3A_2288 : i32 to index
      %get3A_2292 = arith.constant 0 : index
      %get3A_2293 = vector.load %arg1[%get3A_2291, %get3A_2292] : memref<1024x128xf32, #tpu.memory_space<vmem>>, vector<1x128xf32>
      %swap3A_2294 = arith.constant 12 : index
      %swap3A_2295 = arith.index_cast %get3A_2290 : i32 to index
      %swap3A_2296 = arith.constant 0 : index
      %swap3A_2297 = vector.load %arg13[%swap3A_2294, %swap3A_2295, %swap3A_2296] : memref<16x256x128xf32, #tpu.memory_space<vmem>>, vector<1x1x128xf32>
      %swap3A_2298 = vector.shape_cast %swap3A_2297 : vector<1x1x128xf32> to vector<1x128xf32>
      %swap3A_2299 = vector.shape_cast %get3A_2293 : vector<1x128xf32> to vector<1x1x128xf32>
      tpu.vector_store %arg13[%swap3A_2294, %swap3A_2295, %swap3A_2296], %swap3A_2299 {strides = array<i32>} : memref<16x256x128xf32, #tpu.memory_space<vmem>>, vector<1x1x128xf32>,
      %get3A_2300 = arith.constant 12 : index
      %get3A_2301 = arith.constant 0 : index
      %get3A_2302 = arith.constant 0 : index
      %get3A_2303 = vector.load %arg13[%get3A_2300, %get3A_2301, %get3A_2302] : memref<16x256x128xf32, #tpu.memory_space<vmem>>, vector<1x256x128xf32>
      %get3A_2304 = vector.shape_cast %get3A_2303 : vector<1x256x128xf32> to vector<256x128xf32>
      %slice3A_2305 = vector.extract_strided_slice %transpose3A_1962 {offsets = [0, 12], sizes = [256, 1], strides = [1, 1]} : vector<256x16xf32> to vector<256x1xf32>
      %mul3A_2306 = vector.broadcast %slice3A_2305 : vector<256x1xf32> to vector<256x128xf32>
      %mul3A_2307 = arith.mulf %get3A_2304, %mul3A_2306 : vector<256x128xf32>
      %reduce_sum3A_2308 = arith.constant dense<0.000000e+00> : vector<128xf32>
      %reduce_sum3A_2309 = vector.multi_reduction <add>, %mul3A_2307, %reduce_sum3A_2308 [0] : vector<256x128xf32> to vector<128xf32>
      %broadcast_in_dim3A_2310 = vector.shape_cast %reduce_sum3A_2309 : vector<128xf32> to vector<1x128xf32>
      %swap3A_2311 = arith.index_cast %add3A_2288 : i32 to index
      %swap3A_2312 = arith.constant 0 : index
      %swap3A_2313 = vector.load %arg8[%swap3A_2311, %swap3A_2312] : memref<1024x128xf32, #tpu.memory_space<vmem>>, vector<1x128xf32>
      tpu.vector_store %arg8[%swap3A_2311, %swap3A_2312], %broadcast_in_dim3A_2310 {strides = array<i32>} : memref<1024x128xf32, #tpu.memory_space<vmem>>, vector<1x128xf32>,
      %add3A_2314 = arith.constant 13 : i32
      %add3A_2315 = arith.addi %mul3A_1952, %add3A_2314 : i32
      %get3A_2316 = arith.index_cast %add3A_2315 : i32 to index
      %get3A_2317 = memref.load %arg0[%get3A_2316] : memref<1024xi32, #tpu.memory_space<smem>>
      %get3A_2318 = arith.index_cast %add3A_2315 : i32 to index
      %get3A_2319 = arith.constant 0 : index
      %get3A_2320 = vector.load %arg1[%get3A_2318, %get3A_2319] : memref<1024x128xf32, #tpu.memory_space<vmem>>, vector<1x128xf32>
      %swap3A_2321 = arith.constant 13 : index
      %swap3A_2322 = arith.index_cast %get3A_2317 : i32 to index
      %swap3A_2323 = arith.constant 0 : index
      %swap3A_2324 = vector.load %arg13[%swap3A_2321, %swap3A_2322, %swap3A_2323] : memref<16x256x128xf32, #tpu.memory_space<vmem>>, vector<1x1x128xf32>
      %swap3A_2325 = vector.shape_cast %swap3A_2324 : vector<1x1x128xf32> to vector<1x128xf32>
      %swap3A_2326 = vector.shape_cast %get3A_2320 : vector<1x128xf32> to vector<1x1x128xf32>
      tpu.vector_store %arg13[%swap3A_2321, %swap3A_2322, %swap3A_2323], %swap3A_2326 {strides = array<i32>} : memref<16x256x128xf32, #tpu.memory_space<vmem>>, vector<1x1x128xf32>,
      %get3A_2327 = arith.constant 13 : index
      %get3A_2328 = arith.constant 0 : index
      %get3A_2329 = arith.constant 0 : index
      %get3A_2330 = vector.load %arg13[%get3A_2327, %get3A_2328, %get3A_2329] : memref<16x256x128xf32, #tpu.memory_space<vmem>>, vector<1x256x128xf32>
      %get3A_2331 = vector.shape_cast %get3A_2330 : vector<1x256x128xf32> to vector<256x128xf32>
      %slice3A_2332 = vector.extract_strided_slice %transpose3A_1962 {offsets = [0, 13], sizes = [256, 1], strides = [1, 1]} : vector<256x16xf32> to vector<256x1xf32>
      %mul3A_2333 = vector.broadcast %slice3A_2332 : vector<256x1xf32> to vector<256x128xf32>
      %mul3A_2334 = arith.mulf %get3A_2331, %mul3A_2333 : vector<256x128xf32>
      %reduce_sum3A_2335 = arith.constant dense<0.000000e+00> : vector<128xf32>
      %reduce_sum3A_2336 = vector.multi_reduction <add>, %mul3A_2334, %reduce_sum3A_2335 [0] : vector<256x128xf32> to vector<128xf32>
      %broadcast_in_dim3A_2337 = vector.shape_cast %reduce_sum3A_2336 : vector<128xf32> to vector<1x128xf32>
      %swap3A_2338 = arith.index_cast %add3A_2315 : i32 to index
      %swap3A_2339 = arith.constant 0 : index
      %swap3A_2340 = vector.load %arg8[%swap3A_2338, %swap3A_2339] : memref<1024x128xf32, #tpu.memory_space<vmem>>, vector<1x128xf32>
      tpu.vector_store %arg8[%swap3A_2338, %swap3A_2339], %broadcast_in_dim3A_2337 {strides = array<i32>} : memref<1024x128xf32, #tpu.memory_space<vmem>>, vector<1x128xf32>,
      %add3A_2341 = arith.constant 14 : i32
      %add3A_2342 = arith.addi %mul3A_1952, %add3A_2341 : i32
      %get3A_2343 = arith.index_cast %add3A_2342 : i32 to index
      %get3A_2344 = memref.load %arg0[%get3A_2343] : memref<1024xi32, #tpu.memory_space<smem>>
      %get3A_2345 = arith.index_cast %add3A_2342 : i32 to index
      %get3A_2346 = arith.constant 0 : index
      %get3A_2347 = vector.load %arg1[%get3A_2345, %get3A_2346] : memref<1024x128xf32, #tpu.memory_space<vmem>>, vector<1x128xf32>
      %swap3A_2348 = arith.constant 14 : index
      %swap3A_2349 = arith.index_cast %get3A_2344 : i32 to index
      %swap3A_2350 = arith.constant 0 : index
      %swap3A_2351 = vector.load %arg13[%swap3A_2348, %swap3A_2349, %swap3A_2350] : memref<16x256x128xf32, #tpu.memory_space<vmem>>, vector<1x1x128xf32>
      %swap3A_2352 = vector.shape_cast %swap3A_2351 : vector<1x1x128xf32> to vector<1x128xf32>
      %swap3A_2353 = vector.shape_cast %get3A_2347 : vector<1x128xf32> to vector<1x1x128xf32>
      tpu.vector_store %arg13[%swap3A_2348, %swap3A_2349, %swap3A_2350], %swap3A_2353 {strides = array<i32>} : memref<16x256x128xf32, #tpu.memory_space<vmem>>, vector<1x1x128xf32>,
      %get3A_2354 = arith.constant 14 : index
      %get3A_2355 = arith.constant 0 : index
      %get3A_2356 = arith.constant 0 : index
      %get3A_2357 = vector.load %arg13[%get3A_2354, %get3A_2355, %get3A_2356] : memref<16x256x128xf32, #tpu.memory_space<vmem>>, vector<1x256x128xf32>
      %get3A_2358 = vector.shape_cast %get3A_2357 : vector<1x256x128xf32> to vector<256x128xf32>
      %slice3A_2359 = vector.extract_strided_slice %transpose3A_1962 {offsets = [0, 14], sizes = [256, 1], strides = [1, 1]} : vector<256x16xf32> to vector<256x1xf32>
      %mul3A_2360 = vector.broadcast %slice3A_2359 : vector<256x1xf32> to vector<256x128xf32>
      %mul3A_2361 = arith.mulf %get3A_2358, %mul3A_2360 : vector<256x128xf32>
      %reduce_sum3A_2362 = arith.constant dense<0.000000e+00> : vector<128xf32>
      %reduce_sum3A_2363 = vector.multi_reduction <add>, %mul3A_2361, %reduce_sum3A_2362 [0] : vector<256x128xf32> to vector<128xf32>
      %broadcast_in_dim3A_2364 = vector.shape_cast %reduce_sum3A_2363 : vector<128xf32> to vector<1x128xf32>
      %swap3A_2365 = arith.index_cast %add3A_2342 : i32 to index
      %swap3A_2366 = arith.constant 0 : index
      %swap3A_2367 = vector.load %arg8[%swap3A_2365, %swap3A_2366] : memref<1024x128xf32, #tpu.memory_space<vmem>>, vector<1x128xf32>
      tpu.vector_store %arg8[%swap3A_2365, %swap3A_2366], %broadcast_in_dim3A_2364 {strides = array<i32>} : memref<1024x128xf32, #tpu.memory_space<vmem>>, vector<1x128xf32>,
      %add3A_2368 = arith.constant 15 : i32
      %add3A_2369 = arith.addi %mul3A_1952, %add3A_2368 : i32
      %get3A_2370 = arith.index_cast %add3A_2369 : i32 to index
      %get3A_2371 = memref.load %arg0[%get3A_2370] : memref<1024xi32, #tpu.memory_space<smem>>
      %get3A_2372 = arith.index_cast %add3A_2369 : i32 to index
      %get3A_2373 = arith.constant 0 : index
      %get3A_2374 = vector.load %arg1[%get3A_2372, %get3A_2373] : memref<1024x128xf32, #tpu.memory_space<vmem>>, vector<1x128xf32>
      %swap3A_2375 = arith.constant 15 : index
      %swap3A_2376 = arith.index_cast %get3A_2371 : i32 to index
      %swap3A_2377 = arith.constant 0 : index
      %swap3A_2378 = vector.load %arg13[%swap3A_2375, %swap3A_2376, %swap3A_2377] : memref<16x256x128xf32, #tpu.memory_space<vmem>>, vector<1x1x128xf32>
      %swap3A_2379 = vector.shape_cast %swap3A_2378 : vector<1x1x128xf32> to vector<1x128xf32>
      %swap3A_2380 = vector.shape_cast %get3A_2374 : vector<1x128xf32> to vector<1x1x128xf32>
      tpu.vector_store %arg13[%swap3A_2375, %swap3A_2376, %swap3A_2377], %swap3A_2380 {strides = array<i32>} : memref<16x256x128xf32, #tpu.memory_space<vmem>>, vector<1x1x128xf32>,
      %get3A_2381 = arith.constant 15 : index
      %get3A_2382 = arith.constant 0 : index
      %get3A_2383 = arith.constant 0 : index
      %get3A_2384 = vector.load %arg13[%get3A_2381, %get3A_2382, %get3A_2383] : memref<16x256x128xf32, #tpu.memory_space<vmem>>, vector<1x256x128xf32>
      %get3A_2385 = vector.shape_cast %get3A_2384 : vector<1x256x128xf32> to vector<256x128xf32>
      %slice3A_2386 = vector.extract_strided_slice %transpose3A_1962 {offsets = [0, 15], sizes = [256, 1], strides = [1, 1]} : vector<256x16xf32> to vector<256x1xf32>
      %mul3A_2387 = vector.broadcast %slice3A_2386 : vector<256x1xf32> to vector<256x128xf32>
      %mul3A_2388 = arith.mulf %get3A_2385, %mul3A_2387 : vector<256x128xf32>
      %reduce_sum3A_2389 = arith.constant dense<0.000000e+00> : vector<128xf32>
      %reduce_sum3A_2390 = vector.multi_reduction <add>, %mul3A_2388, %reduce_sum3A_2389 [0] : vector<256x128xf32> to vector<128xf32>
      %broadcast_in_dim3A_2391 = vector.shape_cast %reduce_sum3A_2390 : vector<128xf32> to vector<1x128xf32>
      %swap3A_2392 = arith.index_cast %add3A_2369 : i32 to index
      %swap3A_2393 = arith.constant 0 : index
      %swap3A_2394 = vector.load %arg8[%swap3A_2392, %swap3A_2393] : memref<1024x128xf32, #tpu.memory_space<vmem>>, vector<1x128xf32>
      tpu.vector_store %arg8[%swap3A_2392, %swap3A_2393], %broadcast_in_dim3A_2391 {strides = array<i32>} : memref<1024x128xf32, #tpu.memory_space<vmem>>, vector<1x128xf32>,
      %dma_start3A_2395 = arith.constant 4 : i32
      %dma_start3A_2396 = tpu.memref_slice %arg18[%dma_start3A_2395] : memref<8x!tpu.dma_semaphore, #tpu.memory_space<semaphore_mem>> -> memref<1x!tpu.dma_semaphore, #tpu.memory_space<semaphore_mem>>
      %dma_start3A_2397 = tpu.memref_squeeze %dma_start3A_2396 : memref<1x!tpu.dma_semaphore, #tpu.memory_space<semaphore_mem>> -> memref<!tpu.dma_semaphore, #tpu.memory_space<semaphore_mem>>
      %dma_start3A_2398 = arith.constant 0 : i32
      %dma_start3A_2399 = arith.constant 0 : i32
      %dma_start3A_2400 = tpu.memref_slice %arg6[%mul3A_1952, %dma_start3A_2398, %dma_start3A_2399] : memref<1024x256x128xf32, #tpu.memory_space<any>> -> memref<16x256x128xf32, #tpu.memory_space<any>>
      tpu.enqueue_dma source(%arg13 : memref<16x256x128xf32, #tpu.memory_space<vmem>>) target(%dma_start3A_2400 : memref<16x256x128xf32, #tpu.memory_space<any>>) target_semaphore(%dma_start3A_2397 : memref<!tpu.dma_semaphore, #tpu.memory_space<semaphore_mem>>)
      %add3A_2401 = arith.constant 4 : i32
      %add3A_2402 = arith.addi %add3A_1950, %add3A_2401 : i32
      %add3A_2403 = arith.constant 64 : i32
      %add3A_2404 = arith.addi %mul3A_1952, %add3A_2403 : i32
      %lt3A_2405 = arith.constant 64 : i32
      %lt3A_2406 = arith.cmpi slt, %add3A_2402, %lt3A_2405 : i32
      %convert_element_type3A_2407 = arith.extui %lt3A_2406 : i1 to i32
      %cond3A_2408 = arith.constant 0 : i32
      %cond3A_2409 = arith.cmpi ne, %convert_element_type3A_2407, %cond3A_2408 : i32
      scf.if %cond3A_2409 {
        %ge3A = arith.constant 8 : i32
        %ge3A_3799 = arith.cmpi sge, %add3A_2402, %ge3A : i32
        %convert_element_type3A_3800 = arith.extui %ge3A_3799 : i1 to i32
        %cond3A_3801 = arith.constant 0 : i32
        %cond3A_3802 = arith.cmpi ne, %convert_element_type3A_3800, %cond3A_3801 : i32
        scf.if %cond3A_3802 {
          %sub3A = arith.constant 128 : i32
          %sub3A_3809 = arith.subi %add3A_2404, %sub3A : i32
          %dma_wait3A_3810 = arith.constant 0 : i32
          %dma_wait3A_3811 = tpu.memref_slice %arg18[%dma_wait3A_3810] : memref<8x!tpu.dma_semaphore, #tpu.memory_space<semaphore_mem>> -> memref<1x!tpu.dma_semaphore, #tpu.memory_space<semaphore_mem>>
          %dma_wait3A_3812 = tpu.memref_squeeze %dma_wait3A_3811 : memref<1x!tpu.dma_semaphore, #tpu.memory_space<semaphore_mem>> -> memref<!tpu.dma_semaphore, #tpu.memory_space<semaphore_mem>>
          %dma_wait3A_3813 = arith.constant 0 : i32
          %dma_wait3A_3814 = arith.constant 0 : i32
          %dma_wait3A_3815 = tpu.memref_slice %arg6[%sub3A_3809, %dma_wait3A_3813, %dma_wait3A_3814] : memref<1024x256x128xf32, #tpu.memory_space<any>> -> memref<16x256x128xf32, #tpu.memory_space<any>>
          tpu.wait_dma2 semaphore(%dma_wait3A_3812 : memref<!tpu.dma_semaphore, #tpu.memory_space<semaphore_mem>>) src(%arg9 : memref<16x256x128xf32, #tpu.memory_space<vmem>>) dst(%dma_wait3A_3815 : memref<16x256x128xf32, #tpu.memory_space<any>>)
        } else {
        }
        %dma_start3A_3803 = arith.constant 0 : i32
        %dma_start3A_3804 = tpu.memref_slice %arg17[%dma_start3A_3803] : memref<8x!tpu.dma_semaphore, #tpu.memory_space<semaphore_mem>> -> memref<1x!tpu.dma_semaphore, #tpu.memory_space<semaphore_mem>>
        %dma_start3A_3805 = tpu.memref_squeeze %dma_start3A_3804 : memref<1x!tpu.dma_semaphore, #tpu.memory_space<semaphore_mem>> -> memref<!tpu.dma_semaphore, #tpu.memory_space<semaphore_mem>>
        %dma_start3A_3806 = arith.constant 0 : i32
        %dma_start3A_3807 = arith.constant 0 : i32
        %dma_start3A_3808 = tpu.memref_slice %arg5[%add3A_2404, %dma_start3A_3806, %dma_start3A_3807] : memref<1024x256x128xf32, #tpu.memory_space<any>> -> memref<16x256x128xf32, #tpu.memory_space<any>>
        tpu.enqueue_dma source(%dma_start3A_3808 : memref<16x256x128xf32, #tpu.memory_space<any>>) target(%arg9 : memref<16x256x128xf32, #tpu.memory_space<vmem>>) target_semaphore(%dma_start3A_3805 : memref<!tpu.dma_semaphore, #tpu.memory_space<semaphore_mem>>)
      } else {
      }
      %mul3A_2410 = arith.constant 8 : i32
      %mul3A_2411 = arith.muli %scan3A_102, %mul3A_2410 : i32
      %add3A_2412 = arith.constant 5 : i32
      %add3A_2413 = arith.addi %mul3A_2411, %add3A_2412 : i32
      %mul3A_2414 = arith.constant 16 : i32
      %mul3A_2415 = arith.muli %add3A_2413, %mul3A_2414 : i32
      %dma_wait3A_2416 = arith.constant 5 : i32
      %dma_wait3A_2417 = tpu.memref_slice %arg17[%dma_wait3A_2416] : memref<8x!tpu.dma_semaphore, #tpu.memory_space<semaphore_mem>> -> memref<1x!tpu.dma_semaphore, #tpu.memory_space<semaphore_mem>>
      %dma_wait3A_2418 = tpu.memref_squeeze %dma_wait3A_2417 : memref<1x!tpu.dma_semaphore, #tpu.memory_space<semaphore_mem>> -> memref<!tpu.dma_semaphore, #tpu.memory_space<semaphore_mem>>
      %dma_wait3A_2419 = arith.constant 0 : i32
      %dma_wait3A_2420 = arith.constant 0 : i32
      %dma_wait3A_2421 = tpu.memref_slice %arg5[%mul3A_2415, %dma_wait3A_2419, %dma_wait3A_2420] : memref<1024x256x128xf32, #tpu.memory_space<any>> -> memref<16x256x128xf32, #tpu.memory_space<any>>
      tpu.wait_dma2 semaphore(%dma_wait3A_2418 : memref<!tpu.dma_semaphore, #tpu.memory_space<semaphore_mem>>) src(%dma_wait3A_2421 : memref<16x256x128xf32, #tpu.memory_space<any>>) dst(%arg14 : memref<16x256x128xf32, #tpu.memory_space<vmem>>)
      %get3A_2422 = arith.index_cast %mul3A_2415 : i32 to index
      %get3A_2423 = arith.constant 0 : index
      %get3A_2424 = vector.load %arg4[%get3A_2422, %get3A_2423] : memref<1024x256xf32, #tpu.memory_space<vmem>>, vector<16x256xf32>
      %transpose3A_2425 = tpu.transpose %get3A_2424, [1, 0] : vector<16x256xf32> -> vector<256x16xf32>
      %add3A_2426 = arith.constant 0 : i32
      %add3A_2427 = arith.addi %mul3A_2415, %add3A_2426 : i32
      %get3A_2428 = arith.index_cast %add3A_2427 : i32 to index
      %get3A_2429 = memref.load %arg0[%get3A_2428] : memref<1024xi32, #tpu.memory_space<smem>>
      %get3A_2430 = arith.index_cast %add3A_2427 : i32 to index
      %get3A_2431 = arith.constant 0 : index
      %get3A_2432 = vector.load %arg1[%get3A_2430, %get3A_2431] : memref<1024x128xf32, #tpu.memory_space<vmem>>, vector<1x128xf32>
      %swap3A_2433 = arith.constant 0 : index
      %swap3A_2434 = arith.index_cast %get3A_2429 : i32 to index
      %swap3A_2435 = arith.constant 0 : index
      %swap3A_2436 = vector.load %arg14[%swap3A_2433, %swap3A_2434, %swap3A_2435] : memref<16x256x128xf32, #tpu.memory_space<vmem>>, vector<1x1x128xf32>
      %swap3A_2437 = vector.shape_cast %swap3A_2436 : vector<1x1x128xf32> to vector<1x128xf32>
      %swap3A_2438 = vector.shape_cast %get3A_2432 : vector<1x128xf32> to vector<1x1x128xf32>
      tpu.vector_store %arg14[%swap3A_2433, %swap3A_2434, %swap3A_2435], %swap3A_2438 {strides = array<i32>} : memref<16x256x128xf32, #tpu.memory_space<vmem>>, vector<1x1x128xf32>,
      %get3A_2439 = arith.constant 0 : index
      %get3A_2440 = arith.constant 0 : index
      %get3A_2441 = arith.constant 0 : index
      %get3A_2442 = vector.load %arg14[%get3A_2439, %get3A_2440, %get3A_2441] : memref<16x256x128xf32, #tpu.memory_space<vmem>>, vector<1x256x128xf32>
      %get3A_2443 = vector.shape_cast %get3A_2442 : vector<1x256x128xf32> to vector<256x128xf32>
      %slice3A_2444 = vector.extract_strided_slice %transpose3A_2425 {offsets = [0, 0], sizes = [256, 1], strides = [1, 1]} : vector<256x16xf32> to vector<256x1xf32>
      %mul3A_2445 = vector.broadcast %slice3A_2444 : vector<256x1xf32> to vector<256x128xf32>
      %mul3A_2446 = arith.mulf %get3A_2443, %mul3A_2445 : vector<256x128xf32>
      %reduce_sum3A_2447 = arith.constant dense<0.000000e+00> : vector<128xf32>
      %reduce_sum3A_2448 = vector.multi_reduction <add>, %mul3A_2446, %reduce_sum3A_2447 [0] : vector<256x128xf32> to vector<128xf32>
      %broadcast_in_dim3A_2449 = vector.shape_cast %reduce_sum3A_2448 : vector<128xf32> to vector<1x128xf32>
      %swap3A_2450 = arith.index_cast %add3A_2427 : i32 to index
      %swap3A_2451 = arith.constant 0 : index
      %swap3A_2452 = vector.load %arg8[%swap3A_2450, %swap3A_2451] : memref<1024x128xf32, #tpu.memory_space<vmem>>, vector<1x128xf32>
      tpu.vector_store %arg8[%swap3A_2450, %swap3A_2451], %broadcast_in_dim3A_2449 {strides = array<i32>} : memref<1024x128xf32, #tpu.memory_space<vmem>>, vector<1x128xf32>,
      %add3A_2453 = arith.constant 1 : i32
      %add3A_2454 = arith.addi %mul3A_2415, %add3A_2453 : i32
      %get3A_2455 = arith.index_cast %add3A_2454 : i32 to index
      %get3A_2456 = memref.load %arg0[%get3A_2455] : memref<1024xi32, #tpu.memory_space<smem>>
      %get3A_2457 = arith.index_cast %add3A_2454 : i32 to index
      %get3A_2458 = arith.constant 0 : index
      %get3A_2459 = vector.load %arg1[%get3A_2457, %get3A_2458] : memref<1024x128xf32, #tpu.memory_space<vmem>>, vector<1x128xf32>
      %swap3A_2460 = arith.constant 1 : index
      %swap3A_2461 = arith.index_cast %get3A_2456 : i32 to index
      %swap3A_2462 = arith.constant 0 : index
      %swap3A_2463 = vector.load %arg14[%swap3A_2460, %swap3A_2461, %swap3A_2462] : memref<16x256x128xf32, #tpu.memory_space<vmem>>, vector<1x1x128xf32>
      %swap3A_2464 = vector.shape_cast %swap3A_2463 : vector<1x1x128xf32> to vector<1x128xf32>
      %swap3A_2465 = vector.shape_cast %get3A_2459 : vector<1x128xf32> to vector<1x1x128xf32>
      tpu.vector_store %arg14[%swap3A_2460, %swap3A_2461, %swap3A_2462], %swap3A_2465 {strides = array<i32>} : memref<16x256x128xf32, #tpu.memory_space<vmem>>, vector<1x1x128xf32>,
      %get3A_2466 = arith.constant 1 : index
      %get3A_2467 = arith.constant 0 : index
      %get3A_2468 = arith.constant 0 : index
      %get3A_2469 = vector.load %arg14[%get3A_2466, %get3A_2467, %get3A_2468] : memref<16x256x128xf32, #tpu.memory_space<vmem>>, vector<1x256x128xf32>
      %get3A_2470 = vector.shape_cast %get3A_2469 : vector<1x256x128xf32> to vector<256x128xf32>
      %slice3A_2471 = vector.extract_strided_slice %transpose3A_2425 {offsets = [0, 1], sizes = [256, 1], strides = [1, 1]} : vector<256x16xf32> to vector<256x1xf32>
      %mul3A_2472 = vector.broadcast %slice3A_2471 : vector<256x1xf32> to vector<256x128xf32>
      %mul3A_2473 = arith.mulf %get3A_2470, %mul3A_2472 : vector<256x128xf32>
      %reduce_sum3A_2474 = arith.constant dense<0.000000e+00> : vector<128xf32>
      %reduce_sum3A_2475 = vector.multi_reduction <add>, %mul3A_2473, %reduce_sum3A_2474 [0] : vector<256x128xf32> to vector<128xf32>
      %broadcast_in_dim3A_2476 = vector.shape_cast %reduce_sum3A_2475 : vector<128xf32> to vector<1x128xf32>
      %swap3A_2477 = arith.index_cast %add3A_2454 : i32 to index
      %swap3A_2478 = arith.constant 0 : index
      %swap3A_2479 = vector.load %arg8[%swap3A_2477, %swap3A_2478] : memref<1024x128xf32, #tpu.memory_space<vmem>>, vector<1x128xf32>
      tpu.vector_store %arg8[%swap3A_2477, %swap3A_2478], %broadcast_in_dim3A_2476 {strides = array<i32>} : memref<1024x128xf32, #tpu.memory_space<vmem>>, vector<1x128xf32>,
      %add3A_2480 = arith.constant 2 : i32
      %add3A_2481 = arith.addi %mul3A_2415, %add3A_2480 : i32
      %get3A_2482 = arith.index_cast %add3A_2481 : i32 to index
      %get3A_2483 = memref.load %arg0[%get3A_2482] : memref<1024xi32, #tpu.memory_space<smem>>
      %get3A_2484 = arith.index_cast %add3A_2481 : i32 to index
      %get3A_2485 = arith.constant 0 : index
      %get3A_2486 = vector.load %arg1[%get3A_2484, %get3A_2485] : memref<1024x128xf32, #tpu.memory_space<vmem>>, vector<1x128xf32>
      %swap3A_2487 = arith.constant 2 : index
      %swap3A_2488 = arith.index_cast %get3A_2483 : i32 to index
      %swap3A_2489 = arith.constant 0 : index
      %swap3A_2490 = vector.load %arg14[%swap3A_2487, %swap3A_2488, %swap3A_2489] : memref<16x256x128xf32, #tpu.memory_space<vmem>>, vector<1x1x128xf32>
      %swap3A_2491 = vector.shape_cast %swap3A_2490 : vector<1x1x128xf32> to vector<1x128xf32>
      %swap3A_2492 = vector.shape_cast %get3A_2486 : vector<1x128xf32> to vector<1x1x128xf32>
      tpu.vector_store %arg14[%swap3A_2487, %swap3A_2488, %swap3A_2489], %swap3A_2492 {strides = array<i32>} : memref<16x256x128xf32, #tpu.memory_space<vmem>>, vector<1x1x128xf32>,
      %get3A_2493 = arith.constant 2 : index
      %get3A_2494 = arith.constant 0 : index
      %get3A_2495 = arith.constant 0 : index
      %get3A_2496 = vector.load %arg14[%get3A_2493, %get3A_2494, %get3A_2495] : memref<16x256x128xf32, #tpu.memory_space<vmem>>, vector<1x256x128xf32>
      %get3A_2497 = vector.shape_cast %get3A_2496 : vector<1x256x128xf32> to vector<256x128xf32>
      %slice3A_2498 = vector.extract_strided_slice %transpose3A_2425 {offsets = [0, 2], sizes = [256, 1], strides = [1, 1]} : vector<256x16xf32> to vector<256x1xf32>
      %mul3A_2499 = vector.broadcast %slice3A_2498 : vector<256x1xf32> to vector<256x128xf32>
      %mul3A_2500 = arith.mulf %get3A_2497, %mul3A_2499 : vector<256x128xf32>
      %reduce_sum3A_2501 = arith.constant dense<0.000000e+00> : vector<128xf32>
      %reduce_sum3A_2502 = vector.multi_reduction <add>, %mul3A_2500, %reduce_sum3A_2501 [0] : vector<256x128xf32> to vector<128xf32>
      %broadcast_in_dim3A_2503 = vector.shape_cast %reduce_sum3A_2502 : vector<128xf32> to vector<1x128xf32>
      %swap3A_2504 = arith.index_cast %add3A_2481 : i32 to index
      %swap3A_2505 = arith.constant 0 : index
      %swap3A_2506 = vector.load %arg8[%swap3A_2504, %swap3A_2505] : memref<1024x128xf32, #tpu.memory_space<vmem>>, vector<1x128xf32>
      tpu.vector_store %arg8[%swap3A_2504, %swap3A_2505], %broadcast_in_dim3A_2503 {strides = array<i32>} : memref<1024x128xf32, #tpu.memory_space<vmem>>, vector<1x128xf32>,
      %add3A_2507 = arith.constant 3 : i32
      %add3A_2508 = arith.addi %mul3A_2415, %add3A_2507 : i32
      %get3A_2509 = arith.index_cast %add3A_2508 : i32 to index
      %get3A_2510 = memref.load %arg0[%get3A_2509] : memref<1024xi32, #tpu.memory_space<smem>>
      %get3A_2511 = arith.index_cast %add3A_2508 : i32 to index
      %get3A_2512 = arith.constant 0 : index
      %get3A_2513 = vector.load %arg1[%get3A_2511, %get3A_2512] : memref<1024x128xf32, #tpu.memory_space<vmem>>, vector<1x128xf32>
      %swap3A_2514 = arith.constant 3 : index
      %swap3A_2515 = arith.index_cast %get3A_2510 : i32 to index
      %swap3A_2516 = arith.constant 0 : index
      %swap3A_2517 = vector.load %arg14[%swap3A_2514, %swap3A_2515, %swap3A_2516] : memref<16x256x128xf32, #tpu.memory_space<vmem>>, vector<1x1x128xf32>
      %swap3A_2518 = vector.shape_cast %swap3A_2517 : vector<1x1x128xf32> to vector<1x128xf32>
      %swap3A_2519 = vector.shape_cast %get3A_2513 : vector<1x128xf32> to vector<1x1x128xf32>
      tpu.vector_store %arg14[%swap3A_2514, %swap3A_2515, %swap3A_2516], %swap3A_2519 {strides = array<i32>} : memref<16x256x128xf32, #tpu.memory_space<vmem>>, vector<1x1x128xf32>,
      %get3A_2520 = arith.constant 3 : index
      %get3A_2521 = arith.constant 0 : index
      %get3A_2522 = arith.constant 0 : index
      %get3A_2523 = vector.load %arg14[%get3A_2520, %get3A_2521, %get3A_2522] : memref<16x256x128xf32, #tpu.memory_space<vmem>>, vector<1x256x128xf32>
      %get3A_2524 = vector.shape_cast %get3A_2523 : vector<1x256x128xf32> to vector<256x128xf32>
      %slice3A_2525 = vector.extract_strided_slice %transpose3A_2425 {offsets = [0, 3], sizes = [256, 1], strides = [1, 1]} : vector<256x16xf32> to vector<256x1xf32>
      %mul3A_2526 = vector.broadcast %slice3A_2525 : vector<256x1xf32> to vector<256x128xf32>
      %mul3A_2527 = arith.mulf %get3A_2524, %mul3A_2526 : vector<256x128xf32>
      %reduce_sum3A_2528 = arith.constant dense<0.000000e+00> : vector<128xf32>
      %reduce_sum3A_2529 = vector.multi_reduction <add>, %mul3A_2527, %reduce_sum3A_2528 [0] : vector<256x128xf32> to vector<128xf32>
      %broadcast_in_dim3A_2530 = vector.shape_cast %reduce_sum3A_2529 : vector<128xf32> to vector<1x128xf32>
      %swap3A_2531 = arith.index_cast %add3A_2508 : i32 to index
      %swap3A_2532 = arith.constant 0 : index
      %swap3A_2533 = vector.load %arg8[%swap3A_2531, %swap3A_2532] : memref<1024x128xf32, #tpu.memory_space<vmem>>, vector<1x128xf32>
      tpu.vector_store %arg8[%swap3A_2531, %swap3A_2532], %broadcast_in_dim3A_2530 {strides = array<i32>} : memref<1024x128xf32, #tpu.memory_space<vmem>>, vector<1x128xf32>,
      %add3A_2534 = arith.constant 4 : i32
      %add3A_2535 = arith.addi %mul3A_2415, %add3A_2534 : i32
      %get3A_2536 = arith.index_cast %add3A_2535 : i32 to index
      %get3A_2537 = memref.load %arg0[%get3A_2536] : memref<1024xi32, #tpu.memory_space<smem>>
      %get3A_2538 = arith.index_cast %add3A_2535 : i32 to index
      %get3A_2539 = arith.constant 0 : index
      %get3A_2540 = vector.load %arg1[%get3A_2538, %get3A_2539] : memref<1024x128xf32, #tpu.memory_space<vmem>>, vector<1x128xf32>
      %swap3A_2541 = arith.constant 4 : index
      %swap3A_2542 = arith.index_cast %get3A_2537 : i32 to index
      %swap3A_2543 = arith.constant 0 : index
      %swap3A_2544 = vector.load %arg14[%swap3A_2541, %swap3A_2542, %swap3A_2543] : memref<16x256x128xf32, #tpu.memory_space<vmem>>, vector<1x1x128xf32>
      %swap3A_2545 = vector.shape_cast %swap3A_2544 : vector<1x1x128xf32> to vector<1x128xf32>
      %swap3A_2546 = vector.shape_cast %get3A_2540 : vector<1x128xf32> to vector<1x1x128xf32>
      tpu.vector_store %arg14[%swap3A_2541, %swap3A_2542, %swap3A_2543], %swap3A_2546 {strides = array<i32>} : memref<16x256x128xf32, #tpu.memory_space<vmem>>, vector<1x1x128xf32>,
      %get3A_2547 = arith.constant 4 : index
      %get3A_2548 = arith.constant 0 : index
      %get3A_2549 = arith.constant 0 : index
      %get3A_2550 = vector.load %arg14[%get3A_2547, %get3A_2548, %get3A_2549] : memref<16x256x128xf32, #tpu.memory_space<vmem>>, vector<1x256x128xf32>
      %get3A_2551 = vector.shape_cast %get3A_2550 : vector<1x256x128xf32> to vector<256x128xf32>
      %slice3A_2552 = vector.extract_strided_slice %transpose3A_2425 {offsets = [0, 4], sizes = [256, 1], strides = [1, 1]} : vector<256x16xf32> to vector<256x1xf32>
      %mul3A_2553 = vector.broadcast %slice3A_2552 : vector<256x1xf32> to vector<256x128xf32>
      %mul3A_2554 = arith.mulf %get3A_2551, %mul3A_2553 : vector<256x128xf32>
      %reduce_sum3A_2555 = arith.constant dense<0.000000e+00> : vector<128xf32>
      %reduce_sum3A_2556 = vector.multi_reduction <add>, %mul3A_2554, %reduce_sum3A_2555 [0] : vector<256x128xf32> to vector<128xf32>
      %broadcast_in_dim3A_2557 = vector.shape_cast %reduce_sum3A_2556 : vector<128xf32> to vector<1x128xf32>
      %swap3A_2558 = arith.index_cast %add3A_2535 : i32 to index
      %swap3A_2559 = arith.constant 0 : index
      %swap3A_2560 = vector.load %arg8[%swap3A_2558, %swap3A_2559] : memref<1024x128xf32, #tpu.memory_space<vmem>>, vector<1x128xf32>
      tpu.vector_store %arg8[%swap3A_2558, %swap3A_2559], %broadcast_in_dim3A_2557 {strides = array<i32>} : memref<1024x128xf32, #tpu.memory_space<vmem>>, vector<1x128xf32>,
      %add3A_2561 = arith.constant 5 : i32
      %add3A_2562 = arith.addi %mul3A_2415, %add3A_2561 : i32
      %get3A_2563 = arith.index_cast %add3A_2562 : i32 to index
      %get3A_2564 = memref.load %arg0[%get3A_2563] : memref<1024xi32, #tpu.memory_space<smem>>
      %get3A_2565 = arith.index_cast %add3A_2562 : i32 to index
      %get3A_2566 = arith.constant 0 : index
      %get3A_2567 = vector.load %arg1[%get3A_2565, %get3A_2566] : memref<1024x128xf32, #tpu.memory_space<vmem>>, vector<1x128xf32>
      %swap3A_2568 = arith.constant 5 : index
      %swap3A_2569 = arith.index_cast %get3A_2564 : i32 to index
      %swap3A_2570 = arith.constant 0 : index
      %swap3A_2571 = vector.load %arg14[%swap3A_2568, %swap3A_2569, %swap3A_2570] : memref<16x256x128xf32, #tpu.memory_space<vmem>>, vector<1x1x128xf32>
      %swap3A_2572 = vector.shape_cast %swap3A_2571 : vector<1x1x128xf32> to vector<1x128xf32>
      %swap3A_2573 = vector.shape_cast %get3A_2567 : vector<1x128xf32> to vector<1x1x128xf32>
      tpu.vector_store %arg14[%swap3A_2568, %swap3A_2569, %swap3A_2570], %swap3A_2573 {strides = array<i32>} : memref<16x256x128xf32, #tpu.memory_space<vmem>>, vector<1x1x128xf32>,
      %get3A_2574 = arith.constant 5 : index
      %get3A_2575 = arith.constant 0 : index
      %get3A_2576 = arith.constant 0 : index
      %get3A_2577 = vector.load %arg14[%get3A_2574, %get3A_2575, %get3A_2576] : memref<16x256x128xf32, #tpu.memory_space<vmem>>, vector<1x256x128xf32>
      %get3A_2578 = vector.shape_cast %get3A_2577 : vector<1x256x128xf32> to vector<256x128xf32>
      %slice3A_2579 = vector.extract_strided_slice %transpose3A_2425 {offsets = [0, 5], sizes = [256, 1], strides = [1, 1]} : vector<256x16xf32> to vector<256x1xf32>
      %mul3A_2580 = vector.broadcast %slice3A_2579 : vector<256x1xf32> to vector<256x128xf32>
      %mul3A_2581 = arith.mulf %get3A_2578, %mul3A_2580 : vector<256x128xf32>
      %reduce_sum3A_2582 = arith.constant dense<0.000000e+00> : vector<128xf32>
      %reduce_sum3A_2583 = vector.multi_reduction <add>, %mul3A_2581, %reduce_sum3A_2582 [0] : vector<256x128xf32> to vector<128xf32>
      %broadcast_in_dim3A_2584 = vector.shape_cast %reduce_sum3A_2583 : vector<128xf32> to vector<1x128xf32>
      %swap3A_2585 = arith.index_cast %add3A_2562 : i32 to index
      %swap3A_2586 = arith.constant 0 : index
      %swap3A_2587 = vector.load %arg8[%swap3A_2585, %swap3A_2586] : memref<1024x128xf32, #tpu.memory_space<vmem>>, vector<1x128xf32>
      tpu.vector_store %arg8[%swap3A_2585, %swap3A_2586], %broadcast_in_dim3A_2584 {strides = array<i32>} : memref<1024x128xf32, #tpu.memory_space<vmem>>, vector<1x128xf32>,
      %add3A_2588 = arith.constant 6 : i32
      %add3A_2589 = arith.addi %mul3A_2415, %add3A_2588 : i32
      %get3A_2590 = arith.index_cast %add3A_2589 : i32 to index
      %get3A_2591 = memref.load %arg0[%get3A_2590] : memref<1024xi32, #tpu.memory_space<smem>>
      %get3A_2592 = arith.index_cast %add3A_2589 : i32 to index
      %get3A_2593 = arith.constant 0 : index
      %get3A_2594 = vector.load %arg1[%get3A_2592, %get3A_2593] : memref<1024x128xf32, #tpu.memory_space<vmem>>, vector<1x128xf32>
      %swap3A_2595 = arith.constant 6 : index
      %swap3A_2596 = arith.index_cast %get3A_2591 : i32 to index
      %swap3A_2597 = arith.constant 0 : index
      %swap3A_2598 = vector.load %arg14[%swap3A_2595, %swap3A_2596, %swap3A_2597] : memref<16x256x128xf32, #tpu.memory_space<vmem>>, vector<1x1x128xf32>
      %swap3A_2599 = vector.shape_cast %swap3A_2598 : vector<1x1x128xf32> to vector<1x128xf32>
      %swap3A_2600 = vector.shape_cast %get3A_2594 : vector<1x128xf32> to vector<1x1x128xf32>
      tpu.vector_store %arg14[%swap3A_2595, %swap3A_2596, %swap3A_2597], %swap3A_2600 {strides = array<i32>} : memref<16x256x128xf32, #tpu.memory_space<vmem>>, vector<1x1x128xf32>,
      %get3A_2601 = arith.constant 6 : index
      %get3A_2602 = arith.constant 0 : index
      %get3A_2603 = arith.constant 0 : index
      %get3A_2604 = vector.load %arg14[%get3A_2601, %get3A_2602, %get3A_2603] : memref<16x256x128xf32, #tpu.memory_space<vmem>>, vector<1x256x128xf32>
      %get3A_2605 = vector.shape_cast %get3A_2604 : vector<1x256x128xf32> to vector<256x128xf32>
      %slice3A_2606 = vector.extract_strided_slice %transpose3A_2425 {offsets = [0, 6], sizes = [256, 1], strides = [1, 1]} : vector<256x16xf32> to vector<256x1xf32>
      %mul3A_2607 = vector.broadcast %slice3A_2606 : vector<256x1xf32> to vector<256x128xf32>
      %mul3A_2608 = arith.mulf %get3A_2605, %mul3A_2607 : vector<256x128xf32>
      %reduce_sum3A_2609 = arith.constant dense<0.000000e+00> : vector<128xf32>
      %reduce_sum3A_2610 = vector.multi_reduction <add>, %mul3A_2608, %reduce_sum3A_2609 [0] : vector<256x128xf32> to vector<128xf32>
      %broadcast_in_dim3A_2611 = vector.shape_cast %reduce_sum3A_2610 : vector<128xf32> to vector<1x128xf32>
      %swap3A_2612 = arith.index_cast %add3A_2589 : i32 to index
      %swap3A_2613 = arith.constant 0 : index
      %swap3A_2614 = vector.load %arg8[%swap3A_2612, %swap3A_2613] : memref<1024x128xf32, #tpu.memory_space<vmem>>, vector<1x128xf32>
      tpu.vector_store %arg8[%swap3A_2612, %swap3A_2613], %broadcast_in_dim3A_2611 {strides = array<i32>} : memref<1024x128xf32, #tpu.memory_space<vmem>>, vector<1x128xf32>,
      %add3A_2615 = arith.constant 7 : i32
      %add3A_2616 = arith.addi %mul3A_2415, %add3A_2615 : i32
      %get3A_2617 = arith.index_cast %add3A_2616 : i32 to index
      %get3A_2618 = memref.load %arg0[%get3A_2617] : memref<1024xi32, #tpu.memory_space<smem>>
      %get3A_2619 = arith.index_cast %add3A_2616 : i32 to index
      %get3A_2620 = arith.constant 0 : index
      %get3A_2621 = vector.load %arg1[%get3A_2619, %get3A_2620] : memref<1024x128xf32, #tpu.memory_space<vmem>>, vector<1x128xf32>
      %swap3A_2622 = arith.constant 7 : index
      %swap3A_2623 = arith.index_cast %get3A_2618 : i32 to index
      %swap3A_2624 = arith.constant 0 : index
      %swap3A_2625 = vector.load %arg14[%swap3A_2622, %swap3A_2623, %swap3A_2624] : memref<16x256x128xf32, #tpu.memory_space<vmem>>, vector<1x1x128xf32>
      %swap3A_2626 = vector.shape_cast %swap3A_2625 : vector<1x1x128xf32> to vector<1x128xf32>
      %swap3A_2627 = vector.shape_cast %get3A_2621 : vector<1x128xf32> to vector<1x1x128xf32>
      tpu.vector_store %arg14[%swap3A_2622, %swap3A_2623, %swap3A_2624], %swap3A_2627 {strides = array<i32>} : memref<16x256x128xf32, #tpu.memory_space<vmem>>, vector<1x1x128xf32>,
      %get3A_2628 = arith.constant 7 : index
      %get3A_2629 = arith.constant 0 : index
      %get3A_2630 = arith.constant 0 : index
      %get3A_2631 = vector.load %arg14[%get3A_2628, %get3A_2629, %get3A_2630] : memref<16x256x128xf32, #tpu.memory_space<vmem>>, vector<1x256x128xf32>
      %get3A_2632 = vector.shape_cast %get3A_2631 : vector<1x256x128xf32> to vector<256x128xf32>
      %slice3A_2633 = vector.extract_strided_slice %transpose3A_2425 {offsets = [0, 7], sizes = [256, 1], strides = [1, 1]} : vector<256x16xf32> to vector<256x1xf32>
      %mul3A_2634 = vector.broadcast %slice3A_2633 : vector<256x1xf32> to vector<256x128xf32>
      %mul3A_2635 = arith.mulf %get3A_2632, %mul3A_2634 : vector<256x128xf32>
      %reduce_sum3A_2636 = arith.constant dense<0.000000e+00> : vector<128xf32>
      %reduce_sum3A_2637 = vector.multi_reduction <add>, %mul3A_2635, %reduce_sum3A_2636 [0] : vector<256x128xf32> to vector<128xf32>
      %broadcast_in_dim3A_2638 = vector.shape_cast %reduce_sum3A_2637 : vector<128xf32> to vector<1x128xf32>
      %swap3A_2639 = arith.index_cast %add3A_2616 : i32 to index
      %swap3A_2640 = arith.constant 0 : index
      %swap3A_2641 = vector.load %arg8[%swap3A_2639, %swap3A_2640] : memref<1024x128xf32, #tpu.memory_space<vmem>>, vector<1x128xf32>
      tpu.vector_store %arg8[%swap3A_2639, %swap3A_2640], %broadcast_in_dim3A_2638 {strides = array<i32>} : memref<1024x128xf32, #tpu.memory_space<vmem>>, vector<1x128xf32>,
      %add3A_2642 = arith.constant 8 : i32
      %add3A_2643 = arith.addi %mul3A_2415, %add3A_2642 : i32
      %get3A_2644 = arith.index_cast %add3A_2643 : i32 to index
      %get3A_2645 = memref.load %arg0[%get3A_2644] : memref<1024xi32, #tpu.memory_space<smem>>
      %get3A_2646 = arith.index_cast %add3A_2643 : i32 to index
      %get3A_2647 = arith.constant 0 : index
      %get3A_2648 = vector.load %arg1[%get3A_2646, %get3A_2647] : memref<1024x128xf32, #tpu.memory_space<vmem>>, vector<1x128xf32>
      %swap3A_2649 = arith.constant 8 : index
      %swap3A_2650 = arith.index_cast %get3A_2645 : i32 to index
      %swap3A_2651 = arith.constant 0 : index
      %swap3A_2652 = vector.load %arg14[%swap3A_2649, %swap3A_2650, %swap3A_2651] : memref<16x256x128xf32, #tpu.memory_space<vmem>>, vector<1x1x128xf32>
      %swap3A_2653 = vector.shape_cast %swap3A_2652 : vector<1x1x128xf32> to vector<1x128xf32>
      %swap3A_2654 = vector.shape_cast %get3A_2648 : vector<1x128xf32> to vector<1x1x128xf32>
      tpu.vector_store %arg14[%swap3A_2649, %swap3A_2650, %swap3A_2651], %swap3A_2654 {strides = array<i32>} : memref<16x256x128xf32, #tpu.memory_space<vmem>>, vector<1x1x128xf32>,
      %get3A_2655 = arith.constant 8 : index
      %get3A_2656 = arith.constant 0 : index
      %get3A_2657 = arith.constant 0 : index
      %get3A_2658 = vector.load %arg14[%get3A_2655, %get3A_2656, %get3A_2657] : memref<16x256x128xf32, #tpu.memory_space<vmem>>, vector<1x256x128xf32>
      %get3A_2659 = vector.shape_cast %get3A_2658 : vector<1x256x128xf32> to vector<256x128xf32>
      %slice3A_2660 = vector.extract_strided_slice %transpose3A_2425 {offsets = [0, 8], sizes = [256, 1], strides = [1, 1]} : vector<256x16xf32> to vector<256x1xf32>
      %mul3A_2661 = vector.broadcast %slice3A_2660 : vector<256x1xf32> to vector<256x128xf32>
      %mul3A_2662 = arith.mulf %get3A_2659, %mul3A_2661 : vector<256x128xf32>
      %reduce_sum3A_2663 = arith.constant dense<0.000000e+00> : vector<128xf32>
      %reduce_sum3A_2664 = vector.multi_reduction <add>, %mul3A_2662, %reduce_sum3A_2663 [0] : vector<256x128xf32> to vector<128xf32>
      %broadcast_in_dim3A_2665 = vector.shape_cast %reduce_sum3A_2664 : vector<128xf32> to vector<1x128xf32>
      %swap3A_2666 = arith.index_cast %add3A_2643 : i32 to index
      %swap3A_2667 = arith.constant 0 : index
      %swap3A_2668 = vector.load %arg8[%swap3A_2666, %swap3A_2667] : memref<1024x128xf32, #tpu.memory_space<vmem>>, vector<1x128xf32>
      tpu.vector_store %arg8[%swap3A_2666, %swap3A_2667], %broadcast_in_dim3A_2665 {strides = array<i32>} : memref<1024x128xf32, #tpu.memory_space<vmem>>, vector<1x128xf32>,
      %add3A_2669 = arith.constant 9 : i32
      %add3A_2670 = arith.addi %mul3A_2415, %add3A_2669 : i32
      %get3A_2671 = arith.index_cast %add3A_2670 : i32 to index
      %get3A_2672 = memref.load %arg0[%get3A_2671] : memref<1024xi32, #tpu.memory_space<smem>>
      %get3A_2673 = arith.index_cast %add3A_2670 : i32 to index
      %get3A_2674 = arith.constant 0 : index
      %get3A_2675 = vector.load %arg1[%get3A_2673, %get3A_2674] : memref<1024x128xf32, #tpu.memory_space<vmem>>, vector<1x128xf32>
      %swap3A_2676 = arith.constant 9 : index
      %swap3A_2677 = arith.index_cast %get3A_2672 : i32 to index
      %swap3A_2678 = arith.constant 0 : index
      %swap3A_2679 = vector.load %arg14[%swap3A_2676, %swap3A_2677, %swap3A_2678] : memref<16x256x128xf32, #tpu.memory_space<vmem>>, vector<1x1x128xf32>
      %swap3A_2680 = vector.shape_cast %swap3A_2679 : vector<1x1x128xf32> to vector<1x128xf32>
      %swap3A_2681 = vector.shape_cast %get3A_2675 : vector<1x128xf32> to vector<1x1x128xf32>
      tpu.vector_store %arg14[%swap3A_2676, %swap3A_2677, %swap3A_2678], %swap3A_2681 {strides = array<i32>} : memref<16x256x128xf32, #tpu.memory_space<vmem>>, vector<1x1x128xf32>,
      %get3A_2682 = arith.constant 9 : index
      %get3A_2683 = arith.constant 0 : index
      %get3A_2684 = arith.constant 0 : index
      %get3A_2685 = vector.load %arg14[%get3A_2682, %get3A_2683, %get3A_2684] : memref<16x256x128xf32, #tpu.memory_space<vmem>>, vector<1x256x128xf32>
      %get3A_2686 = vector.shape_cast %get3A_2685 : vector<1x256x128xf32> to vector<256x128xf32>
      %slice3A_2687 = vector.extract_strided_slice %transpose3A_2425 {offsets = [0, 9], sizes = [256, 1], strides = [1, 1]} : vector<256x16xf32> to vector<256x1xf32>
      %mul3A_2688 = vector.broadcast %slice3A_2687 : vector<256x1xf32> to vector<256x128xf32>
      %mul3A_2689 = arith.mulf %get3A_2686, %mul3A_2688 : vector<256x128xf32>
      %reduce_sum3A_2690 = arith.constant dense<0.000000e+00> : vector<128xf32>
      %reduce_sum3A_2691 = vector.multi_reduction <add>, %mul3A_2689, %reduce_sum3A_2690 [0] : vector<256x128xf32> to vector<128xf32>
      %broadcast_in_dim3A_2692 = vector.shape_cast %reduce_sum3A_2691 : vector<128xf32> to vector<1x128xf32>
      %swap3A_2693 = arith.index_cast %add3A_2670 : i32 to index
      %swap3A_2694 = arith.constant 0 : index
      %swap3A_2695 = vector.load %arg8[%swap3A_2693, %swap3A_2694] : memref<1024x128xf32, #tpu.memory_space<vmem>>, vector<1x128xf32>
      tpu.vector_store %arg8[%swap3A_2693, %swap3A_2694], %broadcast_in_dim3A_2692 {strides = array<i32>} : memref<1024x128xf32, #tpu.memory_space<vmem>>, vector<1x128xf32>,
      %add3A_2696 = arith.constant 10 : i32
      %add3A_2697 = arith.addi %mul3A_2415, %add3A_2696 : i32
      %get3A_2698 = arith.index_cast %add3A_2697 : i32 to index
      %get3A_2699 = memref.load %arg0[%get3A_2698] : memref<1024xi32, #tpu.memory_space<smem>>
      %get3A_2700 = arith.index_cast %add3A_2697 : i32 to index
      %get3A_2701 = arith.constant 0 : index
      %get3A_2702 = vector.load %arg1[%get3A_2700, %get3A_2701] : memref<1024x128xf32, #tpu.memory_space<vmem>>, vector<1x128xf32>
      %swap3A_2703 = arith.constant 10 : index
      %swap3A_2704 = arith.index_cast %get3A_2699 : i32 to index
      %swap3A_2705 = arith.constant 0 : index
      %swap3A_2706 = vector.load %arg14[%swap3A_2703, %swap3A_2704, %swap3A_2705] : memref<16x256x128xf32, #tpu.memory_space<vmem>>, vector<1x1x128xf32>
      %swap3A_2707 = vector.shape_cast %swap3A_2706 : vector<1x1x128xf32> to vector<1x128xf32>
      %swap3A_2708 = vector.shape_cast %get3A_2702 : vector<1x128xf32> to vector<1x1x128xf32>
      tpu.vector_store %arg14[%swap3A_2703, %swap3A_2704, %swap3A_2705], %swap3A_2708 {strides = array<i32>} : memref<16x256x128xf32, #tpu.memory_space<vmem>>, vector<1x1x128xf32>,
      %get3A_2709 = arith.constant 10 : index
      %get3A_2710 = arith.constant 0 : index
      %get3A_2711 = arith.constant 0 : index
      %get3A_2712 = vector.load %arg14[%get3A_2709, %get3A_2710, %get3A_2711] : memref<16x256x128xf32, #tpu.memory_space<vmem>>, vector<1x256x128xf32>
      %get3A_2713 = vector.shape_cast %get3A_2712 : vector<1x256x128xf32> to vector<256x128xf32>
      %slice3A_2714 = vector.extract_strided_slice %transpose3A_2425 {offsets = [0, 10], sizes = [256, 1], strides = [1, 1]} : vector<256x16xf32> to vector<256x1xf32>
      %mul3A_2715 = vector.broadcast %slice3A_2714 : vector<256x1xf32> to vector<256x128xf32>
      %mul3A_2716 = arith.mulf %get3A_2713, %mul3A_2715 : vector<256x128xf32>
      %reduce_sum3A_2717 = arith.constant dense<0.000000e+00> : vector<128xf32>
      %reduce_sum3A_2718 = vector.multi_reduction <add>, %mul3A_2716, %reduce_sum3A_2717 [0] : vector<256x128xf32> to vector<128xf32>
      %broadcast_in_dim3A_2719 = vector.shape_cast %reduce_sum3A_2718 : vector<128xf32> to vector<1x128xf32>
      %swap3A_2720 = arith.index_cast %add3A_2697 : i32 to index
      %swap3A_2721 = arith.constant 0 : index
      %swap3A_2722 = vector.load %arg8[%swap3A_2720, %swap3A_2721] : memref<1024x128xf32, #tpu.memory_space<vmem>>, vector<1x128xf32>
      tpu.vector_store %arg8[%swap3A_2720, %swap3A_2721], %broadcast_in_dim3A_2719 {strides = array<i32>} : memref<1024x128xf32, #tpu.memory_space<vmem>>, vector<1x128xf32>,
      %add3A_2723 = arith.constant 11 : i32
      %add3A_2724 = arith.addi %mul3A_2415, %add3A_2723 : i32
      %get3A_2725 = arith.index_cast %add3A_2724 : i32 to index
      %get3A_2726 = memref.load %arg0[%get3A_2725] : memref<1024xi32, #tpu.memory_space<smem>>
      %get3A_2727 = arith.index_cast %add3A_2724 : i32 to index
      %get3A_2728 = arith.constant 0 : index
      %get3A_2729 = vector.load %arg1[%get3A_2727, %get3A_2728] : memref<1024x128xf32, #tpu.memory_space<vmem>>, vector<1x128xf32>
      %swap3A_2730 = arith.constant 11 : index
      %swap3A_2731 = arith.index_cast %get3A_2726 : i32 to index
      %swap3A_2732 = arith.constant 0 : index
      %swap3A_2733 = vector.load %arg14[%swap3A_2730, %swap3A_2731, %swap3A_2732] : memref<16x256x128xf32, #tpu.memory_space<vmem>>, vector<1x1x128xf32>
      %swap3A_2734 = vector.shape_cast %swap3A_2733 : vector<1x1x128xf32> to vector<1x128xf32>
      %swap3A_2735 = vector.shape_cast %get3A_2729 : vector<1x128xf32> to vector<1x1x128xf32>
      tpu.vector_store %arg14[%swap3A_2730, %swap3A_2731, %swap3A_2732], %swap3A_2735 {strides = array<i32>} : memref<16x256x128xf32, #tpu.memory_space<vmem>>, vector<1x1x128xf32>,
      %get3A_2736 = arith.constant 11 : index
      %get3A_2737 = arith.constant 0 : index
      %get3A_2738 = arith.constant 0 : index
      %get3A_2739 = vector.load %arg14[%get3A_2736, %get3A_2737, %get3A_2738] : memref<16x256x128xf32, #tpu.memory_space<vmem>>, vector<1x256x128xf32>
      %get3A_2740 = vector.shape_cast %get3A_2739 : vector<1x256x128xf32> to vector<256x128xf32>
      %slice3A_2741 = vector.extract_strided_slice %transpose3A_2425 {offsets = [0, 11], sizes = [256, 1], strides = [1, 1]} : vector<256x16xf32> to vector<256x1xf32>
      %mul3A_2742 = vector.broadcast %slice3A_2741 : vector<256x1xf32> to vector<256x128xf32>
      %mul3A_2743 = arith.mulf %get3A_2740, %mul3A_2742 : vector<256x128xf32>
      %reduce_sum3A_2744 = arith.constant dense<0.000000e+00> : vector<128xf32>
      %reduce_sum3A_2745 = vector.multi_reduction <add>, %mul3A_2743, %reduce_sum3A_2744 [0] : vector<256x128xf32> to vector<128xf32>
      %broadcast_in_dim3A_2746 = vector.shape_cast %reduce_sum3A_2745 : vector<128xf32> to vector<1x128xf32>
      %swap3A_2747 = arith.index_cast %add3A_2724 : i32 to index
      %swap3A_2748 = arith.constant 0 : index
      %swap3A_2749 = vector.load %arg8[%swap3A_2747, %swap3A_2748] : memref<1024x128xf32, #tpu.memory_space<vmem>>, vector<1x128xf32>
      tpu.vector_store %arg8[%swap3A_2747, %swap3A_2748], %broadcast_in_dim3A_2746 {strides = array<i32>} : memref<1024x128xf32, #tpu.memory_space<vmem>>, vector<1x128xf32>,
      %add3A_2750 = arith.constant 12 : i32
      %add3A_2751 = arith.addi %mul3A_2415, %add3A_2750 : i32
      %get3A_2752 = arith.index_cast %add3A_2751 : i32 to index
      %get3A_2753 = memref.load %arg0[%get3A_2752] : memref<1024xi32, #tpu.memory_space<smem>>
      %get3A_2754 = arith.index_cast %add3A_2751 : i32 to index
      %get3A_2755 = arith.constant 0 : index
      %get3A_2756 = vector.load %arg1[%get3A_2754, %get3A_2755] : memref<1024x128xf32, #tpu.memory_space<vmem>>, vector<1x128xf32>
      %swap3A_2757 = arith.constant 12 : index
      %swap3A_2758 = arith.index_cast %get3A_2753 : i32 to index
      %swap3A_2759 = arith.constant 0 : index
      %swap3A_2760 = vector.load %arg14[%swap3A_2757, %swap3A_2758, %swap3A_2759] : memref<16x256x128xf32, #tpu.memory_space<vmem>>, vector<1x1x128xf32>
      %swap3A_2761 = vector.shape_cast %swap3A_2760 : vector<1x1x128xf32> to vector<1x128xf32>
      %swap3A_2762 = vector.shape_cast %get3A_2756 : vector<1x128xf32> to vector<1x1x128xf32>
      tpu.vector_store %arg14[%swap3A_2757, %swap3A_2758, %swap3A_2759], %swap3A_2762 {strides = array<i32>} : memref<16x256x128xf32, #tpu.memory_space<vmem>>, vector<1x1x128xf32>,
      %get3A_2763 = arith.constant 12 : index
      %get3A_2764 = arith.constant 0 : index
      %get3A_2765 = arith.constant 0 : index
      %get3A_2766 = vector.load %arg14[%get3A_2763, %get3A_2764, %get3A_2765] : memref<16x256x128xf32, #tpu.memory_space<vmem>>, vector<1x256x128xf32>
      %get3A_2767 = vector.shape_cast %get3A_2766 : vector<1x256x128xf32> to vector<256x128xf32>
      %slice3A_2768 = vector.extract_strided_slice %transpose3A_2425 {offsets = [0, 12], sizes = [256, 1], strides = [1, 1]} : vector<256x16xf32> to vector<256x1xf32>
      %mul3A_2769 = vector.broadcast %slice3A_2768 : vector<256x1xf32> to vector<256x128xf32>
      %mul3A_2770 = arith.mulf %get3A_2767, %mul3A_2769 : vector<256x128xf32>
      %reduce_sum3A_2771 = arith.constant dense<0.000000e+00> : vector<128xf32>
      %reduce_sum3A_2772 = vector.multi_reduction <add>, %mul3A_2770, %reduce_sum3A_2771 [0] : vector<256x128xf32> to vector<128xf32>
      %broadcast_in_dim3A_2773 = vector.shape_cast %reduce_sum3A_2772 : vector<128xf32> to vector<1x128xf32>
      %swap3A_2774 = arith.index_cast %add3A_2751 : i32 to index
      %swap3A_2775 = arith.constant 0 : index
      %swap3A_2776 = vector.load %arg8[%swap3A_2774, %swap3A_2775] : memref<1024x128xf32, #tpu.memory_space<vmem>>, vector<1x128xf32>
      tpu.vector_store %arg8[%swap3A_2774, %swap3A_2775], %broadcast_in_dim3A_2773 {strides = array<i32>} : memref<1024x128xf32, #tpu.memory_space<vmem>>, vector<1x128xf32>,
      %add3A_2777 = arith.constant 13 : i32
      %add3A_2778 = arith.addi %mul3A_2415, %add3A_2777 : i32
      %get3A_2779 = arith.index_cast %add3A_2778 : i32 to index
      %get3A_2780 = memref.load %arg0[%get3A_2779] : memref<1024xi32, #tpu.memory_space<smem>>
      %get3A_2781 = arith.index_cast %add3A_2778 : i32 to index
      %get3A_2782 = arith.constant 0 : index
      %get3A_2783 = vector.load %arg1[%get3A_2781, %get3A_2782] : memref<1024x128xf32, #tpu.memory_space<vmem>>, vector<1x128xf32>
      %swap3A_2784 = arith.constant 13 : index
      %swap3A_2785 = arith.index_cast %get3A_2780 : i32 to index
      %swap3A_2786 = arith.constant 0 : index
      %swap3A_2787 = vector.load %arg14[%swap3A_2784, %swap3A_2785, %swap3A_2786] : memref<16x256x128xf32, #tpu.memory_space<vmem>>, vector<1x1x128xf32>
      %swap3A_2788 = vector.shape_cast %swap3A_2787 : vector<1x1x128xf32> to vector<1x128xf32>
      %swap3A_2789 = vector.shape_cast %get3A_2783 : vector<1x128xf32> to vector<1x1x128xf32>
      tpu.vector_store %arg14[%swap3A_2784, %swap3A_2785, %swap3A_2786], %swap3A_2789 {strides = array<i32>} : memref<16x256x128xf32, #tpu.memory_space<vmem>>, vector<1x1x128xf32>,
      %get3A_2790 = arith.constant 13 : index
      %get3A_2791 = arith.constant 0 : index
      %get3A_2792 = arith.constant 0 : index
      %get3A_2793 = vector.load %arg14[%get3A_2790, %get3A_2791, %get3A_2792] : memref<16x256x128xf32, #tpu.memory_space<vmem>>, vector<1x256x128xf32>
      %get3A_2794 = vector.shape_cast %get3A_2793 : vector<1x256x128xf32> to vector<256x128xf32>
      %slice3A_2795 = vector.extract_strided_slice %transpose3A_2425 {offsets = [0, 13], sizes = [256, 1], strides = [1, 1]} : vector<256x16xf32> to vector<256x1xf32>
      %mul3A_2796 = vector.broadcast %slice3A_2795 : vector<256x1xf32> to vector<256x128xf32>
      %mul3A_2797 = arith.mulf %get3A_2794, %mul3A_2796 : vector<256x128xf32>
      %reduce_sum3A_2798 = arith.constant dense<0.000000e+00> : vector<128xf32>
      %reduce_sum3A_2799 = vector.multi_reduction <add>, %mul3A_2797, %reduce_sum3A_2798 [0] : vector<256x128xf32> to vector<128xf32>
      %broadcast_in_dim3A_2800 = vector.shape_cast %reduce_sum3A_2799 : vector<128xf32> to vector<1x128xf32>
      %swap3A_2801 = arith.index_cast %add3A_2778 : i32 to index
      %swap3A_2802 = arith.constant 0 : index
      %swap3A_2803 = vector.load %arg8[%swap3A_2801, %swap3A_2802] : memref<1024x128xf32, #tpu.memory_space<vmem>>, vector<1x128xf32>
      tpu.vector_store %arg8[%swap3A_2801, %swap3A_2802], %broadcast_in_dim3A_2800 {strides = array<i32>} : memref<1024x128xf32, #tpu.memory_space<vmem>>, vector<1x128xf32>,
      %add3A_2804 = arith.constant 14 : i32
      %add3A_2805 = arith.addi %mul3A_2415, %add3A_2804 : i32
      %get3A_2806 = arith.index_cast %add3A_2805 : i32 to index
      %get3A_2807 = memref.load %arg0[%get3A_2806] : memref<1024xi32, #tpu.memory_space<smem>>
      %get3A_2808 = arith.index_cast %add3A_2805 : i32 to index
      %get3A_2809 = arith.constant 0 : index
      %get3A_2810 = vector.load %arg1[%get3A_2808, %get3A_2809] : memref<1024x128xf32, #tpu.memory_space<vmem>>, vector<1x128xf32>
      %swap3A_2811 = arith.constant 14 : index
      %swap3A_2812 = arith.index_cast %get3A_2807 : i32 to index
      %swap3A_2813 = arith.constant 0 : index
      %swap3A_2814 = vector.load %arg14[%swap3A_2811, %swap3A_2812, %swap3A_2813] : memref<16x256x128xf32, #tpu.memory_space<vmem>>, vector<1x1x128xf32>
      %swap3A_2815 = vector.shape_cast %swap3A_2814 : vector<1x1x128xf32> to vector<1x128xf32>
      %swap3A_2816 = vector.shape_cast %get3A_2810 : vector<1x128xf32> to vector<1x1x128xf32>
      tpu.vector_store %arg14[%swap3A_2811, %swap3A_2812, %swap3A_2813], %swap3A_2816 {strides = array<i32>} : memref<16x256x128xf32, #tpu.memory_space<vmem>>, vector<1x1x128xf32>,
      %get3A_2817 = arith.constant 14 : index
      %get3A_2818 = arith.constant 0 : index
      %get3A_2819 = arith.constant 0 : index
      %get3A_2820 = vector.load %arg14[%get3A_2817, %get3A_2818, %get3A_2819] : memref<16x256x128xf32, #tpu.memory_space<vmem>>, vector<1x256x128xf32>
      %get3A_2821 = vector.shape_cast %get3A_2820 : vector<1x256x128xf32> to vector<256x128xf32>
      %slice3A_2822 = vector.extract_strided_slice %transpose3A_2425 {offsets = [0, 14], sizes = [256, 1], strides = [1, 1]} : vector<256x16xf32> to vector<256x1xf32>
      %mul3A_2823 = vector.broadcast %slice3A_2822 : vector<256x1xf32> to vector<256x128xf32>
      %mul3A_2824 = arith.mulf %get3A_2821, %mul3A_2823 : vector<256x128xf32>
      %reduce_sum3A_2825 = arith.constant dense<0.000000e+00> : vector<128xf32>
      %reduce_sum3A_2826 = vector.multi_reduction <add>, %mul3A_2824, %reduce_sum3A_2825 [0] : vector<256x128xf32> to vector<128xf32>
      %broadcast_in_dim3A_2827 = vector.shape_cast %reduce_sum3A_2826 : vector<128xf32> to vector<1x128xf32>
      %swap3A_2828 = arith.index_cast %add3A_2805 : i32 to index
      %swap3A_2829 = arith.constant 0 : index
      %swap3A_2830 = vector.load %arg8[%swap3A_2828, %swap3A_2829] : memref<1024x128xf32, #tpu.memory_space<vmem>>, vector<1x128xf32>
      tpu.vector_store %arg8[%swap3A_2828, %swap3A_2829], %broadcast_in_dim3A_2827 {strides = array<i32>} : memref<1024x128xf32, #tpu.memory_space<vmem>>, vector<1x128xf32>,
      %add3A_2831 = arith.constant 15 : i32
      %add3A_2832 = arith.addi %mul3A_2415, %add3A_2831 : i32
      %get3A_2833 = arith.index_cast %add3A_2832 : i32 to index
      %get3A_2834 = memref.load %arg0[%get3A_2833] : memref<1024xi32, #tpu.memory_space<smem>>
      %get3A_2835 = arith.index_cast %add3A_2832 : i32 to index
      %get3A_2836 = arith.constant 0 : index
      %get3A_2837 = vector.load %arg1[%get3A_2835, %get3A_2836] : memref<1024x128xf32, #tpu.memory_space<vmem>>, vector<1x128xf32>
      %swap3A_2838 = arith.constant 15 : index
      %swap3A_2839 = arith.index_cast %get3A_2834 : i32 to index
      %swap3A_2840 = arith.constant 0 : index
      %swap3A_2841 = vector.load %arg14[%swap3A_2838, %swap3A_2839, %swap3A_2840] : memref<16x256x128xf32, #tpu.memory_space<vmem>>, vector<1x1x128xf32>
      %swap3A_2842 = vector.shape_cast %swap3A_2841 : vector<1x1x128xf32> to vector<1x128xf32>
      %swap3A_2843 = vector.shape_cast %get3A_2837 : vector<1x128xf32> to vector<1x1x128xf32>
      tpu.vector_store %arg14[%swap3A_2838, %swap3A_2839, %swap3A_2840], %swap3A_2843 {strides = array<i32>} : memref<16x256x128xf32, #tpu.memory_space<vmem>>, vector<1x1x128xf32>,
      %get3A_2844 = arith.constant 15 : index
      %get3A_2845 = arith.constant 0 : index
      %get3A_2846 = arith.constant 0 : index
      %get3A_2847 = vector.load %arg14[%get3A_2844, %get3A_2845, %get3A_2846] : memref<16x256x128xf32, #tpu.memory_space<vmem>>, vector<1x256x128xf32>
      %get3A_2848 = vector.shape_cast %get3A_2847 : vector<1x256x128xf32> to vector<256x128xf32>
      %slice3A_2849 = vector.extract_strided_slice %transpose3A_2425 {offsets = [0, 15], sizes = [256, 1], strides = [1, 1]} : vector<256x16xf32> to vector<256x1xf32>
      %mul3A_2850 = vector.broadcast %slice3A_2849 : vector<256x1xf32> to vector<256x128xf32>
      %mul3A_2851 = arith.mulf %get3A_2848, %mul3A_2850 : vector<256x128xf32>
      %reduce_sum3A_2852 = arith.constant dense<0.000000e+00> : vector<128xf32>
      %reduce_sum3A_2853 = vector.multi_reduction <add>, %mul3A_2851, %reduce_sum3A_2852 [0] : vector<256x128xf32> to vector<128xf32>
      %broadcast_in_dim3A_2854 = vector.shape_cast %reduce_sum3A_2853 : vector<128xf32> to vector<1x128xf32>
      %swap3A_2855 = arith.index_cast %add3A_2832 : i32 to index
      %swap3A_2856 = arith.constant 0 : index
      %swap3A_2857 = vector.load %arg8[%swap3A_2855, %swap3A_2856] : memref<1024x128xf32, #tpu.memory_space<vmem>>, vector<1x128xf32>
      tpu.vector_store %arg8[%swap3A_2855, %swap3A_2856], %broadcast_in_dim3A_2854 {strides = array<i32>} : memref<1024x128xf32, #tpu.memory_space<vmem>>, vector<1x128xf32>,
      %dma_start3A_2858 = arith.constant 5 : i32
      %dma_start3A_2859 = tpu.memref_slice %arg18[%dma_start3A_2858] : memref<8x!tpu.dma_semaphore, #tpu.memory_space<semaphore_mem>> -> memref<1x!tpu.dma_semaphore, #tpu.memory_space<semaphore_mem>>
      %dma_start3A_2860 = tpu.memref_squeeze %dma_start3A_2859 : memref<1x!tpu.dma_semaphore, #tpu.memory_space<semaphore_mem>> -> memref<!tpu.dma_semaphore, #tpu.memory_space<semaphore_mem>>
      %dma_start3A_2861 = arith.constant 0 : i32
      %dma_start3A_2862 = arith.constant 0 : i32
      %dma_start3A_2863 = tpu.memref_slice %arg6[%mul3A_2415, %dma_start3A_2861, %dma_start3A_2862] : memref<1024x256x128xf32, #tpu.memory_space<any>> -> memref<16x256x128xf32, #tpu.memory_space<any>>
      tpu.enqueue_dma source(%arg14 : memref<16x256x128xf32, #tpu.memory_space<vmem>>) target(%dma_start3A_2863 : memref<16x256x128xf32, #tpu.memory_space<any>>) target_semaphore(%dma_start3A_2860 : memref<!tpu.dma_semaphore, #tpu.memory_space<semaphore_mem>>)
      %add3A_2864 = arith.constant 4 : i32
      %add3A_2865 = arith.addi %add3A_2413, %add3A_2864 : i32
      %add3A_2866 = arith.constant 64 : i32
      %add3A_2867 = arith.addi %mul3A_2415, %add3A_2866 : i32
      %lt3A_2868 = arith.constant 64 : i32
      %lt3A_2869 = arith.cmpi slt, %add3A_2865, %lt3A_2868 : i32
      %convert_element_type3A_2870 = arith.extui %lt3A_2869 : i1 to i32
      %cond3A_2871 = arith.constant 0 : i32
      %cond3A_2872 = arith.cmpi ne, %convert_element_type3A_2870, %cond3A_2871 : i32
      scf.if %cond3A_2872 {
        %ge3A = arith.constant 8 : i32
        %ge3A_3799 = arith.cmpi sge, %add3A_2865, %ge3A : i32
        %convert_element_type3A_3800 = arith.extui %ge3A_3799 : i1 to i32
        %cond3A_3801 = arith.constant 0 : i32
        %cond3A_3802 = arith.cmpi ne, %convert_element_type3A_3800, %cond3A_3801 : i32
        scf.if %cond3A_3802 {
          %sub3A = arith.constant 128 : i32
          %sub3A_3809 = arith.subi %add3A_2867, %sub3A : i32
          %dma_wait3A_3810 = arith.constant 1 : i32
          %dma_wait3A_3811 = tpu.memref_slice %arg18[%dma_wait3A_3810] : memref<8x!tpu.dma_semaphore, #tpu.memory_space<semaphore_mem>> -> memref<1x!tpu.dma_semaphore, #tpu.memory_space<semaphore_mem>>
          %dma_wait3A_3812 = tpu.memref_squeeze %dma_wait3A_3811 : memref<1x!tpu.dma_semaphore, #tpu.memory_space<semaphore_mem>> -> memref<!tpu.dma_semaphore, #tpu.memory_space<semaphore_mem>>
          %dma_wait3A_3813 = arith.constant 0 : i32
          %dma_wait3A_3814 = arith.constant 0 : i32
          %dma_wait3A_3815 = tpu.memref_slice %arg6[%sub3A_3809, %dma_wait3A_3813, %dma_wait3A_3814] : memref<1024x256x128xf32, #tpu.memory_space<any>> -> memref<16x256x128xf32, #tpu.memory_space<any>>
          tpu.wait_dma2 semaphore(%dma_wait3A_3812 : memref<!tpu.dma_semaphore, #tpu.memory_space<semaphore_mem>>) src(%arg10 : memref<16x256x128xf32, #tpu.memory_space<vmem>>) dst(%dma_wait3A_3815 : memref<16x256x128xf32, #tpu.memory_space<any>>)
        } else {
        }
        %dma_start3A_3803 = arith.constant 1 : i32
        %dma_start3A_3804 = tpu.memref_slice %arg17[%dma_start3A_3803] : memref<8x!tpu.dma_semaphore, #tpu.memory_space<semaphore_mem>> -> memref<1x!tpu.dma_semaphore, #tpu.memory_space<semaphore_mem>>
        %dma_start3A_3805 = tpu.memref_squeeze %dma_start3A_3804 : memref<1x!tpu.dma_semaphore, #tpu.memory_space<semaphore_mem>> -> memref<!tpu.dma_semaphore, #tpu.memory_space<semaphore_mem>>
        %dma_start3A_3806 = arith.constant 0 : i32
        %dma_start3A_3807 = arith.constant 0 : i32
        %dma_start3A_3808 = tpu.memref_slice %arg5[%add3A_2867, %dma_start3A_3806, %dma_start3A_3807] : memref<1024x256x128xf32, #tpu.memory_space<any>> -> memref<16x256x128xf32, #tpu.memory_space<any>>
        tpu.enqueue_dma source(%dma_start3A_3808 : memref<16x256x128xf32, #tpu.memory_space<any>>) target(%arg10 : memref<16x256x128xf32, #tpu.memory_space<vmem>>) target_semaphore(%dma_start3A_3805 : memref<!tpu.dma_semaphore, #tpu.memory_space<semaphore_mem>>)
      } else {
      }
      %mul3A_2873 = arith.constant 8 : i32
      %mul3A_2874 = arith.muli %scan3A_102, %mul3A_2873 : i32
      %add3A_2875 = arith.constant 6 : i32
      %add3A_2876 = arith.addi %mul3A_2874, %add3A_2875 : i32
      %mul3A_2877 = arith.constant 16 : i32
      %mul3A_2878 = arith.muli %add3A_2876, %mul3A_2877 : i32
      %dma_wait3A_2879 = arith.constant 6 : i32
      %dma_wait3A_2880 = tpu.memref_slice %arg17[%dma_wait3A_2879] : memref<8x!tpu.dma_semaphore, #tpu.memory_space<semaphore_mem>> -> memref<1x!tpu.dma_semaphore, #tpu.memory_space<semaphore_mem>>
      %dma_wait3A_2881 = tpu.memref_squeeze %dma_wait3A_2880 : memref<1x!tpu.dma_semaphore, #tpu.memory_space<semaphore_mem>> -> memref<!tpu.dma_semaphore, #tpu.memory_space<semaphore_mem>>
      %dma_wait3A_2882 = arith.constant 0 : i32
      %dma_wait3A_2883 = arith.constant 0 : i32
      %dma_wait3A_2884 = tpu.memref_slice %arg5[%mul3A_2878, %dma_wait3A_2882, %dma_wait3A_2883] : memref<1024x256x128xf32, #tpu.memory_space<any>> -> memref<16x256x128xf32, #tpu.memory_space<any>>
      tpu.wait_dma2 semaphore(%dma_wait3A_2881 : memref<!tpu.dma_semaphore, #tpu.memory_space<semaphore_mem>>) src(%dma_wait3A_2884 : memref<16x256x128xf32, #tpu.memory_space<any>>) dst(%arg15 : memref<16x256x128xf32, #tpu.memory_space<vmem>>)
      %get3A_2885 = arith.index_cast %mul3A_2878 : i32 to index
      %get3A_2886 = arith.constant 0 : index
      %get3A_2887 = vector.load %arg4[%get3A_2885, %get3A_2886] : memref<1024x256xf32, #tpu.memory_space<vmem>>, vector<16x256xf32>
      %transpose3A_2888 = tpu.transpose %get3A_2887, [1, 0] : vector<16x256xf32> -> vector<256x16xf32>
      %add3A_2889 = arith.constant 0 : i32
      %add3A_2890 = arith.addi %mul3A_2878, %add3A_2889 : i32
      %get3A_2891 = arith.index_cast %add3A_2890 : i32 to index
      %get3A_2892 = memref.load %arg0[%get3A_2891] : memref<1024xi32, #tpu.memory_space<smem>>
      %get3A_2893 = arith.index_cast %add3A_2890 : i32 to index
      %get3A_2894 = arith.constant 0 : index
      %get3A_2895 = vector.load %arg1[%get3A_2893, %get3A_2894] : memref<1024x128xf32, #tpu.memory_space<vmem>>, vector<1x128xf32>
      %swap3A_2896 = arith.constant 0 : index
      %swap3A_2897 = arith.index_cast %get3A_2892 : i32 to index
      %swap3A_2898 = arith.constant 0 : index
      %swap3A_2899 = vector.load %arg15[%swap3A_2896, %swap3A_2897, %swap3A_2898] : memref<16x256x128xf32, #tpu.memory_space<vmem>>, vector<1x1x128xf32>
      %swap3A_2900 = vector.shape_cast %swap3A_2899 : vector<1x1x128xf32> to vector<1x128xf32>
      %swap3A_2901 = vector.shape_cast %get3A_2895 : vector<1x128xf32> to vector<1x1x128xf32>
      tpu.vector_store %arg15[%swap3A_2896, %swap3A_2897, %swap3A_2898], %swap3A_2901 {strides = array<i32>} : memref<16x256x128xf32, #tpu.memory_space<vmem>>, vector<1x1x128xf32>,
      %get3A_2902 = arith.constant 0 : index
      %get3A_2903 = arith.constant 0 : index
      %get3A_2904 = arith.constant 0 : index
      %get3A_2905 = vector.load %arg15[%get3A_2902, %get3A_2903, %get3A_2904] : memref<16x256x128xf32, #tpu.memory_space<vmem>>, vector<1x256x128xf32>
      %get3A_2906 = vector.shape_cast %get3A_2905 : vector<1x256x128xf32> to vector<256x128xf32>
      %slice3A_2907 = vector.extract_strided_slice %transpose3A_2888 {offsets = [0, 0], sizes = [256, 1], strides = [1, 1]} : vector<256x16xf32> to vector<256x1xf32>
      %mul3A_2908 = vector.broadcast %slice3A_2907 : vector<256x1xf32> to vector<256x128xf32>
      %mul3A_2909 = arith.mulf %get3A_2906, %mul3A_2908 : vector<256x128xf32>
      %reduce_sum3A_2910 = arith.constant dense<0.000000e+00> : vector<128xf32>
      %reduce_sum3A_2911 = vector.multi_reduction <add>, %mul3A_2909, %reduce_sum3A_2910 [0] : vector<256x128xf32> to vector<128xf32>
      %broadcast_in_dim3A_2912 = vector.shape_cast %reduce_sum3A_2911 : vector<128xf32> to vector<1x128xf32>
      %swap3A_2913 = arith.index_cast %add3A_2890 : i32 to index
      %swap3A_2914 = arith.constant 0 : index
      %swap3A_2915 = vector.load %arg8[%swap3A_2913, %swap3A_2914] : memref<1024x128xf32, #tpu.memory_space<vmem>>, vector<1x128xf32>
      tpu.vector_store %arg8[%swap3A_2913, %swap3A_2914], %broadcast_in_dim3A_2912 {strides = array<i32>} : memref<1024x128xf32, #tpu.memory_space<vmem>>, vector<1x128xf32>,
      %add3A_2916 = arith.constant 1 : i32
      %add3A_2917 = arith.addi %mul3A_2878, %add3A_2916 : i32
      %get3A_2918 = arith.index_cast %add3A_2917 : i32 to index
      %get3A_2919 = memref.load %arg0[%get3A_2918] : memref<1024xi32, #tpu.memory_space<smem>>
      %get3A_2920 = arith.index_cast %add3A_2917 : i32 to index
      %get3A_2921 = arith.constant 0 : index
      %get3A_2922 = vector.load %arg1[%get3A_2920, %get3A_2921] : memref<1024x128xf32, #tpu.memory_space<vmem>>, vector<1x128xf32>
      %swap3A_2923 = arith.constant 1 : index
      %swap3A_2924 = arith.index_cast %get3A_2919 : i32 to index
      %swap3A_2925 = arith.constant 0 : index
      %swap3A_2926 = vector.load %arg15[%swap3A_2923, %swap3A_2924, %swap3A_2925] : memref<16x256x128xf32, #tpu.memory_space<vmem>>, vector<1x1x128xf32>
      %swap3A_2927 = vector.shape_cast %swap3A_2926 : vector<1x1x128xf32> to vector<1x128xf32>
      %swap3A_2928 = vector.shape_cast %get3A_2922 : vector<1x128xf32> to vector<1x1x128xf32>
      tpu.vector_store %arg15[%swap3A_2923, %swap3A_2924, %swap3A_2925], %swap3A_2928 {strides = array<i32>} : memref<16x256x128xf32, #tpu.memory_space<vmem>>, vector<1x1x128xf32>,
      %get3A_2929 = arith.constant 1 : index
      %get3A_2930 = arith.constant 0 : index
      %get3A_2931 = arith.constant 0 : index
      %get3A_2932 = vector.load %arg15[%get3A_2929, %get3A_2930, %get3A_2931] : memref<16x256x128xf32, #tpu.memory_space<vmem>>, vector<1x256x128xf32>
      %get3A_2933 = vector.shape_cast %get3A_2932 : vector<1x256x128xf32> to vector<256x128xf32>
      %slice3A_2934 = vector.extract_strided_slice %transpose3A_2888 {offsets = [0, 1], sizes = [256, 1], strides = [1, 1]} : vector<256x16xf32> to vector<256x1xf32>
      %mul3A_2935 = vector.broadcast %slice3A_2934 : vector<256x1xf32> to vector<256x128xf32>
      %mul3A_2936 = arith.mulf %get3A_2933, %mul3A_2935 : vector<256x128xf32>
      %reduce_sum3A_2937 = arith.constant dense<0.000000e+00> : vector<128xf32>
      %reduce_sum3A_2938 = vector.multi_reduction <add>, %mul3A_2936, %reduce_sum3A_2937 [0] : vector<256x128xf32> to vector<128xf32>
      %broadcast_in_dim3A_2939 = vector.shape_cast %reduce_sum3A_2938 : vector<128xf32> to vector<1x128xf32>
      %swap3A_2940 = arith.index_cast %add3A_2917 : i32 to index
      %swap3A_2941 = arith.constant 0 : index
      %swap3A_2942 = vector.load %arg8[%swap3A_2940, %swap3A_2941] : memref<1024x128xf32, #tpu.memory_space<vmem>>, vector<1x128xf32>
      tpu.vector_store %arg8[%swap3A_2940, %swap3A_2941], %broadcast_in_dim3A_2939 {strides = array<i32>} : memref<1024x128xf32, #tpu.memory_space<vmem>>, vector<1x128xf32>,
      %add3A_2943 = arith.constant 2 : i32
      %add3A_2944 = arith.addi %mul3A_2878, %add3A_2943 : i32
      %get3A_2945 = arith.index_cast %add3A_2944 : i32 to index
      %get3A_2946 = memref.load %arg0[%get3A_2945] : memref<1024xi32, #tpu.memory_space<smem>>
      %get3A_2947 = arith.index_cast %add3A_2944 : i32 to index
      %get3A_2948 = arith.constant 0 : index
      %get3A_2949 = vector.load %arg1[%get3A_2947, %get3A_2948] : memref<1024x128xf32, #tpu.memory_space<vmem>>, vector<1x128xf32>
      %swap3A_2950 = arith.constant 2 : index
      %swap3A_2951 = arith.index_cast %get3A_2946 : i32 to index
      %swap3A_2952 = arith.constant 0 : index
      %swap3A_2953 = vector.load %arg15[%swap3A_2950, %swap3A_2951, %swap3A_2952] : memref<16x256x128xf32, #tpu.memory_space<vmem>>, vector<1x1x128xf32>
      %swap3A_2954 = vector.shape_cast %swap3A_2953 : vector<1x1x128xf32> to vector<1x128xf32>
      %swap3A_2955 = vector.shape_cast %get3A_2949 : vector<1x128xf32> to vector<1x1x128xf32>
      tpu.vector_store %arg15[%swap3A_2950, %swap3A_2951, %swap3A_2952], %swap3A_2955 {strides = array<i32>} : memref<16x256x128xf32, #tpu.memory_space<vmem>>, vector<1x1x128xf32>,
      %get3A_2956 = arith.constant 2 : index
      %get3A_2957 = arith.constant 0 : index
      %get3A_2958 = arith.constant 0 : index
      %get3A_2959 = vector.load %arg15[%get3A_2956, %get3A_2957, %get3A_2958] : memref<16x256x128xf32, #tpu.memory_space<vmem>>, vector<1x256x128xf32>
      %get3A_2960 = vector.shape_cast %get3A_2959 : vector<1x256x128xf32> to vector<256x128xf32>
      %slice3A_2961 = vector.extract_strided_slice %transpose3A_2888 {offsets = [0, 2], sizes = [256, 1], strides = [1, 1]} : vector<256x16xf32> to vector<256x1xf32>
      %mul3A_2962 = vector.broadcast %slice3A_2961 : vector<256x1xf32> to vector<256x128xf32>
      %mul3A_2963 = arith.mulf %get3A_2960, %mul3A_2962 : vector<256x128xf32>
      %reduce_sum3A_2964 = arith.constant dense<0.000000e+00> : vector<128xf32>
      %reduce_sum3A_2965 = vector.multi_reduction <add>, %mul3A_2963, %reduce_sum3A_2964 [0] : vector<256x128xf32> to vector<128xf32>
      %broadcast_in_dim3A_2966 = vector.shape_cast %reduce_sum3A_2965 : vector<128xf32> to vector<1x128xf32>
      %swap3A_2967 = arith.index_cast %add3A_2944 : i32 to index
      %swap3A_2968 = arith.constant 0 : index
      %swap3A_2969 = vector.load %arg8[%swap3A_2967, %swap3A_2968] : memref<1024x128xf32, #tpu.memory_space<vmem>>, vector<1x128xf32>
      tpu.vector_store %arg8[%swap3A_2967, %swap3A_2968], %broadcast_in_dim3A_2966 {strides = array<i32>} : memref<1024x128xf32, #tpu.memory_space<vmem>>, vector<1x128xf32>,
      %add3A_2970 = arith.constant 3 : i32
      %add3A_2971 = arith.addi %mul3A_2878, %add3A_2970 : i32
      %get3A_2972 = arith.index_cast %add3A_2971 : i32 to index
      %get3A_2973 = memref.load %arg0[%get3A_2972] : memref<1024xi32, #tpu.memory_space<smem>>
      %get3A_2974 = arith.index_cast %add3A_2971 : i32 to index
      %get3A_2975 = arith.constant 0 : index
      %get3A_2976 = vector.load %arg1[%get3A_2974, %get3A_2975] : memref<1024x128xf32, #tpu.memory_space<vmem>>, vector<1x128xf32>
      %swap3A_2977 = arith.constant 3 : index
      %swap3A_2978 = arith.index_cast %get3A_2973 : i32 to index
      %swap3A_2979 = arith.constant 0 : index
      %swap3A_2980 = vector.load %arg15[%swap3A_2977, %swap3A_2978, %swap3A_2979] : memref<16x256x128xf32, #tpu.memory_space<vmem>>, vector<1x1x128xf32>
      %swap3A_2981 = vector.shape_cast %swap3A_2980 : vector<1x1x128xf32> to vector<1x128xf32>
      %swap3A_2982 = vector.shape_cast %get3A_2976 : vector<1x128xf32> to vector<1x1x128xf32>
      tpu.vector_store %arg15[%swap3A_2977, %swap3A_2978, %swap3A_2979], %swap3A_2982 {strides = array<i32>} : memref<16x256x128xf32, #tpu.memory_space<vmem>>, vector<1x1x128xf32>,
      %get3A_2983 = arith.constant 3 : index
      %get3A_2984 = arith.constant 0 : index
      %get3A_2985 = arith.constant 0 : index
      %get3A_2986 = vector.load %arg15[%get3A_2983, %get3A_2984, %get3A_2985] : memref<16x256x128xf32, #tpu.memory_space<vmem>>, vector<1x256x128xf32>
      %get3A_2987 = vector.shape_cast %get3A_2986 : vector<1x256x128xf32> to vector<256x128xf32>
      %slice3A_2988 = vector.extract_strided_slice %transpose3A_2888 {offsets = [0, 3], sizes = [256, 1], strides = [1, 1]} : vector<256x16xf32> to vector<256x1xf32>
      %mul3A_2989 = vector.broadcast %slice3A_2988 : vector<256x1xf32> to vector<256x128xf32>
      %mul3A_2990 = arith.mulf %get3A_2987, %mul3A_2989 : vector<256x128xf32>
      %reduce_sum3A_2991 = arith.constant dense<0.000000e+00> : vector<128xf32>
      %reduce_sum3A_2992 = vector.multi_reduction <add>, %mul3A_2990, %reduce_sum3A_2991 [0] : vector<256x128xf32> to vector<128xf32>
      %broadcast_in_dim3A_2993 = vector.shape_cast %reduce_sum3A_2992 : vector<128xf32> to vector<1x128xf32>
      %swap3A_2994 = arith.index_cast %add3A_2971 : i32 to index
      %swap3A_2995 = arith.constant 0 : index
      %swap3A_2996 = vector.load %arg8[%swap3A_2994, %swap3A_2995] : memref<1024x128xf32, #tpu.memory_space<vmem>>, vector<1x128xf32>
      tpu.vector_store %arg8[%swap3A_2994, %swap3A_2995], %broadcast_in_dim3A_2993 {strides = array<i32>} : memref<1024x128xf32, #tpu.memory_space<vmem>>, vector<1x128xf32>,
      %add3A_2997 = arith.constant 4 : i32
      %add3A_2998 = arith.addi %mul3A_2878, %add3A_2997 : i32
      %get3A_2999 = arith.index_cast %add3A_2998 : i32 to index
      %get3A_3000 = memref.load %arg0[%get3A_2999] : memref<1024xi32, #tpu.memory_space<smem>>
      %get3A_3001 = arith.index_cast %add3A_2998 : i32 to index
      %get3A_3002 = arith.constant 0 : index
      %get3A_3003 = vector.load %arg1[%get3A_3001, %get3A_3002] : memref<1024x128xf32, #tpu.memory_space<vmem>>, vector<1x128xf32>
      %swap3A_3004 = arith.constant 4 : index
      %swap3A_3005 = arith.index_cast %get3A_3000 : i32 to index
      %swap3A_3006 = arith.constant 0 : index
      %swap3A_3007 = vector.load %arg15[%swap3A_3004, %swap3A_3005, %swap3A_3006] : memref<16x256x128xf32, #tpu.memory_space<vmem>>, vector<1x1x128xf32>
      %swap3A_3008 = vector.shape_cast %swap3A_3007 : vector<1x1x128xf32> to vector<1x128xf32>
      %swap3A_3009 = vector.shape_cast %get3A_3003 : vector<1x128xf32> to vector<1x1x128xf32>
      tpu.vector_store %arg15[%swap3A_3004, %swap3A_3005, %swap3A_3006], %swap3A_3009 {strides = array<i32>} : memref<16x256x128xf32, #tpu.memory_space<vmem>>, vector<1x1x128xf32>,
      %get3A_3010 = arith.constant 4 : index
      %get3A_3011 = arith.constant 0 : index
      %get3A_3012 = arith.constant 0 : index
      %get3A_3013 = vector.load %arg15[%get3A_3010, %get3A_3011, %get3A_3012] : memref<16x256x128xf32, #tpu.memory_space<vmem>>, vector<1x256x128xf32>
      %get3A_3014 = vector.shape_cast %get3A_3013 : vector<1x256x128xf32> to vector<256x128xf32>
      %slice3A_3015 = vector.extract_strided_slice %transpose3A_2888 {offsets = [0, 4], sizes = [256, 1], strides = [1, 1]} : vector<256x16xf32> to vector<256x1xf32>
      %mul3A_3016 = vector.broadcast %slice3A_3015 : vector<256x1xf32> to vector<256x128xf32>
      %mul3A_3017 = arith.mulf %get3A_3014, %mul3A_3016 : vector<256x128xf32>
      %reduce_sum3A_3018 = arith.constant dense<0.000000e+00> : vector<128xf32>
      %reduce_sum3A_3019 = vector.multi_reduction <add>, %mul3A_3017, %reduce_sum3A_3018 [0] : vector<256x128xf32> to vector<128xf32>
      %broadcast_in_dim3A_3020 = vector.shape_cast %reduce_sum3A_3019 : vector<128xf32> to vector<1x128xf32>
      %swap3A_3021 = arith.index_cast %add3A_2998 : i32 to index
      %swap3A_3022 = arith.constant 0 : index
      %swap3A_3023 = vector.load %arg8[%swap3A_3021, %swap3A_3022] : memref<1024x128xf32, #tpu.memory_space<vmem>>, vector<1x128xf32>
      tpu.vector_store %arg8[%swap3A_3021, %swap3A_3022], %broadcast_in_dim3A_3020 {strides = array<i32>} : memref<1024x128xf32, #tpu.memory_space<vmem>>, vector<1x128xf32>,
      %add3A_3024 = arith.constant 5 : i32
      %add3A_3025 = arith.addi %mul3A_2878, %add3A_3024 : i32
      %get3A_3026 = arith.index_cast %add3A_3025 : i32 to index
      %get3A_3027 = memref.load %arg0[%get3A_3026] : memref<1024xi32, #tpu.memory_space<smem>>
      %get3A_3028 = arith.index_cast %add3A_3025 : i32 to index
      %get3A_3029 = arith.constant 0 : index
      %get3A_3030 = vector.load %arg1[%get3A_3028, %get3A_3029] : memref<1024x128xf32, #tpu.memory_space<vmem>>, vector<1x128xf32>
      %swap3A_3031 = arith.constant 5 : index
      %swap3A_3032 = arith.index_cast %get3A_3027 : i32 to index
      %swap3A_3033 = arith.constant 0 : index
      %swap3A_3034 = vector.load %arg15[%swap3A_3031, %swap3A_3032, %swap3A_3033] : memref<16x256x128xf32, #tpu.memory_space<vmem>>, vector<1x1x128xf32>
      %swap3A_3035 = vector.shape_cast %swap3A_3034 : vector<1x1x128xf32> to vector<1x128xf32>
      %swap3A_3036 = vector.shape_cast %get3A_3030 : vector<1x128xf32> to vector<1x1x128xf32>
      tpu.vector_store %arg15[%swap3A_3031, %swap3A_3032, %swap3A_3033], %swap3A_3036 {strides = array<i32>} : memref<16x256x128xf32, #tpu.memory_space<vmem>>, vector<1x1x128xf32>,
      %get3A_3037 = arith.constant 5 : index
      %get3A_3038 = arith.constant 0 : index
      %get3A_3039 = arith.constant 0 : index
      %get3A_3040 = vector.load %arg15[%get3A_3037, %get3A_3038, %get3A_3039] : memref<16x256x128xf32, #tpu.memory_space<vmem>>, vector<1x256x128xf32>
      %get3A_3041 = vector.shape_cast %get3A_3040 : vector<1x256x128xf32> to vector<256x128xf32>
      %slice3A_3042 = vector.extract_strided_slice %transpose3A_2888 {offsets = [0, 5], sizes = [256, 1], strides = [1, 1]} : vector<256x16xf32> to vector<256x1xf32>
      %mul3A_3043 = vector.broadcast %slice3A_3042 : vector<256x1xf32> to vector<256x128xf32>
      %mul3A_3044 = arith.mulf %get3A_3041, %mul3A_3043 : vector<256x128xf32>
      %reduce_sum3A_3045 = arith.constant dense<0.000000e+00> : vector<128xf32>
      %reduce_sum3A_3046 = vector.multi_reduction <add>, %mul3A_3044, %reduce_sum3A_3045 [0] : vector<256x128xf32> to vector<128xf32>
      %broadcast_in_dim3A_3047 = vector.shape_cast %reduce_sum3A_3046 : vector<128xf32> to vector<1x128xf32>
      %swap3A_3048 = arith.index_cast %add3A_3025 : i32 to index
      %swap3A_3049 = arith.constant 0 : index
      %swap3A_3050 = vector.load %arg8[%swap3A_3048, %swap3A_3049] : memref<1024x128xf32, #tpu.memory_space<vmem>>, vector<1x128xf32>
      tpu.vector_store %arg8[%swap3A_3048, %swap3A_3049], %broadcast_in_dim3A_3047 {strides = array<i32>} : memref<1024x128xf32, #tpu.memory_space<vmem>>, vector<1x128xf32>,
      %add3A_3051 = arith.constant 6 : i32
      %add3A_3052 = arith.addi %mul3A_2878, %add3A_3051 : i32
      %get3A_3053 = arith.index_cast %add3A_3052 : i32 to index
      %get3A_3054 = memref.load %arg0[%get3A_3053] : memref<1024xi32, #tpu.memory_space<smem>>
      %get3A_3055 = arith.index_cast %add3A_3052 : i32 to index
      %get3A_3056 = arith.constant 0 : index
      %get3A_3057 = vector.load %arg1[%get3A_3055, %get3A_3056] : memref<1024x128xf32, #tpu.memory_space<vmem>>, vector<1x128xf32>
      %swap3A_3058 = arith.constant 6 : index
      %swap3A_3059 = arith.index_cast %get3A_3054 : i32 to index
      %swap3A_3060 = arith.constant 0 : index
      %swap3A_3061 = vector.load %arg15[%swap3A_3058, %swap3A_3059, %swap3A_3060] : memref<16x256x128xf32, #tpu.memory_space<vmem>>, vector<1x1x128xf32>
      %swap3A_3062 = vector.shape_cast %swap3A_3061 : vector<1x1x128xf32> to vector<1x128xf32>
      %swap3A_3063 = vector.shape_cast %get3A_3057 : vector<1x128xf32> to vector<1x1x128xf32>
      tpu.vector_store %arg15[%swap3A_3058, %swap3A_3059, %swap3A_3060], %swap3A_3063 {strides = array<i32>} : memref<16x256x128xf32, #tpu.memory_space<vmem>>, vector<1x1x128xf32>,
      %get3A_3064 = arith.constant 6 : index
      %get3A_3065 = arith.constant 0 : index
      %get3A_3066 = arith.constant 0 : index
      %get3A_3067 = vector.load %arg15[%get3A_3064, %get3A_3065, %get3A_3066] : memref<16x256x128xf32, #tpu.memory_space<vmem>>, vector<1x256x128xf32>
      %get3A_3068 = vector.shape_cast %get3A_3067 : vector<1x256x128xf32> to vector<256x128xf32>
      %slice3A_3069 = vector.extract_strided_slice %transpose3A_2888 {offsets = [0, 6], sizes = [256, 1], strides = [1, 1]} : vector<256x16xf32> to vector<256x1xf32>
      %mul3A_3070 = vector.broadcast %slice3A_3069 : vector<256x1xf32> to vector<256x128xf32>
      %mul3A_3071 = arith.mulf %get3A_3068, %mul3A_3070 : vector<256x128xf32>
      %reduce_sum3A_3072 = arith.constant dense<0.000000e+00> : vector<128xf32>
      %reduce_sum3A_3073 = vector.multi_reduction <add>, %mul3A_3071, %reduce_sum3A_3072 [0] : vector<256x128xf32> to vector<128xf32>
      %broadcast_in_dim3A_3074 = vector.shape_cast %reduce_sum3A_3073 : vector<128xf32> to vector<1x128xf32>
      %swap3A_3075 = arith.index_cast %add3A_3052 : i32 to index
      %swap3A_3076 = arith.constant 0 : index
      %swap3A_3077 = vector.load %arg8[%swap3A_3075, %swap3A_3076] : memref<1024x128xf32, #tpu.memory_space<vmem>>, vector<1x128xf32>
      tpu.vector_store %arg8[%swap3A_3075, %swap3A_3076], %broadcast_in_dim3A_3074 {strides = array<i32>} : memref<1024x128xf32, #tpu.memory_space<vmem>>, vector<1x128xf32>,
      %add3A_3078 = arith.constant 7 : i32
      %add3A_3079 = arith.addi %mul3A_2878, %add3A_3078 : i32
      %get3A_3080 = arith.index_cast %add3A_3079 : i32 to index
      %get3A_3081 = memref.load %arg0[%get3A_3080] : memref<1024xi32, #tpu.memory_space<smem>>
      %get3A_3082 = arith.index_cast %add3A_3079 : i32 to index
      %get3A_3083 = arith.constant 0 : index
      %get3A_3084 = vector.load %arg1[%get3A_3082, %get3A_3083] : memref<1024x128xf32, #tpu.memory_space<vmem>>, vector<1x128xf32>
      %swap3A_3085 = arith.constant 7 : index
      %swap3A_3086 = arith.index_cast %get3A_3081 : i32 to index
      %swap3A_3087 = arith.constant 0 : index
      %swap3A_3088 = vector.load %arg15[%swap3A_3085, %swap3A_3086, %swap3A_3087] : memref<16x256x128xf32, #tpu.memory_space<vmem>>, vector<1x1x128xf32>
      %swap3A_3089 = vector.shape_cast %swap3A_3088 : vector<1x1x128xf32> to vector<1x128xf32>
      %swap3A_3090 = vector.shape_cast %get3A_3084 : vector<1x128xf32> to vector<1x1x128xf32>
      tpu.vector_store %arg15[%swap3A_3085, %swap3A_3086, %swap3A_3087], %swap3A_3090 {strides = array<i32>} : memref<16x256x128xf32, #tpu.memory_space<vmem>>, vector<1x1x128xf32>,
      %get3A_3091 = arith.constant 7 : index
      %get3A_3092 = arith.constant 0 : index
      %get3A_3093 = arith.constant 0 : index
      %get3A_3094 = vector.load %arg15[%get3A_3091, %get3A_3092, %get3A_3093] : memref<16x256x128xf32, #tpu.memory_space<vmem>>, vector<1x256x128xf32>
      %get3A_3095 = vector.shape_cast %get3A_3094 : vector<1x256x128xf32> to vector<256x128xf32>
      %slice3A_3096 = vector.extract_strided_slice %transpose3A_2888 {offsets = [0, 7], sizes = [256, 1], strides = [1, 1]} : vector<256x16xf32> to vector<256x1xf32>
      %mul3A_3097 = vector.broadcast %slice3A_3096 : vector<256x1xf32> to vector<256x128xf32>
      %mul3A_3098 = arith.mulf %get3A_3095, %mul3A_3097 : vector<256x128xf32>
      %reduce_sum3A_3099 = arith.constant dense<0.000000e+00> : vector<128xf32>
      %reduce_sum3A_3100 = vector.multi_reduction <add>, %mul3A_3098, %reduce_sum3A_3099 [0] : vector<256x128xf32> to vector<128xf32>
      %broadcast_in_dim3A_3101 = vector.shape_cast %reduce_sum3A_3100 : vector<128xf32> to vector<1x128xf32>
      %swap3A_3102 = arith.index_cast %add3A_3079 : i32 to index
      %swap3A_3103 = arith.constant 0 : index
      %swap3A_3104 = vector.load %arg8[%swap3A_3102, %swap3A_3103] : memref<1024x128xf32, #tpu.memory_space<vmem>>, vector<1x128xf32>
      tpu.vector_store %arg8[%swap3A_3102, %swap3A_3103], %broadcast_in_dim3A_3101 {strides = array<i32>} : memref<1024x128xf32, #tpu.memory_space<vmem>>, vector<1x128xf32>,
      %add3A_3105 = arith.constant 8 : i32
      %add3A_3106 = arith.addi %mul3A_2878, %add3A_3105 : i32
      %get3A_3107 = arith.index_cast %add3A_3106 : i32 to index
      %get3A_3108 = memref.load %arg0[%get3A_3107] : memref<1024xi32, #tpu.memory_space<smem>>
      %get3A_3109 = arith.index_cast %add3A_3106 : i32 to index
      %get3A_3110 = arith.constant 0 : index
      %get3A_3111 = vector.load %arg1[%get3A_3109, %get3A_3110] : memref<1024x128xf32, #tpu.memory_space<vmem>>, vector<1x128xf32>
      %swap3A_3112 = arith.constant 8 : index
      %swap3A_3113 = arith.index_cast %get3A_3108 : i32 to index
      %swap3A_3114 = arith.constant 0 : index
      %swap3A_3115 = vector.load %arg15[%swap3A_3112, %swap3A_3113, %swap3A_3114] : memref<16x256x128xf32, #tpu.memory_space<vmem>>, vector<1x1x128xf32>
      %swap3A_3116 = vector.shape_cast %swap3A_3115 : vector<1x1x128xf32> to vector<1x128xf32>
      %swap3A_3117 = vector.shape_cast %get3A_3111 : vector<1x128xf32> to vector<1x1x128xf32>
      tpu.vector_store %arg15[%swap3A_3112, %swap3A_3113, %swap3A_3114], %swap3A_3117 {strides = array<i32>} : memref<16x256x128xf32, #tpu.memory_space<vmem>>, vector<1x1x128xf32>,
      %get3A_3118 = arith.constant 8 : index
      %get3A_3119 = arith.constant 0 : index
      %get3A_3120 = arith.constant 0 : index
      %get3A_3121 = vector.load %arg15[%get3A_3118, %get3A_3119, %get3A_3120] : memref<16x256x128xf32, #tpu.memory_space<vmem>>, vector<1x256x128xf32>
      %get3A_3122 = vector.shape_cast %get3A_3121 : vector<1x256x128xf32> to vector<256x128xf32>
      %slice3A_3123 = vector.extract_strided_slice %transpose3A_2888 {offsets = [0, 8], sizes = [256, 1], strides = [1, 1]} : vector<256x16xf32> to vector<256x1xf32>
      %mul3A_3124 = vector.broadcast %slice3A_3123 : vector<256x1xf32> to vector<256x128xf32>
      %mul3A_3125 = arith.mulf %get3A_3122, %mul3A_3124 : vector<256x128xf32>
      %reduce_sum3A_3126 = arith.constant dense<0.000000e+00> : vector<128xf32>
      %reduce_sum3A_3127 = vector.multi_reduction <add>, %mul3A_3125, %reduce_sum3A_3126 [0] : vector<256x128xf32> to vector<128xf32>
      %broadcast_in_dim3A_3128 = vector.shape_cast %reduce_sum3A_3127 : vector<128xf32> to vector<1x128xf32>
      %swap3A_3129 = arith.index_cast %add3A_3106 : i32 to index
      %swap3A_3130 = arith.constant 0 : index
      %swap3A_3131 = vector.load %arg8[%swap3A_3129, %swap3A_3130] : memref<1024x128xf32, #tpu.memory_space<vmem>>, vector<1x128xf32>
      tpu.vector_store %arg8[%swap3A_3129, %swap3A_3130], %broadcast_in_dim3A_3128 {strides = array<i32>} : memref<1024x128xf32, #tpu.memory_space<vmem>>, vector<1x128xf32>,
      %add3A_3132 = arith.constant 9 : i32
      %add3A_3133 = arith.addi %mul3A_2878, %add3A_3132 : i32
      %get3A_3134 = arith.index_cast %add3A_3133 : i32 to index
      %get3A_3135 = memref.load %arg0[%get3A_3134] : memref<1024xi32, #tpu.memory_space<smem>>
      %get3A_3136 = arith.index_cast %add3A_3133 : i32 to index
      %get3A_3137 = arith.constant 0 : index
      %get3A_3138 = vector.load %arg1[%get3A_3136, %get3A_3137] : memref<1024x128xf32, #tpu.memory_space<vmem>>, vector<1x128xf32>
      %swap3A_3139 = arith.constant 9 : index
      %swap3A_3140 = arith.index_cast %get3A_3135 : i32 to index
      %swap3A_3141 = arith.constant 0 : index
      %swap3A_3142 = vector.load %arg15[%swap3A_3139, %swap3A_3140, %swap3A_3141] : memref<16x256x128xf32, #tpu.memory_space<vmem>>, vector<1x1x128xf32>
      %swap3A_3143 = vector.shape_cast %swap3A_3142 : vector<1x1x128xf32> to vector<1x128xf32>
      %swap3A_3144 = vector.shape_cast %get3A_3138 : vector<1x128xf32> to vector<1x1x128xf32>
      tpu.vector_store %arg15[%swap3A_3139, %swap3A_3140, %swap3A_3141], %swap3A_3144 {strides = array<i32>} : memref<16x256x128xf32, #tpu.memory_space<vmem>>, vector<1x1x128xf32>,
      %get3A_3145 = arith.constant 9 : index
      %get3A_3146 = arith.constant 0 : index
      %get3A_3147 = arith.constant 0 : index
      %get3A_3148 = vector.load %arg15[%get3A_3145, %get3A_3146, %get3A_3147] : memref<16x256x128xf32, #tpu.memory_space<vmem>>, vector<1x256x128xf32>
      %get3A_3149 = vector.shape_cast %get3A_3148 : vector<1x256x128xf32> to vector<256x128xf32>
      %slice3A_3150 = vector.extract_strided_slice %transpose3A_2888 {offsets = [0, 9], sizes = [256, 1], strides = [1, 1]} : vector<256x16xf32> to vector<256x1xf32>
      %mul3A_3151 = vector.broadcast %slice3A_3150 : vector<256x1xf32> to vector<256x128xf32>
      %mul3A_3152 = arith.mulf %get3A_3149, %mul3A_3151 : vector<256x128xf32>
      %reduce_sum3A_3153 = arith.constant dense<0.000000e+00> : vector<128xf32>
      %reduce_sum3A_3154 = vector.multi_reduction <add>, %mul3A_3152, %reduce_sum3A_3153 [0] : vector<256x128xf32> to vector<128xf32>
      %broadcast_in_dim3A_3155 = vector.shape_cast %reduce_sum3A_3154 : vector<128xf32> to vector<1x128xf32>
      %swap3A_3156 = arith.index_cast %add3A_3133 : i32 to index
      %swap3A_3157 = arith.constant 0 : index
      %swap3A_3158 = vector.load %arg8[%swap3A_3156, %swap3A_3157] : memref<1024x128xf32, #tpu.memory_space<vmem>>, vector<1x128xf32>
      tpu.vector_store %arg8[%swap3A_3156, %swap3A_3157], %broadcast_in_dim3A_3155 {strides = array<i32>} : memref<1024x128xf32, #tpu.memory_space<vmem>>, vector<1x128xf32>,
      %add3A_3159 = arith.constant 10 : i32
      %add3A_3160 = arith.addi %mul3A_2878, %add3A_3159 : i32
      %get3A_3161 = arith.index_cast %add3A_3160 : i32 to index
      %get3A_3162 = memref.load %arg0[%get3A_3161] : memref<1024xi32, #tpu.memory_space<smem>>
      %get3A_3163 = arith.index_cast %add3A_3160 : i32 to index
      %get3A_3164 = arith.constant 0 : index
      %get3A_3165 = vector.load %arg1[%get3A_3163, %get3A_3164] : memref<1024x128xf32, #tpu.memory_space<vmem>>, vector<1x128xf32>
      %swap3A_3166 = arith.constant 10 : index
      %swap3A_3167 = arith.index_cast %get3A_3162 : i32 to index
      %swap3A_3168 = arith.constant 0 : index
      %swap3A_3169 = vector.load %arg15[%swap3A_3166, %swap3A_3167, %swap3A_3168] : memref<16x256x128xf32, #tpu.memory_space<vmem>>, vector<1x1x128xf32>
      %swap3A_3170 = vector.shape_cast %swap3A_3169 : vector<1x1x128xf32> to vector<1x128xf32>
      %swap3A_3171 = vector.shape_cast %get3A_3165 : vector<1x128xf32> to vector<1x1x128xf32>
      tpu.vector_store %arg15[%swap3A_3166, %swap3A_3167, %swap3A_3168], %swap3A_3171 {strides = array<i32>} : memref<16x256x128xf32, #tpu.memory_space<vmem>>, vector<1x1x128xf32>,
      %get3A_3172 = arith.constant 10 : index
      %get3A_3173 = arith.constant 0 : index
      %get3A_3174 = arith.constant 0 : index
      %get3A_3175 = vector.load %arg15[%get3A_3172, %get3A_3173, %get3A_3174] : memref<16x256x128xf32, #tpu.memory_space<vmem>>, vector<1x256x128xf32>
      %get3A_3176 = vector.shape_cast %get3A_3175 : vector<1x256x128xf32> to vector<256x128xf32>
      %slice3A_3177 = vector.extract_strided_slice %transpose3A_2888 {offsets = [0, 10], sizes = [256, 1], strides = [1, 1]} : vector<256x16xf32> to vector<256x1xf32>
      %mul3A_3178 = vector.broadcast %slice3A_3177 : vector<256x1xf32> to vector<256x128xf32>
      %mul3A_3179 = arith.mulf %get3A_3176, %mul3A_3178 : vector<256x128xf32>
      %reduce_sum3A_3180 = arith.constant dense<0.000000e+00> : vector<128xf32>
      %reduce_sum3A_3181 = vector.multi_reduction <add>, %mul3A_3179, %reduce_sum3A_3180 [0] : vector<256x128xf32> to vector<128xf32>
      %broadcast_in_dim3A_3182 = vector.shape_cast %reduce_sum3A_3181 : vector<128xf32> to vector<1x128xf32>
      %swap3A_3183 = arith.index_cast %add3A_3160 : i32 to index
      %swap3A_3184 = arith.constant 0 : index
      %swap3A_3185 = vector.load %arg8[%swap3A_3183, %swap3A_3184] : memref<1024x128xf32, #tpu.memory_space<vmem>>, vector<1x128xf32>
      tpu.vector_store %arg8[%swap3A_3183, %swap3A_3184], %broadcast_in_dim3A_3182 {strides = array<i32>} : memref<1024x128xf32, #tpu.memory_space<vmem>>, vector<1x128xf32>,
      %add3A_3186 = arith.constant 11 : i32
      %add3A_3187 = arith.addi %mul3A_2878, %add3A_3186 : i32
      %get3A_3188 = arith.index_cast %add3A_3187 : i32 to index
      %get3A_3189 = memref.load %arg0[%get3A_3188] : memref<1024xi32, #tpu.memory_space<smem>>
      %get3A_3190 = arith.index_cast %add3A_3187 : i32 to index
      %get3A_3191 = arith.constant 0 : index
      %get3A_3192 = vector.load %arg1[%get3A_3190, %get3A_3191] : memref<1024x128xf32, #tpu.memory_space<vmem>>, vector<1x128xf32>
      %swap3A_3193 = arith.constant 11 : index
      %swap3A_3194 = arith.index_cast %get3A_3189 : i32 to index
      %swap3A_3195 = arith.constant 0 : index
      %swap3A_3196 = vector.load %arg15[%swap3A_3193, %swap3A_3194, %swap3A_3195] : memref<16x256x128xf32, #tpu.memory_space<vmem>>, vector<1x1x128xf32>
      %swap3A_3197 = vector.shape_cast %swap3A_3196 : vector<1x1x128xf32> to vector<1x128xf32>
      %swap3A_3198 = vector.shape_cast %get3A_3192 : vector<1x128xf32> to vector<1x1x128xf32>
      tpu.vector_store %arg15[%swap3A_3193, %swap3A_3194, %swap3A_3195], %swap3A_3198 {strides = array<i32>} : memref<16x256x128xf32, #tpu.memory_space<vmem>>, vector<1x1x128xf32>,
      %get3A_3199 = arith.constant 11 : index
      %get3A_3200 = arith.constant 0 : index
      %get3A_3201 = arith.constant 0 : index
      %get3A_3202 = vector.load %arg15[%get3A_3199, %get3A_3200, %get3A_3201] : memref<16x256x128xf32, #tpu.memory_space<vmem>>, vector<1x256x128xf32>
      %get3A_3203 = vector.shape_cast %get3A_3202 : vector<1x256x128xf32> to vector<256x128xf32>
      %slice3A_3204 = vector.extract_strided_slice %transpose3A_2888 {offsets = [0, 11], sizes = [256, 1], strides = [1, 1]} : vector<256x16xf32> to vector<256x1xf32>
      %mul3A_3205 = vector.broadcast %slice3A_3204 : vector<256x1xf32> to vector<256x128xf32>
      %mul3A_3206 = arith.mulf %get3A_3203, %mul3A_3205 : vector<256x128xf32>
      %reduce_sum3A_3207 = arith.constant dense<0.000000e+00> : vector<128xf32>
      %reduce_sum3A_3208 = vector.multi_reduction <add>, %mul3A_3206, %reduce_sum3A_3207 [0] : vector<256x128xf32> to vector<128xf32>
      %broadcast_in_dim3A_3209 = vector.shape_cast %reduce_sum3A_3208 : vector<128xf32> to vector<1x128xf32>
      %swap3A_3210 = arith.index_cast %add3A_3187 : i32 to index
      %swap3A_3211 = arith.constant 0 : index
      %swap3A_3212 = vector.load %arg8[%swap3A_3210, %swap3A_3211] : memref<1024x128xf32, #tpu.memory_space<vmem>>, vector<1x128xf32>
      tpu.vector_store %arg8[%swap3A_3210, %swap3A_3211], %broadcast_in_dim3A_3209 {strides = array<i32>} : memref<1024x128xf32, #tpu.memory_space<vmem>>, vector<1x128xf32>,
      %add3A_3213 = arith.constant 12 : i32
      %add3A_3214 = arith.addi %mul3A_2878, %add3A_3213 : i32
      %get3A_3215 = arith.index_cast %add3A_3214 : i32 to index
      %get3A_3216 = memref.load %arg0[%get3A_3215] : memref<1024xi32, #tpu.memory_space<smem>>
      %get3A_3217 = arith.index_cast %add3A_3214 : i32 to index
      %get3A_3218 = arith.constant 0 : index
      %get3A_3219 = vector.load %arg1[%get3A_3217, %get3A_3218] : memref<1024x128xf32, #tpu.memory_space<vmem>>, vector<1x128xf32>
      %swap3A_3220 = arith.constant 12 : index
      %swap3A_3221 = arith.index_cast %get3A_3216 : i32 to index
      %swap3A_3222 = arith.constant 0 : index
      %swap3A_3223 = vector.load %arg15[%swap3A_3220, %swap3A_3221, %swap3A_3222] : memref<16x256x128xf32, #tpu.memory_space<vmem>>, vector<1x1x128xf32>
      %swap3A_3224 = vector.shape_cast %swap3A_3223 : vector<1x1x128xf32> to vector<1x128xf32>
      %swap3A_3225 = vector.shape_cast %get3A_3219 : vector<1x128xf32> to vector<1x1x128xf32>
      tpu.vector_store %arg15[%swap3A_3220, %swap3A_3221, %swap3A_3222], %swap3A_3225 {strides = array<i32>} : memref<16x256x128xf32, #tpu.memory_space<vmem>>, vector<1x1x128xf32>,
      %get3A_3226 = arith.constant 12 : index
      %get3A_3227 = arith.constant 0 : index
      %get3A_3228 = arith.constant 0 : index
      %get3A_3229 = vector.load %arg15[%get3A_3226, %get3A_3227, %get3A_3228] : memref<16x256x128xf32, #tpu.memory_space<vmem>>, vector<1x256x128xf32>
      %get3A_3230 = vector.shape_cast %get3A_3229 : vector<1x256x128xf32> to vector<256x128xf32>
      %slice3A_3231 = vector.extract_strided_slice %transpose3A_2888 {offsets = [0, 12], sizes = [256, 1], strides = [1, 1]} : vector<256x16xf32> to vector<256x1xf32>
      %mul3A_3232 = vector.broadcast %slice3A_3231 : vector<256x1xf32> to vector<256x128xf32>
      %mul3A_3233 = arith.mulf %get3A_3230, %mul3A_3232 : vector<256x128xf32>
      %reduce_sum3A_3234 = arith.constant dense<0.000000e+00> : vector<128xf32>
      %reduce_sum3A_3235 = vector.multi_reduction <add>, %mul3A_3233, %reduce_sum3A_3234 [0] : vector<256x128xf32> to vector<128xf32>
      %broadcast_in_dim3A_3236 = vector.shape_cast %reduce_sum3A_3235 : vector<128xf32> to vector<1x128xf32>
      %swap3A_3237 = arith.index_cast %add3A_3214 : i32 to index
      %swap3A_3238 = arith.constant 0 : index
      %swap3A_3239 = vector.load %arg8[%swap3A_3237, %swap3A_3238] : memref<1024x128xf32, #tpu.memory_space<vmem>>, vector<1x128xf32>
      tpu.vector_store %arg8[%swap3A_3237, %swap3A_3238], %broadcast_in_dim3A_3236 {strides = array<i32>} : memref<1024x128xf32, #tpu.memory_space<vmem>>, vector<1x128xf32>,
      %add3A_3240 = arith.constant 13 : i32
      %add3A_3241 = arith.addi %mul3A_2878, %add3A_3240 : i32
      %get3A_3242 = arith.index_cast %add3A_3241 : i32 to index
      %get3A_3243 = memref.load %arg0[%get3A_3242] : memref<1024xi32, #tpu.memory_space<smem>>
      %get3A_3244 = arith.index_cast %add3A_3241 : i32 to index
      %get3A_3245 = arith.constant 0 : index
      %get3A_3246 = vector.load %arg1[%get3A_3244, %get3A_3245] : memref<1024x128xf32, #tpu.memory_space<vmem>>, vector<1x128xf32>
      %swap3A_3247 = arith.constant 13 : index
      %swap3A_3248 = arith.index_cast %get3A_3243 : i32 to index
      %swap3A_3249 = arith.constant 0 : index
      %swap3A_3250 = vector.load %arg15[%swap3A_3247, %swap3A_3248, %swap3A_3249] : memref<16x256x128xf32, #tpu.memory_space<vmem>>, vector<1x1x128xf32>
      %swap3A_3251 = vector.shape_cast %swap3A_3250 : vector<1x1x128xf32> to vector<1x128xf32>
      %swap3A_3252 = vector.shape_cast %get3A_3246 : vector<1x128xf32> to vector<1x1x128xf32>
      tpu.vector_store %arg15[%swap3A_3247, %swap3A_3248, %swap3A_3249], %swap3A_3252 {strides = array<i32>} : memref<16x256x128xf32, #tpu.memory_space<vmem>>, vector<1x1x128xf32>,
      %get3A_3253 = arith.constant 13 : index
      %get3A_3254 = arith.constant 0 : index
      %get3A_3255 = arith.constant 0 : index
      %get3A_3256 = vector.load %arg15[%get3A_3253, %get3A_3254, %get3A_3255] : memref<16x256x128xf32, #tpu.memory_space<vmem>>, vector<1x256x128xf32>
      %get3A_3257 = vector.shape_cast %get3A_3256 : vector<1x256x128xf32> to vector<256x128xf32>
      %slice3A_3258 = vector.extract_strided_slice %transpose3A_2888 {offsets = [0, 13], sizes = [256, 1], strides = [1, 1]} : vector<256x16xf32> to vector<256x1xf32>
      %mul3A_3259 = vector.broadcast %slice3A_3258 : vector<256x1xf32> to vector<256x128xf32>
      %mul3A_3260 = arith.mulf %get3A_3257, %mul3A_3259 : vector<256x128xf32>
      %reduce_sum3A_3261 = arith.constant dense<0.000000e+00> : vector<128xf32>
      %reduce_sum3A_3262 = vector.multi_reduction <add>, %mul3A_3260, %reduce_sum3A_3261 [0] : vector<256x128xf32> to vector<128xf32>
      %broadcast_in_dim3A_3263 = vector.shape_cast %reduce_sum3A_3262 : vector<128xf32> to vector<1x128xf32>
      %swap3A_3264 = arith.index_cast %add3A_3241 : i32 to index
      %swap3A_3265 = arith.constant 0 : index
      %swap3A_3266 = vector.load %arg8[%swap3A_3264, %swap3A_3265] : memref<1024x128xf32, #tpu.memory_space<vmem>>, vector<1x128xf32>
      tpu.vector_store %arg8[%swap3A_3264, %swap3A_3265], %broadcast_in_dim3A_3263 {strides = array<i32>} : memref<1024x128xf32, #tpu.memory_space<vmem>>, vector<1x128xf32>,
      %add3A_3267 = arith.constant 14 : i32
      %add3A_3268 = arith.addi %mul3A_2878, %add3A_3267 : i32
      %get3A_3269 = arith.index_cast %add3A_3268 : i32 to index
      %get3A_3270 = memref.load %arg0[%get3A_3269] : memref<1024xi32, #tpu.memory_space<smem>>
      %get3A_3271 = arith.index_cast %add3A_3268 : i32 to index
      %get3A_3272 = arith.constant 0 : index
      %get3A_3273 = vector.load %arg1[%get3A_3271, %get3A_3272] : memref<1024x128xf32, #tpu.memory_space<vmem>>, vector<1x128xf32>
      %swap3A_3274 = arith.constant 14 : index
      %swap3A_3275 = arith.index_cast %get3A_3270 : i32 to index
      %swap3A_3276 = arith.constant 0 : index
      %swap3A_3277 = vector.load %arg15[%swap3A_3274, %swap3A_3275, %swap3A_3276] : memref<16x256x128xf32, #tpu.memory_space<vmem>>, vector<1x1x128xf32>
      %swap3A_3278 = vector.shape_cast %swap3A_3277 : vector<1x1x128xf32> to vector<1x128xf32>
      %swap3A_3279 = vector.shape_cast %get3A_3273 : vector<1x128xf32> to vector<1x1x128xf32>
      tpu.vector_store %arg15[%swap3A_3274, %swap3A_3275, %swap3A_3276], %swap3A_3279 {strides = array<i32>} : memref<16x256x128xf32, #tpu.memory_space<vmem>>, vector<1x1x128xf32>,
      %get3A_3280 = arith.constant 14 : index
      %get3A_3281 = arith.constant 0 : index
      %get3A_3282 = arith.constant 0 : index
      %get3A_3283 = vector.load %arg15[%get3A_3280, %get3A_3281, %get3A_3282] : memref<16x256x128xf32, #tpu.memory_space<vmem>>, vector<1x256x128xf32>
      %get3A_3284 = vector.shape_cast %get3A_3283 : vector<1x256x128xf32> to vector<256x128xf32>
      %slice3A_3285 = vector.extract_strided_slice %transpose3A_2888 {offsets = [0, 14], sizes = [256, 1], strides = [1, 1]} : vector<256x16xf32> to vector<256x1xf32>
      %mul3A_3286 = vector.broadcast %slice3A_3285 : vector<256x1xf32> to vector<256x128xf32>
      %mul3A_3287 = arith.mulf %get3A_3284, %mul3A_3286 : vector<256x128xf32>
      %reduce_sum3A_3288 = arith.constant dense<0.000000e+00> : vector<128xf32>
      %reduce_sum3A_3289 = vector.multi_reduction <add>, %mul3A_3287, %reduce_sum3A_3288 [0] : vector<256x128xf32> to vector<128xf32>
      %broadcast_in_dim3A_3290 = vector.shape_cast %reduce_sum3A_3289 : vector<128xf32> to vector<1x128xf32>
      %swap3A_3291 = arith.index_cast %add3A_3268 : i32 to index
      %swap3A_3292 = arith.constant 0 : index
      %swap3A_3293 = vector.load %arg8[%swap3A_3291, %swap3A_3292] : memref<1024x128xf32, #tpu.memory_space<vmem>>, vector<1x128xf32>
      tpu.vector_store %arg8[%swap3A_3291, %swap3A_3292], %broadcast_in_dim3A_3290 {strides = array<i32>} : memref<1024x128xf32, #tpu.memory_space<vmem>>, vector<1x128xf32>,
      %add3A_3294 = arith.constant 15 : i32
      %add3A_3295 = arith.addi %mul3A_2878, %add3A_3294 : i32
      %get3A_3296 = arith.index_cast %add3A_3295 : i32 to index
      %get3A_3297 = memref.load %arg0[%get3A_3296] : memref<1024xi32, #tpu.memory_space<smem>>
      %get3A_3298 = arith.index_cast %add3A_3295 : i32 to index
      %get3A_3299 = arith.constant 0 : index
      %get3A_3300 = vector.load %arg1[%get3A_3298, %get3A_3299] : memref<1024x128xf32, #tpu.memory_space<vmem>>, vector<1x128xf32>
      %swap3A_3301 = arith.constant 15 : index
      %swap3A_3302 = arith.index_cast %get3A_3297 : i32 to index
      %swap3A_3303 = arith.constant 0 : index
      %swap3A_3304 = vector.load %arg15[%swap3A_3301, %swap3A_3302, %swap3A_3303] : memref<16x256x128xf32, #tpu.memory_space<vmem>>, vector<1x1x128xf32>
      %swap3A_3305 = vector.shape_cast %swap3A_3304 : vector<1x1x128xf32> to vector<1x128xf32>
      %swap3A_3306 = vector.shape_cast %get3A_3300 : vector<1x128xf32> to vector<1x1x128xf32>
      tpu.vector_store %arg15[%swap3A_3301, %swap3A_3302, %swap3A_3303], %swap3A_3306 {strides = array<i32>} : memref<16x256x128xf32, #tpu.memory_space<vmem>>, vector<1x1x128xf32>,
      %get3A_3307 = arith.constant 15 : index
      %get3A_3308 = arith.constant 0 : index
      %get3A_3309 = arith.constant 0 : index
      %get3A_3310 = vector.load %arg15[%get3A_3307, %get3A_3308, %get3A_3309] : memref<16x256x128xf32, #tpu.memory_space<vmem>>, vector<1x256x128xf32>
      %get3A_3311 = vector.shape_cast %get3A_3310 : vector<1x256x128xf32> to vector<256x128xf32>
      %slice3A_3312 = vector.extract_strided_slice %transpose3A_2888 {offsets = [0, 15], sizes = [256, 1], strides = [1, 1]} : vector<256x16xf32> to vector<256x1xf32>
      %mul3A_3313 = vector.broadcast %slice3A_3312 : vector<256x1xf32> to vector<256x128xf32>
      %mul3A_3314 = arith.mulf %get3A_3311, %mul3A_3313 : vector<256x128xf32>
      %reduce_sum3A_3315 = arith.constant dense<0.000000e+00> : vector<128xf32>
      %reduce_sum3A_3316 = vector.multi_reduction <add>, %mul3A_3314, %reduce_sum3A_3315 [0] : vector<256x128xf32> to vector<128xf32>
      %broadcast_in_dim3A_3317 = vector.shape_cast %reduce_sum3A_3316 : vector<128xf32> to vector<1x128xf32>
      %swap3A_3318 = arith.index_cast %add3A_3295 : i32 to index
      %swap3A_3319 = arith.constant 0 : index
      %swap3A_3320 = vector.load %arg8[%swap3A_3318, %swap3A_3319] : memref<1024x128xf32, #tpu.memory_space<vmem>>, vector<1x128xf32>
      tpu.vector_store %arg8[%swap3A_3318, %swap3A_3319], %broadcast_in_dim3A_3317 {strides = array<i32>} : memref<1024x128xf32, #tpu.memory_space<vmem>>, vector<1x128xf32>,
      %dma_start3A_3321 = arith.constant 6 : i32
      %dma_start3A_3322 = tpu.memref_slice %arg18[%dma_start3A_3321] : memref<8x!tpu.dma_semaphore, #tpu.memory_space<semaphore_mem>> -> memref<1x!tpu.dma_semaphore, #tpu.memory_space<semaphore_mem>>
      %dma_start3A_3323 = tpu.memref_squeeze %dma_start3A_3322 : memref<1x!tpu.dma_semaphore, #tpu.memory_space<semaphore_mem>> -> memref<!tpu.dma_semaphore, #tpu.memory_space<semaphore_mem>>
      %dma_start3A_3324 = arith.constant 0 : i32
      %dma_start3A_3325 = arith.constant 0 : i32
      %dma_start3A_3326 = tpu.memref_slice %arg6[%mul3A_2878, %dma_start3A_3324, %dma_start3A_3325] : memref<1024x256x128xf32, #tpu.memory_space<any>> -> memref<16x256x128xf32, #tpu.memory_space<any>>
      tpu.enqueue_dma source(%arg15 : memref<16x256x128xf32, #tpu.memory_space<vmem>>) target(%dma_start3A_3326 : memref<16x256x128xf32, #tpu.memory_space<any>>) target_semaphore(%dma_start3A_3323 : memref<!tpu.dma_semaphore, #tpu.memory_space<semaphore_mem>>)
      %add3A_3327 = arith.constant 4 : i32
      %add3A_3328 = arith.addi %add3A_2876, %add3A_3327 : i32
      %add3A_3329 = arith.constant 64 : i32
      %add3A_3330 = arith.addi %mul3A_2878, %add3A_3329 : i32
      %lt3A_3331 = arith.constant 64 : i32
      %lt3A_3332 = arith.cmpi slt, %add3A_3328, %lt3A_3331 : i32
      %convert_element_type3A_3333 = arith.extui %lt3A_3332 : i1 to i32
      %cond3A_3334 = arith.constant 0 : i32
      %cond3A_3335 = arith.cmpi ne, %convert_element_type3A_3333, %cond3A_3334 : i32
      scf.if %cond3A_3335 {
        %ge3A = arith.constant 8 : i32
        %ge3A_3799 = arith.cmpi sge, %add3A_3328, %ge3A : i32
        %convert_element_type3A_3800 = arith.extui %ge3A_3799 : i1 to i32
        %cond3A_3801 = arith.constant 0 : i32
        %cond3A_3802 = arith.cmpi ne, %convert_element_type3A_3800, %cond3A_3801 : i32
        scf.if %cond3A_3802 {
          %sub3A = arith.constant 128 : i32
          %sub3A_3809 = arith.subi %add3A_3330, %sub3A : i32
          %dma_wait3A_3810 = arith.constant 2 : i32
          %dma_wait3A_3811 = tpu.memref_slice %arg18[%dma_wait3A_3810] : memref<8x!tpu.dma_semaphore, #tpu.memory_space<semaphore_mem>> -> memref<1x!tpu.dma_semaphore, #tpu.memory_space<semaphore_mem>>
          %dma_wait3A_3812 = tpu.memref_squeeze %dma_wait3A_3811 : memref<1x!tpu.dma_semaphore, #tpu.memory_space<semaphore_mem>> -> memref<!tpu.dma_semaphore, #tpu.memory_space<semaphore_mem>>
          %dma_wait3A_3813 = arith.constant 0 : i32
          %dma_wait3A_3814 = arith.constant 0 : i32
          %dma_wait3A_3815 = tpu.memref_slice %arg6[%sub3A_3809, %dma_wait3A_3813, %dma_wait3A_3814] : memref<1024x256x128xf32, #tpu.memory_space<any>> -> memref<16x256x128xf32, #tpu.memory_space<any>>
          tpu.wait_dma2 semaphore(%dma_wait3A_3812 : memref<!tpu.dma_semaphore, #tpu.memory_space<semaphore_mem>>) src(%arg11 : memref<16x256x128xf32, #tpu.memory_space<vmem>>) dst(%dma_wait3A_3815 : memref<16x256x128xf32, #tpu.memory_space<any>>)
        } else {
        }
        %dma_start3A_3803 = arith.constant 2 : i32
        %dma_start3A_3804 = tpu.memref_slice %arg17[%dma_start3A_3803] : memref<8x!tpu.dma_semaphore, #tpu.memory_space<semaphore_mem>> -> memref<1x!tpu.dma_semaphore, #tpu.memory_space<semaphore_mem>>
        %dma_start3A_3805 = tpu.memref_squeeze %dma_start3A_3804 : memref<1x!tpu.dma_semaphore, #tpu.memory_space<semaphore_mem>> -> memref<!tpu.dma_semaphore, #tpu.memory_space<semaphore_mem>>
        %dma_start3A_3806 = arith.constant 0 : i32
        %dma_start3A_3807 = arith.constant 0 : i32
        %dma_start3A_3808 = tpu.memref_slice %arg5[%add3A_3330, %dma_start3A_3806, %dma_start3A_3807] : memref<1024x256x128xf32, #tpu.memory_space<any>> -> memref<16x256x128xf32, #tpu.memory_space<any>>
        tpu.enqueue_dma source(%dma_start3A_3808 : memref<16x256x128xf32, #tpu.memory_space<any>>) target(%arg11 : memref<16x256x128xf32, #tpu.memory_space<vmem>>) target_semaphore(%dma_start3A_3805 : memref<!tpu.dma_semaphore, #tpu.memory_space<semaphore_mem>>)
      } else {
      }
      %mul3A_3336 = arith.constant 8 : i32
      %mul3A_3337 = arith.muli %scan3A_102, %mul3A_3336 : i32
      %add3A_3338 = arith.constant 7 : i32
      %add3A_3339 = arith.addi %mul3A_3337, %add3A_3338 : i32
      %mul3A_3340 = arith.constant 16 : i32
      %mul3A_3341 = arith.muli %add3A_3339, %mul3A_3340 : i32
      %dma_wait3A_3342 = arith.constant 7 : i32
      %dma_wait3A_3343 = tpu.memref_slice %arg17[%dma_wait3A_3342] : memref<8x!tpu.dma_semaphore, #tpu.memory_space<semaphore_mem>> -> memref<1x!tpu.dma_semaphore, #tpu.memory_space<semaphore_mem>>
      %dma_wait3A_3344 = tpu.memref_squeeze %dma_wait3A_3343 : memref<1x!tpu.dma_semaphore, #tpu.memory_space<semaphore_mem>> -> memref<!tpu.dma_semaphore, #tpu.memory_space<semaphore_mem>>
      %dma_wait3A_3345 = arith.constant 0 : i32
      %dma_wait3A_3346 = arith.constant 0 : i32
      %dma_wait3A_3347 = tpu.memref_slice %arg5[%mul3A_3341, %dma_wait3A_3345, %dma_wait3A_3346] : memref<1024x256x128xf32, #tpu.memory_space<any>> -> memref<16x256x128xf32, #tpu.memory_space<any>>
      tpu.wait_dma2 semaphore(%dma_wait3A_3344 : memref<!tpu.dma_semaphore, #tpu.memory_space<semaphore_mem>>) src(%dma_wait3A_3347 : memref<16x256x128xf32, #tpu.memory_space<any>>) dst(%arg16 : memref<16x256x128xf32, #tpu.memory_space<vmem>>)
      %get3A_3348 = arith.index_cast %mul3A_3341 : i32 to index
      %get3A_3349 = arith.constant 0 : index
      %get3A_3350 = vector.load %arg4[%get3A_3348, %get3A_3349] : memref<1024x256xf32, #tpu.memory_space<vmem>>, vector<16x256xf32>
      %transpose3A_3351 = tpu.transpose %get3A_3350, [1, 0] : vector<16x256xf32> -> vector<256x16xf32>
      %add3A_3352 = arith.constant 0 : i32
      %add3A_3353 = arith.addi %mul3A_3341, %add3A_3352 : i32
      %get3A_3354 = arith.index_cast %add3A_3353 : i32 to index
      %get3A_3355 = memref.load %arg0[%get3A_3354] : memref<1024xi32, #tpu.memory_space<smem>>
      %get3A_3356 = arith.index_cast %add3A_3353 : i32 to index
      %get3A_3357 = arith.constant 0 : index
      %get3A_3358 = vector.load %arg1[%get3A_3356, %get3A_3357] : memref<1024x128xf32, #tpu.memory_space<vmem>>, vector<1x128xf32>
      %swap3A_3359 = arith.constant 0 : index
      %swap3A_3360 = arith.index_cast %get3A_3355 : i32 to index
      %swap3A_3361 = arith.constant 0 : index
      %swap3A_3362 = vector.load %arg16[%swap3A_3359, %swap3A_3360, %swap3A_3361] : memref<16x256x128xf32, #tpu.memory_space<vmem>>, vector<1x1x128xf32>
      %swap3A_3363 = vector.shape_cast %swap3A_3362 : vector<1x1x128xf32> to vector<1x128xf32>
      %swap3A_3364 = vector.shape_cast %get3A_3358 : vector<1x128xf32> to vector<1x1x128xf32>
      tpu.vector_store %arg16[%swap3A_3359, %swap3A_3360, %swap3A_3361], %swap3A_3364 {strides = array<i32>} : memref<16x256x128xf32, #tpu.memory_space<vmem>>, vector<1x1x128xf32>,
      %get3A_3365 = arith.constant 0 : index
      %get3A_3366 = arith.constant 0 : index
      %get3A_3367 = arith.constant 0 : index
      %get3A_3368 = vector.load %arg16[%get3A_3365, %get3A_3366, %get3A_3367] : memref<16x256x128xf32, #tpu.memory_space<vmem>>, vector<1x256x128xf32>
      %get3A_3369 = vector.shape_cast %get3A_3368 : vector<1x256x128xf32> to vector<256x128xf32>
      %slice3A_3370 = vector.extract_strided_slice %transpose3A_3351 {offsets = [0, 0], sizes = [256, 1], strides = [1, 1]} : vector<256x16xf32> to vector<256x1xf32>
      %mul3A_3371 = vector.broadcast %slice3A_3370 : vector<256x1xf32> to vector<256x128xf32>
      %mul3A_3372 = arith.mulf %get3A_3369, %mul3A_3371 : vector<256x128xf32>
      %reduce_sum3A_3373 = arith.constant dense<0.000000e+00> : vector<128xf32>
      %reduce_sum3A_3374 = vector.multi_reduction <add>, %mul3A_3372, %reduce_sum3A_3373 [0] : vector<256x128xf32> to vector<128xf32>
      %broadcast_in_dim3A_3375 = vector.shape_cast %reduce_sum3A_3374 : vector<128xf32> to vector<1x128xf32>
      %swap3A_3376 = arith.index_cast %add3A_3353 : i32 to index
      %swap3A_3377 = arith.constant 0 : index
      %swap3A_3378 = vector.load %arg8[%swap3A_3376, %swap3A_3377] : memref<1024x128xf32, #tpu.memory_space<vmem>>, vector<1x128xf32>
      tpu.vector_store %arg8[%swap3A_3376, %swap3A_3377], %broadcast_in_dim3A_3375 {strides = array<i32>} : memref<1024x128xf32, #tpu.memory_space<vmem>>, vector<1x128xf32>,
      %add3A_3379 = arith.constant 1 : i32
      %add3A_3380 = arith.addi %mul3A_3341, %add3A_3379 : i32
      %get3A_3381 = arith.index_cast %add3A_3380 : i32 to index
      %get3A_3382 = memref.load %arg0[%get3A_3381] : memref<1024xi32, #tpu.memory_space<smem>>
      %get3A_3383 = arith.index_cast %add3A_3380 : i32 to index
      %get3A_3384 = arith.constant 0 : index
      %get3A_3385 = vector.load %arg1[%get3A_3383, %get3A_3384] : memref<1024x128xf32, #tpu.memory_space<vmem>>, vector<1x128xf32>
      %swap3A_3386 = arith.constant 1 : index
      %swap3A_3387 = arith.index_cast %get3A_3382 : i32 to index
      %swap3A_3388 = arith.constant 0 : index
      %swap3A_3389 = vector.load %arg16[%swap3A_3386, %swap3A_3387, %swap3A_3388] : memref<16x256x128xf32, #tpu.memory_space<vmem>>, vector<1x1x128xf32>
      %swap3A_3390 = vector.shape_cast %swap3A_3389 : vector<1x1x128xf32> to vector<1x128xf32>
      %swap3A_3391 = vector.shape_cast %get3A_3385 : vector<1x128xf32> to vector<1x1x128xf32>
      tpu.vector_store %arg16[%swap3A_3386, %swap3A_3387, %swap3A_3388], %swap3A_3391 {strides = array<i32>} : memref<16x256x128xf32, #tpu.memory_space<vmem>>, vector<1x1x128xf32>,
      %get3A_3392 = arith.constant 1 : index
      %get3A_3393 = arith.constant 0 : index
      %get3A_3394 = arith.constant 0 : index
      %get3A_3395 = vector.load %arg16[%get3A_3392, %get3A_3393, %get3A_3394] : memref<16x256x128xf32, #tpu.memory_space<vmem>>, vector<1x256x128xf32>
      %get3A_3396 = vector.shape_cast %get3A_3395 : vector<1x256x128xf32> to vector<256x128xf32>
      %slice3A_3397 = vector.extract_strided_slice %transpose3A_3351 {offsets = [0, 1], sizes = [256, 1], strides = [1, 1]} : vector<256x16xf32> to vector<256x1xf32>
      %mul3A_3398 = vector.broadcast %slice3A_3397 : vector<256x1xf32> to vector<256x128xf32>
      %mul3A_3399 = arith.mulf %get3A_3396, %mul3A_3398 : vector<256x128xf32>
      %reduce_sum3A_3400 = arith.constant dense<0.000000e+00> : vector<128xf32>
      %reduce_sum3A_3401 = vector.multi_reduction <add>, %mul3A_3399, %reduce_sum3A_3400 [0] : vector<256x128xf32> to vector<128xf32>
      %broadcast_in_dim3A_3402 = vector.shape_cast %reduce_sum3A_3401 : vector<128xf32> to vector<1x128xf32>
      %swap3A_3403 = arith.index_cast %add3A_3380 : i32 to index
      %swap3A_3404 = arith.constant 0 : index
      %swap3A_3405 = vector.load %arg8[%swap3A_3403, %swap3A_3404] : memref<1024x128xf32, #tpu.memory_space<vmem>>, vector<1x128xf32>
      tpu.vector_store %arg8[%swap3A_3403, %swap3A_3404], %broadcast_in_dim3A_3402 {strides = array<i32>} : memref<1024x128xf32, #tpu.memory_space<vmem>>, vector<1x128xf32>,
      %add3A_3406 = arith.constant 2 : i32
      %add3A_3407 = arith.addi %mul3A_3341, %add3A_3406 : i32
      %get3A_3408 = arith.index_cast %add3A_3407 : i32 to index
      %get3A_3409 = memref.load %arg0[%get3A_3408] : memref<1024xi32, #tpu.memory_space<smem>>
      %get3A_3410 = arith.index_cast %add3A_3407 : i32 to index
      %get3A_3411 = arith.constant 0 : index
      %get3A_3412 = vector.load %arg1[%get3A_3410, %get3A_3411] : memref<1024x128xf32, #tpu.memory_space<vmem>>, vector<1x128xf32>
      %swap3A_3413 = arith.constant 2 : index
      %swap3A_3414 = arith.index_cast %get3A_3409 : i32 to index
      %swap3A_3415 = arith.constant 0 : index
      %swap3A_3416 = vector.load %arg16[%swap3A_3413, %swap3A_3414, %swap3A_3415] : memref<16x256x128xf32, #tpu.memory_space<vmem>>, vector<1x1x128xf32>
      %swap3A_3417 = vector.shape_cast %swap3A_3416 : vector<1x1x128xf32> to vector<1x128xf32>
      %swap3A_3418 = vector.shape_cast %get3A_3412 : vector<1x128xf32> to vector<1x1x128xf32>
      tpu.vector_store %arg16[%swap3A_3413, %swap3A_3414, %swap3A_3415], %swap3A_3418 {strides = array<i32>} : memref<16x256x128xf32, #tpu.memory_space<vmem>>, vector<1x1x128xf32>,
      %get3A_3419 = arith.constant 2 : index
      %get3A_3420 = arith.constant 0 : index
      %get3A_3421 = arith.constant 0 : index
      %get3A_3422 = vector.load %arg16[%get3A_3419, %get3A_3420, %get3A_3421] : memref<16x256x128xf32, #tpu.memory_space<vmem>>, vector<1x256x128xf32>
      %get3A_3423 = vector.shape_cast %get3A_3422 : vector<1x256x128xf32> to vector<256x128xf32>
      %slice3A_3424 = vector.extract_strided_slice %transpose3A_3351 {offsets = [0, 2], sizes = [256, 1], strides = [1, 1]} : vector<256x16xf32> to vector<256x1xf32>
      %mul3A_3425 = vector.broadcast %slice3A_3424 : vector<256x1xf32> to vector<256x128xf32>
      %mul3A_3426 = arith.mulf %get3A_3423, %mul3A_3425 : vector<256x128xf32>
      %reduce_sum3A_3427 = arith.constant dense<0.000000e+00> : vector<128xf32>
      %reduce_sum3A_3428 = vector.multi_reduction <add>, %mul3A_3426, %reduce_sum3A_3427 [0] : vector<256x128xf32> to vector<128xf32>
      %broadcast_in_dim3A_3429 = vector.shape_cast %reduce_sum3A_3428 : vector<128xf32> to vector<1x128xf32>
      %swap3A_3430 = arith.index_cast %add3A_3407 : i32 to index
      %swap3A_3431 = arith.constant 0 : index
      %swap3A_3432 = vector.load %arg8[%swap3A_3430, %swap3A_3431] : memref<1024x128xf32, #tpu.memory_space<vmem>>, vector<1x128xf32>
      tpu.vector_store %arg8[%swap3A_3430, %swap3A_3431], %broadcast_in_dim3A_3429 {strides = array<i32>} : memref<1024x128xf32, #tpu.memory_space<vmem>>, vector<1x128xf32>,
      %add3A_3433 = arith.constant 3 : i32
      %add3A_3434 = arith.addi %mul3A_3341, %add3A_3433 : i32
      %get3A_3435 = arith.index_cast %add3A_3434 : i32 to index
      %get3A_3436 = memref.load %arg0[%get3A_3435] : memref<1024xi32, #tpu.memory_space<smem>>
      %get3A_3437 = arith.index_cast %add3A_3434 : i32 to index
      %get3A_3438 = arith.constant 0 : index
      %get3A_3439 = vector.load %arg1[%get3A_3437, %get3A_3438] : memref<1024x128xf32, #tpu.memory_space<vmem>>, vector<1x128xf32>
      %swap3A_3440 = arith.constant 3 : index
      %swap3A_3441 = arith.index_cast %get3A_3436 : i32 to index
      %swap3A_3442 = arith.constant 0 : index
      %swap3A_3443 = vector.load %arg16[%swap3A_3440, %swap3A_3441, %swap3A_3442] : memref<16x256x128xf32, #tpu.memory_space<vmem>>, vector<1x1x128xf32>
      %swap3A_3444 = vector.shape_cast %swap3A_3443 : vector<1x1x128xf32> to vector<1x128xf32>
      %swap3A_3445 = vector.shape_cast %get3A_3439 : vector<1x128xf32> to vector<1x1x128xf32>
      tpu.vector_store %arg16[%swap3A_3440, %swap3A_3441, %swap3A_3442], %swap3A_3445 {strides = array<i32>} : memref<16x256x128xf32, #tpu.memory_space<vmem>>, vector<1x1x128xf32>,
      %get3A_3446 = arith.constant 3 : index
      %get3A_3447 = arith.constant 0 : index
      %get3A_3448 = arith.constant 0 : index
      %get3A_3449 = vector.load %arg16[%get3A_3446, %get3A_3447, %get3A_3448] : memref<16x256x128xf32, #tpu.memory_space<vmem>>, vector<1x256x128xf32>
      %get3A_3450 = vector.shape_cast %get3A_3449 : vector<1x256x128xf32> to vector<256x128xf32>
      %slice3A_3451 = vector.extract_strided_slice %transpose3A_3351 {offsets = [0, 3], sizes = [256, 1], strides = [1, 1]} : vector<256x16xf32> to vector<256x1xf32>
      %mul3A_3452 = vector.broadcast %slice3A_3451 : vector<256x1xf32> to vector<256x128xf32>
      %mul3A_3453 = arith.mulf %get3A_3450, %mul3A_3452 : vector<256x128xf32>
      %reduce_sum3A_3454 = arith.constant dense<0.000000e+00> : vector<128xf32>
      %reduce_sum3A_3455 = vector.multi_reduction <add>, %mul3A_3453, %reduce_sum3A_3454 [0] : vector<256x128xf32> to vector<128xf32>
      %broadcast_in_dim3A_3456 = vector.shape_cast %reduce_sum3A_3455 : vector<128xf32> to vector<1x128xf32>
      %swap3A_3457 = arith.index_cast %add3A_3434 : i32 to index
      %swap3A_3458 = arith.constant 0 : index
      %swap3A_3459 = vector.load %arg8[%swap3A_3457, %swap3A_3458] : memref<1024x128xf32, #tpu.memory_space<vmem>>, vector<1x128xf32>
      tpu.vector_store %arg8[%swap3A_3457, %swap3A_3458], %broadcast_in_dim3A_3456 {strides = array<i32>} : memref<1024x128xf32, #tpu.memory_space<vmem>>, vector<1x128xf32>,
      %add3A_3460 = arith.constant 4 : i32
      %add3A_3461 = arith.addi %mul3A_3341, %add3A_3460 : i32
      %get3A_3462 = arith.index_cast %add3A_3461 : i32 to index
      %get3A_3463 = memref.load %arg0[%get3A_3462] : memref<1024xi32, #tpu.memory_space<smem>>
      %get3A_3464 = arith.index_cast %add3A_3461 : i32 to index
      %get3A_3465 = arith.constant 0 : index
      %get3A_3466 = vector.load %arg1[%get3A_3464, %get3A_3465] : memref<1024x128xf32, #tpu.memory_space<vmem>>, vector<1x128xf32>
      %swap3A_3467 = arith.constant 4 : index
      %swap3A_3468 = arith.index_cast %get3A_3463 : i32 to index
      %swap3A_3469 = arith.constant 0 : index
      %swap3A_3470 = vector.load %arg16[%swap3A_3467, %swap3A_3468, %swap3A_3469] : memref<16x256x128xf32, #tpu.memory_space<vmem>>, vector<1x1x128xf32>
      %swap3A_3471 = vector.shape_cast %swap3A_3470 : vector<1x1x128xf32> to vector<1x128xf32>
      %swap3A_3472 = vector.shape_cast %get3A_3466 : vector<1x128xf32> to vector<1x1x128xf32>
      tpu.vector_store %arg16[%swap3A_3467, %swap3A_3468, %swap3A_3469], %swap3A_3472 {strides = array<i32>} : memref<16x256x128xf32, #tpu.memory_space<vmem>>, vector<1x1x128xf32>,
      %get3A_3473 = arith.constant 4 : index
      %get3A_3474 = arith.constant 0 : index
      %get3A_3475 = arith.constant 0 : index
      %get3A_3476 = vector.load %arg16[%get3A_3473, %get3A_3474, %get3A_3475] : memref<16x256x128xf32, #tpu.memory_space<vmem>>, vector<1x256x128xf32>
      %get3A_3477 = vector.shape_cast %get3A_3476 : vector<1x256x128xf32> to vector<256x128xf32>
      %slice3A_3478 = vector.extract_strided_slice %transpose3A_3351 {offsets = [0, 4], sizes = [256, 1], strides = [1, 1]} : vector<256x16xf32> to vector<256x1xf32>
      %mul3A_3479 = vector.broadcast %slice3A_3478 : vector<256x1xf32> to vector<256x128xf32>
      %mul3A_3480 = arith.mulf %get3A_3477, %mul3A_3479 : vector<256x128xf32>
      %reduce_sum3A_3481 = arith.constant dense<0.000000e+00> : vector<128xf32>
      %reduce_sum3A_3482 = vector.multi_reduction <add>, %mul3A_3480, %reduce_sum3A_3481 [0] : vector<256x128xf32> to vector<128xf32>
      %broadcast_in_dim3A_3483 = vector.shape_cast %reduce_sum3A_3482 : vector<128xf32> to vector<1x128xf32>
      %swap3A_3484 = arith.index_cast %add3A_3461 : i32 to index
      %swap3A_3485 = arith.constant 0 : index
      %swap3A_3486 = vector.load %arg8[%swap3A_3484, %swap3A_3485] : memref<1024x128xf32, #tpu.memory_space<vmem>>, vector<1x128xf32>
      tpu.vector_store %arg8[%swap3A_3484, %swap3A_3485], %broadcast_in_dim3A_3483 {strides = array<i32>} : memref<1024x128xf32, #tpu.memory_space<vmem>>, vector<1x128xf32>,
      %add3A_3487 = arith.constant 5 : i32
      %add3A_3488 = arith.addi %mul3A_3341, %add3A_3487 : i32
      %get3A_3489 = arith.index_cast %add3A_3488 : i32 to index
      %get3A_3490 = memref.load %arg0[%get3A_3489] : memref<1024xi32, #tpu.memory_space<smem>>
      %get3A_3491 = arith.index_cast %add3A_3488 : i32 to index
      %get3A_3492 = arith.constant 0 : index
      %get3A_3493 = vector.load %arg1[%get3A_3491, %get3A_3492] : memref<1024x128xf32, #tpu.memory_space<vmem>>, vector<1x128xf32>
      %swap3A_3494 = arith.constant 5 : index
      %swap3A_3495 = arith.index_cast %get3A_3490 : i32 to index
      %swap3A_3496 = arith.constant 0 : index
      %swap3A_3497 = vector.load %arg16[%swap3A_3494, %swap3A_3495, %swap3A_3496] : memref<16x256x128xf32, #tpu.memory_space<vmem>>, vector<1x1x128xf32>
      %swap3A_3498 = vector.shape_cast %swap3A_3497 : vector<1x1x128xf32> to vector<1x128xf32>
      %swap3A_3499 = vector.shape_cast %get3A_3493 : vector<1x128xf32> to vector<1x1x128xf32>
      tpu.vector_store %arg16[%swap3A_3494, %swap3A_3495, %swap3A_3496], %swap3A_3499 {strides = array<i32>} : memref<16x256x128xf32, #tpu.memory_space<vmem>>, vector<1x1x128xf32>,
      %get3A_3500 = arith.constant 5 : index
      %get3A_3501 = arith.constant 0 : index
      %get3A_3502 = arith.constant 0 : index
      %get3A_3503 = vector.load %arg16[%get3A_3500, %get3A_3501, %get3A_3502] : memref<16x256x128xf32, #tpu.memory_space<vmem>>, vector<1x256x128xf32>
      %get3A_3504 = vector.shape_cast %get3A_3503 : vector<1x256x128xf32> to vector<256x128xf32>
      %slice3A_3505 = vector.extract_strided_slice %transpose3A_3351 {offsets = [0, 5], sizes = [256, 1], strides = [1, 1]} : vector<256x16xf32> to vector<256x1xf32>
      %mul3A_3506 = vector.broadcast %slice3A_3505 : vector<256x1xf32> to vector<256x128xf32>
      %mul3A_3507 = arith.mulf %get3A_3504, %mul3A_3506 : vector<256x128xf32>
      %reduce_sum3A_3508 = arith.constant dense<0.000000e+00> : vector<128xf32>
      %reduce_sum3A_3509 = vector.multi_reduction <add>, %mul3A_3507, %reduce_sum3A_3508 [0] : vector<256x128xf32> to vector<128xf32>
      %broadcast_in_dim3A_3510 = vector.shape_cast %reduce_sum3A_3509 : vector<128xf32> to vector<1x128xf32>
      %swap3A_3511 = arith.index_cast %add3A_3488 : i32 to index
      %swap3A_3512 = arith.constant 0 : index
      %swap3A_3513 = vector.load %arg8[%swap3A_3511, %swap3A_3512] : memref<1024x128xf32, #tpu.memory_space<vmem>>, vector<1x128xf32>
      tpu.vector_store %arg8[%swap3A_3511, %swap3A_3512], %broadcast_in_dim3A_3510 {strides = array<i32>} : memref<1024x128xf32, #tpu.memory_space<vmem>>, vector<1x128xf32>,
      %add3A_3514 = arith.constant 6 : i32
      %add3A_3515 = arith.addi %mul3A_3341, %add3A_3514 : i32
      %get3A_3516 = arith.index_cast %add3A_3515 : i32 to index
      %get3A_3517 = memref.load %arg0[%get3A_3516] : memref<1024xi32, #tpu.memory_space<smem>>
      %get3A_3518 = arith.index_cast %add3A_3515 : i32 to index
      %get3A_3519 = arith.constant 0 : index
      %get3A_3520 = vector.load %arg1[%get3A_3518, %get3A_3519] : memref<1024x128xf32, #tpu.memory_space<vmem>>, vector<1x128xf32>
      %swap3A_3521 = arith.constant 6 : index
      %swap3A_3522 = arith.index_cast %get3A_3517 : i32 to index
      %swap3A_3523 = arith.constant 0 : index
      %swap3A_3524 = vector.load %arg16[%swap3A_3521, %swap3A_3522, %swap3A_3523] : memref<16x256x128xf32, #tpu.memory_space<vmem>>, vector<1x1x128xf32>
      %swap3A_3525 = vector.shape_cast %swap3A_3524 : vector<1x1x128xf32> to vector<1x128xf32>
      %swap3A_3526 = vector.shape_cast %get3A_3520 : vector<1x128xf32> to vector<1x1x128xf32>
      tpu.vector_store %arg16[%swap3A_3521, %swap3A_3522, %swap3A_3523], %swap3A_3526 {strides = array<i32>} : memref<16x256x128xf32, #tpu.memory_space<vmem>>, vector<1x1x128xf32>,
      %get3A_3527 = arith.constant 6 : index
      %get3A_3528 = arith.constant 0 : index
      %get3A_3529 = arith.constant 0 : index
      %get3A_3530 = vector.load %arg16[%get3A_3527, %get3A_3528, %get3A_3529] : memref<16x256x128xf32, #tpu.memory_space<vmem>>, vector<1x256x128xf32>
      %get3A_3531 = vector.shape_cast %get3A_3530 : vector<1x256x128xf32> to vector<256x128xf32>
      %slice3A_3532 = vector.extract_strided_slice %transpose3A_3351 {offsets = [0, 6], sizes = [256, 1], strides = [1, 1]} : vector<256x16xf32> to vector<256x1xf32>
      %mul3A_3533 = vector.broadcast %slice3A_3532 : vector<256x1xf32> to vector<256x128xf32>
      %mul3A_3534 = arith.mulf %get3A_3531, %mul3A_3533 : vector<256x128xf32>
      %reduce_sum3A_3535 = arith.constant dense<0.000000e+00> : vector<128xf32>
      %reduce_sum3A_3536 = vector.multi_reduction <add>, %mul3A_3534, %reduce_sum3A_3535 [0] : vector<256x128xf32> to vector<128xf32>
      %broadcast_in_dim3A_3537 = vector.shape_cast %reduce_sum3A_3536 : vector<128xf32> to vector<1x128xf32>
      %swap3A_3538 = arith.index_cast %add3A_3515 : i32 to index
      %swap3A_3539 = arith.constant 0 : index
      %swap3A_3540 = vector.load %arg8[%swap3A_3538, %swap3A_3539] : memref<1024x128xf32, #tpu.memory_space<vmem>>, vector<1x128xf32>
      tpu.vector_store %arg8[%swap3A_3538, %swap3A_3539], %broadcast_in_dim3A_3537 {strides = array<i32>} : memref<1024x128xf32, #tpu.memory_space<vmem>>, vector<1x128xf32>,
      %add3A_3541 = arith.constant 7 : i32
      %add3A_3542 = arith.addi %mul3A_3341, %add3A_3541 : i32
      %get3A_3543 = arith.index_cast %add3A_3542 : i32 to index
      %get3A_3544 = memref.load %arg0[%get3A_3543] : memref<1024xi32, #tpu.memory_space<smem>>
      %get3A_3545 = arith.index_cast %add3A_3542 : i32 to index
      %get3A_3546 = arith.constant 0 : index
      %get3A_3547 = vector.load %arg1[%get3A_3545, %get3A_3546] : memref<1024x128xf32, #tpu.memory_space<vmem>>, vector<1x128xf32>
      %swap3A_3548 = arith.constant 7 : index
      %swap3A_3549 = arith.index_cast %get3A_3544 : i32 to index
      %swap3A_3550 = arith.constant 0 : index
      %swap3A_3551 = vector.load %arg16[%swap3A_3548, %swap3A_3549, %swap3A_3550] : memref<16x256x128xf32, #tpu.memory_space<vmem>>, vector<1x1x128xf32>
      %swap3A_3552 = vector.shape_cast %swap3A_3551 : vector<1x1x128xf32> to vector<1x128xf32>
      %swap3A_3553 = vector.shape_cast %get3A_3547 : vector<1x128xf32> to vector<1x1x128xf32>
      tpu.vector_store %arg16[%swap3A_3548, %swap3A_3549, %swap3A_3550], %swap3A_3553 {strides = array<i32>} : memref<16x256x128xf32, #tpu.memory_space<vmem>>, vector<1x1x128xf32>,
      %get3A_3554 = arith.constant 7 : index
      %get3A_3555 = arith.constant 0 : index
      %get3A_3556 = arith.constant 0 : index
      %get3A_3557 = vector.load %arg16[%get3A_3554, %get3A_3555, %get3A_3556] : memref<16x256x128xf32, #tpu.memory_space<vmem>>, vector<1x256x128xf32>
      %get3A_3558 = vector.shape_cast %get3A_3557 : vector<1x256x128xf32> to vector<256x128xf32>
      %slice3A_3559 = vector.extract_strided_slice %transpose3A_3351 {offsets = [0, 7], sizes = [256, 1], strides = [1, 1]} : vector<256x16xf32> to vector<256x1xf32>
      %mul3A_3560 = vector.broadcast %slice3A_3559 : vector<256x1xf32> to vector<256x128xf32>
      %mul3A_3561 = arith.mulf %get3A_3558, %mul3A_3560 : vector<256x128xf32>
      %reduce_sum3A_3562 = arith.constant dense<0.000000e+00> : vector<128xf32>
      %reduce_sum3A_3563 = vector.multi_reduction <add>, %mul3A_3561, %reduce_sum3A_3562 [0] : vector<256x128xf32> to vector<128xf32>
      %broadcast_in_dim3A_3564 = vector.shape_cast %reduce_sum3A_3563 : vector<128xf32> to vector<1x128xf32>
      %swap3A_3565 = arith.index_cast %add3A_3542 : i32 to index
      %swap3A_3566 = arith.constant 0 : index
      %swap3A_3567 = vector.load %arg8[%swap3A_3565, %swap3A_3566] : memref<1024x128xf32, #tpu.memory_space<vmem>>, vector<1x128xf32>
      tpu.vector_store %arg8[%swap3A_3565, %swap3A_3566], %broadcast_in_dim3A_3564 {strides = array<i32>} : memref<1024x128xf32, #tpu.memory_space<vmem>>, vector<1x128xf32>,
      %add3A_3568 = arith.constant 8 : i32
      %add3A_3569 = arith.addi %mul3A_3341, %add3A_3568 : i32
      %get3A_3570 = arith.index_cast %add3A_3569 : i32 to index
      %get3A_3571 = memref.load %arg0[%get3A_3570] : memref<1024xi32, #tpu.memory_space<smem>>
      %get3A_3572 = arith.index_cast %add3A_3569 : i32 to index
      %get3A_3573 = arith.constant 0 : index
      %get3A_3574 = vector.load %arg1[%get3A_3572, %get3A_3573] : memref<1024x128xf32, #tpu.memory_space<vmem>>, vector<1x128xf32>
      %swap3A_3575 = arith.constant 8 : index
      %swap3A_3576 = arith.index_cast %get3A_3571 : i32 to index
      %swap3A_3577 = arith.constant 0 : index
      %swap3A_3578 = vector.load %arg16[%swap3A_3575, %swap3A_3576, %swap3A_3577] : memref<16x256x128xf32, #tpu.memory_space<vmem>>, vector<1x1x128xf32>
      %swap3A_3579 = vector.shape_cast %swap3A_3578 : vector<1x1x128xf32> to vector<1x128xf32>
      %swap3A_3580 = vector.shape_cast %get3A_3574 : vector<1x128xf32> to vector<1x1x128xf32>
      tpu.vector_store %arg16[%swap3A_3575, %swap3A_3576, %swap3A_3577], %swap3A_3580 {strides = array<i32>} : memref<16x256x128xf32, #tpu.memory_space<vmem>>, vector<1x1x128xf32>,
      %get3A_3581 = arith.constant 8 : index
      %get3A_3582 = arith.constant 0 : index
      %get3A_3583 = arith.constant 0 : index
      %get3A_3584 = vector.load %arg16[%get3A_3581, %get3A_3582, %get3A_3583] : memref<16x256x128xf32, #tpu.memory_space<vmem>>, vector<1x256x128xf32>
      %get3A_3585 = vector.shape_cast %get3A_3584 : vector<1x256x128xf32> to vector<256x128xf32>
      %slice3A_3586 = vector.extract_strided_slice %transpose3A_3351 {offsets = [0, 8], sizes = [256, 1], strides = [1, 1]} : vector<256x16xf32> to vector<256x1xf32>
      %mul3A_3587 = vector.broadcast %slice3A_3586 : vector<256x1xf32> to vector<256x128xf32>
      %mul3A_3588 = arith.mulf %get3A_3585, %mul3A_3587 : vector<256x128xf32>
      %reduce_sum3A_3589 = arith.constant dense<0.000000e+00> : vector<128xf32>
      %reduce_sum3A_3590 = vector.multi_reduction <add>, %mul3A_3588, %reduce_sum3A_3589 [0] : vector<256x128xf32> to vector<128xf32>
      %broadcast_in_dim3A_3591 = vector.shape_cast %reduce_sum3A_3590 : vector<128xf32> to vector<1x128xf32>
      %swap3A_3592 = arith.index_cast %add3A_3569 : i32 to index
      %swap3A_3593 = arith.constant 0 : index
      %swap3A_3594 = vector.load %arg8[%swap3A_3592, %swap3A_3593] : memref<1024x128xf32, #tpu.memory_space<vmem>>, vector<1x128xf32>
      tpu.vector_store %arg8[%swap3A_3592, %swap3A_3593], %broadcast_in_dim3A_3591 {strides = array<i32>} : memref<1024x128xf32, #tpu.memory_space<vmem>>, vector<1x128xf32>,
      %add3A_3595 = arith.constant 9 : i32
      %add3A_3596 = arith.addi %mul3A_3341, %add3A_3595 : i32
      %get3A_3597 = arith.index_cast %add3A_3596 : i32 to index
      %get3A_3598 = memref.load %arg0[%get3A_3597] : memref<1024xi32, #tpu.memory_space<smem>>
      %get3A_3599 = arith.index_cast %add3A_3596 : i32 to index
      %get3A_3600 = arith.constant 0 : index
      %get3A_3601 = vector.load %arg1[%get3A_3599, %get3A_3600] : memref<1024x128xf32, #tpu.memory_space<vmem>>, vector<1x128xf32>
      %swap3A_3602 = arith.constant 9 : index
      %swap3A_3603 = arith.index_cast %get3A_3598 : i32 to index
      %swap3A_3604 = arith.constant 0 : index
      %swap3A_3605 = vector.load %arg16[%swap3A_3602, %swap3A_3603, %swap3A_3604] : memref<16x256x128xf32, #tpu.memory_space<vmem>>, vector<1x1x128xf32>
      %swap3A_3606 = vector.shape_cast %swap3A_3605 : vector<1x1x128xf32> to vector<1x128xf32>
      %swap3A_3607 = vector.shape_cast %get3A_3601 : vector<1x128xf32> to vector<1x1x128xf32>
      tpu.vector_store %arg16[%swap3A_3602, %swap3A_3603, %swap3A_3604], %swap3A_3607 {strides = array<i32>} : memref<16x256x128xf32, #tpu.memory_space<vmem>>, vector<1x1x128xf32>,
      %get3A_3608 = arith.constant 9 : index
      %get3A_3609 = arith.constant 0 : index
      %get3A_3610 = arith.constant 0 : index
      %get3A_3611 = vector.load %arg16[%get3A_3608, %get3A_3609, %get3A_3610] : memref<16x256x128xf32, #tpu.memory_space<vmem>>, vector<1x256x128xf32>
      %get3A_3612 = vector.shape_cast %get3A_3611 : vector<1x256x128xf32> to vector<256x128xf32>
      %slice3A_3613 = vector.extract_strided_slice %transpose3A_3351 {offsets = [0, 9], sizes = [256, 1], strides = [1, 1]} : vector<256x16xf32> to vector<256x1xf32>
      %mul3A_3614 = vector.broadcast %slice3A_3613 : vector<256x1xf32> to vector<256x128xf32>
      %mul3A_3615 = arith.mulf %get3A_3612, %mul3A_3614 : vector<256x128xf32>
      %reduce_sum3A_3616 = arith.constant dense<0.000000e+00> : vector<128xf32>
      %reduce_sum3A_3617 = vector.multi_reduction <add>, %mul3A_3615, %reduce_sum3A_3616 [0] : vector<256x128xf32> to vector<128xf32>
      %broadcast_in_dim3A_3618 = vector.shape_cast %reduce_sum3A_3617 : vector<128xf32> to vector<1x128xf32>
      %swap3A_3619 = arith.index_cast %add3A_3596 : i32 to index
      %swap3A_3620 = arith.constant 0 : index
      %swap3A_3621 = vector.load %arg8[%swap3A_3619, %swap3A_3620] : memref<1024x128xf32, #tpu.memory_space<vmem>>, vector<1x128xf32>
      tpu.vector_store %arg8[%swap3A_3619, %swap3A_3620], %broadcast_in_dim3A_3618 {strides = array<i32>} : memref<1024x128xf32, #tpu.memory_space<vmem>>, vector<1x128xf32>,
      %add3A_3622 = arith.constant 10 : i32
      %add3A_3623 = arith.addi %mul3A_3341, %add3A_3622 : i32
      %get3A_3624 = arith.index_cast %add3A_3623 : i32 to index
      %get3A_3625 = memref.load %arg0[%get3A_3624] : memref<1024xi32, #tpu.memory_space<smem>>
      %get3A_3626 = arith.index_cast %add3A_3623 : i32 to index
      %get3A_3627 = arith.constant 0 : index
      %get3A_3628 = vector.load %arg1[%get3A_3626, %get3A_3627] : memref<1024x128xf32, #tpu.memory_space<vmem>>, vector<1x128xf32>
      %swap3A_3629 = arith.constant 10 : index
      %swap3A_3630 = arith.index_cast %get3A_3625 : i32 to index
      %swap3A_3631 = arith.constant 0 : index
      %swap3A_3632 = vector.load %arg16[%swap3A_3629, %swap3A_3630, %swap3A_3631] : memref<16x256x128xf32, #tpu.memory_space<vmem>>, vector<1x1x128xf32>
      %swap3A_3633 = vector.shape_cast %swap3A_3632 : vector<1x1x128xf32> to vector<1x128xf32>
      %swap3A_3634 = vector.shape_cast %get3A_3628 : vector<1x128xf32> to vector<1x1x128xf32>
      tpu.vector_store %arg16[%swap3A_3629, %swap3A_3630, %swap3A_3631], %swap3A_3634 {strides = array<i32>} : memref<16x256x128xf32, #tpu.memory_space<vmem>>, vector<1x1x128xf32>,
      %get3A_3635 = arith.constant 10 : index
      %get3A_3636 = arith.constant 0 : index
      %get3A_3637 = arith.constant 0 : index
      %get3A_3638 = vector.load %arg16[%get3A_3635, %get3A_3636, %get3A_3637] : memref<16x256x128xf32, #tpu.memory_space<vmem>>, vector<1x256x128xf32>
      %get3A_3639 = vector.shape_cast %get3A_3638 : vector<1x256x128xf32> to vector<256x128xf32>
      %slice3A_3640 = vector.extract_strided_slice %transpose3A_3351 {offsets = [0, 10], sizes = [256, 1], strides = [1, 1]} : vector<256x16xf32> to vector<256x1xf32>
      %mul3A_3641 = vector.broadcast %slice3A_3640 : vector<256x1xf32> to vector<256x128xf32>
      %mul3A_3642 = arith.mulf %get3A_3639, %mul3A_3641 : vector<256x128xf32>
      %reduce_sum3A_3643 = arith.constant dense<0.000000e+00> : vector<128xf32>
      %reduce_sum3A_3644 = vector.multi_reduction <add>, %mul3A_3642, %reduce_sum3A_3643 [0] : vector<256x128xf32> to vector<128xf32>
      %broadcast_in_dim3A_3645 = vector.shape_cast %reduce_sum3A_3644 : vector<128xf32> to vector<1x128xf32>
      %swap3A_3646 = arith.index_cast %add3A_3623 : i32 to index
      %swap3A_3647 = arith.constant 0 : index
      %swap3A_3648 = vector.load %arg8[%swap3A_3646, %swap3A_3647] : memref<1024x128xf32, #tpu.memory_space<vmem>>, vector<1x128xf32>
      tpu.vector_store %arg8[%swap3A_3646, %swap3A_3647], %broadcast_in_dim3A_3645 {strides = array<i32>} : memref<1024x128xf32, #tpu.memory_space<vmem>>, vector<1x128xf32>,
      %add3A_3649 = arith.constant 11 : i32
      %add3A_3650 = arith.addi %mul3A_3341, %add3A_3649 : i32
      %get3A_3651 = arith.index_cast %add3A_3650 : i32 to index
      %get3A_3652 = memref.load %arg0[%get3A_3651] : memref<1024xi32, #tpu.memory_space<smem>>
      %get3A_3653 = arith.index_cast %add3A_3650 : i32 to index
      %get3A_3654 = arith.constant 0 : index
      %get3A_3655 = vector.load %arg1[%get3A_3653, %get3A_3654] : memref<1024x128xf32, #tpu.memory_space<vmem>>, vector<1x128xf32>
      %swap3A_3656 = arith.constant 11 : index
      %swap3A_3657 = arith.index_cast %get3A_3652 : i32 to index
      %swap3A_3658 = arith.constant 0 : index
      %swap3A_3659 = vector.load %arg16[%swap3A_3656, %swap3A_3657, %swap3A_3658] : memref<16x256x128xf32, #tpu.memory_space<vmem>>, vector<1x1x128xf32>
      %swap3A_3660 = vector.shape_cast %swap3A_3659 : vector<1x1x128xf32> to vector<1x128xf32>
      %swap3A_3661 = vector.shape_cast %get3A_3655 : vector<1x128xf32> to vector<1x1x128xf32>
      tpu.vector_store %arg16[%swap3A_3656, %swap3A_3657, %swap3A_3658], %swap3A_3661 {strides = array<i32>} : memref<16x256x128xf32, #tpu.memory_space<vmem>>, vector<1x1x128xf32>,
      %get3A_3662 = arith.constant 11 : index
      %get3A_3663 = arith.constant 0 : index
      %get3A_3664 = arith.constant 0 : index
      %get3A_3665 = vector.load %arg16[%get3A_3662, %get3A_3663, %get3A_3664] : memref<16x256x128xf32, #tpu.memory_space<vmem>>, vector<1x256x128xf32>
      %get3A_3666 = vector.shape_cast %get3A_3665 : vector<1x256x128xf32> to vector<256x128xf32>
      %slice3A_3667 = vector.extract_strided_slice %transpose3A_3351 {offsets = [0, 11], sizes = [256, 1], strides = [1, 1]} : vector<256x16xf32> to vector<256x1xf32>
      %mul3A_3668 = vector.broadcast %slice3A_3667 : vector<256x1xf32> to vector<256x128xf32>
      %mul3A_3669 = arith.mulf %get3A_3666, %mul3A_3668 : vector<256x128xf32>
      %reduce_sum3A_3670 = arith.constant dense<0.000000e+00> : vector<128xf32>
      %reduce_sum3A_3671 = vector.multi_reduction <add>, %mul3A_3669, %reduce_sum3A_3670 [0] : vector<256x128xf32> to vector<128xf32>
      %broadcast_in_dim3A_3672 = vector.shape_cast %reduce_sum3A_3671 : vector<128xf32> to vector<1x128xf32>
      %swap3A_3673 = arith.index_cast %add3A_3650 : i32 to index
      %swap3A_3674 = arith.constant 0 : index
      %swap3A_3675 = vector.load %arg8[%swap3A_3673, %swap3A_3674] : memref<1024x128xf32, #tpu.memory_space<vmem>>, vector<1x128xf32>
      tpu.vector_store %arg8[%swap3A_3673, %swap3A_3674], %broadcast_in_dim3A_3672 {strides = array<i32>} : memref<1024x128xf32, #tpu.memory_space<vmem>>, vector<1x128xf32>,
      %add3A_3676 = arith.constant 12 : i32
      %add3A_3677 = arith.addi %mul3A_3341, %add3A_3676 : i32
      %get3A_3678 = arith.index_cast %add3A_3677 : i32 to index
      %get3A_3679 = memref.load %arg0[%get3A_3678] : memref<1024xi32, #tpu.memory_space<smem>>
      %get3A_3680 = arith.index_cast %add3A_3677 : i32 to index
      %get3A_3681 = arith.constant 0 : index
      %get3A_3682 = vector.load %arg1[%get3A_3680, %get3A_3681] : memref<1024x128xf32, #tpu.memory_space<vmem>>, vector<1x128xf32>
      %swap3A_3683 = arith.constant 12 : index
      %swap3A_3684 = arith.index_cast %get3A_3679 : i32 to index
      %swap3A_3685 = arith.constant 0 : index
      %swap3A_3686 = vector.load %arg16[%swap3A_3683, %swap3A_3684, %swap3A_3685] : memref<16x256x128xf32, #tpu.memory_space<vmem>>, vector<1x1x128xf32>
      %swap3A_3687 = vector.shape_cast %swap3A_3686 : vector<1x1x128xf32> to vector<1x128xf32>
      %swap3A_3688 = vector.shape_cast %get3A_3682 : vector<1x128xf32> to vector<1x1x128xf32>
      tpu.vector_store %arg16[%swap3A_3683, %swap3A_3684, %swap3A_3685], %swap3A_3688 {strides = array<i32>} : memref<16x256x128xf32, #tpu.memory_space<vmem>>, vector<1x1x128xf32>,
      %get3A_3689 = arith.constant 12 : index
      %get3A_3690 = arith.constant 0 : index
      %get3A_3691 = arith.constant 0 : index
      %get3A_3692 = vector.load %arg16[%get3A_3689, %get3A_3690, %get3A_3691] : memref<16x256x128xf32, #tpu.memory_space<vmem>>, vector<1x256x128xf32>
      %get3A_3693 = vector.shape_cast %get3A_3692 : vector<1x256x128xf32> to vector<256x128xf32>
      %slice3A_3694 = vector.extract_strided_slice %transpose3A_3351 {offsets = [0, 12], sizes = [256, 1], strides = [1, 1]} : vector<256x16xf32> to vector<256x1xf32>
      %mul3A_3695 = vector.broadcast %slice3A_3694 : vector<256x1xf32> to vector<256x128xf32>
      %mul3A_3696 = arith.mulf %get3A_3693, %mul3A_3695 : vector<256x128xf32>
      %reduce_sum3A_3697 = arith.constant dense<0.000000e+00> : vector<128xf32>
      %reduce_sum3A_3698 = vector.multi_reduction <add>, %mul3A_3696, %reduce_sum3A_3697 [0] : vector<256x128xf32> to vector<128xf32>
      %broadcast_in_dim3A_3699 = vector.shape_cast %reduce_sum3A_3698 : vector<128xf32> to vector<1x128xf32>
      %swap3A_3700 = arith.index_cast %add3A_3677 : i32 to index
      %swap3A_3701 = arith.constant 0 : index
      %swap3A_3702 = vector.load %arg8[%swap3A_3700, %swap3A_3701] : memref<1024x128xf32, #tpu.memory_space<vmem>>, vector<1x128xf32>
      tpu.vector_store %arg8[%swap3A_3700, %swap3A_3701], %broadcast_in_dim3A_3699 {strides = array<i32>} : memref<1024x128xf32, #tpu.memory_space<vmem>>, vector<1x128xf32>,
      %add3A_3703 = arith.constant 13 : i32
      %add3A_3704 = arith.addi %mul3A_3341, %add3A_3703 : i32
      %get3A_3705 = arith.index_cast %add3A_3704 : i32 to index
      %get3A_3706 = memref.load %arg0[%get3A_3705] : memref<1024xi32, #tpu.memory_space<smem>>
      %get3A_3707 = arith.index_cast %add3A_3704 : i32 to index
      %get3A_3708 = arith.constant 0 : index
      %get3A_3709 = vector.load %arg1[%get3A_3707, %get3A_3708] : memref<1024x128xf32, #tpu.memory_space<vmem>>, vector<1x128xf32>
      %swap3A_3710 = arith.constant 13 : index
      %swap3A_3711 = arith.index_cast %get3A_3706 : i32 to index
      %swap3A_3712 = arith.constant 0 : index
      %swap3A_3713 = vector.load %arg16[%swap3A_3710, %swap3A_3711, %swap3A_3712] : memref<16x256x128xf32, #tpu.memory_space<vmem>>, vector<1x1x128xf32>
      %swap3A_3714 = vector.shape_cast %swap3A_3713 : vector<1x1x128xf32> to vector<1x128xf32>
      %swap3A_3715 = vector.shape_cast %get3A_3709 : vector<1x128xf32> to vector<1x1x128xf32>
      tpu.vector_store %arg16[%swap3A_3710, %swap3A_3711, %swap3A_3712], %swap3A_3715 {strides = array<i32>} : memref<16x256x128xf32, #tpu.memory_space<vmem>>, vector<1x1x128xf32>,
      %get3A_3716 = arith.constant 13 : index
      %get3A_3717 = arith.constant 0 : index
      %get3A_3718 = arith.constant 0 : index
      %get3A_3719 = vector.load %arg16[%get3A_3716, %get3A_3717, %get3A_3718] : memref<16x256x128xf32, #tpu.memory_space<vmem>>, vector<1x256x128xf32>
      %get3A_3720 = vector.shape_cast %get3A_3719 : vector<1x256x128xf32> to vector<256x128xf32>
      %slice3A_3721 = vector.extract_strided_slice %transpose3A_3351 {offsets = [0, 13], sizes = [256, 1], strides = [1, 1]} : vector<256x16xf32> to vector<256x1xf32>
      %mul3A_3722 = vector.broadcast %slice3A_3721 : vector<256x1xf32> to vector<256x128xf32>
      %mul3A_3723 = arith.mulf %get3A_3720, %mul3A_3722 : vector<256x128xf32>
      %reduce_sum3A_3724 = arith.constant dense<0.000000e+00> : vector<128xf32>
      %reduce_sum3A_3725 = vector.multi_reduction <add>, %mul3A_3723, %reduce_sum3A_3724 [0] : vector<256x128xf32> to vector<128xf32>
      %broadcast_in_dim3A_3726 = vector.shape_cast %reduce_sum3A_3725 : vector<128xf32> to vector<1x128xf32>
      %swap3A_3727 = arith.index_cast %add3A_3704 : i32 to index
      %swap3A_3728 = arith.constant 0 : index
      %swap3A_3729 = vector.load %arg8[%swap3A_3727, %swap3A_3728] : memref<1024x128xf32, #tpu.memory_space<vmem>>, vector<1x128xf32>
      tpu.vector_store %arg8[%swap3A_3727, %swap3A_3728], %broadcast_in_dim3A_3726 {strides = array<i32>} : memref<1024x128xf32, #tpu.memory_space<vmem>>, vector<1x128xf32>,
      %add3A_3730 = arith.constant 14 : i32
      %add3A_3731 = arith.addi %mul3A_3341, %add3A_3730 : i32
      %get3A_3732 = arith.index_cast %add3A_3731 : i32 to index
      %get3A_3733 = memref.load %arg0[%get3A_3732] : memref<1024xi32, #tpu.memory_space<smem>>
      %get3A_3734 = arith.index_cast %add3A_3731 : i32 to index
      %get3A_3735 = arith.constant 0 : index
      %get3A_3736 = vector.load %arg1[%get3A_3734, %get3A_3735] : memref<1024x128xf32, #tpu.memory_space<vmem>>, vector<1x128xf32>
      %swap3A_3737 = arith.constant 14 : index
      %swap3A_3738 = arith.index_cast %get3A_3733 : i32 to index
      %swap3A_3739 = arith.constant 0 : index
      %swap3A_3740 = vector.load %arg16[%swap3A_3737, %swap3A_3738, %swap3A_3739] : memref<16x256x128xf32, #tpu.memory_space<vmem>>, vector<1x1x128xf32>
      %swap3A_3741 = vector.shape_cast %swap3A_3740 : vector<1x1x128xf32> to vector<1x128xf32>
      %swap3A_3742 = vector.shape_cast %get3A_3736 : vector<1x128xf32> to vector<1x1x128xf32>
      tpu.vector_store %arg16[%swap3A_3737, %swap3A_3738, %swap3A_3739], %swap3A_3742 {strides = array<i32>} : memref<16x256x128xf32, #tpu.memory_space<vmem>>, vector<1x1x128xf32>,
      %get3A_3743 = arith.constant 14 : index
      %get3A_3744 = arith.constant 0 : index
      %get3A_3745 = arith.constant 0 : index
      %get3A_3746 = vector.load %arg16[%get3A_3743, %get3A_3744, %get3A_3745] : memref<16x256x128xf32, #tpu.memory_space<vmem>>, vector<1x256x128xf32>
      %get3A_3747 = vector.shape_cast %get3A_3746 : vector<1x256x128xf32> to vector<256x128xf32>
      %slice3A_3748 = vector.extract_strided_slice %transpose3A_3351 {offsets = [0, 14], sizes = [256, 1], strides = [1, 1]} : vector<256x16xf32> to vector<256x1xf32>
      %mul3A_3749 = vector.broadcast %slice3A_3748 : vector<256x1xf32> to vector<256x128xf32>
      %mul3A_3750 = arith.mulf %get3A_3747, %mul3A_3749 : vector<256x128xf32>
      %reduce_sum3A_3751 = arith.constant dense<0.000000e+00> : vector<128xf32>
      %reduce_sum3A_3752 = vector.multi_reduction <add>, %mul3A_3750, %reduce_sum3A_3751 [0] : vector<256x128xf32> to vector<128xf32>
      %broadcast_in_dim3A_3753 = vector.shape_cast %reduce_sum3A_3752 : vector<128xf32> to vector<1x128xf32>
      %swap3A_3754 = arith.index_cast %add3A_3731 : i32 to index
      %swap3A_3755 = arith.constant 0 : index
      %swap3A_3756 = vector.load %arg8[%swap3A_3754, %swap3A_3755] : memref<1024x128xf32, #tpu.memory_space<vmem>>, vector<1x128xf32>
      tpu.vector_store %arg8[%swap3A_3754, %swap3A_3755], %broadcast_in_dim3A_3753 {strides = array<i32>} : memref<1024x128xf32, #tpu.memory_space<vmem>>, vector<1x128xf32>,
      %add3A_3757 = arith.constant 15 : i32
      %add3A_3758 = arith.addi %mul3A_3341, %add3A_3757 : i32
      %get3A_3759 = arith.index_cast %add3A_3758 : i32 to index
      %get3A_3760 = memref.load %arg0[%get3A_3759] : memref<1024xi32, #tpu.memory_space<smem>>
      %get3A_3761 = arith.index_cast %add3A_3758 : i32 to index
      %get3A_3762 = arith.constant 0 : index
      %get3A_3763 = vector.load %arg1[%get3A_3761, %get3A_3762] : memref<1024x128xf32, #tpu.memory_space<vmem>>, vector<1x128xf32>
      %swap3A_3764 = arith.constant 15 : index
      %swap3A_3765 = arith.index_cast %get3A_3760 : i32 to index
      %swap3A_3766 = arith.constant 0 : index
      %swap3A_3767 = vector.load %arg16[%swap3A_3764, %swap3A_3765, %swap3A_3766] : memref<16x256x128xf32, #tpu.memory_space<vmem>>, vector<1x1x128xf32>
      %swap3A_3768 = vector.shape_cast %swap3A_3767 : vector<1x1x128xf32> to vector<1x128xf32>
      %swap3A_3769 = vector.shape_cast %get3A_3763 : vector<1x128xf32> to vector<1x1x128xf32>
      tpu.vector_store %arg16[%swap3A_3764, %swap3A_3765, %swap3A_3766], %swap3A_3769 {strides = array<i32>} : memref<16x256x128xf32, #tpu.memory_space<vmem>>, vector<1x1x128xf32>,
      %get3A_3770 = arith.constant 15 : index
      %get3A_3771 = arith.constant 0 : index
      %get3A_3772 = arith.constant 0 : index
      %get3A_3773 = vector.load %arg16[%get3A_3770, %get3A_3771, %get3A_3772] : memref<16x256x128xf32, #tpu.memory_space<vmem>>, vector<1x256x128xf32>
      %get3A_3774 = vector.shape_cast %get3A_3773 : vector<1x256x128xf32> to vector<256x128xf32>
      %slice3A_3775 = vector.extract_strided_slice %transpose3A_3351 {offsets = [0, 15], sizes = [256, 1], strides = [1, 1]} : vector<256x16xf32> to vector<256x1xf32>
      %mul3A_3776 = vector.broadcast %slice3A_3775 : vector<256x1xf32> to vector<256x128xf32>
      %mul3A_3777 = arith.mulf %get3A_3774, %mul3A_3776 : vector<256x128xf32>
      %reduce_sum3A_3778 = arith.constant dense<0.000000e+00> : vector<128xf32>
      %reduce_sum3A_3779 = vector.multi_reduction <add>, %mul3A_3777, %reduce_sum3A_3778 [0] : vector<256x128xf32> to vector<128xf32>
      %broadcast_in_dim3A_3780 = vector.shape_cast %reduce_sum3A_3779 : vector<128xf32> to vector<1x128xf32>
      %swap3A_3781 = arith.index_cast %add3A_3758 : i32 to index
      %swap3A_3782 = arith.constant 0 : index
      %swap3A_3783 = vector.load %arg8[%swap3A_3781, %swap3A_3782] : memref<1024x128xf32, #tpu.memory_space<vmem>>, vector<1x128xf32>
      tpu.vector_store %arg8[%swap3A_3781, %swap3A_3782], %broadcast_in_dim3A_3780 {strides = array<i32>} : memref<1024x128xf32, #tpu.memory_space<vmem>>, vector<1x128xf32>,
      %dma_start3A_3784 = arith.constant 7 : i32
      %dma_start3A_3785 = tpu.memref_slice %arg18[%dma_start3A_3784] : memref<8x!tpu.dma_semaphore, #tpu.memory_space<semaphore_mem>> -> memref<1x!tpu.dma_semaphore, #tpu.memory_space<semaphore_mem>>
      %dma_start3A_3786 = tpu.memref_squeeze %dma_start3A_3785 : memref<1x!tpu.dma_semaphore, #tpu.memory_space<semaphore_mem>> -> memref<!tpu.dma_semaphore, #tpu.memory_space<semaphore_mem>>
      %dma_start3A_3787 = arith.constant 0 : i32
      %dma_start3A_3788 = arith.constant 0 : i32
      %dma_start3A_3789 = tpu.memref_slice %arg6[%mul3A_3341, %dma_start3A_3787, %dma_start3A_3788] : memref<1024x256x128xf32, #tpu.memory_space<any>> -> memref<16x256x128xf32, #tpu.memory_space<any>>
      tpu.enqueue_dma source(%arg16 : memref<16x256x128xf32, #tpu.memory_space<vmem>>) target(%dma_start3A_3789 : memref<16x256x128xf32, #tpu.memory_space<any>>) target_semaphore(%dma_start3A_3786 : memref<!tpu.dma_semaphore, #tpu.memory_space<semaphore_mem>>)
      %add3A_3790 = arith.constant 4 : i32
      %add3A_3791 = arith.addi %add3A_3339, %add3A_3790 : i32
      %add3A_3792 = arith.constant 64 : i32
      %add3A_3793 = arith.addi %mul3A_3341, %add3A_3792 : i32
      %lt3A_3794 = arith.constant 64 : i32
      %lt3A_3795 = arith.cmpi slt, %add3A_3791, %lt3A_3794 : i32
      %convert_element_type3A_3796 = arith.extui %lt3A_3795 : i1 to i32
      %cond3A_3797 = arith.constant 0 : i32
      %cond3A_3798 = arith.cmpi ne, %convert_element_type3A_3796, %cond3A_3797 : i32
      scf.if %cond3A_3798 {
        %ge3A = arith.constant 8 : i32
        %ge3A_3799 = arith.cmpi sge, %add3A_3791, %ge3A : i32
        %convert_element_type3A_3800 = arith.extui %ge3A_3799 : i1 to i32
        %cond3A_3801 = arith.constant 0 : i32
        %cond3A_3802 = arith.cmpi ne, %convert_element_type3A_3800, %cond3A_3801 : i32
        scf.if %cond3A_3802 {
          %sub3A = arith.constant 128 : i32
          %sub3A_3809 = arith.subi %add3A_3793, %sub3A : i32
          %dma_wait3A_3810 = arith.constant 3 : i32
          %dma_wait3A_3811 = tpu.memref_slice %arg18[%dma_wait3A_3810] : memref<8x!tpu.dma_semaphore, #tpu.memory_space<semaphore_mem>> -> memref<1x!tpu.dma_semaphore, #tpu.memory_space<semaphore_mem>>
          %dma_wait3A_3812 = tpu.memref_squeeze %dma_wait3A_3811 : memref<1x!tpu.dma_semaphore, #tpu.memory_space<semaphore_mem>> -> memref<!tpu.dma_semaphore, #tpu.memory_space<semaphore_mem>>
          %dma_wait3A_3813 = arith.constant 0 : i32
          %dma_wait3A_3814 = arith.constant 0 : i32
          %dma_wait3A_3815 = tpu.memref_slice %arg6[%sub3A_3809, %dma_wait3A_3813, %dma_wait3A_3814] : memref<1024x256x128xf32, #tpu.memory_space<any>> -> memref<16x256x128xf32, #tpu.memory_space<any>>
          tpu.wait_dma2 semaphore(%dma_wait3A_3812 : memref<!tpu.dma_semaphore, #tpu.memory_space<semaphore_mem>>) src(%arg12 : memref<16x256x128xf32, #tpu.memory_space<vmem>>) dst(%dma_wait3A_3815 : memref<16x256x128xf32, #tpu.memory_space<any>>)
        } else {
        }
        %dma_start3A_3803 = arith.constant 3 : i32
        %dma_start3A_3804 = tpu.memref_slice %arg17[%dma_start3A_3803] : memref<8x!tpu.dma_semaphore, #tpu.memory_space<semaphore_mem>> -> memref<1x!tpu.dma_semaphore, #tpu.memory_space<semaphore_mem>>
        %dma_start3A_3805 = tpu.memref_squeeze %dma_start3A_3804 : memref<1x!tpu.dma_semaphore, #tpu.memory_space<semaphore_mem>> -> memref<!tpu.dma_semaphore, #tpu.memory_space<semaphore_mem>>
        %dma_start3A_3806 = arith.constant 0 : i32
        %dma_start3A_3807 = arith.constant 0 : i32
        %dma_start3A_3808 = tpu.memref_slice %arg5[%add3A_3793, %dma_start3A_3806, %dma_start3A_3807] : memref<1024x256x128xf32, #tpu.memory_space<any>> -> memref<16x256x128xf32, #tpu.memory_space<any>>
        tpu.enqueue_dma source(%dma_start3A_3808 : memref<16x256x128xf32, #tpu.memory_space<any>>) target(%arg12 : memref<16x256x128xf32, #tpu.memory_space<vmem>>) target_semaphore(%dma_start3A_3805 : memref<!tpu.dma_semaphore, #tpu.memory_space<semaphore_mem>>)
      } else {
      }
    }
    %scan3A_30 = arith.constant 8 : i32
    %dma_wait3A = arith.constant 0 : i32
    %dma_wait3A_31 = tpu.memref_slice %arg18[%dma_wait3A] : memref<8x!tpu.dma_semaphore, #tpu.memory_space<semaphore_mem>> -> memref<1x!tpu.dma_semaphore, #tpu.memory_space<semaphore_mem>>
    %dma_wait3A_32 = tpu.memref_squeeze %dma_wait3A_31 : memref<1x!tpu.dma_semaphore, #tpu.memory_space<semaphore_mem>> -> memref<!tpu.dma_semaphore, #tpu.memory_space<semaphore_mem>>
    %dma_wait3A_33 = arith.constant 896 : i32
    %dma_wait3A_34 = arith.constant 0 : i32
    %dma_wait3A_35 = arith.constant 0 : i32
    %dma_wait3A_36 = tpu.memref_slice %arg6[%dma_wait3A_33, %dma_wait3A_34, %dma_wait3A_35] : memref<1024x256x128xf32, #tpu.memory_space<any>> -> memref<16x256x128xf32, #tpu.memory_space<any>>
    tpu.wait_dma2 semaphore(%dma_wait3A_32 : memref<!tpu.dma_semaphore, #tpu.memory_space<semaphore_mem>>) src(%arg9 : memref<16x256x128xf32, #tpu.memory_space<vmem>>) dst(%dma_wait3A_36 : memref<16x256x128xf32, #tpu.memory_space<any>>)
    %dma_wait3A_37 = arith.constant 1 : i32
    %dma_wait3A_38 = tpu.memref_slice %arg18[%dma_wait3A_37] : memref<8x!tpu.dma_semaphore, #tpu.memory_space<semaphore_mem>> -> memref<1x!tpu.dma_semaphore, #tpu.memory_space<semaphore_mem>>
    %dma_wait3A_39 = tpu.memref_squeeze %dma_wait3A_38 : memref<1x!tpu.dma_semaphore, #tpu.memory_space<semaphore_mem>> -> memref<!tpu.dma_semaphore, #tpu.memory_space<semaphore_mem>>
    %dma_wait3A_40 = arith.constant 912 : i32
    %dma_wait3A_41 = arith.constant 0 : i32
    %dma_wait3A_42 = arith.constant 0 : i32
    %dma_wait3A_43 = tpu.memref_slice %arg6[%dma_wait3A_40, %dma_wait3A_41, %dma_wait3A_42] : memref<1024x256x128xf32, #tpu.memory_space<any>> -> memref<16x256x128xf32, #tpu.memory_space<any>>
    tpu.wait_dma2 semaphore(%dma_wait3A_39 : memref<!tpu.dma_semaphore, #tpu.memory_space<semaphore_mem>>) src(%arg10 : memref<16x256x128xf32, #tpu.memory_space<vmem>>) dst(%dma_wait3A_43 : memref<16x256x128xf32, #tpu.memory_space<any>>)
    %dma_wait3A_44 = arith.constant 2 : i32
    %dma_wait3A_45 = tpu.memref_slice %arg18[%dma_wait3A_44] : memref<8x!tpu.dma_semaphore, #tpu.memory_space<semaphore_mem>> -> memref<1x!tpu.dma_semaphore, #tpu.memory_space<semaphore_mem>>
    %dma_wait3A_46 = tpu.memref_squeeze %dma_wait3A_45 : memref<1x!tpu.dma_semaphore, #tpu.memory_space<semaphore_mem>> -> memref<!tpu.dma_semaphore, #tpu.memory_space<semaphore_mem>>
    %dma_wait3A_47 = arith.constant 928 : i32
    %dma_wait3A_48 = arith.constant 0 : i32
    %dma_wait3A_49 = arith.constant 0 : i32
    %dma_wait3A_50 = tpu.memref_slice %arg6[%dma_wait3A_47, %dma_wait3A_48, %dma_wait3A_49] : memref<1024x256x128xf32, #tpu.memory_space<any>> -> memref<16x256x128xf32, #tpu.memory_space<any>>
    tpu.wait_dma2 semaphore(%dma_wait3A_46 : memref<!tpu.dma_semaphore, #tpu.memory_space<semaphore_mem>>) src(%arg11 : memref<16x256x128xf32, #tpu.memory_space<vmem>>) dst(%dma_wait3A_50 : memref<16x256x128xf32, #tpu.memory_space<any>>)
    %dma_wait3A_51 = arith.constant 3 : i32
    %dma_wait3A_52 = tpu.memref_slice %arg18[%dma_wait3A_51] : memref<8x!tpu.dma_semaphore, #tpu.memory_space<semaphore_mem>> -> memref<1x!tpu.dma_semaphore, #tpu.memory_space<semaphore_mem>>
    %dma_wait3A_53 = tpu.memref_squeeze %dma_wait3A_52 : memref<1x!tpu.dma_semaphore, #tpu.memory_space<semaphore_mem>> -> memref<!tpu.dma_semaphore, #tpu.memory_space<semaphore_mem>>
    %dma_wait3A_54 = arith.constant 944 : i32
    %dma_wait3A_55 = arith.constant 0 : i32
    %dma_wait3A_56 = arith.constant 0 : i32
    %dma_wait3A_57 = tpu.memref_slice %arg6[%dma_wait3A_54, %dma_wait3A_55, %dma_wait3A_56] : memref<1024x256x128xf32, #tpu.memory_space<any>> -> memref<16x256x128xf32, #tpu.memory_space<any>>
    tpu.wait_dma2 semaphore(%dma_wait3A_53 : memref<!tpu.dma_semaphore, #tpu.memory_space<semaphore_mem>>) src(%arg12 : memref<16x256x128xf32, #tpu.memory_space<vmem>>) dst(%dma_wait3A_57 : memref<16x256x128xf32, #tpu.memory_space<any>>)
    %dma_wait3A_58 = arith.constant 4 : i32
    %dma_wait3A_59 = tpu.memref_slice %arg18[%dma_wait3A_58] : memref<8x!tpu.dma_semaphore, #tpu.memory_space<semaphore_mem>> -> memref<1x!tpu.dma_semaphore, #tpu.memory_space<semaphore_mem>>
    %dma_wait3A_60 = tpu.memref_squeeze %dma_wait3A_59 : memref<1x!tpu.dma_semaphore, #tpu.memory_space<semaphore_mem>> -> memref<!tpu.dma_semaphore, #tpu.memory_space<semaphore_mem>>
    %dma_wait3A_61 = arith.constant 960 : i32
    %dma_wait3A_62 = arith.constant 0 : i32
    %dma_wait3A_63 = arith.constant 0 : i32
    %dma_wait3A_64 = tpu.memref_slice %arg6[%dma_wait3A_61, %dma_wait3A_62, %dma_wait3A_63] : memref<1024x256x128xf32, #tpu.memory_space<any>> -> memref<16x256x128xf32, #tpu.memory_space<any>>
    tpu.wait_dma2 semaphore(%dma_wait3A_60 : memref<!tpu.dma_semaphore, #tpu.memory_space<semaphore_mem>>) src(%arg13 : memref<16x256x128xf32, #tpu.memory_space<vmem>>) dst(%dma_wait3A_64 : memref<16x256x128xf32, #tpu.memory_space<any>>)
    %dma_wait3A_65 = arith.constant 5 : i32
    %dma_wait3A_66 = tpu.memref_slice %arg18[%dma_wait3A_65] : memref<8x!tpu.dma_semaphore, #tpu.memory_space<semaphore_mem>> -> memref<1x!tpu.dma_semaphore, #tpu.memory_space<semaphore_mem>>
    %dma_wait3A_67 = tpu.memref_squeeze %dma_wait3A_66 : memref<1x!tpu.dma_semaphore, #tpu.memory_space<semaphore_mem>> -> memref<!tpu.dma_semaphore, #tpu.memory_space<semaphore_mem>>
    %dma_wait3A_68 = arith.constant 976 : i32
    %dma_wait3A_69 = arith.constant 0 : i32
    %dma_wait3A_70 = arith.constant 0 : i32
    %dma_wait3A_71 = tpu.memref_slice %arg6[%dma_wait3A_68, %dma_wait3A_69, %dma_wait3A_70] : memref<1024x256x128xf32, #tpu.memory_space<any>> -> memref<16x256x128xf32, #tpu.memory_space<any>>
    tpu.wait_dma2 semaphore(%dma_wait3A_67 : memref<!tpu.dma_semaphore, #tpu.memory_space<semaphore_mem>>) src(%arg14 : memref<16x256x128xf32, #tpu.memory_space<vmem>>) dst(%dma_wait3A_71 : memref<16x256x128xf32, #tpu.memory_space<any>>)
    %dma_wait3A_72 = arith.constant 6 : i32
    %dma_wait3A_73 = tpu.memref_slice %arg18[%dma_wait3A_72] : memref<8x!tpu.dma_semaphore, #tpu.memory_space<semaphore_mem>> -> memref<1x!tpu.dma_semaphore, #tpu.memory_space<semaphore_mem>>
    %dma_wait3A_74 = tpu.memref_squeeze %dma_wait3A_73 : memref<1x!tpu.dma_semaphore, #tpu.memory_space<semaphore_mem>> -> memref<!tpu.dma_semaphore, #tpu.memory_space<semaphore_mem>>
    %dma_wait3A_75 = arith.constant 992 : i32
    %dma_wait3A_76 = arith.constant 0 : i32
    %dma_wait3A_77 = arith.constant 0 : i32
    %dma_wait3A_78 = tpu.memref_slice %arg6[%dma_wait3A_75, %dma_wait3A_76, %dma_wait3A_77] : memref<1024x256x128xf32, #tpu.memory_space<any>> -> memref<16x256x128xf32, #tpu.memory_space<any>>
    tpu.wait_dma2 semaphore(%dma_wait3A_74 : memref<!tpu.dma_semaphore, #tpu.memory_space<semaphore_mem>>) src(%arg15 : memref<16x256x128xf32, #tpu.memory_space<vmem>>) dst(%dma_wait3A_78 : memref<16x256x128xf32, #tpu.memory_space<any>>)
    %dma_wait3A_79 = arith.constant 7 : i32
    %dma_wait3A_80 = tpu.memref_slice %arg18[%dma_wait3A_79] : memref<8x!tpu.dma_semaphore, #tpu.memory_space<semaphore_mem>> -> memref<1x!tpu.dma_semaphore, #tpu.memory_space<semaphore_mem>>
    %dma_wait3A_81 = tpu.memref_squeeze %dma_wait3A_80 : memref<1x!tpu.dma_semaphore, #tpu.memory_space<semaphore_mem>> -> memref<!tpu.dma_semaphore, #tpu.memory_space<semaphore_mem>>
    %dma_wait3A_82 = arith.constant 1008 : i32
    %dma_wait3A_83 = arith.constant 0 : i32
    %dma_wait3A_84 = arith.constant 0 : i32
    %dma_wait3A_85 = tpu.memref_slice %arg6[%dma_wait3A_82, %dma_wait3A_83, %dma_wait3A_84] : memref<1024x256x128xf32, #tpu.memory_space<any>> -> memref<16x256x128xf32, #tpu.memory_space<any>>
    tpu.wait_dma2 semaphore(%dma_wait3A_81 : memref<!tpu.dma_semaphore, #tpu.memory_space<semaphore_mem>>) src(%arg16 : memref<16x256x128xf32, #tpu.memory_space<vmem>>) dst(%dma_wait3A_85 : memref<16x256x128xf32, #tpu.memory_space<any>>)
    %get3A = arith.constant 0 : index
    %get3A_86 = arith.constant 0 : index
    %get3A_87 = vector.load %arg8[%get3A, %get3A_86] : memref<1024x128xf32, #tpu.memory_space<vmem>>, vector<1024x128xf32>
    %get3A_88 = arith.constant 0 : index
    %get3A_89 = arith.constant 0 : index
    %get3A_90 = vector.load %arg2[%get3A_88, %get3A_89] : memref<128x128xf32, #tpu.memory_space<vmem>>, vector<128x128xf32>
    %dot_general3A = arith.constant dense<0.000000e+00> : vector<1024x128xf32>
    %dot_general3A_91 = tpu.matmul %get3A_87, %get3A_90, %dot_general3A {dimension_numbers = #tpu.dot_dimension_numbers<[1], [0], [0], [1], [0, 0, 1, 1], [], []>, transpose_lhs_hint = false} : vector<1024x128xf32>, vector<128x128xf32>, vector<1024x128xf32> -> vector<1024x128xf32>
    %get3A_92 = arith.constant 0 : index
    %get3A_93 = arith.constant 0 : index
    %get3A_94 = vector.load %arg1[%get3A_92, %get3A_93] : memref<1024x128xf32, #tpu.memory_space<vmem>>, vector<1024x128xf32>
    %get3A_95 = arith.constant 0 : index
    %get3A_96 = arith.constant 0 : index
    %get3A_97 = vector.load %arg3[%get3A_95, %get3A_96] : memref<128x128xf32, #tpu.memory_space<vmem>>, vector<128x128xf32>
    %dot_general3A_98 = arith.constant dense<0.000000e+00> : vector<1024x128xf32>
    %dot_general3A_99 = tpu.matmul %get3A_94, %get3A_97, %dot_general3A_98 {dimension_numbers = #tpu.dot_dimension_numbers<[1], [0], [0], [1], [0, 0, 1, 1], [], []>, transpose_lhs_hint = false} : vector<1024x128xf32>, vector<128x128xf32>, vector<1024x128xf32> -> vector<1024x128xf32>
    %add3A = arith.addf %dot_general3A_91, %dot_general3A_99 : vector<1024x128xf32>
    %tanh3A = math.tanh %add3A : vector<1024x128xf32>
    %swap3A = arith.constant 0 : index
    %swap3A_100 = arith.constant 0 : index
    %swap3A_101 = vector.load %arg7[%swap3A, %swap3A_100] : memref<1024x128xf32, #tpu.memory_space<vmem>>, vector<1024x128xf32>
    tpu.vector_store %arg7[%swap3A, %swap3A_100], %tanh3A {strides = array<i32>} : memref<1024x128xf32, #tpu.memory_space<vmem>>, vector<1024x128xf32>,
    return
  }
}

</mosaic_0001>

<sc_bundles>
// kernel: kernel.4.cloned.1.call-start
scs
__scs_entry_jumppad:
0x0: {  	(pc) =	sbr.rel $0x88, $3  }
0x1: {  	(tag) =	ssettag $0x0;
	lr =	simm.s32 $0x1  }
0x2: {  	[smem:$0x3F9A] =	sst lr;
	_ =	strace $0xD0000000  }
0x3: {  	_ = 	snop  }
0x4: {  	_ = 	snop  }
0x5: {  	_ = 	snop  }
0x6: {  	_ = 	snop  }
0x7: {  	_ = 	snop  }
__scs_overlays_trampoline_lowered:
0x8: {  	[smem:$0x3FA9] =	sst s0  }
0x9: {  	[smem:$0x3FAA] =	sst s1  }
0xa: {  	[smem:$0x3FAB] =	sst s2  }
0xb: {  	[smem:$0x3FAC] =	sst s3  }
0xc: {  	[smem:$0x3FAD] =	sst s4  }
0xd: {  	[smem:$0x3FAE] =	sst s5  }
0xe: {  	[smem:$0x3FAF] =	sst s6  }
0xf: {  	[smem:$0x3FB0] =	sst s7  }
0x10: {  	[smem:$0x3FB1] =	sst s8  }
0x11: {  	[smem:$0x3FB2] =	sst s9;
	s0 =	simm.s32 @!p0 $0x0  }
0x12: {  	s1 =	sld [smem:$0x3F98];
	s0 =	simm.s32 @p0 $0x1  }
0x13: {  	[smem:$0x3FB3] =	sst s0;
	s0 =	simm.s32 @!p1 $0x0  }
0x14: {  	s2 =	sld [smem:$0x3F97];
	s0 =	simm.s32 @p1 $0x1  }
0x15: {  	[smem:$0x3FB4] =	sst s0;
	s0 =	simm.s32 @!p2 $0x0  }
0x16: {  	s3 =	sld [smem:$0x3FDB];
	s0 =	simm.s32 @p2 $0x1  }
0x17: {  	s4 =	simm.s32 $0x1BF5;
	[smem:$0x3FB6] =	sst s0  }
0x18: {  	s0 =	sld [smem:$0x3F99];
	_ =	swait.ge [sflag:s4], $0x0  }
0x19: {  	s7 =	sld [smem:$0x3F9A]  }
0x1a: {  	s8 =	sadd.s32 $0xFFFFE003, lr  }
0x1b: {  	s9 =	sadd.s32 $0xFFFFFEF7, lr;
	s5 =	simm.s32 $0xFFFFFFFF;
	p2 =	slt.u32 s8, $0xFFFFF086  }
0x1c: {  	p1 =	slt.u32 s9, $0xF7A;
	s5 =	simm.s32 @!p2 $0x0  }
0x1d: {  	s5 =	simm.s32 @p1 $0x1;
	p0 =	seq.s32 s7, s2  }
0x1e: {  	s7 =	smul.u32 @!p0 $0xF7A, s2;
	p2 =	seq.s32 @!p0 s5, $0x0  }
0x1f: {  	s9 =	smul.u32 $0xF7A, s1;
	s8 =	simm.s32 @!p0 $0x1BF5;
	p2 =	por !p2, p0  }
0x20: {  	[sflag:s8] =	ssyncset.s32 @!p0 $0xFFFFF086;
	s6 =	sadd.s32 @!p0 s3, s7;
	s7 =	simm.s32 @!p0 $0x108  }
0x21: {  	s3 =	sadd.s32 s3, s9;
	s6 =	sadd.s32 @!p0 $0x88, s6;
	s7 =	simm.s32 @p2 $0x1082  }
0x22: {  	[simem:s7], [sflag:s8] =	dma.local @!p0 [hbm:s6], $0xF7A  }
0x23: {  	s9 =	sor.u32 $0xD0000000, s2;
	s6 =	simm.s32 $0x108;
	_ =	swait.ge @!p0 [sflag:s8], $0x0  }
0x24: {  	s3 =	sadd.s32 $0x88, s3;
	s6 =	simm.s32 @!p1 $0x1082;
	[sflag:s4] =	ssyncset.s32 $0xFFFFF086  }
0x25: {  	[simem:s6], [sflag:s4] =	dma.local [hbm:s3], $0xF7A  }
0x26: {  	[smem:$0x3F9A] =	sst s1;
	(tag) =	ssettag s2;
	_ =	strace s9  }
0x27: {  	s1 =	sld [smem:$0x3FAA]  }
0x28: {  	s2 =	sld [smem:$0x3FAB]  }
0x29: {  	s4 =	sld [smem:$0x3FAD]  }
0x2a: {  	p0 =	seq.s32 s5, $0x0;
	s5 =	sld [smem:$0x3FAE]  }
0x2b: {  	s6 =	sld [smem:$0x3FAF]  }
0x2c: {  	s7 =	sld [smem:$0x3FB0]  }
0x2d: {  	s3 =	simm.s32 $0x108;
	s8 =	sld [smem:$0x3FB1]  }
0x2e: {  	s3 =	simm.s32 @!p0 $0x1082;
	s9 =	sld [smem:$0x3FB2]  }
0x2f: {  	lr =	sadd.s32 s0, s3;
	s0 =	sld [smem:$0x3FA9]  }
0x30: {  	s3 =	sld [smem:$0x3FAC]  }
0x31: {  	[smem:$0x3FB5] =	sst s10  }
0x32: {  	s10 =	sld [smem:$0x3FB3];
	_ =	sdelay $0x3  }
0x33: {  	p0 =	seq.s32 s10, $0x1;
	s10 =	sld [smem:$0x3FB5];
	_ =	sdelay $0x3  }
0x34: {  	[smem:$0x3FB5] =	sst s10  }
0x35: {  	s10 =	sld [smem:$0x3FB4];
	_ =	sdelay $0x3  }
0x36: {  	p1 =	seq.s32 s10, $0x1;
	s10 =	sld [smem:$0x3FB5];
	_ =	sdelay $0x3  }
0x37: {  	[smem:$0x3FB5] =	sst s10  }
0x38: {  	s10 =	sld [smem:$0x3FB6]  }
0x39: {  	_ = 	snop;
	(pc) =	sbr.ind lr, $3  }
0x3a: {  	_ = 	snop  }
0x3b: {  	_ = 	snop  }
0x3c: {  	p2 =	seq.s32 s10, $0x1;
	s10 =	sld [smem:$0x3FB5]  }
0x3d: {  	_ =	shalt  }
0x3e: {  	_ =	shalt  }
0x3f: {  	_ =	shalt  }
0x40: {  	_ =	shalt  }
0x41: {  	_ =	shalt  }
0x42: {  	_ =	shalt  }
0x43: {  	_ =	shalt  }
0x44: {  	_ =	shalt  }
0x45: {  	_ =	shalt  }
0x46: {  	_ =	shalt  }
0x47: {  	_ =	shalt  }
0x48: {  	_ =	shalt  }
0x49: {  	_ =	shalt  }
0x4a: {  	_ =	shalt  }
0x4b: {  	_ =	shalt  }
0x4c: {  	_ =	shalt  }
0x4d: {  	_ =	shalt  }
0x4e: {  	_ =	shalt  }
0x4f: {  	_ =	shalt  }
0x50: {  	_ =	shalt  }
0x51: {  	_ =	shalt  }
0x52: {  	_ =	shalt  }
0x53: {  	_ =	shalt  }
0x54: {  	_ =	shalt  }
0x55: {  	_ =	shalt  }
0x56: {  	_ =	shalt  }
0x57: {  	_ =	shalt  }
0x58: {  	_ =	shalt  }
0x59: {  	_ =	shalt  }
0x5a: {  	_ =	shalt  }
0x5b: {  	_ =	shalt  }
0x5c: {  	_ =	shalt  }
0x5d: {  	_ =	shalt  }
0x5e: {  	_ =	shalt  }
0x5f: {  	_ =	shalt  }
0x60: {  	_ =	shalt  }
0x61: {  	_ =	shalt  }
0x62: {  	_ =	shalt  }
0x63: {  	_ =	shalt  }
0x64: {  	_ =	shalt  }
0x65: {  	_ =	shalt  }
0x66: {  	_ =	shalt  }
0x67: {  	_ =	shalt  }
0x68: {  	_ =	shalt  }
0x69: {  	_ =	shalt  }
0x6a: {  	_ =	shalt  }
0x6b: {  	_ =	shalt  }
0x6c: {  	_ =	shalt  }
0x6d: {  	_ =	shalt  }
0x6e: {  	_ =	shalt  }
0x6f: {  	_ =	shalt  }
0x70: {  	_ =	shalt  }
0x71: {  	_ =	shalt  }
0x72: {  	_ =	shalt  }
0x73: {  	_ =	shalt  }
0x74: {  	_ =	shalt  }
0x75: {  	_ =	shalt  }
0x76: {  	_ =	shalt  }
0x77: {  	_ =	shalt  }
0x78: {  	_ =	shalt  }
0x79: {  	_ =	shalt  }
0x7a: {  	_ =	shalt  }
0x7b: {  	_ =	shalt  }
0x7c: {  	_ =	shalt  }
0x7d: {  	_ =	shalt  }
0x7e: {  	_ =	shalt  }
0x7f: {  	_ =	shalt  }
0x80: {  	_ =	shalt  }
0x81: {  	_ =	shalt  }
0x82: {  	_ =	shalt  }
0x83: {  	_ =	shalt  }
0x84: {  	_ =	shalt  }
0x85: {  	_ =	shalt  }
0x86: {  	_ =	shalt  }
0x87: {  	_ =	shalt  }
.Lfunc_end0:
.L_simem_size_0:
called_computation_lowered:
.L_overlay_start_0:
0x88: {  	s2 =	sld [smem:$0x3FD9]  }
0x89: {  	s3 =	sld [smem:$0x3FFE];
	_ =	sdelay $0x1  }
0x8a: {  	s1 =	srdreg.scid  }
0x8b: {  	s0 =	sand.u32 $0x1, s1  }
0x8c: {  	s15 =	sshll.u32 s0, $0xA;
	s2 =	sadd.s32 s3, s2  }
0x8d: {  	s2 =	sadd.s32 s2, s15  }
0x8e: {  	[smem:$0x3FC1] =	sst s2  }
0x8f: {  	_ = 	snop  }
0x90: {  	s2 =	sld [smem:$0x3FD0];
	_ =	sdelay $0x1  }
0x91: {  	s16 =	sld [smem:$0x3FC7]  }
0x92: {  	s5 =	simm.s32 $0xA;
	s6 =	simm.s32 $0x10;
	s4 =	sld [smem:$0x3FC5]  }
0x93: {  	[smem:s6], [sflag:s5] =	dma.local [hbm:s2], $0x1  }
0x94: {  	_ =	swait.eq [sflag:s5], $0x1  }
0x95: {  	[sflag:s5] =	ssyncset.done $0x0  }
0x96: {  	s17 =	sld [smem:$0x11];
	[sflag:s5] =	ssyncadd.s32 $0xFFFFFFFF  }
0x97: {  	s18 =	sld [smem:$0x14];
	(tm) =	ssettm $0x1  }
0x98: {  	s19 =	sld [smem:$0x3FFB];
	_ =	sdelay $0x3  }
0x99: {  	_ =	strace s19  }
0x9a: {  	s6 =	sld [smem:$0x3FFC];
	_ =	sdelay $0x3  }
0x9b: {  	_ =	strace s6  }
0x9c: {  	s6 =	sld [smem:$0x3FFD];
	_ =	sdelay $0x3  }
0x9d: {  	_ =	strace s6  }
0x9e: {  	_ =	strace $0x8FFFFFFF  }
0x9f: {  	s20 =	sld [smem:$0x3FDB];
	_ =	sdelay $0x1  }
0xa0: {  	s7 =	simm.s32 $_scs_section_size  }
0xa1: {  	s8 =	simm.s32 $_size__tile_overlayer_lowered;
	s9 =	simm.s32 $_tile_overlayer_lowered  }
0xa2: {  	s23 =	simm.s32 $0x1BFF;
	s22 =	sshll.u32 s9, $0x1;
	s6 =	sadd.s32 s7, s20  }
0xa3: {  	s10 =	simm.s32 $0x0;
	s21 =	sshll.u32 s8, $0x1;
	s8 =	sadd.s32 s22, s6  }
0xa4: {  	[timem:s10], [sflag:s23] =	dma.local [hbm:s8], s21  }
0xa5: {  	_ =	swait.ge [sflag:s23], s21  }
0xa6: {  	s7 =	ssub.s32 $0x0, s21;
	[sflag:s23] =	ssyncset.done $0x0  }
0xa7: {  	[sflag:s23] =	ssyncadd.s32 s7;
	_ =	sdelay $0x1  }
0xa8: {  	s24 =	simm.s32 $0x1B8B  }
0xa9: {  	_ =	swait.ge [sflag:s24], $0x1  }
0xaa: {  	[sflag:s24] =	ssyncset.done $0x0  }
0xab: {  	s25 =	simm.s32 $0x1B8E;
	[sflag:s24] =	ssyncadd.s32 $0xFFFFFFFF  }
0xac: {  	s26 =	simm.s32 $execute0_lowered;
	[smem:$0x3FD2] =	sst s25  }
0xad: {  	s7 =	sshll.u32 s26, $0x1;
	_ =	strace $0x80000046;
	[dreg:$0x1] =	wrdreg $0xFFFFFFFF  }
0xae: {  	s28 =	simm.s32 $_size_execute0_lowered;
	s6 =	sadd.s32 s6, s7;
	[dreg:$0x0] =	wrdreg $0x0  }
0xaf: {  	s7 =	sshll.u32 s28, $0x1;
	[dreg:$0x2] =	wrdreg s6  }
0xb0: {  	[dreg:$0x3] =	wrdreg s7  }
0xb1: {  	[dreg:$0x4] =	wrdreg $0xC0  }
0xb2: {  	_ =	task [dreg:s10], $0x5FFFF  }
0xb3: {  	[dreg:$0x1] =	wrdreg $0xFFFFFFFF  }
0xb4: {  	[dreg:$0x0] =	wrdreg $0x60  }
0xb5: {  	[dreg:$0x2] =	wrdreg s16  }
0xb6: {  	[dreg:$0x3] =	wrdreg s4  }
0xb7: {  	[dreg:$0x4] =	wrdreg s17  }
0xb8: {  	[dreg:$0x5] =	wrdreg s18  }
0xb9: {  	[dreg:$0x6] =	wrdreg $0x9  }
0xba: {  	_ =	task.clear_ibuf [dreg:s10], $0x7FFFF;
	_ =	strace $0x90000046  }
0xbb: {  	s29 =	simm.s32 $0x9;
	_ =	strace $0x80000048  }
0xbc: {  	_ =	swait.ge [sflag:s29], $0x1  }
0xbd: {  	[sflag:s29] =	ssyncadd.s32 $0xFFFFFFFF  }
0xbe: {  	_ =	strace $0x90000048  }
0xbf: {  	_ =	sfence  }
0xc0: {  	s30 =	sld [smem:$0x0];
	_ =	sdelay $0x2  }
0xc1: {  	s31 =	sshll.u32 s1, $0xD;
	s1 =	sshrl.u32 s1, $0x2  }
0xc2: {  	s3 =	sand.u32 $0x4000, s31;
	s1 =	sadd.s32 s1, s30  }
0xc3: {  	s0 =	sor.u32 s3, s0;
	s1 =	sshll.u32 s1, $0x11  }
0xc4: {  	s0 =	sor.u32 s1, s0  }
0xc5: {  	s0 =	sadd.s32 $0x8F2B, s0  }
0xc6: {  	[sflag:s0] =	ssyncadd.remote.s32 $0x1  }
0xc7: {  	_ =	sfence.sel $0xFFFF  }
0xc8: {  	[dreg:$0x0] =	wrdreg $0xFFFFFFFF;
	(pc) =	sbr.abs _section_cstart, $3  }
0xc9: {  	[dreg:$0x1] =	wrdreg $0xFFFFFFFF  }
0xca: {  	_ =	task.clear_ibuf [dreg:s10], $0x2FFFF;
	_ =	strace $0x9FFFFFFF  }
0xcb: {  	(tm) =	ssettm $0x7FFFFFFF  }
tec
execute0_lowered:
.L_overlay_start_1:
0x0: {  	(tag) =	ssettag $0x1  }
0x1: {  	s1 =	rddreg [dreg:$0x0]  }
0x2: {  	s4 =	rddreg [dreg:$0x1]  }
0x3: {  	s5 =	rddreg [dreg:$0x2]  }
0x4: {  	s6 =	rddreg [dreg:$0x3]  }
0x5: {  	s0 =	rddreg [dreg:$0x4];
	s7 =	srdreg.scid  }
0x6: {  	s3 =	simm.s32 $0x0;
	s2 =	stileid.u32;
	s12 =	simm.s32 $0x1900  }
0x7: {  	s13 =	simm.s32 $0x1;
	s7 =	sand.u32 $0x1, s7;
	[smem:$0x7FF] =	sst s3  }
0x8: {  	s8 =	sshll.u32 s2, $0x6;
	s9 =	sshll.u32 s7, $0x5;
	s7 =	ssub.s32 $0x2, s7  }
0x9: {  	v4 =	vlaneseq.u32;
	_ =	strace $0x80000047;
	s8 =	sor.u32 s9, s8;
	s31 =	sshrl.u32 s7, $0x1  }
0xa: {  	vm0 =	vmmov $0xffff;
	v1 =	vmul.u32 $0x100, v4;
	s9 =	simm.s32 $0x100;
	s10 =	sshrl.u32 s8, $0x3;
	v0 =	vmov s8;
	s11 =	sor.u32 $0x10, s8  }
0xb: {  	v3 =	vshrl.u32 v4, $0x3;
	s7 =	ssub.s32 s7, s31;
	s8 =	sshll.u32 s8, $0x5;
	s4 =	sadd.s32 s4, s10;
	v0 =	vshll.u32 v0, $0x8;
	v2 =	vmov s11  }
0xc: {  	v3 =	vmul.u32 $0x8, v3;
	s5 =	sadd.s32 s5, s8;
	s6 =	sadd.s32 s6, s10;
	s7 =	smax.u32 s7, $0x1;
	v0 =	vor.u32 v1, v0;
	v2 =	vshll.u32 v2, $0x8  }
0xd: {  	s8 =	simm.s32 $0x2;
	s10 =	simm.s32 $0x900;
	s11 =	simm.s32 $0x1100;
	v1 =	vor.u32 v1, v2;
	v2 =	vand.u32 $0x7, v4;
	v4 =	vor.u32 $0x8, v4  }
.LBB2_1:
0xe: {  	[tilespmem:s3], [sflag:$0x2] =	stream.linear.gather [hbm4b:s4+s3], $0x20, $0x38;
	[tilespmem:$0x2100] =	vst v63  }
0xf: {  	_ =	swait.ge [sflag:s8], $0x20  }
0x10: {  	[sflag:s8] =	ssyncset.done $0x0  }
0x11: {  	[sflag:s8] =	ssyncadd.s32 $0xFFFFFFE0  }
0x12: {  	v5 =	vld [tilespmem:$0x0];
	_ =	sdelay $0x4  }
0x13: {  	v6 =	vadd.s32 v0, v5  }
0x14: {  	v7 =	vshll.u32 v6, $0x1  }
0x15: {  	v5 =	vand.u32 $0x7, v5;
	v7 =	vand.u32 $0xFFFFFFF0, v7  }
0x16: {  	v5 =	vor.u32 v5, v7  }
0x17: {  	v7 =	vld [tilespmem:$0x10];
	v8 =	vperm.xlane v5, v2;
	_ =	sdelay $0x1  }
0x18: {  	v5 =	vperm.xlane v5, v4;
	v8 =	vadd.s32 v3, v8;
	_ =	sdelay $0x1  }
0x19: {  	v5 =	vadd.s32 v3, v5  }
0x1a: {  	[tilespmem:$0x80] =	vst v6;
	v6 =	vadd.s32 v1, v7  }
0x1b: {  	[tilespmem:$0x90] =	vst v6  }
0x1c: {  	[tilespmem:s9], [sflag:$0x1] =	stream.indirect_vreg.gather [hbm4b:s1+s3], $0x80, v8, vm0, $0xb8;
	[tilespmem:$0x2100] =	vst v63  }
0x1d: {  	_ = 	snop  }
0x1e: {  	[tilespmem:s10], [sflag:$0x1] =	stream.indirect_vreg.gather [hbm4b:s1+s3], $0x80, v5, vm0, $0xb8;
	[tilespmem:$0x2100] =	vst v63  }
0x1f: {  	v5 =	vld [tilespmem:$0x90];
	_ =	sdelay $0x4  }
0x20: {  	v6 =	vshll.u32 v5, $0x1  }
0x21: {  	v5 =	vand.u32 $0x7, v5;
	v6 =	vand.u32 $0xFFFFFFF0, v6  }
0x22: {  	v5 =	vor.u32 v5, v6  }
0x23: {  	v6 =	vperm.xlane v5, v2;
	_ =	sdelay $0x1  }
0x24: {  	v5 =	vperm.xlane v5, v4;
	v6 =	vadd.s32 v3, v6;
	_ =	sdelay $0x1  }
0x25: {  	v5 =	vadd.s32 v3, v5;
	_ =	sdelay $0x2  }
0x26: {  	[tilespmem:s11], [sflag:$0x1] =	stream.indirect_vreg.gather [hbm4b:s1+s3], $0x80, v6, vm0, $0xb8;
	[tilespmem:$0x2100] =	vst v63  }
0x27: {  	_ = 	snop  }
0x28: {  	[tilespmem:s12], [sflag:$0x1] =	stream.indirect_vreg.gather [hbm4b:s1+s3], $0x80, v5, vm0, $0xb8;
	[tilespmem:$0x2100] =	vst v63  }
0x29: {  	_ =	swait.ge [sflag:s13], $0x2000  }
0x2a: {  	[sflag:s13] =	ssyncset.done $0x0  }
0x2b: {  	[sflag:s13] =	ssyncadd.s32 $0xFFFFE000  }
0x2c: {  	[hbm4b:s5+s3] =	stream.linear.scatter [tilespmem:s9], [sflag:$0x2], $0x2000, $0x38;
	[tilespmem:$0x2100] =	vst v63  }
0x2d: {  	_ =	swait.ge [sflag:s8], $0x2000  }
0x2e: {  	[sflag:s8] =	ssyncset.done $0x0  }
0x2f: {  	[sflag:s8] =	ssyncadd.s32 $0xFFFFE000  }
0x30: {  	v5 =	vld [tilespmem:$0x0]  }
0x31: {  	v6 =	vld [tilespmem:$0x10];
	_ =	sdelay $0x3  }
0x32: {  	v5 =	vadd.s32 $0x1, v5  }
0x33: {  	p0 =	sne.s32 s7, $0x1;
	[tilespmem:$0x0] =	vst v5;
	v5 =	vadd.s32 $0x1, v6  }
.Ltmp0:
0x34: {  	[tilespmem:$0x10] =	vst v5;
	(pc) =	sbr.rel @p0 .LBB2_1-.Ltmp0, $4  }
0x35: {  	[hbm4b:s6+s3] =	stream.linear.scatter [tilespmem:s3], [sflag:$0x2], $0x20, $0x38;
	[tilespmem:$0x2100] =	vst v63  }
0x36: {  	_ =	swait.ge [sflag:s8], $0x20  }
0x37: {  	[sflag:s8] =	ssyncset.done $0x0  }
0x38: {  	s7 =	sadd.s32 $0xFFFFFFFF, s7;
	[sflag:s8] =	ssyncadd.s32 $0xFFFFFFE0  }
0x39: {  	_ =	sfence.sel $0x180000  }
0x3a: {  	[bflag:$0x0] =	sbarrier.arrive $0xFFFF  }
0x3b: {  	p0 =	sne.s32 s2, $0x0;
	_ =	strace $0x90000047  }
0x3c: {  	s0 =	sadd.s32 @!p0 $0x100000, s0;
	[bflag:$0x2] =	sbarrier.arrive $0xFFFF  }
0x3d: {  	[sflag:s0] =	ssyncadd.tile.s32 @!p0 $0x1;
	_ =	shalt  }
.Lfunc_end2:
_tile_overlayer_lowered:
.L_overlay_start_2:
0x3e: {  	(tag) =	ssettag $0x2  }
0x3f: {  	s0 =	rddreg [dreg:$0x0];
	s2 =	stileid.u32  }
0x40: {  	s1 =	rddreg [dreg:$0x1];
	p0 =	sne.s32 s2, $0x0  }
0x41: {  	s3 =	rddreg [dreg:$0x2];
	[bflag:$0x3] =	sbarrier.arrive $0xFFFF;
	s2 =	simm.s32 @!p0 $0x1C02  }
0x42: {  	[timem:s3], [sflag:s2] =	dma.local @!p0 [hbm:s0], s1  }
0x43: {  	s0 =	simm.s32 @!p0 $0x2  }
0x44: {  	_ =	swait.ge @!p0 [sflag:s0], s1  }
0x45: {  	s1 =	ssub.s32 @!p0 $0x0, s1;
	[sflag:s0] =	ssyncset.done @!p0 $0x0  }
0x46: {  	[sflag:s0] =	ssyncadd.s32 @!p0 s1  }
0x47: {  	[bflag:$0x3] =	sbarrier.arrive $0xFFFF  }
0x48: {  	_ =	shalt  }

</sc_bundles>
